<compile_context>
chip_gen: v7x
topology: tpu7x:2x2x1
jax: 0.10.2.dev20260603
libtpu: 0.0.44.dev20260713+nightly
codegen_flags: <defaults>
</compile_context>

<pallas_src>
import functools

import jax
import jax.numpy as jnp
from jax import lax
from jax.experimental import pallas as pl
from jax.experimental.pallas import tpu as pltpu
from jax.experimental.pallas import tpu_sc as plsc

_N = 10000
_E = 160000
_LEAK = 0.1
_EPS = 1e-5

_NC = 2
_NS = 16
_NW = _NC * _NS
_EW = _E // _NW
_C = 1000
_NCH = _EW // _C

_BM = 1600
_BE = 1600


def _lr(z):
    return jnp.where(z >= 0, z, _LEAK * z)


def _estats_body(e_ref, s_ref, q_ref):
    i = pl.program_id(0)
    eb = e_ref[...]
    s = jnp.sum(eb, axis=0, keepdims=True)
    q = jnp.sum(eb * eb, axis=0, keepdims=True)

    @pl.when(i == 0)
    def _():
        s_ref[...] = s
        q_ref[...] = q

    @pl.when(i > 0)
    def _():
        s_ref[...] = s_ref[...] + s
        q_ref[...] = q_ref[...] + q


def _edge_stats(e):
    nb = 16
    blk = _E // nb
    s, q = pl.pallas_call(
        _estats_body,
        grid=(nb,),
        in_specs=[pl.BlockSpec((blk, 16), lambda i: (i, 0))],
        out_specs=[pl.BlockSpec((1, 16), lambda i: (0, 0)),
                   pl.BlockSpec((1, 16), lambda i: (0, 0))],
        out_shape=[jax.ShapeDtypeStruct((1, 16), jnp.float32),
                   jax.ShapeDtypeStruct((1, 16), jnp.float32)],
    )(e)
    return s, q


def _prep_body(x_ref, g_ref, b_ref, root_ref, bias_ref, h0_ref, xr0_ref):
    x = x_ref[...]
    m = jnp.mean(x, axis=0, keepdims=True)
    c = x - m
    v = jnp.mean(c * c, axis=0, keepdims=True)
    h0 = g_ref[...] * c * lax.rsqrt(v + _EPS) + b_ref[...]
    h0_ref[...] = h0
    xr0_ref[...] = (jnp.dot(h0, root_ref[...], preferred_element_type=jnp.float32)
                    + bias_ref[...])


def _prep(x, g, b, root0, bias0):
    return pl.pallas_call(
        _prep_body,
        out_shape=[jax.ShapeDtypeStruct((_N, 16), jnp.float32),
                   jax.ShapeDtypeStruct((_N, 32), jnp.float32)],
    )(x, g.reshape(1, 16), b.reshape(1, 16), root0, bias0.reshape(1, 32))


def _msg_body(e_ref, hs_ref, esc_ref, esh_ref, W0_ref, b0_ref, W1_ref, b1_ref,
              R_ref, S_ref, out_ref, *, fin):
    en = e_ref[...] * esc_ref[...] + esh_ref[...]
    t = _lr(jnp.dot(en.astype(jnp.bfloat16), W0_ref[...],
                    preferred_element_type=jnp.float32) + b0_ref[...])
    w = _lr(jnp.dot(t.astype(jnp.bfloat16), W1_ref[...],
                    preferred_element_type=jnp.float32) + b1_ref[...])
    hx = jnp.dot(hs_ref[...].astype(jnp.bfloat16), R_ref[...],
                 preferred_element_type=jnp.float32)
    q = (w * hx).astype(jnp.bfloat16)
    out_ref[...] = jnp.dot(q, S_ref[...], preferred_element_type=jnp.float32)


def _messages(e, hs, esc, esh, W0, b0, W1, b1, fin, start, n):
    hid = W0.shape[1]
    wdim = W1.shape[1]
    off = start // _BM
    R = jnp.kron(jnp.eye(fin, dtype=jnp.bfloat16), jnp.ones((1, 32), jnp.bfloat16))
    S = jnp.kron(jnp.ones((fin, 1), jnp.bfloat16), jnp.eye(32, dtype=jnp.bfloat16))
    S = jnp.pad(S, ((0, 0), (0, 96)))
    grid = (n // _BM,)
    return pl.pallas_call(
        functools.partial(_msg_body, fin=fin),
        grid=grid,
        in_specs=[
            pl.BlockSpec((_BM, 16), lambda i: (i + off, 0)),
            pl.BlockSpec((_BM, fin), lambda i: (i, 0)),
            pl.BlockSpec((1, 16), lambda i: (0, 0)),
            pl.BlockSpec((1, 16), lambda i: (0, 0)),
            pl.BlockSpec((16, hid), lambda i: (0, 0)),
            pl.BlockSpec((1, hid), lambda i: (0, 0)),
            pl.BlockSpec((hid, wdim), lambda i: (0, 0)),
            pl.BlockSpec((1, wdim), lambda i: (0, 0)),
            pl.BlockSpec((fin, wdim), lambda i: (0, 0)),
            pl.BlockSpec((wdim, 128), lambda i: (0, 0)),
        ],
        out_specs=pl.BlockSpec((_BM, 128), lambda i: (i, 0)),
        out_shape=jax.ShapeDtypeStruct((n, 128), jnp.float32),
    )(e, hs, esc, esh, W0.astype(jnp.bfloat16), b0.reshape(1, hid),
      W1.astype(jnp.bfloat16), b1.reshape(1, wdim), R, S)


def _hup_body(pa_ref, pb_ref, xr_ref, root_ref, bias_ref, h_ref, xr_out_ref):
    h = pa_ref[0] + pa_ref[1] + pb_ref[0] + pb_ref[1] + xr_ref[...]
    h_ref[...] = h
    xr_out_ref[...] = (jnp.dot(h, root_ref[...], preferred_element_type=jnp.float32)
                       + bias_ref[...])


def _h_update(parts_a, parts_b, xr, root, bias):
    return pl.pallas_call(
        _hup_body,
        out_shape=[jax.ShapeDtypeStruct((_N, 32), jnp.float32),
                   jax.ShapeDtypeStruct((_N, 32), jnp.float32)],
    )(parts_a, parts_b, xr, root, bias.reshape(1, 32))


def _hfin_body(pa_ref, pb_ref, xr_ref, h_ref):
    h_ref[...] = pa_ref[0] + pa_ref[1] + pb_ref[0] + pb_ref[1] + xr_ref[...]


def _h_final(parts_a, parts_b, xr):
    return pl.pallas_call(
        _hfin_body,
        out_shape=jax.ShapeDtypeStruct((_N, 32), jnp.float32),
    )(parts_a, parts_b, xr)


def _ep_body(hs_ref, hd_ref, e_ref, esc_ref, esh_ref,
             W0_ref, b0_ref, W1_ref, b1_ref, W2_ref, b2_ref, W3_ref, b3_ref,
             W4_ref, b4_ref, out_ref):
    en = e_ref[...] * esc_ref[...] + esh_ref[...]
    W0 = W0_ref[...]
    z = (jnp.dot(hs_ref[...], W0[0:32], preferred_element_type=jnp.float32)
         + jnp.dot(hd_ref[...], W0[32:64], preferred_element_type=jnp.float32)
         + jnp.dot(en, W0[64:80], preferred_element_type=jnp.float32)
         + b0_ref[...])
    z = _lr(z)
    z = _lr(jnp.dot(z, W1_ref[...], preferred_element_type=jnp.float32) + b1_ref[...])
    z = _lr(jnp.dot(z, W2_ref[...], preferred_element_type=jnp.float32) + b2_ref[...])
    z = _lr(jnp.dot(z, W3_ref[...], preferred_element_type=jnp.float32) + b3_ref[...])
    out_ref[...] = (jnp.dot(z, W4_ref[...], preferred_element_type=jnp.float32)
                    + b4_ref[...])


def _edge_pred(hs, hd, e, esc, esh, p, start, n):
    grid = (n // _BE,)
    off = start // _BE
    full = lambda r, c: pl.BlockSpec((r, c), lambda i: (0, 0))
    return pl.pallas_call(
        _ep_body,
        grid=grid,
        in_specs=[
            pl.BlockSpec((_BE, 32), lambda i: (i, 0)),
            pl.BlockSpec((_BE, 32), lambda i: (i, 0)),
            pl.BlockSpec((_BE, 16), lambda i: (i + off, 0)),
            full(1, 16), full(1, 16),
            full(80, 64), full(1, 64),
            full(64, 32), full(1, 32),
            full(32, 16), full(1, 16),
            full(16, 8), full(1, 8),
            full(8, 2), full(1, 2),
        ],
        out_specs=pl.BlockSpec((_BE, 2), lambda i: (i, 0)),
        out_shape=jax.ShapeDtypeStruct((n, 2), jnp.float32),
    )(hs, hd, e, esc, esh,
      p['ep_W0'], p['ep_b0'].reshape(1, 64),
      p['ep_W1'], p['ep_b1'].reshape(1, 32),
      p['ep_W2'], p['ep_b2'].reshape(1, 16),
      p['ep_W3'], p['ep_b3'].reshape(1, 8),
      p['ep_W4'], p['ep_b4'].reshape(1, 2))


def _sc_mesh():
    return plsc.VectorSubcoreMesh(core_axis_name="c", subcore_axis_name="s",
                                  num_cores=_NC, num_subcores=_NS)


def _gather(tab, idx, F, start, n):
    ew = n // _NW
    nch = ew // _C

    @functools.partial(
        pl.kernel,
        mesh=_sc_mesh(),
        out_type=jax.ShapeDtypeStruct((n, F), jnp.float32),
        scratch_types=[pltpu.VMEM((_C,), jnp.int32),
                       pltpu.VMEM((_C, F), jnp.float32),
                       pltpu.SemaphoreType.DMA],
        compiler_params=pltpu.CompilerParams(use_tc_tiling_on_sc=False),
    )
    def gk(tab_hbm, idx_hbm, out_hbm, idx_v, rows_v, sem):
        wid = lax.axis_index("s") * _NC + lax.axis_index("c")
        lbase = pl.multiple_of(wid * ew, 8)
        for j in range(nch):
            loff = lbase + j * _C
            pltpu.sync_copy(idx_hbm.at[pl.ds(start + loff, _C)], idx_v)
            pltpu.async_copy(tab_hbm.at[idx_v], rows_v, sem).wait()
            pltpu.sync_copy(rows_v, out_hbm.at[pl.ds(loff, _C)])

    return gk(tab, idx)


def _gather2(tab, idx2, start, n):
    ew = n // _NW
    nch = ew // _C

    @functools.partial(
        pl.kernel,
        mesh=_sc_mesh(),
        out_type=[jax.ShapeDtypeStruct((n, 32), jnp.float32),
                  jax.ShapeDtypeStruct((n, 32), jnp.float32)],
        scratch_types=[pltpu.VMEM((_C,), jnp.int32),
                       pltpu.VMEM((_C, 32), jnp.float32),
                       pltpu.SemaphoreType.DMA],
        compiler_params=pltpu.CompilerParams(use_tc_tiling_on_sc=False),
    )
    def gk(tab_hbm, idx_hbm, out0_hbm, out1_hbm, idx_v, rows_v, sem):
        wid = lax.axis_index("s") * _NC + lax.axis_index("c")
        lbase = pl.multiple_of(wid * ew, 8)
        for r, out_hbm in ((0, out0_hbm), (1, out1_hbm)):
            for j in range(nch):
                loff = lbase + j * _C
                pltpu.sync_copy(idx_hbm.at[r, pl.ds(start + loff, _C)], idx_v)
                pltpu.async_copy(tab_hbm.at[idx_v], rows_v, sem).wait()
                pltpu.sync_copy(rows_v, out_hbm.at[pl.ds(loff, _C)])

    return gk(tab, idx2)


def _scatter_add(msg, dst, init2, start, n):
    ew = n // _NW
    nch = ew // _C

    @functools.partial(
        pl.kernel,
        mesh=_sc_mesh(),
        out_type=jax.ShapeDtypeStruct((_NC, _N, 32), jnp.float32),
        scratch_types=[pltpu.VMEM((_C,), jnp.int32),
                       pltpu.VMEM((_C, 32), jnp.float32),
                       pltpu.VMEM_SHARED((_N, 32), jnp.float32)],
        compiler_params=pltpu.CompilerParams(use_tc_tiling_on_sc=False),
    )
    def sk(msg_hbm, dst_hbm, init_hbm, out_hbm, idx_v, msg_v, acc_sh):
        cid = lax.axis_index("c")
        sid = lax.axis_index("s")

        @pl.when(sid == 0)
        def _():
            pltpu.sync_copy(init_hbm.at[cid], acc_sh)

        plsc.subcore_barrier()
        wid = sid * _NC + cid
        lbase = pl.multiple_of(wid * ew, 8)
        for j in range(nch):
            loff = lbase + j * _C
            pltpu.sync_copy(dst_hbm.at[pl.ds(start + loff, _C)], idx_v)
            pltpu.sync_copy(msg_hbm.at[pl.ds(loff, _C), pl.ds(0, 32)], msg_v)
            pltpu.sync_copy(msg_v, acc_sh.at[idx_v], add=True)
        plsc.subcore_barrier()
        rows = _N // _NS
        rb = sid * rows
        pltpu.sync_copy(acc_sh.at[pl.ds(rb, rows)],
                        out_hbm.at[cid, pl.ds(rb, rows)])

    return sk(msg, dst, init2)


def kernel(x, e, params, edge_index, xbatch):
    p = params
    src = edge_index[0]
    dst = edge_index[1]
    zeros2 = jnp.zeros((_NC, _N, 32), jnp.float32)

    s, q = _edge_stats(e)
    m = s / _E
    esc = p['bn_edge_g'].reshape(1, 16) * lax.rsqrt(q / _E - m * m + _EPS)
    esh = p['bn_edge_b'].reshape(1, 16) - m * esc

    h0, xr0 = _prep(x, p['bn_node_g'], p['bn_node_b'], p['root0'], p['bias0'])

    splits = ((0, 96000), (96000, 64000))

    hs0 = [_gather(h0, src, 16, s, n) for s, n in splits]
    msg0 = [_messages(e, hs0[k], esc, esh, p['nn0_W0'], p['nn0_b0'],
                      p['nn0_W1'], p['nn0_b1'], 16, s, n)
            for k, (s, n) in enumerate(splits)]
    parts0 = [_scatter_add(msg0[k], dst, zeros2, s, n)
              for k, (s, n) in enumerate(splits)]
    h1, xr1 = _h_update(parts0[0], parts0[1], xr0, p['root1'], p['bias1'])

    hs1 = [_gather(h1, src, 32, s, n) for s, n in splits]
    msg1 = [_messages(e, hs1[k], esc, esh, p['nn1_W0'], p['nn1_b0'],
                      p['nn1_W1'], p['nn1_b1'], 32, s, n)
            for k, (s, n) in enumerate(splits)]
    parts1 = [_scatter_add(msg1[k], dst, zeros2, s, n)
              for k, (s, n) in enumerate(splits)]
    h2 = _h_final(parts1[0], parts1[1], xr1)

    g2 = [_gather2(h2, edge_index, s, n) for s, n in splits]
    z = [_edge_pred(g2[k][0], g2[k][1], e, esc, esh, p, s, n)
         for k, (s, n) in enumerate(splits)]
    return jnp.concatenate(z, axis=0)

# --- scband reference (transcript-rebuilt; emitter-appended) ---
"""Pipeline reference for scband-nnconv-model-84567906058925 (READ-ONLY COPY).

The authoritative reference and input builder live on the scoring server;
editing this copy changes nothing except your own understanding.
"""

import jax, jax.numpy as jnp
import numpy as np

N = 10000
E = 160000
NODE_IN = 16
EDGE_IN = 16
LEAK = 0.1


def _lin(key, fin, fout):
    kw, kb = jax.random.split(key)
    bound = 1.0 / np.sqrt(fin)
    W = jax.random.uniform(kw, (fin, fout), minval=-bound, maxval=bound, dtype=jnp.float32)
    b = jax.random.uniform(kb, (fout,), minval=-bound, maxval=bound, dtype=jnp.float32)
    return W, b


def setup_inputs(seed: int = 0):
    key = jax.random.key(seed)
    ks = jax.random.split(key, 16)
    x = jax.random.normal(ks[0], (N, NODE_IN), dtype=jnp.float32)
    e = jax.random.normal(ks[1], (E, EDGE_IN), dtype=jnp.float32)
    edge_index = jax.random.randint(ks[2], (2, E), 0, N, dtype=jnp.int32)
    xbatch = jnp.zeros((N,), dtype=jnp.int32)
    params = {}
    params['bn_node_g'] = jnp.ones((NODE_IN,), jnp.float32)
    params['bn_node_b'] = jnp.zeros((NODE_IN,), jnp.float32)
    params['bn_edge_g'] = jnp.ones((EDGE_IN,), jnp.float32)
    params['bn_edge_b'] = jnp.zeros((EDGE_IN,), jnp.float32)
    # MP layer 0: edge-nn Lin(16,16)->LReLU->Lin(16,512)->LReLU ; NNConv(16,32)
    params['nn0_W0'], params['nn0_b0'] = _lin(ks[3], EDGE_IN, 16)
    params['nn0_W1'], params['nn0_b1'] = _lin(ks[4], 16, 16 * 32)
    params['root0'], params['bias0'] = _lin(ks[5], 16, 32)
    # MP layer 1: edge-nn Lin(16,32)->LReLU->Lin(32,1024)->LReLU ; NNConv(32,32)
    params['nn1_W0'], params['nn1_b0'] = _lin(ks[6], EDGE_IN, 32)
    params['nn1_W1'], params['nn1_b1'] = _lin(ks[7], 32, 32 * 32)
    params['root1'], params['bias1'] = _lin(ks[8], 32, 32)
    # EdgeModel (MetaLayer) MLP: [2*32+16, 64, 32, 16, 8, 2]
    dims = [80, 64, 32, 16, 8, 2]
    for i in range(5):
        params['ep_W%d' % i], params['ep_b%d' % i] = _lin(ks[9 + i], dims[i], dims[i + 1])
    return {"x": x, "e": e, "params": params, "edge_index": edge_index, "xbatch": xbatch}


def _bn(v, g, b, eps=1e-5):
    m = jnp.mean(v, axis=0)
    va = jnp.var(v, axis=0)
    return g * (v - m) / jnp.sqrt(va + eps) + b


def _lrelu(z):
    return jnp.where(z >= 0, z, LEAK * z)


def _forward(x, e, params, edge_index):
    src = edge_index[0]
    dst = edge_index[1]
    e_n = _bn(e, params['bn_edge_g'], params['bn_edge_b'])
    h = _bn(x, params['bn_node_g'], params['bn_node_b'])
    # NNConv layer 0 (16 -> 32): edge-conditioned weight generation + gather/scatter-add
    w = _lrelu(e_n @ params['nn0_W0'] + params['nn0_b0'])
    w = _lrelu(w @ params['nn0_W1'] + params['nn0_b1'])
    We = w.reshape(-1, 16, 32)
    msg = jnp.einsum('ei,eio->eo', h[src], We)
    agg = jax.ops.segment_sum(msg, dst, num_segments=h.shape[0])
    h = agg + h @ params['root0'] + params['bias0']
    # NNConv layer 1 (32 -> 32)
    w = _lrelu(e_n @ params['nn1_W0'] + params['nn1_b0'])
    w = _lrelu(w @ params['nn1_W1'] + params['nn1_b1'])
    We = w.reshape(-1, 32, 32)
    msg = jnp.einsum('ei,eio->eo', h[src], We)
    agg = jax.ops.segment_sum(msg, dst, num_segments=h.shape[0])
    h = agg + h @ params['root1'] + params['bias1']
    # MetaLayer edge predictor: EdgeModel(cat[x_src, x_dst, e]) -> 2 logits per edge
    z = jnp.concatenate([h[src], h[dst], e_n], axis=1)
    for i in range(4):
        z = _lrelu(z @ params['ep_W%d' % i] + params['ep_b%d' % i])
    z = z @ params['ep_W4'] + params['ep_b4']
    return z


def reference(x, e, params, edge_index, xbatch):
    # xbatch is threaded through MetaLayer in the torch model but unused by EdgeModel
    return _forward(x, e, params, edge_index)

if __name__ == "__main__":
    import jax
    _d = setup_inputs()
    print(jax.jit(kernel)(*tuple(_d.values())))

</pallas_src>

<mosaic_0001>
#map = affine_map<(d0, d1) -> (0, 0)>
#map1 = affine_map<(d0, d1) -> (0)>
module attributes {stable_mosaic.version = 14 : i64} {
  func.func @gk(%arg0: i32, %arg1: i32, %arg2: memref<10000x16xf32, #tpu.memory_space<hbm>>, %arg3: memref<160000xi32, #tpu.memory_space<hbm>>, %arg4: memref<96000x16xf32, #tpu.memory_space<hbm>>, %arg5: memref<1000xi32, #tpu.memory_space<vmem>>, %arg6: memref<1000x16xf32, #tpu.memory_space<vmem>>, %arg7: memref<!tpu.dma_semaphore, #tpu.memory_space<semaphore_mem>>) attributes {dimension_semantics = [#tpu.dimension_semantics<core_parallel>, #tpu.dimension_semantics<subcore_parallel>], iteration_bounds = array<i64: 2, 16>, scalar_prefetch = 0 : i64, scratch_operands = 3 : i64, tpu.core_type = #tpu.core_type<sc_vector_subcore>, window_params = [{transform_indices = #map}, {transform_indices = #map1}, {transform_indices = #map}]} {
    %mul3A = arith.constant 2 : i32
    %mul3A_0 = arith.muli %arg1, %mul3A : i32
    %add3A = arith.addi %mul3A_0, %arg0 : i32
    %mul3A_1 = arith.constant 3000 : i32
    %mul3A_2 = arith.muli %add3A, %mul3A_1 : i32
    %multiple_of3A = tpu.assume_multiple %mul3A_2, 8 : i32
    %add3A_3 = arith.constant 0 : i32
    %add3A_4 = arith.addi %multiple_of3A, %add3A_3 : i32
    %add3A_5 = arith.constant 0 : i32
    %add3A_6 = arith.addi %add3A_5, %add3A_4 : i32
    "tpu.region"() ({
      %run_scoped3A = tpu.sem_alloc : memref<!tpu.dma_semaphore, #tpu.memory_space<semaphore_mem>>
      %dma_start3A_31 = tpu.memref_slice %arg3[%add3A_6] : memref<160000xi32, #tpu.memory_space<hbm>> -> memref<1000xi32, #tpu.memory_space<hbm>>
      %dma_start3A_32 = tpu.memref_slice %arg3[%add3A_6] : memref<160000xi32, #tpu.memory_space<hbm>> -> memref<1000xi32, #tpu.memory_space<hbm>>
      tpu.enqueue_dma source(%dma_start3A_32 : memref<1000xi32, #tpu.memory_space<hbm>>) target(%arg5 : memref<1000xi32, #tpu.memory_space<vmem>>) target_semaphore(%run_scoped3A : memref<!tpu.dma_semaphore, #tpu.memory_space<semaphore_mem>>)
      %dma_wait3A_33 = tpu.memref_slice %arg3[%add3A_6] : memref<160000xi32, #tpu.memory_space<hbm>> -> memref<1000xi32, #tpu.memory_space<hbm>>
      %dma_wait3A_34 = tpu.memref_slice %arg3[%add3A_6] : memref<160000xi32, #tpu.memory_space<hbm>> -> memref<1000xi32, #tpu.memory_space<hbm>>
      tpu.wait_dma2 semaphore(%run_scoped3A : memref<!tpu.dma_semaphore, #tpu.memory_space<semaphore_mem>>) src(%dma_wait3A_34 : memref<1000xi32, #tpu.memory_space<hbm>>) dst(%arg5 : memref<1000xi32, #tpu.memory_space<vmem>>)
      tpu.yield
    }) : () -> ()
    %dma_start3A = arith.constant 0 : i32
    %dma_start3A_7 = arith.constant 0 : i32
    %dma_start3A_8 = tpu.memref_slice %arg2[%dma_start3A, %dma_start3A_7] : memref<10000x16xf32, #tpu.memory_space<hbm>> -> memref<10000x16xf32, #tpu.memory_space<hbm>>
    tpu.enqueue_indirect_dma source(%dma_start3A_8 : memref<10000x16xf32, #tpu.memory_space<hbm>>) target(%arg6 : memref<1000x16xf32, #tpu.memory_space<vmem>>) offsets(%arg5 : memref<1000xi32, #tpu.memory_space<vmem>>) semaphore(%arg7 : memref<!tpu.dma_semaphore, #tpu.memory_space<semaphore_mem>>)
    %dma_wait3A = arith.constant 0 : i32
    %dma_wait3A_9 = arith.constant 0 : i32
    %dma_wait3A_10 = tpu.memref_slice %arg2[%dma_wait3A, %dma_wait3A_9] : memref<10000x16xf32, #tpu.memory_space<hbm>> -> memref<10000x16xf32, #tpu.memory_space<hbm>>
    tpu.wait_indirect_dma semaphore(%arg7 : memref<!tpu.dma_semaphore, #tpu.memory_space<semaphore_mem>>) src(%dma_wait3A_10 : memref<10000x16xf32, #tpu.memory_space<hbm>>) dst(%arg6 : memref<1000x16xf32, #tpu.memory_space<vmem>>)
    "tpu.region"() ({
      %run_scoped3A = tpu.sem_alloc : memref<!tpu.dma_semaphore, #tpu.memory_space<semaphore_mem>>
      %dma_start3A_31 = arith.constant 0 : i32
      %dma_start3A_32 = tpu.memref_slice %arg4[%add3A_4, %dma_start3A_31] : memref<96000x16xf32, #tpu.memory_space<hbm>> -> memref<1000x16xf32, #tpu.memory_space<hbm>>
      %dma_start3A_33 = arith.constant 0 : i32
      %dma_start3A_34 = tpu.memref_slice %arg4[%add3A_4, %dma_start3A_33] : memref<96000x16xf32, #tpu.memory_space<hbm>> -> memref<1000x16xf32, #tpu.memory_space<hbm>>
      tpu.enqueue_dma source(%arg6 : memref<1000x16xf32, #tpu.memory_space<vmem>>) target(%dma_start3A_34 : memref<1000x16xf32, #tpu.memory_space<hbm>>) target_semaphore(%run_scoped3A : memref<!tpu.dma_semaphore, #tpu.memory_space<semaphore_mem>>)
      %dma_wait3A_35 = arith.constant 0 : i32
      %dma_wait3A_36 = tpu.memref_slice %arg4[%add3A_4, %dma_wait3A_35] : memref<96000x16xf32, #tpu.memory_space<hbm>> -> memref<1000x16xf32, #tpu.memory_space<hbm>>
      %dma_wait3A_37 = arith.constant 0 : i32
      %dma_wait3A_38 = tpu.memref_slice %arg4[%add3A_4, %dma_wait3A_37] : memref<96000x16xf32, #tpu.memory_space<hbm>> -> memref<1000x16xf32, #tpu.memory_space<hbm>>
      tpu.wait_dma2 semaphore(%run_scoped3A : memref<!tpu.dma_semaphore, #tpu.memory_space<semaphore_mem>>) src(%arg6 : memref<1000x16xf32, #tpu.memory_space<vmem>>) dst(%dma_wait3A_38 : memref<1000x16xf32, #tpu.memory_space<hbm>>)
      tpu.yield
    }) : () -> ()
    %add3A_11 = arith.constant 1000 : i32
    %add3A_12 = arith.addi %multiple_of3A, %add3A_11 : i32
    %add3A_13 = arith.constant 0 : i32
    %add3A_14 = arith.addi %add3A_13, %add3A_12 : i32
    "tpu.region"() ({
      %run_scoped3A = tpu.sem_alloc : memref<!tpu.dma_semaphore, #tpu.memory_space<semaphore_mem>>
      %dma_start3A_31 = tpu.memref_slice %arg3[%add3A_14] : memref<160000xi32, #tpu.memory_space<hbm>> -> memref<1000xi32, #tpu.memory_space<hbm>>
      %dma_start3A_32 = tpu.memref_slice %arg3[%add3A_14] : memref<160000xi32, #tpu.memory_space<hbm>> -> memref<1000xi32, #tpu.memory_space<hbm>>
      tpu.enqueue_dma source(%dma_start3A_32 : memref<1000xi32, #tpu.memory_space<hbm>>) target(%arg5 : memref<1000xi32, #tpu.memory_space<vmem>>) target_semaphore(%run_scoped3A : memref<!tpu.dma_semaphore, #tpu.memory_space<semaphore_mem>>)
      %dma_wait3A_33 = tpu.memref_slice %arg3[%add3A_14] : memref<160000xi32, #tpu.memory_space<hbm>> -> memref<1000xi32, #tpu.memory_space<hbm>>
      %dma_wait3A_34 = tpu.memref_slice %arg3[%add3A_14] : memref<160000xi32, #tpu.memory_space<hbm>> -> memref<1000xi32, #tpu.memory_space<hbm>>
      tpu.wait_dma2 semaphore(%run_scoped3A : memref<!tpu.dma_semaphore, #tpu.memory_space<semaphore_mem>>) src(%dma_wait3A_34 : memref<1000xi32, #tpu.memory_space<hbm>>) dst(%arg5 : memref<1000xi32, #tpu.memory_space<vmem>>)
      tpu.yield
    }) : () -> ()
    %dma_start3A_15 = arith.constant 0 : i32
    %dma_start3A_16 = arith.constant 0 : i32
    %dma_start3A_17 = tpu.memref_slice %arg2[%dma_start3A_15, %dma_start3A_16] : memref<10000x16xf32, #tpu.memory_space<hbm>> -> memref<10000x16xf32, #tpu.memory_space<hbm>>
    tpu.enqueue_indirect_dma source(%dma_start3A_17 : memref<10000x16xf32, #tpu.memory_space<hbm>>) target(%arg6 : memref<1000x16xf32, #tpu.memory_space<vmem>>) offsets(%arg5 : memref<1000xi32, #tpu.memory_space<vmem>>) semaphore(%arg7 : memref<!tpu.dma_semaphore, #tpu.memory_space<semaphore_mem>>)
    %dma_wait3A_18 = arith.constant 0 : i32
    %dma_wait3A_19 = arith.constant 0 : i32
    %dma_wait3A_20 = tpu.memref_slice %arg2[%dma_wait3A_18, %dma_wait3A_19] : memref<10000x16xf32, #tpu.memory_space<hbm>> -> memref<10000x16xf32, #tpu.memory_space<hbm>>
    tpu.wait_indirect_dma semaphore(%arg7 : memref<!tpu.dma_semaphore, #tpu.memory_space<semaphore_mem>>) src(%dma_wait3A_20 : memref<10000x16xf32, #tpu.memory_space<hbm>>) dst(%arg6 : memref<1000x16xf32, #tpu.memory_space<vmem>>)
    "tpu.region"() ({
      %run_scoped3A = tpu.sem_alloc : memref<!tpu.dma_semaphore, #tpu.memory_space<semaphore_mem>>
      %dma_start3A_31 = arith.constant 0 : i32
      %dma_start3A_32 = tpu.memref_slice %arg4[%add3A_12, %dma_start3A_31] : memref<96000x16xf32, #tpu.memory_space<hbm>> -> memref<1000x16xf32, #tpu.memory_space<hbm>>
      %dma_start3A_33 = arith.constant 0 : i32
      %dma_start3A_34 = tpu.memref_slice %arg4[%add3A_12, %dma_start3A_33] : memref<96000x16xf32, #tpu.memory_space<hbm>> -> memref<1000x16xf32, #tpu.memory_space<hbm>>
      tpu.enqueue_dma source(%arg6 : memref<1000x16xf32, #tpu.memory_space<vmem>>) target(%dma_start3A_34 : memref<1000x16xf32, #tpu.memory_space<hbm>>) target_semaphore(%run_scoped3A : memref<!tpu.dma_semaphore, #tpu.memory_space<semaphore_mem>>)
      %dma_wait3A_35 = arith.constant 0 : i32
      %dma_wait3A_36 = tpu.memref_slice %arg4[%add3A_12, %dma_wait3A_35] : memref<96000x16xf32, #tpu.memory_space<hbm>> -> memref<1000x16xf32, #tpu.memory_space<hbm>>
      %dma_wait3A_37 = arith.constant 0 : i32
      %dma_wait3A_38 = tpu.memref_slice %arg4[%add3A_12, %dma_wait3A_37] : memref<96000x16xf32, #tpu.memory_space<hbm>> -> memref<1000x16xf32, #tpu.memory_space<hbm>>
      tpu.wait_dma2 semaphore(%run_scoped3A : memref<!tpu.dma_semaphore, #tpu.memory_space<semaphore_mem>>) src(%arg6 : memref<1000x16xf32, #tpu.memory_space<vmem>>) dst(%dma_wait3A_38 : memref<1000x16xf32, #tpu.memory_space<hbm>>)
      tpu.yield
    }) : () -> ()
    %add3A_21 = arith.constant 2000 : i32
    %add3A_22 = arith.addi %multiple_of3A, %add3A_21 : i32
    %add3A_23 = arith.constant 0 : i32
    %add3A_24 = arith.addi %add3A_23, %add3A_22 : i32
    "tpu.region"() ({
      %run_scoped3A = tpu.sem_alloc : memref<!tpu.dma_semaphore, #tpu.memory_space<semaphore_mem>>
      %dma_start3A_31 = tpu.memref_slice %arg3[%add3A_24] : memref<160000xi32, #tpu.memory_space<hbm>> -> memref<1000xi32, #tpu.memory_space<hbm>>
      %dma_start3A_32 = tpu.memref_slice %arg3[%add3A_24] : memref<160000xi32, #tpu.memory_space<hbm>> -> memref<1000xi32, #tpu.memory_space<hbm>>
      tpu.enqueue_dma source(%dma_start3A_32 : memref<1000xi32, #tpu.memory_space<hbm>>) target(%arg5 : memref<1000xi32, #tpu.memory_space<vmem>>) target_semaphore(%run_scoped3A : memref<!tpu.dma_semaphore, #tpu.memory_space<semaphore_mem>>)
      %dma_wait3A_33 = tpu.memref_slice %arg3[%add3A_24] : memref<160000xi32, #tpu.memory_space<hbm>> -> memref<1000xi32, #tpu.memory_space<hbm>>
      %dma_wait3A_34 = tpu.memref_slice %arg3[%add3A_24] : memref<160000xi32, #tpu.memory_space<hbm>> -> memref<1000xi32, #tpu.memory_space<hbm>>
      tpu.wait_dma2 semaphore(%run_scoped3A : memref<!tpu.dma_semaphore, #tpu.memory_space<semaphore_mem>>) src(%dma_wait3A_34 : memref<1000xi32, #tpu.memory_space<hbm>>) dst(%arg5 : memref<1000xi32, #tpu.memory_space<vmem>>)
      tpu.yield
    }) : () -> ()
    %dma_start3A_25 = arith.constant 0 : i32
    %dma_start3A_26 = arith.constant 0 : i32
    %dma_start3A_27 = tpu.memref_slice %arg2[%dma_start3A_25, %dma_start3A_26] : memref<10000x16xf32, #tpu.memory_space<hbm>> -> memref<10000x16xf32, #tpu.memory_space<hbm>>
    tpu.enqueue_indirect_dma source(%dma_start3A_27 : memref<10000x16xf32, #tpu.memory_space<hbm>>) target(%arg6 : memref<1000x16xf32, #tpu.memory_space<vmem>>) offsets(%arg5 : memref<1000xi32, #tpu.memory_space<vmem>>) semaphore(%arg7 : memref<!tpu.dma_semaphore, #tpu.memory_space<semaphore_mem>>)
    %dma_wait3A_28 = arith.constant 0 : i32
    %dma_wait3A_29 = arith.constant 0 : i32
    %dma_wait3A_30 = tpu.memref_slice %arg2[%dma_wait3A_28, %dma_wait3A_29] : memref<10000x16xf32, #tpu.memory_space<hbm>> -> memref<10000x16xf32, #tpu.memory_space<hbm>>
    tpu.wait_indirect_dma semaphore(%arg7 : memref<!tpu.dma_semaphore, #tpu.memory_space<semaphore_mem>>) src(%dma_wait3A_30 : memref<10000x16xf32, #tpu.memory_space<hbm>>) dst(%arg6 : memref<1000x16xf32, #tpu.memory_space<vmem>>)
    "tpu.region"() ({
      %run_scoped3A = tpu.sem_alloc : memref<!tpu.dma_semaphore, #tpu.memory_space<semaphore_mem>>
      %dma_start3A_31 = arith.constant 0 : i32
      %dma_start3A_32 = tpu.memref_slice %arg4[%add3A_22, %dma_start3A_31] : memref<96000x16xf32, #tpu.memory_space<hbm>> -> memref<1000x16xf32, #tpu.memory_space<hbm>>
      %dma_start3A_33 = arith.constant 0 : i32
      %dma_start3A_34 = tpu.memref_slice %arg4[%add3A_22, %dma_start3A_33] : memref<96000x16xf32, #tpu.memory_space<hbm>> -> memref<1000x16xf32, #tpu.memory_space<hbm>>
      tpu.enqueue_dma source(%arg6 : memref<1000x16xf32, #tpu.memory_space<vmem>>) target(%dma_start3A_34 : memref<1000x16xf32, #tpu.memory_space<hbm>>) target_semaphore(%run_scoped3A : memref<!tpu.dma_semaphore, #tpu.memory_space<semaphore_mem>>)
      %dma_wait3A_35 = arith.constant 0 : i32
      %dma_wait3A_36 = tpu.memref_slice %arg4[%add3A_22, %dma_wait3A_35] : memref<96000x16xf32, #tpu.memory_space<hbm>> -> memref<1000x16xf32, #tpu.memory_space<hbm>>
      %dma_wait3A_37 = arith.constant 0 : i32
      %dma_wait3A_38 = tpu.memref_slice %arg4[%add3A_22, %dma_wait3A_37] : memref<96000x16xf32, #tpu.memory_space<hbm>> -> memref<1000x16xf32, #tpu.memory_space<hbm>>
      tpu.wait_dma2 semaphore(%run_scoped3A : memref<!tpu.dma_semaphore, #tpu.memory_space<semaphore_mem>>) src(%arg6 : memref<1000x16xf32, #tpu.memory_space<vmem>>) dst(%dma_wait3A_38 : memref<1000x16xf32, #tpu.memory_space<hbm>>)
      tpu.yield
    }) : () -> ()
    return
  }
}

#map = affine_map<(d0, d1) -> (0, 0)>
#map1 = affine_map<(d0, d1) -> (0)>
module attributes {stable_mosaic.version = 14 : i64} {
  func.func @gk(%arg0: i32, %arg1: i32, %arg2: memref<10000x16xf32, #tpu.memory_space<hbm>>, %arg3: memref<160000xi32, #tpu.memory_space<hbm>>, %arg4: memref<64000x16xf32, #tpu.memory_space<hbm>>, %arg5: memref<1000xi32, #tpu.memory_space<vmem>>, %arg6: memref<1000x16xf32, #tpu.memory_space<vmem>>, %arg7: memref<!tpu.dma_semaphore, #tpu.memory_space<semaphore_mem>>) attributes {dimension_semantics = [#tpu.dimension_semantics<core_parallel>, #tpu.dimension_semantics<subcore_parallel>], iteration_bounds = array<i64: 2, 16>, scalar_prefetch = 0 : i64, scratch_operands = 3 : i64, tpu.core_type = #tpu.core_type<sc_vector_subcore>, window_params = [{transform_indices = #map}, {transform_indices = #map1}, {transform_indices = #map}]} {
    %mul3A = arith.constant 2 : i32
    %mul3A_0 = arith.muli %arg1, %mul3A : i32
    %add3A = arith.addi %mul3A_0, %arg0 : i32
    %mul3A_1 = arith.constant 2000 : i32
    %mul3A_2 = arith.muli %add3A, %mul3A_1 : i32
    %multiple_of3A = tpu.assume_multiple %mul3A_2, 8 : i32
    %add3A_3 = arith.constant 0 : i32
    %add3A_4 = arith.addi %multiple_of3A, %add3A_3 : i32
    %add3A_5 = arith.constant 96000 : i32
    %add3A_6 = arith.addi %add3A_5, %add3A_4 : i32
    "tpu.region"() ({
      %run_scoped3A = tpu.sem_alloc : memref<!tpu.dma_semaphore, #tpu.memory_space<semaphore_mem>>
      %dma_start3A_21 = tpu.memref_slice %arg3[%add3A_6] : memref<160000xi32, #tpu.memory_space<hbm>> -> memref<1000xi32, #tpu.memory_space<hbm>>
      %dma_start3A_22 = tpu.memref_slice %arg3[%add3A_6] : memref<160000xi32, #tpu.memory_space<hbm>> -> memref<1000xi32, #tpu.memory_space<hbm>>
      tpu.enqueue_dma source(%dma_start3A_22 : memref<1000xi32, #tpu.memory_space<hbm>>) target(%arg5 : memref<1000xi32, #tpu.memory_space<vmem>>) target_semaphore(%run_scoped3A : memref<!tpu.dma_semaphore, #tpu.memory_space<semaphore_mem>>)
      %dma_wait3A_23 = tpu.memref_slice %arg3[%add3A_6] : memref<160000xi32, #tpu.memory_space<hbm>> -> memref<1000xi32, #tpu.memory_space<hbm>>
      %dma_wait3A_24 = tpu.memref_slice %arg3[%add3A_6] : memref<160000xi32, #tpu.memory_space<hbm>> -> memref<1000xi32, #tpu.memory_space<hbm>>
      tpu.wait_dma2 semaphore(%run_scoped3A : memref<!tpu.dma_semaphore, #tpu.memory_space<semaphore_mem>>) src(%dma_wait3A_24 : memref<1000xi32, #tpu.memory_space<hbm>>) dst(%arg5 : memref<1000xi32, #tpu.memory_space<vmem>>)
      tpu.yield
    }) : () -> ()
    %dma_start3A = arith.constant 0 : i32
    %dma_start3A_7 = arith.constant 0 : i32
    %dma_start3A_8 = tpu.memref_slice %arg2[%dma_start3A, %dma_start3A_7] : memref<10000x16xf32, #tpu.memory_space<hbm>> -> memref<10000x16xf32, #tpu.memory_space<hbm>>
    tpu.enqueue_indirect_dma source(%dma_start3A_8 : memref<10000x16xf32, #tpu.memory_space<hbm>>) target(%arg6 : memref<1000x16xf32, #tpu.memory_space<vmem>>) offsets(%arg5 : memref<1000xi32, #tpu.memory_space<vmem>>) semaphore(%arg7 : memref<!tpu.dma_semaphore, #tpu.memory_space<semaphore_mem>>)
    %dma_wait3A = arith.constant 0 : i32
    %dma_wait3A_9 = arith.constant 0 : i32
    %dma_wait3A_10 = tpu.memref_slice %arg2[%dma_wait3A, %dma_wait3A_9] : memref<10000x16xf32, #tpu.memory_space<hbm>> -> memref<10000x16xf32, #tpu.memory_space<hbm>>
    tpu.wait_indirect_dma semaphore(%arg7 : memref<!tpu.dma_semaphore, #tpu.memory_space<semaphore_mem>>) src(%dma_wait3A_10 : memref<10000x16xf32, #tpu.memory_space<hbm>>) dst(%arg6 : memref<1000x16xf32, #tpu.memory_space<vmem>>)
    "tpu.region"() ({
      %run_scoped3A = tpu.sem_alloc : memref<!tpu.dma_semaphore, #tpu.memory_space<semaphore_mem>>
      %dma_start3A_21 = arith.constant 0 : i32
      %dma_start3A_22 = tpu.memref_slice %arg4[%add3A_4, %dma_start3A_21] : memref<64000x16xf32, #tpu.memory_space<hbm>> -> memref<1000x16xf32, #tpu.memory_space<hbm>>
      %dma_start3A_23 = arith.constant 0 : i32
      %dma_start3A_24 = tpu.memref_slice %arg4[%add3A_4, %dma_start3A_23] : memref<64000x16xf32, #tpu.memory_space<hbm>> -> memref<1000x16xf32, #tpu.memory_space<hbm>>
      tpu.enqueue_dma source(%arg6 : memref<1000x16xf32, #tpu.memory_space<vmem>>) target(%dma_start3A_24 : memref<1000x16xf32, #tpu.memory_space<hbm>>) target_semaphore(%run_scoped3A : memref<!tpu.dma_semaphore, #tpu.memory_space<semaphore_mem>>)
      %dma_wait3A_25 = arith.constant 0 : i32
      %dma_wait3A_26 = tpu.memref_slice %arg4[%add3A_4, %dma_wait3A_25] : memref<64000x16xf32, #tpu.memory_space<hbm>> -> memref<1000x16xf32, #tpu.memory_space<hbm>>
      %dma_wait3A_27 = arith.constant 0 : i32
      %dma_wait3A_28 = tpu.memref_slice %arg4[%add3A_4, %dma_wait3A_27] : memref<64000x16xf32, #tpu.memory_space<hbm>> -> memref<1000x16xf32, #tpu.memory_space<hbm>>
      tpu.wait_dma2 semaphore(%run_scoped3A : memref<!tpu.dma_semaphore, #tpu.memory_space<semaphore_mem>>) src(%arg6 : memref<1000x16xf32, #tpu.memory_space<vmem>>) dst(%dma_wait3A_28 : memref<1000x16xf32, #tpu.memory_space<hbm>>)
      tpu.yield
    }) : () -> ()
    %add3A_11 = arith.constant 1000 : i32
    %add3A_12 = arith.addi %multiple_of3A, %add3A_11 : i32
    %add3A_13 = arith.constant 96000 : i32
    %add3A_14 = arith.addi %add3A_13, %add3A_12 : i32
    "tpu.region"() ({
      %run_scoped3A = tpu.sem_alloc : memref<!tpu.dma_semaphore, #tpu.memory_space<semaphore_mem>>
      %dma_start3A_21 = tpu.memref_slice %arg3[%add3A_14] : memref<160000xi32, #tpu.memory_space<hbm>> -> memref<1000xi32, #tpu.memory_space<hbm>>
      %dma_start3A_22 = tpu.memref_slice %arg3[%add3A_14] : memref<160000xi32, #tpu.memory_space<hbm>> -> memref<1000xi32, #tpu.memory_space<hbm>>
      tpu.enqueue_dma source(%dma_start3A_22 : memref<1000xi32, #tpu.memory_space<hbm>>) target(%arg5 : memref<1000xi32, #tpu.memory_space<vmem>>) target_semaphore(%run_scoped3A : memref<!tpu.dma_semaphore, #tpu.memory_space<semaphore_mem>>)
      %dma_wait3A_23 = tpu.memref_slice %arg3[%add3A_14] : memref<160000xi32, #tpu.memory_space<hbm>> -> memref<1000xi32, #tpu.memory_space<hbm>>
      %dma_wait3A_24 = tpu.memref_slice %arg3[%add3A_14] : memref<160000xi32, #tpu.memory_space<hbm>> -> memref<1000xi32, #tpu.memory_space<hbm>>
      tpu.wait_dma2 semaphore(%run_scoped3A : memref<!tpu.dma_semaphore, #tpu.memory_space<semaphore_mem>>) src(%dma_wait3A_24 : memref<1000xi32, #tpu.memory_space<hbm>>) dst(%arg5 : memref<1000xi32, #tpu.memory_space<vmem>>)
      tpu.yield
    }) : () -> ()
    %dma_start3A_15 = arith.constant 0 : i32
    %dma_start3A_16 = arith.constant 0 : i32
    %dma_start3A_17 = tpu.memref_slice %arg2[%dma_start3A_15, %dma_start3A_16] : memref<10000x16xf32, #tpu.memory_space<hbm>> -> memref<10000x16xf32, #tpu.memory_space<hbm>>
    tpu.enqueue_indirect_dma source(%dma_start3A_17 : memref<10000x16xf32, #tpu.memory_space<hbm>>) target(%arg6 : memref<1000x16xf32, #tpu.memory_space<vmem>>) offsets(%arg5 : memref<1000xi32, #tpu.memory_space<vmem>>) semaphore(%arg7 : memref<!tpu.dma_semaphore, #tpu.memory_space<semaphore_mem>>)
    %dma_wait3A_18 = arith.constant 0 : i32
    %dma_wait3A_19 = arith.constant 0 : i32
    %dma_wait3A_20 = tpu.memref_slice %arg2[%dma_wait3A_18, %dma_wait3A_19] : memref<10000x16xf32, #tpu.memory_space<hbm>> -> memref<10000x16xf32, #tpu.memory_space<hbm>>
    tpu.wait_indirect_dma semaphore(%arg7 : memref<!tpu.dma_semaphore, #tpu.memory_space<semaphore_mem>>) src(%dma_wait3A_20 : memref<10000x16xf32, #tpu.memory_space<hbm>>) dst(%arg6 : memref<1000x16xf32, #tpu.memory_space<vmem>>)
    "tpu.region"() ({
      %run_scoped3A = tpu.sem_alloc : memref<!tpu.dma_semaphore, #tpu.memory_space<semaphore_mem>>
      %dma_start3A_21 = arith.constant 0 : i32
      %dma_start3A_22 = tpu.memref_slice %arg4[%add3A_12, %dma_start3A_21] : memref<64000x16xf32, #tpu.memory_space<hbm>> -> memref<1000x16xf32, #tpu.memory_space<hbm>>
      %dma_start3A_23 = arith.constant 0 : i32
      %dma_start3A_24 = tpu.memref_slice %arg4[%add3A_12, %dma_start3A_23] : memref<64000x16xf32, #tpu.memory_space<hbm>> -> memref<1000x16xf32, #tpu.memory_space<hbm>>
      tpu.enqueue_dma source(%arg6 : memref<1000x16xf32, #tpu.memory_space<vmem>>) target(%dma_start3A_24 : memref<1000x16xf32, #tpu.memory_space<hbm>>) target_semaphore(%run_scoped3A : memref<!tpu.dma_semaphore, #tpu.memory_space<semaphore_mem>>)
      %dma_wait3A_25 = arith.constant 0 : i32
      %dma_wait3A_26 = tpu.memref_slice %arg4[%add3A_12, %dma_wait3A_25] : memref<64000x16xf32, #tpu.memory_space<hbm>> -> memref<1000x16xf32, #tpu.memory_space<hbm>>
      %dma_wait3A_27 = arith.constant 0 : i32
      %dma_wait3A_28 = tpu.memref_slice %arg4[%add3A_12, %dma_wait3A_27] : memref<64000x16xf32, #tpu.memory_space<hbm>> -> memref<1000x16xf32, #tpu.memory_space<hbm>>
      tpu.wait_dma2 semaphore(%run_scoped3A : memref<!tpu.dma_semaphore, #tpu.memory_space<semaphore_mem>>) src(%arg6 : memref<1000x16xf32, #tpu.memory_space<vmem>>) dst(%dma_wait3A_28 : memref<1000x16xf32, #tpu.memory_space<hbm>>)
      tpu.yield
    }) : () -> ()
    return
  }
}

#map = affine_map<(d0, d1) -> (0, 0)>
#map1 = affine_map<(d0, d1) -> (0)>
#map2 = affine_map<(d0, d1) -> (0, 0, 0)>
module attributes {stable_mosaic.version = 14 : i64} {
  func.func @sk(%arg0: i32, %arg1: i32, %arg2: memref<64000x128xf32, #tpu.memory_space<hbm>>, %arg3: memref<160000xi32, #tpu.memory_space<hbm>>, %arg4: memref<2x10000x32xf32, #tpu.memory_space<hbm>>, %arg5: memref<2x10000x32xf32, #tpu.memory_space<hbm>>, %arg6: memref<1000xi32, #tpu.memory_space<vmem>>, %arg7: memref<1000x32xf32, #tpu.memory_space<vmem>>, %arg8: memref<10000x32xf32, #tpu.memory_space<vmem_shared>>) attributes {dimension_semantics = [#tpu.dimension_semantics<core_parallel>, #tpu.dimension_semantics<subcore_parallel>], iteration_bounds = array<i64: 2, 16>, scalar_prefetch = 0 : i64, scratch_operands = 3 : i64, tpu.core_type = #tpu.core_type<sc_vector_subcore>, window_params = [{transform_indices = #map}, {transform_indices = #map1}, {transform_indices = #map2}, {transform_indices = #map2}]} {
    %eq3A = arith.constant 0 : i32
    %eq3A_0 = arith.cmpi eq, %arg1, %eq3A : i32
    %convert_element_type3A = arith.extui %eq3A_0 : i1 to i32
    %cond3A = arith.constant 0 : i32
    %cond3A_1 = arith.cmpi ne, %convert_element_type3A, %cond3A : i32
    scf.if %cond3A_1 {
      "tpu.region"() ({
        %run_scoped3A = tpu.sem_alloc : memref<!tpu.dma_semaphore, #tpu.memory_space<semaphore_mem>>
        %dma_start3A = arith.constant 0 : i32
        %dma_start3A_16 = arith.constant 0 : i32
        %dma_start3A_17 = tpu.memref_slice %arg4[%arg0, %dma_start3A, %dma_start3A_16] : memref<2x10000x32xf32, #tpu.memory_space<hbm>> -> memref<1x10000x32xf32, #tpu.memory_space<hbm>>
        %dma_start3A_18 = tpu.memref_squeeze %dma_start3A_17 : memref<1x10000x32xf32, #tpu.memory_space<hbm>> -> memref<10000x32xf32, #tpu.memory_space<hbm>>
        tpu.enqueue_dma source(%dma_start3A_18 : memref<10000x32xf32, #tpu.memory_space<hbm>>) target(%arg8 : memref<10000x32xf32, #tpu.memory_space<vmem_shared>>) target_semaphore(%run_scoped3A : memref<!tpu.dma_semaphore, #tpu.memory_space<semaphore_mem>>)
        %dma_wait3A = arith.constant 0 : i32
        %dma_wait3A_19 = arith.constant 0 : i32
        %dma_wait3A_20 = tpu.memref_slice %arg4[%arg0, %dma_wait3A, %dma_wait3A_19] : memref<2x10000x32xf32, #tpu.memory_space<hbm>> -> memref<1x10000x32xf32, #tpu.memory_space<hbm>>
        %dma_wait3A_21 = tpu.memref_squeeze %dma_wait3A_20 : memref<1x10000x32xf32, #tpu.memory_space<hbm>> -> memref<10000x32xf32, #tpu.memory_space<hbm>>
        tpu.wait_dma2 semaphore(%run_scoped3A : memref<!tpu.dma_semaphore, #tpu.memory_space<semaphore_mem>>) src(%dma_wait3A_21 : memref<10000x32xf32, #tpu.memory_space<hbm>>) dst(%arg8 : memref<10000x32xf32, #tpu.memory_space<vmem_shared>>)
        tpu.yield
      }) : () -> ()
    } else {
    }
    %barrier3A = arith.constant 0 : index
    tpu.barrier barrier_id(%barrier3A)
    %mul3A = arith.constant 2 : i32
    %mul3A_2 = arith.muli %arg1, %mul3A : i32
    %add3A = arith.addi %mul3A_2, %arg0 : i32
    %mul3A_3 = arith.constant 2000 : i32
    %mul3A_4 = arith.muli %add3A, %mul3A_3 : i32
    %multiple_of3A = tpu.assume_multiple %mul3A_4, 8 : i32
    %add3A_5 = arith.constant 0 : i32
    %add3A_6 = arith.addi %multiple_of3A, %add3A_5 : i32
    %add3A_7 = arith.constant 96000 : i32
    %add3A_8 = arith.addi %add3A_7, %add3A_6 : i32
    "tpu.region"() ({
      %run_scoped3A = tpu.sem_alloc : memref<!tpu.dma_semaphore, #tpu.memory_space<semaphore_mem>>
      %dma_start3A = tpu.memref_slice %arg3[%add3A_8] : memref<160000xi32, #tpu.memory_space<hbm>> -> memref<1000xi32, #tpu.memory_space<hbm>>
      %dma_start3A_16 = tpu.memref_slice %arg3[%add3A_8] : memref<160000xi32, #tpu.memory_space<hbm>> -> memref<1000xi32, #tpu.memory_space<hbm>>
      tpu.enqueue_dma source(%dma_start3A_16 : memref<1000xi32, #tpu.memory_space<hbm>>) target(%arg6 : memref<1000xi32, #tpu.memory_space<vmem>>) target_semaphore(%run_scoped3A : memref<!tpu.dma_semaphore, #tpu.memory_space<semaphore_mem>>)
      %dma_wait3A = tpu.memref_slice %arg3[%add3A_8] : memref<160000xi32, #tpu.memory_space<hbm>> -> memref<1000xi32, #tpu.memory_space<hbm>>
      %dma_wait3A_17 = tpu.memref_slice %arg3[%add3A_8] : memref<160000xi32, #tpu.memory_space<hbm>> -> memref<1000xi32, #tpu.memory_space<hbm>>
      tpu.wait_dma2 semaphore(%run_scoped3A : memref<!tpu.dma_semaphore, #tpu.memory_space<semaphore_mem>>) src(%dma_wait3A_17 : memref<1000xi32, #tpu.memory_space<hbm>>) dst(%arg6 : memref<1000xi32, #tpu.memory_space<vmem>>)
      tpu.yield
    }) : () -> ()
    "tpu.region"() ({
      %run_scoped3A = tpu.sem_alloc : memref<!tpu.dma_semaphore, #tpu.memory_space<semaphore_mem>>
      %dma_start3A = arith.constant 0 : i32
      %dma_start3A_16 = tpu.memref_slice %arg2[%add3A_6, %dma_start3A] : memref<64000x128xf32, #tpu.memory_space<hbm>> -> memref<1000x32xf32, #tpu.memory_space<hbm>>
      %dma_start3A_17 = arith.constant 0 : i32
      %dma_start3A_18 = tpu.memref_slice %arg2[%add3A_6, %dma_start3A_17] : memref<64000x128xf32, #tpu.memory_space<hbm>> -> memref<1000x32xf32, #tpu.memory_space<hbm>>
      tpu.enqueue_dma source(%dma_start3A_18 : memref<1000x32xf32, #tpu.memory_space<hbm>>) target(%arg7 : memref<1000x32xf32, #tpu.memory_space<vmem>>) target_semaphore(%run_scoped3A : memref<!tpu.dma_semaphore, #tpu.memory_space<semaphore_mem>>)
      %dma_wait3A = arith.constant 0 : i32
      %dma_wait3A_19 = tpu.memref_slice %arg2[%add3A_6, %dma_wait3A] : memref<64000x128xf32, #tpu.memory_space<hbm>> -> memref<1000x32xf32, #tpu.memory_space<hbm>>
      %dma_wait3A_20 = arith.constant 0 : i32
      %dma_wait3A_21 = tpu.memref_slice %arg2[%add3A_6, %dma_wait3A_20] : memref<64000x128xf32, #tpu.memory_space<hbm>> -> memref<1000x32xf32, #tpu.memory_space<hbm>>
      tpu.wait_dma2 semaphore(%run_scoped3A : memref<!tpu.dma_semaphore, #tpu.memory_space<semaphore_mem>>) src(%dma_wait3A_21 : memref<1000x32xf32, #tpu.memory_space<hbm>>) dst(%arg7 : memref<1000x32xf32, #tpu.memory_space<vmem>>)
      tpu.yield
    }) : () -> ()
    "tpu.region"() ({
      %run_scoped3A = tpu.sem_alloc : memref<!tpu.dma_semaphore, #tpu.memory_space<semaphore_mem>>
      %dma_start3A = arith.constant 0 : i32
      %dma_start3A_16 = arith.constant 0 : i32
      %dma_start3A_17 = tpu.memref_slice %arg8[%dma_start3A, %dma_start3A_16] : memref<10000x32xf32, #tpu.memory_space<vmem_shared>> -> memref<10000x32xf32, #tpu.memory_space<vmem_shared>>
      tpu.enqueue_indirect_dma source(%arg7 : memref<1000x32xf32, #tpu.memory_space<vmem>>) target(%dma_start3A_17 : memref<10000x32xf32, #tpu.memory_space<vmem_shared>>) offsets(%arg6 : memref<1000xi32, #tpu.memory_space<vmem>>) semaphore(%run_scoped3A : memref<!tpu.dma_semaphore, #tpu.memory_space<semaphore_mem>>) {add = true}
      %dma_wait3A = arith.constant 0 : i32
      %dma_wait3A_18 = arith.constant 0 : i32
      %dma_wait3A_19 = tpu.memref_slice %arg8[%dma_wait3A, %dma_wait3A_18] : memref<10000x32xf32, #tpu.memory_space<vmem_shared>> -> memref<10000x32xf32, #tpu.memory_space<vmem_shared>>
      tpu.wait_indirect_dma semaphore(%run_scoped3A : memref<!tpu.dma_semaphore, #tpu.memory_space<semaphore_mem>>) src(%arg7 : memref<1000x32xf32, #tpu.memory_space<vmem>>) dst(%dma_wait3A_19 : memref<10000x32xf32, #tpu.memory_space<vmem_shared>>)
      tpu.yield
    }) : () -> ()
    %add3A_9 = arith.constant 1000 : i32
    %add3A_10 = arith.addi %multiple_of3A, %add3A_9 : i32
    %add3A_11 = arith.constant 96000 : i32
    %add3A_12 = arith.addi %add3A_11, %add3A_10 : i32
    "tpu.region"() ({
      %run_scoped3A = tpu.sem_alloc : memref<!tpu.dma_semaphore, #tpu.memory_space<semaphore_mem>>
      %dma_start3A = tpu.memref_slice %arg3[%add3A_12] : memref<160000xi32, #tpu.memory_space<hbm>> -> memref<1000xi32, #tpu.memory_space<hbm>>
      %dma_start3A_16 = tpu.memref_slice %arg3[%add3A_12] : memref<160000xi32, #tpu.memory_space<hbm>> -> memref<1000xi32, #tpu.memory_space<hbm>>
      tpu.enqueue_dma source(%dma_start3A_16 : memref<1000xi32, #tpu.memory_space<hbm>>) target(%arg6 : memref<1000xi32, #tpu.memory_space<vmem>>) target_semaphore(%run_scoped3A : memref<!tpu.dma_semaphore, #tpu.memory_space<semaphore_mem>>)
      %dma_wait3A = tpu.memref_slice %arg3[%add3A_12] : memref<160000xi32, #tpu.memory_space<hbm>> -> memref<1000xi32, #tpu.memory_space<hbm>>
      %dma_wait3A_17 = tpu.memref_slice %arg3[%add3A_12] : memref<160000xi32, #tpu.memory_space<hbm>> -> memref<1000xi32, #tpu.memory_space<hbm>>
      tpu.wait_dma2 semaphore(%run_scoped3A : memref<!tpu.dma_semaphore, #tpu.memory_space<semaphore_mem>>) src(%dma_wait3A_17 : memref<1000xi32, #tpu.memory_space<hbm>>) dst(%arg6 : memref<1000xi32, #tpu.memory_space<vmem>>)
      tpu.yield
    }) : () -> ()
    "tpu.region"() ({
      %run_scoped3A = tpu.sem_alloc : memref<!tpu.dma_semaphore, #tpu.memory_space<semaphore_mem>>
      %dma_start3A = arith.constant 0 : i32
      %dma_start3A_16 = tpu.memref_slice %arg2[%add3A_10, %dma_start3A] : memref<64000x128xf32, #tpu.memory_space<hbm>> -> memref<1000x32xf32, #tpu.memory_space<hbm>>
      %dma_start3A_17 = arith.constant 0 : i32
      %dma_start3A_18 = tpu.memref_slice %arg2[%add3A_10, %dma_start3A_17] : memref<64000x128xf32, #tpu.memory_space<hbm>> -> memref<1000x32xf32, #tpu.memory_space<hbm>>
      tpu.enqueue_dma source(%dma_start3A_18 : memref<1000x32xf32, #tpu.memory_space<hbm>>) target(%arg7 : memref<1000x32xf32, #tpu.memory_space<vmem>>) target_semaphore(%run_scoped3A : memref<!tpu.dma_semaphore, #tpu.memory_space<semaphore_mem>>)
      %dma_wait3A = arith.constant 0 : i32
      %dma_wait3A_19 = tpu.memref_slice %arg2[%add3A_10, %dma_wait3A] : memref<64000x128xf32, #tpu.memory_space<hbm>> -> memref<1000x32xf32, #tpu.memory_space<hbm>>
      %dma_wait3A_20 = arith.constant 0 : i32
      %dma_wait3A_21 = tpu.memref_slice %arg2[%add3A_10, %dma_wait3A_20] : memref<64000x128xf32, #tpu.memory_space<hbm>> -> memref<1000x32xf32, #tpu.memory_space<hbm>>
      tpu.wait_dma2 semaphore(%run_scoped3A : memref<!tpu.dma_semaphore, #tpu.memory_space<semaphore_mem>>) src(%dma_wait3A_21 : memref<1000x32xf32, #tpu.memory_space<hbm>>) dst(%arg7 : memref<1000x32xf32, #tpu.memory_space<vmem>>)
      tpu.yield
    }) : () -> ()
    "tpu.region"() ({
      %run_scoped3A = tpu.sem_alloc : memref<!tpu.dma_semaphore, #tpu.memory_space<semaphore_mem>>
      %dma_start3A = arith.constant 0 : i32
      %dma_start3A_16 = arith.constant 0 : i32
      %dma_start3A_17 = tpu.memref_slice %arg8[%dma_start3A, %dma_start3A_16] : memref<10000x32xf32, #tpu.memory_space<vmem_shared>> -> memref<10000x32xf32, #tpu.memory_space<vmem_shared>>
      tpu.enqueue_indirect_dma source(%arg7 : memref<1000x32xf32, #tpu.memory_space<vmem>>) target(%dma_start3A_17 : memref<10000x32xf32, #tpu.memory_space<vmem_shared>>) offsets(%arg6 : memref<1000xi32, #tpu.memory_space<vmem>>) semaphore(%run_scoped3A : memref<!tpu.dma_semaphore, #tpu.memory_space<semaphore_mem>>) {add = true}
      %dma_wait3A = arith.constant 0 : i32
      %dma_wait3A_18 = arith.constant 0 : i32
      %dma_wait3A_19 = tpu.memref_slice %arg8[%dma_wait3A, %dma_wait3A_18] : memref<10000x32xf32, #tpu.memory_space<vmem_shared>> -> memref<10000x32xf32, #tpu.memory_space<vmem_shared>>
      tpu.wait_indirect_dma semaphore(%run_scoped3A : memref<!tpu.dma_semaphore, #tpu.memory_space<semaphore_mem>>) src(%arg7 : memref<1000x32xf32, #tpu.memory_space<vmem>>) dst(%dma_wait3A_19 : memref<10000x32xf32, #tpu.memory_space<vmem_shared>>)
      tpu.yield
    }) : () -> ()
    %barrier3A_13 = arith.constant 0 : index
    tpu.barrier barrier_id(%barrier3A_13)
    %mul3A_14 = arith.constant 625 : i32
    %mul3A_15 = arith.muli %arg1, %mul3A_14 : i32
    "tpu.region"() ({
      %run_scoped3A = tpu.sem_alloc : memref<!tpu.dma_semaphore, #tpu.memory_space<semaphore_mem>>
      %dma_start3A = arith.constant 0 : i32
      %dma_start3A_16 = tpu.memref_slice %arg5[%arg0, %mul3A_15, %dma_start3A] : memref<2x10000x32xf32, #tpu.memory_space<hbm>> -> memref<1x625x32xf32, #tpu.memory_space<hbm>>
      %dma_start3A_17 = tpu.memref_squeeze %dma_start3A_16 : memref<1x625x32xf32, #tpu.memory_space<hbm>> -> memref<625x32xf32, #tpu.memory_space<hbm>>
      %dma_start3A_18 = arith.constant 0 : i32
      %dma_start3A_19 = tpu.memref_slice %arg8[%mul3A_15, %dma_start3A_18] : memref<10000x32xf32, #tpu.memory_space<vmem_shared>> -> memref<625x32xf32, #tpu.memory_space<vmem_shared>>
      tpu.enqueue_dma source(%dma_start3A_19 : memref<625x32xf32, #tpu.memory_space<vmem_shared>>) target(%dma_start3A_17 : memref<625x32xf32, #tpu.memory_space<hbm>>) target_semaphore(%run_scoped3A : memref<!tpu.dma_semaphore, #tpu.memory_space<semaphore_mem>>)
      %dma_wait3A = arith.constant 0 : i32
      %dma_wait3A_20 = tpu.memref_slice %arg5[%arg0, %mul3A_15, %dma_wait3A] : memref<2x10000x32xf32, #tpu.memory_space<hbm>> -> memref<1x625x32xf32, #tpu.memory_space<hbm>>
      %dma_wait3A_21 = tpu.memref_squeeze %dma_wait3A_20 : memref<1x625x32xf32, #tpu.memory_space<hbm>> -> memref<625x32xf32, #tpu.memory_space<hbm>>
      %dma_wait3A_22 = arith.constant 0 : i32
      %dma_wait3A_23 = tpu.memref_slice %arg8[%mul3A_15, %dma_wait3A_22] : memref<10000x32xf32, #tpu.memory_space<vmem_shared>> -> memref<625x32xf32, #tpu.memory_space<vmem_shared>>
      tpu.wait_dma2 semaphore(%run_scoped3A : memref<!tpu.dma_semaphore, #tpu.memory_space<semaphore_mem>>) src(%dma_wait3A_23 : memref<625x32xf32, #tpu.memory_space<vmem_shared>>) dst(%dma_wait3A_21 : memref<625x32xf32, #tpu.memory_space<hbm>>)
      tpu.yield
    }) : () -> ()
    return
  }
}

#map = affine_map<(d0, d1) -> (0, 0)>
#map1 = affine_map<(d0, d1) -> (0)>
#map2 = affine_map<(d0, d1) -> (0, 0, 0)>
module attributes {stable_mosaic.version = 14 : i64} {
  func.func @sk(%arg0: i32, %arg1: i32, %arg2: memref<96000x128xf32, #tpu.memory_space<hbm>>, %arg3: memref<160000xi32, #tpu.memory_space<hbm>>, %arg4: memref<2x10000x32xf32, #tpu.memory_space<hbm>>, %arg5: memref<2x10000x32xf32, #tpu.memory_space<hbm>>, %arg6: memref<1000xi32, #tpu.memory_space<vmem>>, %arg7: memref<1000x32xf32, #tpu.memory_space<vmem>>, %arg8: memref<10000x32xf32, #tpu.memory_space<vmem_shared>>) attributes {dimension_semantics = [#tpu.dimension_semantics<core_parallel>, #tpu.dimension_semantics<subcore_parallel>], iteration_bounds = array<i64: 2, 16>, scalar_prefetch = 0 : i64, scratch_operands = 3 : i64, tpu.core_type = #tpu.core_type<sc_vector_subcore>, window_params = [{transform_indices = #map}, {transform_indices = #map1}, {transform_indices = #map2}, {transform_indices = #map2}]} {
    %eq3A = arith.constant 0 : i32
    %eq3A_0 = arith.cmpi eq, %arg1, %eq3A : i32
    %convert_element_type3A = arith.extui %eq3A_0 : i1 to i32
    %cond3A = arith.constant 0 : i32
    %cond3A_1 = arith.cmpi ne, %convert_element_type3A, %cond3A : i32
    scf.if %cond3A_1 {
      "tpu.region"() ({
        %run_scoped3A = tpu.sem_alloc : memref<!tpu.dma_semaphore, #tpu.memory_space<semaphore_mem>>
        %dma_start3A = arith.constant 0 : i32
        %dma_start3A_20 = arith.constant 0 : i32
        %dma_start3A_21 = tpu.memref_slice %arg4[%arg0, %dma_start3A, %dma_start3A_20] : memref<2x10000x32xf32, #tpu.memory_space<hbm>> -> memref<1x10000x32xf32, #tpu.memory_space<hbm>>
        %dma_start3A_22 = tpu.memref_squeeze %dma_start3A_21 : memref<1x10000x32xf32, #tpu.memory_space<hbm>> -> memref<10000x32xf32, #tpu.memory_space<hbm>>
        tpu.enqueue_dma source(%dma_start3A_22 : memref<10000x32xf32, #tpu.memory_space<hbm>>) target(%arg8 : memref<10000x32xf32, #tpu.memory_space<vmem_shared>>) target_semaphore(%run_scoped3A : memref<!tpu.dma_semaphore, #tpu.memory_space<semaphore_mem>>)
        %dma_wait3A = arith.constant 0 : i32
        %dma_wait3A_23 = arith.constant 0 : i32
        %dma_wait3A_24 = tpu.memref_slice %arg4[%arg0, %dma_wait3A, %dma_wait3A_23] : memref<2x10000x32xf32, #tpu.memory_space<hbm>> -> memref<1x10000x32xf32, #tpu.memory_space<hbm>>
        %dma_wait3A_25 = tpu.memref_squeeze %dma_wait3A_24 : memref<1x10000x32xf32, #tpu.memory_space<hbm>> -> memref<10000x32xf32, #tpu.memory_space<hbm>>
        tpu.wait_dma2 semaphore(%run_scoped3A : memref<!tpu.dma_semaphore, #tpu.memory_space<semaphore_mem>>) src(%dma_wait3A_25 : memref<10000x32xf32, #tpu.memory_space<hbm>>) dst(%arg8 : memref<10000x32xf32, #tpu.memory_space<vmem_shared>>)
        tpu.yield
      }) : () -> ()
    } else {
    }
    %barrier3A = arith.constant 0 : index
    tpu.barrier barrier_id(%barrier3A)
    %mul3A = arith.constant 2 : i32
    %mul3A_2 = arith.muli %arg1, %mul3A : i32
    %add3A = arith.addi %mul3A_2, %arg0 : i32
    %mul3A_3 = arith.constant 3000 : i32
    %mul3A_4 = arith.muli %add3A, %mul3A_3 : i32
    %multiple_of3A = tpu.assume_multiple %mul3A_4, 8 : i32
    %add3A_5 = arith.constant 0 : i32
    %add3A_6 = arith.addi %multiple_of3A, %add3A_5 : i32
    %add3A_7 = arith.constant 0 : i32
    %add3A_8 = arith.addi %add3A_7, %add3A_6 : i32
    "tpu.region"() ({
      %run_scoped3A = tpu.sem_alloc : memref<!tpu.dma_semaphore, #tpu.memory_space<semaphore_mem>>
      %dma_start3A = tpu.memref_slice %arg3[%add3A_8] : memref<160000xi32, #tpu.memory_space<hbm>> -> memref<1000xi32, #tpu.memory_space<hbm>>
      %dma_start3A_20 = tpu.memref_slice %arg3[%add3A_8] : memref<160000xi32, #tpu.memory_space<hbm>> -> memref<1000xi32, #tpu.memory_space<hbm>>
      tpu.enqueue_dma source(%dma_start3A_20 : memref<1000xi32, #tpu.memory_space<hbm>>) target(%arg6 : memref<1000xi32, #tpu.memory_space<vmem>>) target_semaphore(%run_scoped3A : memref<!tpu.dma_semaphore, #tpu.memory_space<semaphore_mem>>)
      %dma_wait3A = tpu.memref_slice %arg3[%add3A_8] : memref<160000xi32, #tpu.memory_space<hbm>> -> memref<1000xi32, #tpu.memory_space<hbm>>
      %dma_wait3A_21 = tpu.memref_slice %arg3[%add3A_8] : memref<160000xi32, #tpu.memory_space<hbm>> -> memref<1000xi32, #tpu.memory_space<hbm>>
      tpu.wait_dma2 semaphore(%run_scoped3A : memref<!tpu.dma_semaphore, #tpu.memory_space<semaphore_mem>>) src(%dma_wait3A_21 : memref<1000xi32, #tpu.memory_space<hbm>>) dst(%arg6 : memref<1000xi32, #tpu.memory_space<vmem>>)
      tpu.yield
    }) : () -> ()
    "tpu.region"() ({
      %run_scoped3A = tpu.sem_alloc : memref<!tpu.dma_semaphore, #tpu.memory_space<semaphore_mem>>
      %dma_start3A = arith.constant 0 : i32
      %dma_start3A_20 = tpu.memref_slice %arg2[%add3A_6, %dma_start3A] : memref<96000x128xf32, #tpu.memory_space<hbm>> -> memref<1000x32xf32, #tpu.memory_space<hbm>>
      %dma_start3A_21 = arith.constant 0 : i32
      %dma_start3A_22 = tpu.memref_slice %arg2[%add3A_6, %dma_start3A_21] : memref<96000x128xf32, #tpu.memory_space<hbm>> -> memref<1000x32xf32, #tpu.memory_space<hbm>>
      tpu.enqueue_dma source(%dma_start3A_22 : memref<1000x32xf32, #tpu.memory_space<hbm>>) target(%arg7 : memref<1000x32xf32, #tpu.memory_space<vmem>>) target_semaphore(%run_scoped3A : memref<!tpu.dma_semaphore, #tpu.memory_space<semaphore_mem>>)
      %dma_wait3A = arith.constant 0 : i32
      %dma_wait3A_23 = tpu.memref_slice %arg2[%add3A_6, %dma_wait3A] : memref<96000x128xf32, #tpu.memory_space<hbm>> -> memref<1000x32xf32, #tpu.memory_space<hbm>>
      %dma_wait3A_24 = arith.constant 0 : i32
      %dma_wait3A_25 = tpu.memref_slice %arg2[%add3A_6, %dma_wait3A_24] : memref<96000x128xf32, #tpu.memory_space<hbm>> -> memref<1000x32xf32, #tpu.memory_space<hbm>>
      tpu.wait_dma2 semaphore(%run_scoped3A : memref<!tpu.dma_semaphore, #tpu.memory_space<semaphore_mem>>) src(%dma_wait3A_25 : memref<1000x32xf32, #tpu.memory_space<hbm>>) dst(%arg7 : memref<1000x32xf32, #tpu.memory_space<vmem>>)
      tpu.yield
    }) : () -> ()
    "tpu.region"() ({
      %run_scoped3A = tpu.sem_alloc : memref<!tpu.dma_semaphore, #tpu.memory_space<semaphore_mem>>
      %dma_start3A = arith.constant 0 : i32
      %dma_start3A_20 = arith.constant 0 : i32
      %dma_start3A_21 = tpu.memref_slice %arg8[%dma_start3A, %dma_start3A_20] : memref<10000x32xf32, #tpu.memory_space<vmem_shared>> -> memref<10000x32xf32, #tpu.memory_space<vmem_shared>>
      tpu.enqueue_indirect_dma source(%arg7 : memref<1000x32xf32, #tpu.memory_space<vmem>>) target(%dma_start3A_21 : memref<10000x32xf32, #tpu.memory_space<vmem_shared>>) offsets(%arg6 : memref<1000xi32, #tpu.memory_space<vmem>>) semaphore(%run_scoped3A : memref<!tpu.dma_semaphore, #tpu.memory_space<semaphore_mem>>) {add = true}
      %dma_wait3A = arith.constant 0 : i32
      %dma_wait3A_22 = arith.constant 0 : i32
      %dma_wait3A_23 = tpu.memref_slice %arg8[%dma_wait3A, %dma_wait3A_22] : memref<10000x32xf32, #tpu.memory_space<vmem_shared>> -> memref<10000x32xf32, #tpu.memory_space<vmem_shared>>
      tpu.wait_indirect_dma semaphore(%run_scoped3A : memref<!tpu.dma_semaphore, #tpu.memory_space<semaphore_mem>>) src(%arg7 : memref<1000x32xf32, #tpu.memory_space<vmem>>) dst(%dma_wait3A_23 : memref<10000x32xf32, #tpu.memory_space<vmem_shared>>)
      tpu.yield
    }) : () -> ()
    %add3A_9 = arith.constant 1000 : i32
    %add3A_10 = arith.addi %multiple_of3A, %add3A_9 : i32
    %add3A_11 = arith.constant 0 : i32
    %add3A_12 = arith.addi %add3A_11, %add3A_10 : i32
    "tpu.region"() ({
      %run_scoped3A = tpu.sem_alloc : memref<!tpu.dma_semaphore, #tpu.memory_space<semaphore_mem>>
      %dma_start3A = tpu.memref_slice %arg3[%add3A_12] : memref<160000xi32, #tpu.memory_space<hbm>> -> memref<1000xi32, #tpu.memory_space<hbm>>
      %dma_start3A_20 = tpu.memref_slice %arg3[%add3A_12] : memref<160000xi32, #tpu.memory_space<hbm>> -> memref<1000xi32, #tpu.memory_space<hbm>>
      tpu.enqueue_dma source(%dma_start3A_20 : memref<1000xi32, #tpu.memory_space<hbm>>) target(%arg6 : memref<1000xi32, #tpu.memory_space<vmem>>) target_semaphore(%run_scoped3A : memref<!tpu.dma_semaphore, #tpu.memory_space<semaphore_mem>>)
      %dma_wait3A = tpu.memref_slice %arg3[%add3A_12] : memref<160000xi32, #tpu.memory_space<hbm>> -> memref<1000xi32, #tpu.memory_space<hbm>>
      %dma_wait3A_21 = tpu.memref_slice %arg3[%add3A_12] : memref<160000xi32, #tpu.memory_space<hbm>> -> memref<1000xi32, #tpu.memory_space<hbm>>
      tpu.wait_dma2 semaphore(%run_scoped3A : memref<!tpu.dma_semaphore, #tpu.memory_space<semaphore_mem>>) src(%dma_wait3A_21 : memref<1000xi32, #tpu.memory_space<hbm>>) dst(%arg6 : memref<1000xi32, #tpu.memory_space<vmem>>)
      tpu.yield
    }) : () -> ()
    "tpu.region"() ({
      %run_scoped3A = tpu.sem_alloc : memref<!tpu.dma_semaphore, #tpu.memory_space<semaphore_mem>>
      %dma_start3A = arith.constant 0 : i32
      %dma_start3A_20 = tpu.memref_slice %arg2[%add3A_10, %dma_start3A] : memref<96000x128xf32, #tpu.memory_space<hbm>> -> memref<1000x32xf32, #tpu.memory_space<hbm>>
      %dma_start3A_21 = arith.constant 0 : i32
      %dma_start3A_22 = tpu.memref_slice %arg2[%add3A_10, %dma_start3A_21] : memref<96000x128xf32, #tpu.memory_space<hbm>> -> memref<1000x32xf32, #tpu.memory_space<hbm>>
      tpu.enqueue_dma source(%dma_start3A_22 : memref<1000x32xf32, #tpu.memory_space<hbm>>) target(%arg7 : memref<1000x32xf32, #tpu.memory_space<vmem>>) target_semaphore(%run_scoped3A : memref<!tpu.dma_semaphore, #tpu.memory_space<semaphore_mem>>)
      %dma_wait3A = arith.constant 0 : i32
      %dma_wait3A_23 = tpu.memref_slice %arg2[%add3A_10, %dma_wait3A] : memref<96000x128xf32, #tpu.memory_space<hbm>> -> memref<1000x32xf32, #tpu.memory_space<hbm>>
      %dma_wait3A_24 = arith.constant 0 : i32
      %dma_wait3A_25 = tpu.memref_slice %arg2[%add3A_10, %dma_wait3A_24] : memref<96000x128xf32, #tpu.memory_space<hbm>> -> memref<1000x32xf32, #tpu.memory_space<hbm>>
      tpu.wait_dma2 semaphore(%run_scoped3A : memref<!tpu.dma_semaphore, #tpu.memory_space<semaphore_mem>>) src(%dma_wait3A_25 : memref<1000x32xf32, #tpu.memory_space<hbm>>) dst(%arg7 : memref<1000x32xf32, #tpu.memory_space<vmem>>)
      tpu.yield
    }) : () -> ()
    "tpu.region"() ({
      %run_scoped3A = tpu.sem_alloc : memref<!tpu.dma_semaphore, #tpu.memory_space<semaphore_mem>>
      %dma_start3A = arith.constant 0 : i32
      %dma_start3A_20 = arith.constant 0 : i32
      %dma_start3A_21 = tpu.memref_slice %arg8[%dma_start3A, %dma_start3A_20] : memref<10000x32xf32, #tpu.memory_space<vmem_shared>> -> memref<10000x32xf32, #tpu.memory_space<vmem_shared>>
      tpu.enqueue_indirect_dma source(%arg7 : memref<1000x32xf32, #tpu.memory_space<vmem>>) target(%dma_start3A_21 : memref<10000x32xf32, #tpu.memory_space<vmem_shared>>) offsets(%arg6 : memref<1000xi32, #tpu.memory_space<vmem>>) semaphore(%run_scoped3A : memref<!tpu.dma_semaphore, #tpu.memory_space<semaphore_mem>>) {add = true}
      %dma_wait3A = arith.constant 0 : i32
      %dma_wait3A_22 = arith.constant 0 : i32
      %dma_wait3A_23 = tpu.memref_slice %arg8[%dma_wait3A, %dma_wait3A_22] : memref<10000x32xf32, #tpu.memory_space<vmem_shared>> -> memref<10000x32xf32, #tpu.memory_space<vmem_shared>>
      tpu.wait_indirect_dma semaphore(%run_scoped3A : memref<!tpu.dma_semaphore, #tpu.memory_space<semaphore_mem>>) src(%arg7 : memref<1000x32xf32, #tpu.memory_space<vmem>>) dst(%dma_wait3A_23 : memref<10000x32xf32, #tpu.memory_space<vmem_shared>>)
      tpu.yield
    }) : () -> ()
    %add3A_13 = arith.constant 2000 : i32
    %add3A_14 = arith.addi %multiple_of3A, %add3A_13 : i32
    %add3A_15 = arith.constant 0 : i32
    %add3A_16 = arith.addi %add3A_15, %add3A_14 : i32
    "tpu.region"() ({
      %run_scoped3A = tpu.sem_alloc : memref<!tpu.dma_semaphore, #tpu.memory_space<semaphore_mem>>
      %dma_start3A = tpu.memref_slice %arg3[%add3A_16] : memref<160000xi32, #tpu.memory_space<hbm>> -> memref<1000xi32, #tpu.memory_space<hbm>>
      %dma_start3A_20 = tpu.memref_slice %arg3[%add3A_16] : memref<160000xi32, #tpu.memory_space<hbm>> -> memref<1000xi32, #tpu.memory_space<hbm>>
      tpu.enqueue_dma source(%dma_start3A_20 : memref<1000xi32, #tpu.memory_space<hbm>>) target(%arg6 : memref<1000xi32, #tpu.memory_space<vmem>>) target_semaphore(%run_scoped3A : memref<!tpu.dma_semaphore, #tpu.memory_space<semaphore_mem>>)
      %dma_wait3A = tpu.memref_slice %arg3[%add3A_16] : memref<160000xi32, #tpu.memory_space<hbm>> -> memref<1000xi32, #tpu.memory_space<hbm>>
      %dma_wait3A_21 = tpu.memref_slice %arg3[%add3A_16] : memref<160000xi32, #tpu.memory_space<hbm>> -> memref<1000xi32, #tpu.memory_space<hbm>>
      tpu.wait_dma2 semaphore(%run_scoped3A : memref<!tpu.dma_semaphore, #tpu.memory_space<semaphore_mem>>) src(%dma_wait3A_21 : memref<1000xi32, #tpu.memory_space<hbm>>) dst(%arg6 : memref<1000xi32, #tpu.memory_space<vmem>>)
      tpu.yield
    }) : () -> ()
    "tpu.region"() ({
      %run_scoped3A = tpu.sem_alloc : memref<!tpu.dma_semaphore, #tpu.memory_space<semaphore_mem>>
      %dma_start3A = arith.constant 0 : i32
      %dma_start3A_20 = tpu.memref_slice %arg2[%add3A_14, %dma_start3A] : memref<96000x128xf32, #tpu.memory_space<hbm>> -> memref<1000x32xf32, #tpu.memory_space<hbm>>
      %dma_start3A_21 = arith.constant 0 : i32
      %dma_start3A_22 = tpu.memref_slice %arg2[%add3A_14, %dma_start3A_21] : memref<96000x128xf32, #tpu.memory_space<hbm>> -> memref<1000x32xf32, #tpu.memory_space<hbm>>
      tpu.enqueue_dma source(%dma_start3A_22 : memref<1000x32xf32, #tpu.memory_space<hbm>>) target(%arg7 : memref<1000x32xf32, #tpu.memory_space<vmem>>) target_semaphore(%run_scoped3A : memref<!tpu.dma_semaphore, #tpu.memory_space<semaphore_mem>>)
      %dma_wait3A = arith.constant 0 : i32
      %dma_wait3A_23 = tpu.memref_slice %arg2[%add3A_14, %dma_wait3A] : memref<96000x128xf32, #tpu.memory_space<hbm>> -> memref<1000x32xf32, #tpu.memory_space<hbm>>
      %dma_wait3A_24 = arith.constant 0 : i32
      %dma_wait3A_25 = tpu.memref_slice %arg2[%add3A_14, %dma_wait3A_24] : memref<96000x128xf32, #tpu.memory_space<hbm>> -> memref<1000x32xf32, #tpu.memory_space<hbm>>
      tpu.wait_dma2 semaphore(%run_scoped3A : memref<!tpu.dma_semaphore, #tpu.memory_space<semaphore_mem>>) src(%dma_wait3A_25 : memref<1000x32xf32, #tpu.memory_space<hbm>>) dst(%arg7 : memref<1000x32xf32, #tpu.memory_space<vmem>>)
      tpu.yield
    }) : () -> ()
    "tpu.region"() ({
      %run_scoped3A = tpu.sem_alloc : memref<!tpu.dma_semaphore, #tpu.memory_space<semaphore_mem>>
      %dma_start3A = arith.constant 0 : i32
      %dma_start3A_20 = arith.constant 0 : i32
      %dma_start3A_21 = tpu.memref_slice %arg8[%dma_start3A, %dma_start3A_20] : memref<10000x32xf32, #tpu.memory_space<vmem_shared>> -> memref<10000x32xf32, #tpu.memory_space<vmem_shared>>
      tpu.enqueue_indirect_dma source(%arg7 : memref<1000x32xf32, #tpu.memory_space<vmem>>) target(%dma_start3A_21 : memref<10000x32xf32, #tpu.memory_space<vmem_shared>>) offsets(%arg6 : memref<1000xi32, #tpu.memory_space<vmem>>) semaphore(%run_scoped3A : memref<!tpu.dma_semaphore, #tpu.memory_space<semaphore_mem>>) {add = true}
      %dma_wait3A = arith.constant 0 : i32
      %dma_wait3A_22 = arith.constant 0 : i32
      %dma_wait3A_23 = tpu.memref_slice %arg8[%dma_wait3A, %dma_wait3A_22] : memref<10000x32xf32, #tpu.memory_space<vmem_shared>> -> memref<10000x32xf32, #tpu.memory_space<vmem_shared>>
      tpu.wait_indirect_dma semaphore(%run_scoped3A : memref<!tpu.dma_semaphore, #tpu.memory_space<semaphore_mem>>) src(%arg7 : memref<1000x32xf32, #tpu.memory_space<vmem>>) dst(%dma_wait3A_23 : memref<10000x32xf32, #tpu.memory_space<vmem_shared>>)
      tpu.yield
    }) : () -> ()
    %barrier3A_17 = arith.constant 0 : index
    tpu.barrier barrier_id(%barrier3A_17)
    %mul3A_18 = arith.constant 625 : i32
    %mul3A_19 = arith.muli %arg1, %mul3A_18 : i32
    "tpu.region"() ({
      %run_scoped3A = tpu.sem_alloc : memref<!tpu.dma_semaphore, #tpu.memory_space<semaphore_mem>>
      %dma_start3A = arith.constant 0 : i32
      %dma_start3A_20 = tpu.memref_slice %arg5[%arg0, %mul3A_19, %dma_start3A] : memref<2x10000x32xf32, #tpu.memory_space<hbm>> -> memref<1x625x32xf32, #tpu.memory_space<hbm>>
      %dma_start3A_21 = tpu.memref_squeeze %dma_start3A_20 : memref<1x625x32xf32, #tpu.memory_space<hbm>> -> memref<625x32xf32, #tpu.memory_space<hbm>>
      %dma_start3A_22 = arith.constant 0 : i32
      %dma_start3A_23 = tpu.memref_slice %arg8[%mul3A_19, %dma_start3A_22] : memref<10000x32xf32, #tpu.memory_space<vmem_shared>> -> memref<625x32xf32, #tpu.memory_space<vmem_shared>>
      tpu.enqueue_dma source(%dma_start3A_23 : memref<625x32xf32, #tpu.memory_space<vmem_shared>>) target(%dma_start3A_21 : memref<625x32xf32, #tpu.memory_space<hbm>>) target_semaphore(%run_scoped3A : memref<!tpu.dma_semaphore, #tpu.memory_space<semaphore_mem>>)
      %dma_wait3A = arith.constant 0 : i32
      %dma_wait3A_24 = tpu.memref_slice %arg5[%arg0, %mul3A_19, %dma_wait3A] : memref<2x10000x32xf32, #tpu.memory_space<hbm>> -> memref<1x625x32xf32, #tpu.memory_space<hbm>>
      %dma_wait3A_25 = tpu.memref_squeeze %dma_wait3A_24 : memref<1x625x32xf32, #tpu.memory_space<hbm>> -> memref<625x32xf32, #tpu.memory_space<hbm>>
      %dma_wait3A_26 = arith.constant 0 : i32
      %dma_wait3A_27 = tpu.memref_slice %arg8[%mul3A_19, %dma_wait3A_26] : memref<10000x32xf32, #tpu.memory_space<vmem_shared>> -> memref<625x32xf32, #tpu.memory_space<vmem_shared>>
      tpu.wait_dma2 semaphore(%run_scoped3A : memref<!tpu.dma_semaphore, #tpu.memory_space<semaphore_mem>>) src(%dma_wait3A_27 : memref<625x32xf32, #tpu.memory_space<vmem_shared>>) dst(%dma_wait3A_25 : memref<625x32xf32, #tpu.memory_space<hbm>>)
      tpu.yield
    }) : () -> ()
    return
  }
}

#map = affine_map<(d0, d1) -> (0, 0)>
#map1 = affine_map<(d0, d1) -> (0)>
module attributes {stable_mosaic.version = 14 : i64} {
  func.func @gk(%arg0: i32, %arg1: i32, %arg2: memref<10000x32xf32, #tpu.memory_space<hbm>>, %arg3: memref<160000xi32, #tpu.memory_space<hbm>>, %arg4: memref<64000x32xf32, #tpu.memory_space<hbm>>, %arg5: memref<1000xi32, #tpu.memory_space<vmem>>, %arg6: memref<1000x32xf32, #tpu.memory_space<vmem>>, %arg7: memref<!tpu.dma_semaphore, #tpu.memory_space<semaphore_mem>>) attributes {dimension_semantics = [#tpu.dimension_semantics<core_parallel>, #tpu.dimension_semantics<subcore_parallel>], iteration_bounds = array<i64: 2, 16>, scalar_prefetch = 0 : i64, scratch_operands = 3 : i64, tpu.core_type = #tpu.core_type<sc_vector_subcore>, window_params = [{transform_indices = #map}, {transform_indices = #map1}, {transform_indices = #map}]} {
    %mul3A = arith.constant 2 : i32
    %mul3A_0 = arith.muli %arg1, %mul3A : i32
    %add3A = arith.addi %mul3A_0, %arg0 : i32
    %mul3A_1 = arith.constant 2000 : i32
    %mul3A_2 = arith.muli %add3A, %mul3A_1 : i32
    %multiple_of3A = tpu.assume_multiple %mul3A_2, 8 : i32
    %add3A_3 = arith.constant 0 : i32
    %add3A_4 = arith.addi %multiple_of3A, %add3A_3 : i32
    %add3A_5 = arith.constant 96000 : i32
    %add3A_6 = arith.addi %add3A_5, %add3A_4 : i32
    "tpu.region"() ({
      %run_scoped3A = tpu.sem_alloc : memref<!tpu.dma_semaphore, #tpu.memory_space<semaphore_mem>>
      %dma_start3A_21 = tpu.memref_slice %arg3[%add3A_6] : memref<160000xi32, #tpu.memory_space<hbm>> -> memref<1000xi32, #tpu.memory_space<hbm>>
      %dma_start3A_22 = tpu.memref_slice %arg3[%add3A_6] : memref<160000xi32, #tpu.memory_space<hbm>> -> memref<1000xi32, #tpu.memory_space<hbm>>
      tpu.enqueue_dma source(%dma_start3A_22 : memref<1000xi32, #tpu.memory_space<hbm>>) target(%arg5 : memref<1000xi32, #tpu.memory_space<vmem>>) target_semaphore(%run_scoped3A : memref<!tpu.dma_semaphore, #tpu.memory_space<semaphore_mem>>)
      %dma_wait3A_23 = tpu.memref_slice %arg3[%add3A_6] : memref<160000xi32, #tpu.memory_space<hbm>> -> memref<1000xi32, #tpu.memory_space<hbm>>
      %dma_wait3A_24 = tpu.memref_slice %arg3[%add3A_6] : memref<160000xi32, #tpu.memory_space<hbm>> -> memref<1000xi32, #tpu.memory_space<hbm>>
      tpu.wait_dma2 semaphore(%run_scoped3A : memref<!tpu.dma_semaphore, #tpu.memory_space<semaphore_mem>>) src(%dma_wait3A_24 : memref<1000xi32, #tpu.memory_space<hbm>>) dst(%arg5 : memref<1000xi32, #tpu.memory_space<vmem>>)
      tpu.yield
    }) : () -> ()
    %dma_start3A = arith.constant 0 : i32
    %dma_start3A_7 = arith.constant 0 : i32
    %dma_start3A_8 = tpu.memref_slice %arg2[%dma_start3A, %dma_start3A_7] : memref<10000x32xf32, #tpu.memory_space<hbm>> -> memref<10000x32xf32, #tpu.memory_space<hbm>>
    tpu.enqueue_indirect_dma source(%dma_start3A_8 : memref<10000x32xf32, #tpu.memory_space<hbm>>) target(%arg6 : memref<1000x32xf32, #tpu.memory_space<vmem>>) offsets(%arg5 : memref<1000xi32, #tpu.memory_space<vmem>>) semaphore(%arg7 : memref<!tpu.dma_semaphore, #tpu.memory_space<semaphore_mem>>)
    %dma_wait3A = arith.constant 0 : i32
    %dma_wait3A_9 = arith.constant 0 : i32
    %dma_wait3A_10 = tpu.memref_slice %arg2[%dma_wait3A, %dma_wait3A_9] : memref<10000x32xf32, #tpu.memory_space<hbm>> -> memref<10000x32xf32, #tpu.memory_space<hbm>>
    tpu.wait_indirect_dma semaphore(%arg7 : memref<!tpu.dma_semaphore, #tpu.memory_space<semaphore_mem>>) src(%dma_wait3A_10 : memref<10000x32xf32, #tpu.memory_space<hbm>>) dst(%arg6 : memref<1000x32xf32, #tpu.memory_space<vmem>>)
    "tpu.region"() ({
      %run_scoped3A = tpu.sem_alloc : memref<!tpu.dma_semaphore, #tpu.memory_space<semaphore_mem>>
      %dma_start3A_21 = arith.constant 0 : i32
      %dma_start3A_22 = tpu.memref_slice %arg4[%add3A_4, %dma_start3A_21] : memref<64000x32xf32, #tpu.memory_space<hbm>> -> memref<1000x32xf32, #tpu.memory_space<hbm>>
      %dma_start3A_23 = arith.constant 0 : i32
      %dma_start3A_24 = tpu.memref_slice %arg4[%add3A_4, %dma_start3A_23] : memref<64000x32xf32, #tpu.memory_space<hbm>> -> memref<1000x32xf32, #tpu.memory_space<hbm>>
      tpu.enqueue_dma source(%arg6 : memref<1000x32xf32, #tpu.memory_space<vmem>>) target(%dma_start3A_24 : memref<1000x32xf32, #tpu.memory_space<hbm>>) target_semaphore(%run_scoped3A : memref<!tpu.dma_semaphore, #tpu.memory_space<semaphore_mem>>)
      %dma_wait3A_25 = arith.constant 0 : i32
      %dma_wait3A_26 = tpu.memref_slice %arg4[%add3A_4, %dma_wait3A_25] : memref<64000x32xf32, #tpu.memory_space<hbm>> -> memref<1000x32xf32, #tpu.memory_space<hbm>>
      %dma_wait3A_27 = arith.constant 0 : i32
      %dma_wait3A_28 = tpu.memref_slice %arg4[%add3A_4, %dma_wait3A_27] : memref<64000x32xf32, #tpu.memory_space<hbm>> -> memref<1000x32xf32, #tpu.memory_space<hbm>>
      tpu.wait_dma2 semaphore(%run_scoped3A : memref<!tpu.dma_semaphore, #tpu.memory_space<semaphore_mem>>) src(%arg6 : memref<1000x32xf32, #tpu.memory_space<vmem>>) dst(%dma_wait3A_28 : memref<1000x32xf32, #tpu.memory_space<hbm>>)
      tpu.yield
    }) : () -> ()
    %add3A_11 = arith.constant 1000 : i32
    %add3A_12 = arith.addi %multiple_of3A, %add3A_11 : i32
    %add3A_13 = arith.constant 96000 : i32
    %add3A_14 = arith.addi %add3A_13, %add3A_12 : i32
    "tpu.region"() ({
      %run_scoped3A = tpu.sem_alloc : memref<!tpu.dma_semaphore, #tpu.memory_space<semaphore_mem>>
      %dma_start3A_21 = tpu.memref_slice %arg3[%add3A_14] : memref<160000xi32, #tpu.memory_space<hbm>> -> memref<1000xi32, #tpu.memory_space<hbm>>
      %dma_start3A_22 = tpu.memref_slice %arg3[%add3A_14] : memref<160000xi32, #tpu.memory_space<hbm>> -> memref<1000xi32, #tpu.memory_space<hbm>>
      tpu.enqueue_dma source(%dma_start3A_22 : memref<1000xi32, #tpu.memory_space<hbm>>) target(%arg5 : memref<1000xi32, #tpu.memory_space<vmem>>) target_semaphore(%run_scoped3A : memref<!tpu.dma_semaphore, #tpu.memory_space<semaphore_mem>>)
      %dma_wait3A_23 = tpu.memref_slice %arg3[%add3A_14] : memref<160000xi32, #tpu.memory_space<hbm>> -> memref<1000xi32, #tpu.memory_space<hbm>>
      %dma_wait3A_24 = tpu.memref_slice %arg3[%add3A_14] : memref<160000xi32, #tpu.memory_space<hbm>> -> memref<1000xi32, #tpu.memory_space<hbm>>
      tpu.wait_dma2 semaphore(%run_scoped3A : memref<!tpu.dma_semaphore, #tpu.memory_space<semaphore_mem>>) src(%dma_wait3A_24 : memref<1000xi32, #tpu.memory_space<hbm>>) dst(%arg5 : memref<1000xi32, #tpu.memory_space<vmem>>)
      tpu.yield
    }) : () -> ()
    %dma_start3A_15 = arith.constant 0 : i32
    %dma_start3A_16 = arith.constant 0 : i32
    %dma_start3A_17 = tpu.memref_slice %arg2[%dma_start3A_15, %dma_start3A_16] : memref<10000x32xf32, #tpu.memory_space<hbm>> -> memref<10000x32xf32, #tpu.memory_space<hbm>>
    tpu.enqueue_indirect_dma source(%dma_start3A_17 : memref<10000x32xf32, #tpu.memory_space<hbm>>) target(%arg6 : memref<1000x32xf32, #tpu.memory_space<vmem>>) offsets(%arg5 : memref<1000xi32, #tpu.memory_space<vmem>>) semaphore(%arg7 : memref<!tpu.dma_semaphore, #tpu.memory_space<semaphore_mem>>)
    %dma_wait3A_18 = arith.constant 0 : i32
    %dma_wait3A_19 = arith.constant 0 : i32
    %dma_wait3A_20 = tpu.memref_slice %arg2[%dma_wait3A_18, %dma_wait3A_19] : memref<10000x32xf32, #tpu.memory_space<hbm>> -> memref<10000x32xf32, #tpu.memory_space<hbm>>
    tpu.wait_indirect_dma semaphore(%arg7 : memref<!tpu.dma_semaphore, #tpu.memory_space<semaphore_mem>>) src(%dma_wait3A_20 : memref<10000x32xf32, #tpu.memory_space<hbm>>) dst(%arg6 : memref<1000x32xf32, #tpu.memory_space<vmem>>)
    "tpu.region"() ({
      %run_scoped3A = tpu.sem_alloc : memref<!tpu.dma_semaphore, #tpu.memory_space<semaphore_mem>>
      %dma_start3A_21 = arith.constant 0 : i32
      %dma_start3A_22 = tpu.memref_slice %arg4[%add3A_12, %dma_start3A_21] : memref<64000x32xf32, #tpu.memory_space<hbm>> -> memref<1000x32xf32, #tpu.memory_space<hbm>>
      %dma_start3A_23 = arith.constant 0 : i32
      %dma_start3A_24 = tpu.memref_slice %arg4[%add3A_12, %dma_start3A_23] : memref<64000x32xf32, #tpu.memory_space<hbm>> -> memref<1000x32xf32, #tpu.memory_space<hbm>>
      tpu.enqueue_dma source(%arg6 : memref<1000x32xf32, #tpu.memory_space<vmem>>) target(%dma_start3A_24 : memref<1000x32xf32, #tpu.memory_space<hbm>>) target_semaphore(%run_scoped3A : memref<!tpu.dma_semaphore, #tpu.memory_space<semaphore_mem>>)
      %dma_wait3A_25 = arith.constant 0 : i32
      %dma_wait3A_26 = tpu.memref_slice %arg4[%add3A_12, %dma_wait3A_25] : memref<64000x32xf32, #tpu.memory_space<hbm>> -> memref<1000x32xf32, #tpu.memory_space<hbm>>
      %dma_wait3A_27 = arith.constant 0 : i32
      %dma_wait3A_28 = tpu.memref_slice %arg4[%add3A_12, %dma_wait3A_27] : memref<64000x32xf32, #tpu.memory_space<hbm>> -> memref<1000x32xf32, #tpu.memory_space<hbm>>
      tpu.wait_dma2 semaphore(%run_scoped3A : memref<!tpu.dma_semaphore, #tpu.memory_space<semaphore_mem>>) src(%arg6 : memref<1000x32xf32, #tpu.memory_space<vmem>>) dst(%dma_wait3A_28 : memref<1000x32xf32, #tpu.memory_space<hbm>>)
      tpu.yield
    }) : () -> ()
    return
  }
}

#map = affine_map<(d0, d1) -> (0, 0)>
#map1 = affine_map<(d0, d1) -> (0)>
module attributes {stable_mosaic.version = 14 : i64} {
  func.func @gk(%arg0: i32, %arg1: i32, %arg2: memref<10000x32xf32, #tpu.memory_space<hbm>>, %arg3: memref<160000xi32, #tpu.memory_space<hbm>>, %arg4: memref<96000x32xf32, #tpu.memory_space<hbm>>, %arg5: memref<1000xi32, #tpu.memory_space<vmem>>, %arg6: memref<1000x32xf32, #tpu.memory_space<vmem>>, %arg7: memref<!tpu.dma_semaphore, #tpu.memory_space<semaphore_mem>>) attributes {dimension_semantics = [#tpu.dimension_semantics<core_parallel>, #tpu.dimension_semantics<subcore_parallel>], iteration_bounds = array<i64: 2, 16>, scalar_prefetch = 0 : i64, scratch_operands = 3 : i64, tpu.core_type = #tpu.core_type<sc_vector_subcore>, window_params = [{transform_indices = #map}, {transform_indices = #map1}, {transform_indices = #map}]} {
    %mul3A = arith.constant 2 : i32
    %mul3A_0 = arith.muli %arg1, %mul3A : i32
    %add3A = arith.addi %mul3A_0, %arg0 : i32
    %mul3A_1 = arith.constant 3000 : i32
    %mul3A_2 = arith.muli %add3A, %mul3A_1 : i32
    %multiple_of3A = tpu.assume_multiple %mul3A_2, 8 : i32
    %add3A_3 = arith.constant 0 : i32
    %add3A_4 = arith.addi %multiple_of3A, %add3A_3 : i32
    %add3A_5 = arith.constant 0 : i32
    %add3A_6 = arith.addi %add3A_5, %add3A_4 : i32
    "tpu.region"() ({
      %run_scoped3A = tpu.sem_alloc : memref<!tpu.dma_semaphore, #tpu.memory_space<semaphore_mem>>
      %dma_start3A_31 = tpu.memref_slice %arg3[%add3A_6] : memref<160000xi32, #tpu.memory_space<hbm>> -> memref<1000xi32, #tpu.memory_space<hbm>>
      %dma_start3A_32 = tpu.memref_slice %arg3[%add3A_6] : memref<160000xi32, #tpu.memory_space<hbm>> -> memref<1000xi32, #tpu.memory_space<hbm>>
      tpu.enqueue_dma source(%dma_start3A_32 : memref<1000xi32, #tpu.memory_space<hbm>>) target(%arg5 : memref<1000xi32, #tpu.memory_space<vmem>>) target_semaphore(%run_scoped3A : memref<!tpu.dma_semaphore, #tpu.memory_space<semaphore_mem>>)
      %dma_wait3A_33 = tpu.memref_slice %arg3[%add3A_6] : memref<160000xi32, #tpu.memory_space<hbm>> -> memref<1000xi32, #tpu.memory_space<hbm>>
      %dma_wait3A_34 = tpu.memref_slice %arg3[%add3A_6] : memref<160000xi32, #tpu.memory_space<hbm>> -> memref<1000xi32, #tpu.memory_space<hbm>>
      tpu.wait_dma2 semaphore(%run_scoped3A : memref<!tpu.dma_semaphore, #tpu.memory_space<semaphore_mem>>) src(%dma_wait3A_34 : memref<1000xi32, #tpu.memory_space<hbm>>) dst(%arg5 : memref<1000xi32, #tpu.memory_space<vmem>>)
      tpu.yield
    }) : () -> ()
    %dma_start3A = arith.constant 0 : i32
    %dma_start3A_7 = arith.constant 0 : i32
    %dma_start3A_8 = tpu.memref_slice %arg2[%dma_start3A, %dma_start3A_7] : memref<10000x32xf32, #tpu.memory_space<hbm>> -> memref<10000x32xf32, #tpu.memory_space<hbm>>
    tpu.enqueue_indirect_dma source(%dma_start3A_8 : memref<10000x32xf32, #tpu.memory_space<hbm>>) target(%arg6 : memref<1000x32xf32, #tpu.memory_space<vmem>>) offsets(%arg5 : memref<1000xi32, #tpu.memory_space<vmem>>) semaphore(%arg7 : memref<!tpu.dma_semaphore, #tpu.memory_space<semaphore_mem>>)
    %dma_wait3A = arith.constant 0 : i32
    %dma_wait3A_9 = arith.constant 0 : i32
    %dma_wait3A_10 = tpu.memref_slice %arg2[%dma_wait3A, %dma_wait3A_9] : memref<10000x32xf32, #tpu.memory_space<hbm>> -> memref<10000x32xf32, #tpu.memory_space<hbm>>
    tpu.wait_indirect_dma semaphore(%arg7 : memref<!tpu.dma_semaphore, #tpu.memory_space<semaphore_mem>>) src(%dma_wait3A_10 : memref<10000x32xf32, #tpu.memory_space<hbm>>) dst(%arg6 : memref<1000x32xf32, #tpu.memory_space<vmem>>)
    "tpu.region"() ({
      %run_scoped3A = tpu.sem_alloc : memref<!tpu.dma_semaphore, #tpu.memory_space<semaphore_mem>>
      %dma_start3A_31 = arith.constant 0 : i32
      %dma_start3A_32 = tpu.memref_slice %arg4[%add3A_4, %dma_start3A_31] : memref<96000x32xf32, #tpu.memory_space<hbm>> -> memref<1000x32xf32, #tpu.memory_space<hbm>>
      %dma_start3A_33 = arith.constant 0 : i32
      %dma_start3A_34 = tpu.memref_slice %arg4[%add3A_4, %dma_start3A_33] : memref<96000x32xf32, #tpu.memory_space<hbm>> -> memref<1000x32xf32, #tpu.memory_space<hbm>>
      tpu.enqueue_dma source(%arg6 : memref<1000x32xf32, #tpu.memory_space<vmem>>) target(%dma_start3A_34 : memref<1000x32xf32, #tpu.memory_space<hbm>>) target_semaphore(%run_scoped3A : memref<!tpu.dma_semaphore, #tpu.memory_space<semaphore_mem>>)
      %dma_wait3A_35 = arith.constant 0 : i32
      %dma_wait3A_36 = tpu.memref_slice %arg4[%add3A_4, %dma_wait3A_35] : memref<96000x32xf32, #tpu.memory_space<hbm>> -> memref<1000x32xf32, #tpu.memory_space<hbm>>
      %dma_wait3A_37 = arith.constant 0 : i32
      %dma_wait3A_38 = tpu.memref_slice %arg4[%add3A_4, %dma_wait3A_37] : memref<96000x32xf32, #tpu.memory_space<hbm>> -> memref<1000x32xf32, #tpu.memory_space<hbm>>
      tpu.wait_dma2 semaphore(%run_scoped3A : memref<!tpu.dma_semaphore, #tpu.memory_space<semaphore_mem>>) src(%arg6 : memref<1000x32xf32, #tpu.memory_space<vmem>>) dst(%dma_wait3A_38 : memref<1000x32xf32, #tpu.memory_space<hbm>>)
      tpu.yield
    }) : () -> ()
    %add3A_11 = arith.constant 1000 : i32
    %add3A_12 = arith.addi %multiple_of3A, %add3A_11 : i32
    %add3A_13 = arith.constant 0 : i32
    %add3A_14 = arith.addi %add3A_13, %add3A_12 : i32
    "tpu.region"() ({
      %run_scoped3A = tpu.sem_alloc : memref<!tpu.dma_semaphore, #tpu.memory_space<semaphore_mem>>
      %dma_start3A_31 = tpu.memref_slice %arg3[%add3A_14] : memref<160000xi32, #tpu.memory_space<hbm>> -> memref<1000xi32, #tpu.memory_space<hbm>>
      %dma_start3A_32 = tpu.memref_slice %arg3[%add3A_14] : memref<160000xi32, #tpu.memory_space<hbm>> -> memref<1000xi32, #tpu.memory_space<hbm>>
      tpu.enqueue_dma source(%dma_start3A_32 : memref<1000xi32, #tpu.memory_space<hbm>>) target(%arg5 : memref<1000xi32, #tpu.memory_space<vmem>>) target_semaphore(%run_scoped3A : memref<!tpu.dma_semaphore, #tpu.memory_space<semaphore_mem>>)
      %dma_wait3A_33 = tpu.memref_slice %arg3[%add3A_14] : memref<160000xi32, #tpu.memory_space<hbm>> -> memref<1000xi32, #tpu.memory_space<hbm>>
      %dma_wait3A_34 = tpu.memref_slice %arg3[%add3A_14] : memref<160000xi32, #tpu.memory_space<hbm>> -> memref<1000xi32, #tpu.memory_space<hbm>>
      tpu.wait_dma2 semaphore(%run_scoped3A : memref<!tpu.dma_semaphore, #tpu.memory_space<semaphore_mem>>) src(%dma_wait3A_34 : memref<1000xi32, #tpu.memory_space<hbm>>) dst(%arg5 : memref<1000xi32, #tpu.memory_space<vmem>>)
      tpu.yield
    }) : () -> ()
    %dma_start3A_15 = arith.constant 0 : i32
    %dma_start3A_16 = arith.constant 0 : i32
    %dma_start3A_17 = tpu.memref_slice %arg2[%dma_start3A_15, %dma_start3A_16] : memref<10000x32xf32, #tpu.memory_space<hbm>> -> memref<10000x32xf32, #tpu.memory_space<hbm>>
    tpu.enqueue_indirect_dma source(%dma_start3A_17 : memref<10000x32xf32, #tpu.memory_space<hbm>>) target(%arg6 : memref<1000x32xf32, #tpu.memory_space<vmem>>) offsets(%arg5 : memref<1000xi32, #tpu.memory_space<vmem>>) semaphore(%arg7 : memref<!tpu.dma_semaphore, #tpu.memory_space<semaphore_mem>>)
    %dma_wait3A_18 = arith.constant 0 : i32
    %dma_wait3A_19 = arith.constant 0 : i32
    %dma_wait3A_20 = tpu.memref_slice %arg2[%dma_wait3A_18, %dma_wait3A_19] : memref<10000x32xf32, #tpu.memory_space<hbm>> -> memref<10000x32xf32, #tpu.memory_space<hbm>>
    tpu.wait_indirect_dma semaphore(%arg7 : memref<!tpu.dma_semaphore, #tpu.memory_space<semaphore_mem>>) src(%dma_wait3A_20 : memref<10000x32xf32, #tpu.memory_space<hbm>>) dst(%arg6 : memref<1000x32xf32, #tpu.memory_space<vmem>>)
    "tpu.region"() ({
      %run_scoped3A = tpu.sem_alloc : memref<!tpu.dma_semaphore, #tpu.memory_space<semaphore_mem>>
      %dma_start3A_31 = arith.constant 0 : i32
      %dma_start3A_32 = tpu.memref_slice %arg4[%add3A_12, %dma_start3A_31] : memref<96000x32xf32, #tpu.memory_space<hbm>> -> memref<1000x32xf32, #tpu.memory_space<hbm>>
      %dma_start3A_33 = arith.constant 0 : i32
      %dma_start3A_34 = tpu.memref_slice %arg4[%add3A_12, %dma_start3A_33] : memref<96000x32xf32, #tpu.memory_space<hbm>> -> memref<1000x32xf32, #tpu.memory_space<hbm>>
      tpu.enqueue_dma source(%arg6 : memref<1000x32xf32, #tpu.memory_space<vmem>>) target(%dma_start3A_34 : memref<1000x32xf32, #tpu.memory_space<hbm>>) target_semaphore(%run_scoped3A : memref<!tpu.dma_semaphore, #tpu.memory_space<semaphore_mem>>)
      %dma_wait3A_35 = arith.constant 0 : i32
      %dma_wait3A_36 = tpu.memref_slice %arg4[%add3A_12, %dma_wait3A_35] : memref<96000x32xf32, #tpu.memory_space<hbm>> -> memref<1000x32xf32, #tpu.memory_space<hbm>>
      %dma_wait3A_37 = arith.constant 0 : i32
      %dma_wait3A_38 = tpu.memref_slice %arg4[%add3A_12, %dma_wait3A_37] : memref<96000x32xf32, #tpu.memory_space<hbm>> -> memref<1000x32xf32, #tpu.memory_space<hbm>>
      tpu.wait_dma2 semaphore(%run_scoped3A : memref<!tpu.dma_semaphore, #tpu.memory_space<semaphore_mem>>) src(%arg6 : memref<1000x32xf32, #tpu.memory_space<vmem>>) dst(%dma_wait3A_38 : memref<1000x32xf32, #tpu.memory_space<hbm>>)
      tpu.yield
    }) : () -> ()
    %add3A_21 = arith.constant 2000 : i32
    %add3A_22 = arith.addi %multiple_of3A, %add3A_21 : i32
    %add3A_23 = arith.constant 0 : i32
    %add3A_24 = arith.addi %add3A_23, %add3A_22 : i32
    "tpu.region"() ({
      %run_scoped3A = tpu.sem_alloc : memref<!tpu.dma_semaphore, #tpu.memory_space<semaphore_mem>>
      %dma_start3A_31 = tpu.memref_slice %arg3[%add3A_24] : memref<160000xi32, #tpu.memory_space<hbm>> -> memref<1000xi32, #tpu.memory_space<hbm>>
      %dma_start3A_32 = tpu.memref_slice %arg3[%add3A_24] : memref<160000xi32, #tpu.memory_space<hbm>> -> memref<1000xi32, #tpu.memory_space<hbm>>
      tpu.enqueue_dma source(%dma_start3A_32 : memref<1000xi32, #tpu.memory_space<hbm>>) target(%arg5 : memref<1000xi32, #tpu.memory_space<vmem>>) target_semaphore(%run_scoped3A : memref<!tpu.dma_semaphore, #tpu.memory_space<semaphore_mem>>)
      %dma_wait3A_33 = tpu.memref_slice %arg3[%add3A_24] : memref<160000xi32, #tpu.memory_space<hbm>> -> memref<1000xi32, #tpu.memory_space<hbm>>
      %dma_wait3A_34 = tpu.memref_slice %arg3[%add3A_24] : memref<160000xi32, #tpu.memory_space<hbm>> -> memref<1000xi32, #tpu.memory_space<hbm>>
      tpu.wait_dma2 semaphore(%run_scoped3A : memref<!tpu.dma_semaphore, #tpu.memory_space<semaphore_mem>>) src(%dma_wait3A_34 : memref<1000xi32, #tpu.memory_space<hbm>>) dst(%arg5 : memref<1000xi32, #tpu.memory_space<vmem>>)
      tpu.yield
    }) : () -> ()
    %dma_start3A_25 = arith.constant 0 : i32
    %dma_start3A_26 = arith.constant 0 : i32
    %dma_start3A_27 = tpu.memref_slice %arg2[%dma_start3A_25, %dma_start3A_26] : memref<10000x32xf32, #tpu.memory_space<hbm>> -> memref<10000x32xf32, #tpu.memory_space<hbm>>
    tpu.enqueue_indirect_dma source(%dma_start3A_27 : memref<10000x32xf32, #tpu.memory_space<hbm>>) target(%arg6 : memref<1000x32xf32, #tpu.memory_space<vmem>>) offsets(%arg5 : memref<1000xi32, #tpu.memory_space<vmem>>) semaphore(%arg7 : memref<!tpu.dma_semaphore, #tpu.memory_space<semaphore_mem>>)
    %dma_wait3A_28 = arith.constant 0 : i32
    %dma_wait3A_29 = arith.constant 0 : i32
    %dma_wait3A_30 = tpu.memref_slice %arg2[%dma_wait3A_28, %dma_wait3A_29] : memref<10000x32xf32, #tpu.memory_space<hbm>> -> memref<10000x32xf32, #tpu.memory_space<hbm>>
    tpu.wait_indirect_dma semaphore(%arg7 : memref<!tpu.dma_semaphore, #tpu.memory_space<semaphore_mem>>) src(%dma_wait3A_30 : memref<10000x32xf32, #tpu.memory_space<hbm>>) dst(%arg6 : memref<1000x32xf32, #tpu.memory_space<vmem>>)
    "tpu.region"() ({
      %run_scoped3A = tpu.sem_alloc : memref<!tpu.dma_semaphore, #tpu.memory_space<semaphore_mem>>
      %dma_start3A_31 = arith.constant 0 : i32
      %dma_start3A_32 = tpu.memref_slice %arg4[%add3A_22, %dma_start3A_31] : memref<96000x32xf32, #tpu.memory_space<hbm>> -> memref<1000x32xf32, #tpu.memory_space<hbm>>
      %dma_start3A_33 = arith.constant 0 : i32
      %dma_start3A_34 = tpu.memref_slice %arg4[%add3A_22, %dma_start3A_33] : memref<96000x32xf32, #tpu.memory_space<hbm>> -> memref<1000x32xf32, #tpu.memory_space<hbm>>
      tpu.enqueue_dma source(%arg6 : memref<1000x32xf32, #tpu.memory_space<vmem>>) target(%dma_start3A_34 : memref<1000x32xf32, #tpu.memory_space<hbm>>) target_semaphore(%run_scoped3A : memref<!tpu.dma_semaphore, #tpu.memory_space<semaphore_mem>>)
      %dma_wait3A_35 = arith.constant 0 : i32
      %dma_wait3A_36 = tpu.memref_slice %arg4[%add3A_22, %dma_wait3A_35] : memref<96000x32xf32, #tpu.memory_space<hbm>> -> memref<1000x32xf32, #tpu.memory_space<hbm>>
      %dma_wait3A_37 = arith.constant 0 : i32
      %dma_wait3A_38 = tpu.memref_slice %arg4[%add3A_22, %dma_wait3A_37] : memref<96000x32xf32, #tpu.memory_space<hbm>> -> memref<1000x32xf32, #tpu.memory_space<hbm>>
      tpu.wait_dma2 semaphore(%run_scoped3A : memref<!tpu.dma_semaphore, #tpu.memory_space<semaphore_mem>>) src(%arg6 : memref<1000x32xf32, #tpu.memory_space<vmem>>) dst(%dma_wait3A_38 : memref<1000x32xf32, #tpu.memory_space<hbm>>)
      tpu.yield
    }) : () -> ()
    return
  }
}

#map = affine_map<(d0, d1) -> (0, 0)>
#map1 = affine_map<(d0, d1) -> (0)>
#map2 = affine_map<(d0, d1) -> (0, 0, 0)>
module attributes {stable_mosaic.version = 14 : i64} {
  func.func @sk(%arg0: i32, %arg1: i32, %arg2: memref<64000x128xf32, #tpu.memory_space<hbm>>, %arg3: memref<160000xi32, #tpu.memory_space<hbm>>, %arg4: memref<2x10000x32xf32, #tpu.memory_space<hbm>>, %arg5: memref<2x10000x32xf32, #tpu.memory_space<hbm>>, %arg6: memref<1000xi32, #tpu.memory_space<vmem>>, %arg7: memref<1000x32xf32, #tpu.memory_space<vmem>>, %arg8: memref<10000x32xf32, #tpu.memory_space<vmem_shared>>) attributes {dimension_semantics = [#tpu.dimension_semantics<core_parallel>, #tpu.dimension_semantics<subcore_parallel>], iteration_bounds = array<i64: 2, 16>, scalar_prefetch = 0 : i64, scratch_operands = 3 : i64, tpu.core_type = #tpu.core_type<sc_vector_subcore>, window_params = [{transform_indices = #map}, {transform_indices = #map1}, {transform_indices = #map2}, {transform_indices = #map2}]} {
    %eq3A = arith.constant 0 : i32
    %eq3A_0 = arith.cmpi eq, %arg1, %eq3A : i32
    %convert_element_type3A = arith.extui %eq3A_0 : i1 to i32
    %cond3A = arith.constant 0 : i32
    %cond3A_1 = arith.cmpi ne, %convert_element_type3A, %cond3A : i32
    scf.if %cond3A_1 {
      "tpu.region"() ({
        %run_scoped3A = tpu.sem_alloc : memref<!tpu.dma_semaphore, #tpu.memory_space<semaphore_mem>>
        %dma_start3A = arith.constant 0 : i32
        %dma_start3A_16 = arith.constant 0 : i32
        %dma_start3A_17 = tpu.memref_slice %arg4[%arg0, %dma_start3A, %dma_start3A_16] : memref<2x10000x32xf32, #tpu.memory_space<hbm>> -> memref<1x10000x32xf32, #tpu.memory_space<hbm>>
        %dma_start3A_18 = tpu.memref_squeeze %dma_start3A_17 : memref<1x10000x32xf32, #tpu.memory_space<hbm>> -> memref<10000x32xf32, #tpu.memory_space<hbm>>
        tpu.enqueue_dma source(%dma_start3A_18 : memref<10000x32xf32, #tpu.memory_space<hbm>>) target(%arg8 : memref<10000x32xf32, #tpu.memory_space<vmem_shared>>) target_semaphore(%run_scoped3A : memref<!tpu.dma_semaphore, #tpu.memory_space<semaphore_mem>>)
        %dma_wait3A = arith.constant 0 : i32
        %dma_wait3A_19 = arith.constant 0 : i32
        %dma_wait3A_20 = tpu.memref_slice %arg4[%arg0, %dma_wait3A, %dma_wait3A_19] : memref<2x10000x32xf32, #tpu.memory_space<hbm>> -> memref<1x10000x32xf32, #tpu.memory_space<hbm>>
        %dma_wait3A_21 = tpu.memref_squeeze %dma_wait3A_20 : memref<1x10000x32xf32, #tpu.memory_space<hbm>> -> memref<10000x32xf32, #tpu.memory_space<hbm>>
        tpu.wait_dma2 semaphore(%run_scoped3A : memref<!tpu.dma_semaphore, #tpu.memory_space<semaphore_mem>>) src(%dma_wait3A_21 : memref<10000x32xf32, #tpu.memory_space<hbm>>) dst(%arg8 : memref<10000x32xf32, #tpu.memory_space<vmem_shared>>)
        tpu.yield
      }) : () -> ()
    } else {
    }
    %barrier3A = arith.constant 0 : index
    tpu.barrier barrier_id(%barrier3A)
    %mul3A = arith.constant 2 : i32
    %mul3A_2 = arith.muli %arg1, %mul3A : i32
    %add3A = arith.addi %mul3A_2, %arg0 : i32
    %mul3A_3 = arith.constant 2000 : i32
    %mul3A_4 = arith.muli %add3A, %mul3A_3 : i32
    %multiple_of3A = tpu.assume_multiple %mul3A_4, 8 : i32
    %add3A_5 = arith.constant 0 : i32
    %add3A_6 = arith.addi %multiple_of3A, %add3A_5 : i32
    %add3A_7 = arith.constant 96000 : i32
    %add3A_8 = arith.addi %add3A_7, %add3A_6 : i32
    "tpu.region"() ({
      %run_scoped3A = tpu.sem_alloc : memref<!tpu.dma_semaphore, #tpu.memory_space<semaphore_mem>>
      %dma_start3A = tpu.memref_slice %arg3[%add3A_8] : memref<160000xi32, #tpu.memory_space<hbm>> -> memref<1000xi32, #tpu.memory_space<hbm>>
      %dma_start3A_16 = tpu.memref_slice %arg3[%add3A_8] : memref<160000xi32, #tpu.memory_space<hbm>> -> memref<1000xi32, #tpu.memory_space<hbm>>
      tpu.enqueue_dma source(%dma_start3A_16 : memref<1000xi32, #tpu.memory_space<hbm>>) target(%arg6 : memref<1000xi32, #tpu.memory_space<vmem>>) target_semaphore(%run_scoped3A : memref<!tpu.dma_semaphore, #tpu.memory_space<semaphore_mem>>)
      %dma_wait3A = tpu.memref_slice %arg3[%add3A_8] : memref<160000xi32, #tpu.memory_space<hbm>> -> memref<1000xi32, #tpu.memory_space<hbm>>
      %dma_wait3A_17 = tpu.memref_slice %arg3[%add3A_8] : memref<160000xi32, #tpu.memory_space<hbm>> -> memref<1000xi32, #tpu.memory_space<hbm>>
      tpu.wait_dma2 semaphore(%run_scoped3A : memref<!tpu.dma_semaphore, #tpu.memory_space<semaphore_mem>>) src(%dma_wait3A_17 : memref<1000xi32, #tpu.memory_space<hbm>>) dst(%arg6 : memref<1000xi32, #tpu.memory_space<vmem>>)
      tpu.yield
    }) : () -> ()
    "tpu.region"() ({
      %run_scoped3A = tpu.sem_alloc : memref<!tpu.dma_semaphore, #tpu.memory_space<semaphore_mem>>
      %dma_start3A = arith.constant 0 : i32
      %dma_start3A_16 = tpu.memref_slice %arg2[%add3A_6, %dma_start3A] : memref<64000x128xf32, #tpu.memory_space<hbm>> -> memref<1000x32xf32, #tpu.memory_space<hbm>>
      %dma_start3A_17 = arith.constant 0 : i32
      %dma_start3A_18 = tpu.memref_slice %arg2[%add3A_6, %dma_start3A_17] : memref<64000x128xf32, #tpu.memory_space<hbm>> -> memref<1000x32xf32, #tpu.memory_space<hbm>>
      tpu.enqueue_dma source(%dma_start3A_18 : memref<1000x32xf32, #tpu.memory_space<hbm>>) target(%arg7 : memref<1000x32xf32, #tpu.memory_space<vmem>>) target_semaphore(%run_scoped3A : memref<!tpu.dma_semaphore, #tpu.memory_space<semaphore_mem>>)
      %dma_wait3A = arith.constant 0 : i32
      %dma_wait3A_19 = tpu.memref_slice %arg2[%add3A_6, %dma_wait3A] : memref<64000x128xf32, #tpu.memory_space<hbm>> -> memref<1000x32xf32, #tpu.memory_space<hbm>>
      %dma_wait3A_20 = arith.constant 0 : i32
      %dma_wait3A_21 = tpu.memref_slice %arg2[%add3A_6, %dma_wait3A_20] : memref<64000x128xf32, #tpu.memory_space<hbm>> -> memref<1000x32xf32, #tpu.memory_space<hbm>>
      tpu.wait_dma2 semaphore(%run_scoped3A : memref<!tpu.dma_semaphore, #tpu.memory_space<semaphore_mem>>) src(%dma_wait3A_21 : memref<1000x32xf32, #tpu.memory_space<hbm>>) dst(%arg7 : memref<1000x32xf32, #tpu.memory_space<vmem>>)
      tpu.yield
    }) : () -> ()
    "tpu.region"() ({
      %run_scoped3A = tpu.sem_alloc : memref<!tpu.dma_semaphore, #tpu.memory_space<semaphore_mem>>
      %dma_start3A = arith.constant 0 : i32
      %dma_start3A_16 = arith.constant 0 : i32
      %dma_start3A_17 = tpu.memref_slice %arg8[%dma_start3A, %dma_start3A_16] : memref<10000x32xf32, #tpu.memory_space<vmem_shared>> -> memref<10000x32xf32, #tpu.memory_space<vmem_shared>>
      tpu.enqueue_indirect_dma source(%arg7 : memref<1000x32xf32, #tpu.memory_space<vmem>>) target(%dma_start3A_17 : memref<10000x32xf32, #tpu.memory_space<vmem_shared>>) offsets(%arg6 : memref<1000xi32, #tpu.memory_space<vmem>>) semaphore(%run_scoped3A : memref<!tpu.dma_semaphore, #tpu.memory_space<semaphore_mem>>) {add = true}
      %dma_wait3A = arith.constant 0 : i32
      %dma_wait3A_18 = arith.constant 0 : i32
      %dma_wait3A_19 = tpu.memref_slice %arg8[%dma_wait3A, %dma_wait3A_18] : memref<10000x32xf32, #tpu.memory_space<vmem_shared>> -> memref<10000x32xf32, #tpu.memory_space<vmem_shared>>
      tpu.wait_indirect_dma semaphore(%run_scoped3A : memref<!tpu.dma_semaphore, #tpu.memory_space<semaphore_mem>>) src(%arg7 : memref<1000x32xf32, #tpu.memory_space<vmem>>) dst(%dma_wait3A_19 : memref<10000x32xf32, #tpu.memory_space<vmem_shared>>)
      tpu.yield
    }) : () -> ()
    %add3A_9 = arith.constant 1000 : i32
    %add3A_10 = arith.addi %multiple_of3A, %add3A_9 : i32
    %add3A_11 = arith.constant 96000 : i32
    %add3A_12 = arith.addi %add3A_11, %add3A_10 : i32
    "tpu.region"() ({
      %run_scoped3A = tpu.sem_alloc : memref<!tpu.dma_semaphore, #tpu.memory_space<semaphore_mem>>
      %dma_start3A = tpu.memref_slice %arg3[%add3A_12] : memref<160000xi32, #tpu.memory_space<hbm>> -> memref<1000xi32, #tpu.memory_space<hbm>>
      %dma_start3A_16 = tpu.memref_slice %arg3[%add3A_12] : memref<160000xi32, #tpu.memory_space<hbm>> -> memref<1000xi32, #tpu.memory_space<hbm>>
      tpu.enqueue_dma source(%dma_start3A_16 : memref<1000xi32, #tpu.memory_space<hbm>>) target(%arg6 : memref<1000xi32, #tpu.memory_space<vmem>>) target_semaphore(%run_scoped3A : memref<!tpu.dma_semaphore, #tpu.memory_space<semaphore_mem>>)
      %dma_wait3A = tpu.memref_slice %arg3[%add3A_12] : memref<160000xi32, #tpu.memory_space<hbm>> -> memref<1000xi32, #tpu.memory_space<hbm>>
      %dma_wait3A_17 = tpu.memref_slice %arg3[%add3A_12] : memref<160000xi32, #tpu.memory_space<hbm>> -> memref<1000xi32, #tpu.memory_space<hbm>>
      tpu.wait_dma2 semaphore(%run_scoped3A : memref<!tpu.dma_semaphore, #tpu.memory_space<semaphore_mem>>) src(%dma_wait3A_17 : memref<1000xi32, #tpu.memory_space<hbm>>) dst(%arg6 : memref<1000xi32, #tpu.memory_space<vmem>>)
      tpu.yield
    }) : () -> ()
    "tpu.region"() ({
      %run_scoped3A = tpu.sem_alloc : memref<!tpu.dma_semaphore, #tpu.memory_space<semaphore_mem>>
      %dma_start3A = arith.constant 0 : i32
      %dma_start3A_16 = tpu.memref_slice %arg2[%add3A_10, %dma_start3A] : memref<64000x128xf32, #tpu.memory_space<hbm>> -> memref<1000x32xf32, #tpu.memory_space<hbm>>
      %dma_start3A_17 = arith.constant 0 : i32
      %dma_start3A_18 = tpu.memref_slice %arg2[%add3A_10, %dma_start3A_17] : memref<64000x128xf32, #tpu.memory_space<hbm>> -> memref<1000x32xf32, #tpu.memory_space<hbm>>
      tpu.enqueue_dma source(%dma_start3A_18 : memref<1000x32xf32, #tpu.memory_space<hbm>>) target(%arg7 : memref<1000x32xf32, #tpu.memory_space<vmem>>) target_semaphore(%run_scoped3A : memref<!tpu.dma_semaphore, #tpu.memory_space<semaphore_mem>>)
      %dma_wait3A = arith.constant 0 : i32
      %dma_wait3A_19 = tpu.memref_slice %arg2[%add3A_10, %dma_wait3A] : memref<64000x128xf32, #tpu.memory_space<hbm>> -> memref<1000x32xf32, #tpu.memory_space<hbm>>
      %dma_wait3A_20 = arith.constant 0 : i32
      %dma_wait3A_21 = tpu.memref_slice %arg2[%add3A_10, %dma_wait3A_20] : memref<64000x128xf32, #tpu.memory_space<hbm>> -> memref<1000x32xf32, #tpu.memory_space<hbm>>
      tpu.wait_dma2 semaphore(%run_scoped3A : memref<!tpu.dma_semaphore, #tpu.memory_space<semaphore_mem>>) src(%dma_wait3A_21 : memref<1000x32xf32, #tpu.memory_space<hbm>>) dst(%arg7 : memref<1000x32xf32, #tpu.memory_space<vmem>>)
      tpu.yield
    }) : () -> ()
    "tpu.region"() ({
      %run_scoped3A = tpu.sem_alloc : memref<!tpu.dma_semaphore, #tpu.memory_space<semaphore_mem>>
      %dma_start3A = arith.constant 0 : i32
      %dma_start3A_16 = arith.constant 0 : i32
      %dma_start3A_17 = tpu.memref_slice %arg8[%dma_start3A, %dma_start3A_16] : memref<10000x32xf32, #tpu.memory_space<vmem_shared>> -> memref<10000x32xf32, #tpu.memory_space<vmem_shared>>
      tpu.enqueue_indirect_dma source(%arg7 : memref<1000x32xf32, #tpu.memory_space<vmem>>) target(%dma_start3A_17 : memref<10000x32xf32, #tpu.memory_space<vmem_shared>>) offsets(%arg6 : memref<1000xi32, #tpu.memory_space<vmem>>) semaphore(%run_scoped3A : memref<!tpu.dma_semaphore, #tpu.memory_space<semaphore_mem>>) {add = true}
      %dma_wait3A = arith.constant 0 : i32
      %dma_wait3A_18 = arith.constant 0 : i32
      %dma_wait3A_19 = tpu.memref_slice %arg8[%dma_wait3A, %dma_wait3A_18] : memref<10000x32xf32, #tpu.memory_space<vmem_shared>> -> memref<10000x32xf32, #tpu.memory_space<vmem_shared>>
      tpu.wait_indirect_dma semaphore(%run_scoped3A : memref<!tpu.dma_semaphore, #tpu.memory_space<semaphore_mem>>) src(%arg7 : memref<1000x32xf32, #tpu.memory_space<vmem>>) dst(%dma_wait3A_19 : memref<10000x32xf32, #tpu.memory_space<vmem_shared>>)
      tpu.yield
    }) : () -> ()
    %barrier3A_13 = arith.constant 0 : index
    tpu.barrier barrier_id(%barrier3A_13)
    %mul3A_14 = arith.constant 625 : i32
    %mul3A_15 = arith.muli %arg1, %mul3A_14 : i32
    "tpu.region"() ({
      %run_scoped3A = tpu.sem_alloc : memref<!tpu.dma_semaphore, #tpu.memory_space<semaphore_mem>>
      %dma_start3A = arith.constant 0 : i32
      %dma_start3A_16 = tpu.memref_slice %arg5[%arg0, %mul3A_15, %dma_start3A] : memref<2x10000x32xf32, #tpu.memory_space<hbm>> -> memref<1x625x32xf32, #tpu.memory_space<hbm>>
      %dma_start3A_17 = tpu.memref_squeeze %dma_start3A_16 : memref<1x625x32xf32, #tpu.memory_space<hbm>> -> memref<625x32xf32, #tpu.memory_space<hbm>>
      %dma_start3A_18 = arith.constant 0 : i32
      %dma_start3A_19 = tpu.memref_slice %arg8[%mul3A_15, %dma_start3A_18] : memref<10000x32xf32, #tpu.memory_space<vmem_shared>> -> memref<625x32xf32, #tpu.memory_space<vmem_shared>>
      tpu.enqueue_dma source(%dma_start3A_19 : memref<625x32xf32, #tpu.memory_space<vmem_shared>>) target(%dma_start3A_17 : memref<625x32xf32, #tpu.memory_space<hbm>>) target_semaphore(%run_scoped3A : memref<!tpu.dma_semaphore, #tpu.memory_space<semaphore_mem>>)
      %dma_wait3A = arith.constant 0 : i32
      %dma_wait3A_20 = tpu.memref_slice %arg5[%arg0, %mul3A_15, %dma_wait3A] : memref<2x10000x32xf32, #tpu.memory_space<hbm>> -> memref<1x625x32xf32, #tpu.memory_space<hbm>>
      %dma_wait3A_21 = tpu.memref_squeeze %dma_wait3A_20 : memref<1x625x32xf32, #tpu.memory_space<hbm>> -> memref<625x32xf32, #tpu.memory_space<hbm>>
      %dma_wait3A_22 = arith.constant 0 : i32
      %dma_wait3A_23 = tpu.memref_slice %arg8[%mul3A_15, %dma_wait3A_22] : memref<10000x32xf32, #tpu.memory_space<vmem_shared>> -> memref<625x32xf32, #tpu.memory_space<vmem_shared>>
      tpu.wait_dma2 semaphore(%run_scoped3A : memref<!tpu.dma_semaphore, #tpu.memory_space<semaphore_mem>>) src(%dma_wait3A_23 : memref<625x32xf32, #tpu.memory_space<vmem_shared>>) dst(%dma_wait3A_21 : memref<625x32xf32, #tpu.memory_space<hbm>>)
      tpu.yield
    }) : () -> ()
    return
  }
}

#map = affine_map<(d0, d1) -> (0, 0)>
#map1 = affine_map<(d0, d1) -> (0)>
#map2 = affine_map<(d0, d1) -> (0, 0, 0)>
module attributes {stable_mosaic.version = 14 : i64} {
  func.func @sk(%arg0: i32, %arg1: i32, %arg2: memref<96000x128xf32, #tpu.memory_space<hbm>>, %arg3: memref<160000xi32, #tpu.memory_space<hbm>>, %arg4: memref<2x10000x32xf32, #tpu.memory_space<hbm>>, %arg5: memref<2x10000x32xf32, #tpu.memory_space<hbm>>, %arg6: memref<1000xi32, #tpu.memory_space<vmem>>, %arg7: memref<1000x32xf32, #tpu.memory_space<vmem>>, %arg8: memref<10000x32xf32, #tpu.memory_space<vmem_shared>>) attributes {dimension_semantics = [#tpu.dimension_semantics<core_parallel>, #tpu.dimension_semantics<subcore_parallel>], iteration_bounds = array<i64: 2, 16>, scalar_prefetch = 0 : i64, scratch_operands = 3 : i64, tpu.core_type = #tpu.core_type<sc_vector_subcore>, window_params = [{transform_indices = #map}, {transform_indices = #map1}, {transform_indices = #map2}, {transform_indices = #map2}]} {
    %eq3A = arith.constant 0 : i32
    %eq3A_0 = arith.cmpi eq, %arg1, %eq3A : i32
    %convert_element_type3A = arith.extui %eq3A_0 : i1 to i32
    %cond3A = arith.constant 0 : i32
    %cond3A_1 = arith.cmpi ne, %convert_element_type3A, %cond3A : i32
    scf.if %cond3A_1 {
      "tpu.region"() ({
        %run_scoped3A = tpu.sem_alloc : memref<!tpu.dma_semaphore, #tpu.memory_space<semaphore_mem>>
        %dma_start3A = arith.constant 0 : i32
        %dma_start3A_20 = arith.constant 0 : i32
        %dma_start3A_21 = tpu.memref_slice %arg4[%arg0, %dma_start3A, %dma_start3A_20] : memref<2x10000x32xf32, #tpu.memory_space<hbm>> -> memref<1x10000x32xf32, #tpu.memory_space<hbm>>
        %dma_start3A_22 = tpu.memref_squeeze %dma_start3A_21 : memref<1x10000x32xf32, #tpu.memory_space<hbm>> -> memref<10000x32xf32, #tpu.memory_space<hbm>>
        tpu.enqueue_dma source(%dma_start3A_22 : memref<10000x32xf32, #tpu.memory_space<hbm>>) target(%arg8 : memref<10000x32xf32, #tpu.memory_space<vmem_shared>>) target_semaphore(%run_scoped3A : memref<!tpu.dma_semaphore, #tpu.memory_space<semaphore_mem>>)
        %dma_wait3A = arith.constant 0 : i32
        %dma_wait3A_23 = arith.constant 0 : i32
        %dma_wait3A_24 = tpu.memref_slice %arg4[%arg0, %dma_wait3A, %dma_wait3A_23] : memref<2x10000x32xf32, #tpu.memory_space<hbm>> -> memref<1x10000x32xf32, #tpu.memory_space<hbm>>
        %dma_wait3A_25 = tpu.memref_squeeze %dma_wait3A_24 : memref<1x10000x32xf32, #tpu.memory_space<hbm>> -> memref<10000x32xf32, #tpu.memory_space<hbm>>
        tpu.wait_dma2 semaphore(%run_scoped3A : memref<!tpu.dma_semaphore, #tpu.memory_space<semaphore_mem>>) src(%dma_wait3A_25 : memref<10000x32xf32, #tpu.memory_space<hbm>>) dst(%arg8 : memref<10000x32xf32, #tpu.memory_space<vmem_shared>>)
        tpu.yield
      }) : () -> ()
    } else {
    }
    %barrier3A = arith.constant 0 : index
    tpu.barrier barrier_id(%barrier3A)
    %mul3A = arith.constant 2 : i32
    %mul3A_2 = arith.muli %arg1, %mul3A : i32
    %add3A = arith.addi %mul3A_2, %arg0 : i32
    %mul3A_3 = arith.constant 3000 : i32
    %mul3A_4 = arith.muli %add3A, %mul3A_3 : i32
    %multiple_of3A = tpu.assume_multiple %mul3A_4, 8 : i32
    %add3A_5 = arith.constant 0 : i32
    %add3A_6 = arith.addi %multiple_of3A, %add3A_5 : i32
    %add3A_7 = arith.constant 0 : i32
    %add3A_8 = arith.addi %add3A_7, %add3A_6 : i32
    "tpu.region"() ({
      %run_scoped3A = tpu.sem_alloc : memref<!tpu.dma_semaphore, #tpu.memory_space<semaphore_mem>>
      %dma_start3A = tpu.memref_slice %arg3[%add3A_8] : memref<160000xi32, #tpu.memory_space<hbm>> -> memref<1000xi32, #tpu.memory_space<hbm>>
      %dma_start3A_20 = tpu.memref_slice %arg3[%add3A_8] : memref<160000xi32, #tpu.memory_space<hbm>> -> memref<1000xi32, #tpu.memory_space<hbm>>
      tpu.enqueue_dma source(%dma_start3A_20 : memref<1000xi32, #tpu.memory_space<hbm>>) target(%arg6 : memref<1000xi32, #tpu.memory_space<vmem>>) target_semaphore(%run_scoped3A : memref<!tpu.dma_semaphore, #tpu.memory_space<semaphore_mem>>)
      %dma_wait3A = tpu.memref_slice %arg3[%add3A_8] : memref<160000xi32, #tpu.memory_space<hbm>> -> memref<1000xi32, #tpu.memory_space<hbm>>
      %dma_wait3A_21 = tpu.memref_slice %arg3[%add3A_8] : memref<160000xi32, #tpu.memory_space<hbm>> -> memref<1000xi32, #tpu.memory_space<hbm>>
      tpu.wait_dma2 semaphore(%run_scoped3A : memref<!tpu.dma_semaphore, #tpu.memory_space<semaphore_mem>>) src(%dma_wait3A_21 : memref<1000xi32, #tpu.memory_space<hbm>>) dst(%arg6 : memref<1000xi32, #tpu.memory_space<vmem>>)
      tpu.yield
    }) : () -> ()
    "tpu.region"() ({
      %run_scoped3A = tpu.sem_alloc : memref<!tpu.dma_semaphore, #tpu.memory_space<semaphore_mem>>
      %dma_start3A = arith.constant 0 : i32
      %dma_start3A_20 = tpu.memref_slice %arg2[%add3A_6, %dma_start3A] : memref<96000x128xf32, #tpu.memory_space<hbm>> -> memref<1000x32xf32, #tpu.memory_space<hbm>>
      %dma_start3A_21 = arith.constant 0 : i32
      %dma_start3A_22 = tpu.memref_slice %arg2[%add3A_6, %dma_start3A_21] : memref<96000x128xf32, #tpu.memory_space<hbm>> -> memref<1000x32xf32, #tpu.memory_space<hbm>>
      tpu.enqueue_dma source(%dma_start3A_22 : memref<1000x32xf32, #tpu.memory_space<hbm>>) target(%arg7 : memref<1000x32xf32, #tpu.memory_space<vmem>>) target_semaphore(%run_scoped3A : memref<!tpu.dma_semaphore, #tpu.memory_space<semaphore_mem>>)
      %dma_wait3A = arith.constant 0 : i32
      %dma_wait3A_23 = tpu.memref_slice %arg2[%add3A_6, %dma_wait3A] : memref<96000x128xf32, #tpu.memory_space<hbm>> -> memref<1000x32xf32, #tpu.memory_space<hbm>>
      %dma_wait3A_24 = arith.constant 0 : i32
      %dma_wait3A_25 = tpu.memref_slice %arg2[%add3A_6, %dma_wait3A_24] : memref<96000x128xf32, #tpu.memory_space<hbm>> -> memref<1000x32xf32, #tpu.memory_space<hbm>>
      tpu.wait_dma2 semaphore(%run_scoped3A : memref<!tpu.dma_semaphore, #tpu.memory_space<semaphore_mem>>) src(%dma_wait3A_25 : memref<1000x32xf32, #tpu.memory_space<hbm>>) dst(%arg7 : memref<1000x32xf32, #tpu.memory_space<vmem>>)
      tpu.yield
    }) : () -> ()
    "tpu.region"() ({
      %run_scoped3A = tpu.sem_alloc : memref<!tpu.dma_semaphore, #tpu.memory_space<semaphore_mem>>
      %dma_start3A = arith.constant 0 : i32
      %dma_start3A_20 = arith.constant 0 : i32
      %dma_start3A_21 = tpu.memref_slice %arg8[%dma_start3A, %dma_start3A_20] : memref<10000x32xf32, #tpu.memory_space<vmem_shared>> -> memref<10000x32xf32, #tpu.memory_space<vmem_shared>>
      tpu.enqueue_indirect_dma source(%arg7 : memref<1000x32xf32, #tpu.memory_space<vmem>>) target(%dma_start3A_21 : memref<10000x32xf32, #tpu.memory_space<vmem_shared>>) offsets(%arg6 : memref<1000xi32, #tpu.memory_space<vmem>>) semaphore(%run_scoped3A : memref<!tpu.dma_semaphore, #tpu.memory_space<semaphore_mem>>) {add = true}
      %dma_wait3A = arith.constant 0 : i32
      %dma_wait3A_22 = arith.constant 0 : i32
      %dma_wait3A_23 = tpu.memref_slice %arg8[%dma_wait3A, %dma_wait3A_22] : memref<10000x32xf32, #tpu.memory_space<vmem_shared>> -> memref<10000x32xf32, #tpu.memory_space<vmem_shared>>
      tpu.wait_indirect_dma semaphore(%run_scoped3A : memref<!tpu.dma_semaphore, #tpu.memory_space<semaphore_mem>>) src(%arg7 : memref<1000x32xf32, #tpu.memory_space<vmem>>) dst(%dma_wait3A_23 : memref<10000x32xf32, #tpu.memory_space<vmem_shared>>)
      tpu.yield
    }) : () -> ()
    %add3A_9 = arith.constant 1000 : i32
    %add3A_10 = arith.addi %multiple_of3A, %add3A_9 : i32
    %add3A_11 = arith.constant 0 : i32
    %add3A_12 = arith.addi %add3A_11, %add3A_10 : i32
    "tpu.region"() ({
      %run_scoped3A = tpu.sem_alloc : memref<!tpu.dma_semaphore, #tpu.memory_space<semaphore_mem>>
      %dma_start3A = tpu.memref_slice %arg3[%add3A_12] : memref<160000xi32, #tpu.memory_space<hbm>> -> memref<1000xi32, #tpu.memory_space<hbm>>
      %dma_start3A_20 = tpu.memref_slice %arg3[%add3A_12] : memref<160000xi32, #tpu.memory_space<hbm>> -> memref<1000xi32, #tpu.memory_space<hbm>>
      tpu.enqueue_dma source(%dma_start3A_20 : memref<1000xi32, #tpu.memory_space<hbm>>) target(%arg6 : memref<1000xi32, #tpu.memory_space<vmem>>) target_semaphore(%run_scoped3A : memref<!tpu.dma_semaphore, #tpu.memory_space<semaphore_mem>>)
      %dma_wait3A = tpu.memref_slice %arg3[%add3A_12] : memref<160000xi32, #tpu.memory_space<hbm>> -> memref<1000xi32, #tpu.memory_space<hbm>>
      %dma_wait3A_21 = tpu.memref_slice %arg3[%add3A_12] : memref<160000xi32, #tpu.memory_space<hbm>> -> memref<1000xi32, #tpu.memory_space<hbm>>
      tpu.wait_dma2 semaphore(%run_scoped3A : memref<!tpu.dma_semaphore, #tpu.memory_space<semaphore_mem>>) src(%dma_wait3A_21 : memref<1000xi32, #tpu.memory_space<hbm>>) dst(%arg6 : memref<1000xi32, #tpu.memory_space<vmem>>)
      tpu.yield
    }) : () -> ()
    "tpu.region"() ({
      %run_scoped3A = tpu.sem_alloc : memref<!tpu.dma_semaphore, #tpu.memory_space<semaphore_mem>>
      %dma_start3A = arith.constant 0 : i32
      %dma_start3A_20 = tpu.memref_slice %arg2[%add3A_10, %dma_start3A] : memref<96000x128xf32, #tpu.memory_space<hbm>> -> memref<1000x32xf32, #tpu.memory_space<hbm>>
      %dma_start3A_21 = arith.constant 0 : i32
      %dma_start3A_22 = tpu.memref_slice %arg2[%add3A_10, %dma_start3A_21] : memref<96000x128xf32, #tpu.memory_space<hbm>> -> memref<1000x32xf32, #tpu.memory_space<hbm>>
      tpu.enqueue_dma source(%dma_start3A_22 : memref<1000x32xf32, #tpu.memory_space<hbm>>) target(%arg7 : memref<1000x32xf32, #tpu.memory_space<vmem>>) target_semaphore(%run_scoped3A : memref<!tpu.dma_semaphore, #tpu.memory_space<semaphore_mem>>)
      %dma_wait3A = arith.constant 0 : i32
      %dma_wait3A_23 = tpu.memref_slice %arg2[%add3A_10, %dma_wait3A] : memref<96000x128xf32, #tpu.memory_space<hbm>> -> memref<1000x32xf32, #tpu.memory_space<hbm>>
      %dma_wait3A_24 = arith.constant 0 : i32
      %dma_wait3A_25 = tpu.memref_slice %arg2[%add3A_10, %dma_wait3A_24] : memref<96000x128xf32, #tpu.memory_space<hbm>> -> memref<1000x32xf32, #tpu.memory_space<hbm>>
      tpu.wait_dma2 semaphore(%run_scoped3A : memref<!tpu.dma_semaphore, #tpu.memory_space<semaphore_mem>>) src(%dma_wait3A_25 : memref<1000x32xf32, #tpu.memory_space<hbm>>) dst(%arg7 : memref<1000x32xf32, #tpu.memory_space<vmem>>)
      tpu.yield
    }) : () -> ()
    "tpu.region"() ({
      %run_scoped3A = tpu.sem_alloc : memref<!tpu.dma_semaphore, #tpu.memory_space<semaphore_mem>>
      %dma_start3A = arith.constant 0 : i32
      %dma_start3A_20 = arith.constant 0 : i32
      %dma_start3A_21 = tpu.memref_slice %arg8[%dma_start3A, %dma_start3A_20] : memref<10000x32xf32, #tpu.memory_space<vmem_shared>> -> memref<10000x32xf32, #tpu.memory_space<vmem_shared>>
      tpu.enqueue_indirect_dma source(%arg7 : memref<1000x32xf32, #tpu.memory_space<vmem>>) target(%dma_start3A_21 : memref<10000x32xf32, #tpu.memory_space<vmem_shared>>) offsets(%arg6 : memref<1000xi32, #tpu.memory_space<vmem>>) semaphore(%run_scoped3A : memref<!tpu.dma_semaphore, #tpu.memory_space<semaphore_mem>>) {add = true}
      %dma_wait3A = arith.constant 0 : i32
      %dma_wait3A_22 = arith.constant 0 : i32
      %dma_wait3A_23 = tpu.memref_slice %arg8[%dma_wait3A, %dma_wait3A_22] : memref<10000x32xf32, #tpu.memory_space<vmem_shared>> -> memref<10000x32xf32, #tpu.memory_space<vmem_shared>>
      tpu.wait_indirect_dma semaphore(%run_scoped3A : memref<!tpu.dma_semaphore, #tpu.memory_space<semaphore_mem>>) src(%arg7 : memref<1000x32xf32, #tpu.memory_space<vmem>>) dst(%dma_wait3A_23 : memref<10000x32xf32, #tpu.memory_space<vmem_shared>>)
      tpu.yield
    }) : () -> ()
    %add3A_13 = arith.constant 2000 : i32
    %add3A_14 = arith.addi %multiple_of3A, %add3A_13 : i32
    %add3A_15 = arith.constant 0 : i32
    %add3A_16 = arith.addi %add3A_15, %add3A_14 : i32
    "tpu.region"() ({
      %run_scoped3A = tpu.sem_alloc : memref<!tpu.dma_semaphore, #tpu.memory_space<semaphore_mem>>
      %dma_start3A = tpu.memref_slice %arg3[%add3A_16] : memref<160000xi32, #tpu.memory_space<hbm>> -> memref<1000xi32, #tpu.memory_space<hbm>>
      %dma_start3A_20 = tpu.memref_slice %arg3[%add3A_16] : memref<160000xi32, #tpu.memory_space<hbm>> -> memref<1000xi32, #tpu.memory_space<hbm>>
      tpu.enqueue_dma source(%dma_start3A_20 : memref<1000xi32, #tpu.memory_space<hbm>>) target(%arg6 : memref<1000xi32, #tpu.memory_space<vmem>>) target_semaphore(%run_scoped3A : memref<!tpu.dma_semaphore, #tpu.memory_space<semaphore_mem>>)
      %dma_wait3A = tpu.memref_slice %arg3[%add3A_16] : memref<160000xi32, #tpu.memory_space<hbm>> -> memref<1000xi32, #tpu.memory_space<hbm>>
      %dma_wait3A_21 = tpu.memref_slice %arg3[%add3A_16] : memref<160000xi32, #tpu.memory_space<hbm>> -> memref<1000xi32, #tpu.memory_space<hbm>>
      tpu.wait_dma2 semaphore(%run_scoped3A : memref<!tpu.dma_semaphore, #tpu.memory_space<semaphore_mem>>) src(%dma_wait3A_21 : memref<1000xi32, #tpu.memory_space<hbm>>) dst(%arg6 : memref<1000xi32, #tpu.memory_space<vmem>>)
      tpu.yield
    }) : () -> ()
    "tpu.region"() ({
      %run_scoped3A = tpu.sem_alloc : memref<!tpu.dma_semaphore, #tpu.memory_space<semaphore_mem>>
      %dma_start3A = arith.constant 0 : i32
      %dma_start3A_20 = tpu.memref_slice %arg2[%add3A_14, %dma_start3A] : memref<96000x128xf32, #tpu.memory_space<hbm>> -> memref<1000x32xf32, #tpu.memory_space<hbm>>
      %dma_start3A_21 = arith.constant 0 : i32
      %dma_start3A_22 = tpu.memref_slice %arg2[%add3A_14, %dma_start3A_21] : memref<96000x128xf32, #tpu.memory_space<hbm>> -> memref<1000x32xf32, #tpu.memory_space<hbm>>
      tpu.enqueue_dma source(%dma_start3A_22 : memref<1000x32xf32, #tpu.memory_space<hbm>>) target(%arg7 : memref<1000x32xf32, #tpu.memory_space<vmem>>) target_semaphore(%run_scoped3A : memref<!tpu.dma_semaphore, #tpu.memory_space<semaphore_mem>>)
      %dma_wait3A = arith.constant 0 : i32
      %dma_wait3A_23 = tpu.memref_slice %arg2[%add3A_14, %dma_wait3A] : memref<96000x128xf32, #tpu.memory_space<hbm>> -> memref<1000x32xf32, #tpu.memory_space<hbm>>
      %dma_wait3A_24 = arith.constant 0 : i32
      %dma_wait3A_25 = tpu.memref_slice %arg2[%add3A_14, %dma_wait3A_24] : memref<96000x128xf32, #tpu.memory_space<hbm>> -> memref<1000x32xf32, #tpu.memory_space<hbm>>
      tpu.wait_dma2 semaphore(%run_scoped3A : memref<!tpu.dma_semaphore, #tpu.memory_space<semaphore_mem>>) src(%dma_wait3A_25 : memref<1000x32xf32, #tpu.memory_space<hbm>>) dst(%arg7 : memref<1000x32xf32, #tpu.memory_space<vmem>>)
      tpu.yield
    }) : () -> ()
    "tpu.region"() ({
      %run_scoped3A = tpu.sem_alloc : memref<!tpu.dma_semaphore, #tpu.memory_space<semaphore_mem>>
      %dma_start3A = arith.constant 0 : i32
      %dma_start3A_20 = arith.constant 0 : i32
      %dma_start3A_21 = tpu.memref_slice %arg8[%dma_start3A, %dma_start3A_20] : memref<10000x32xf32, #tpu.memory_space<vmem_shared>> -> memref<10000x32xf32, #tpu.memory_space<vmem_shared>>
      tpu.enqueue_indirect_dma source(%arg7 : memref<1000x32xf32, #tpu.memory_space<vmem>>) target(%dma_start3A_21 : memref<10000x32xf32, #tpu.memory_space<vmem_shared>>) offsets(%arg6 : memref<1000xi32, #tpu.memory_space<vmem>>) semaphore(%run_scoped3A : memref<!tpu.dma_semaphore, #tpu.memory_space<semaphore_mem>>) {add = true}
      %dma_wait3A = arith.constant 0 : i32
      %dma_wait3A_22 = arith.constant 0 : i32
      %dma_wait3A_23 = tpu.memref_slice %arg8[%dma_wait3A, %dma_wait3A_22] : memref<10000x32xf32, #tpu.memory_space<vmem_shared>> -> memref<10000x32xf32, #tpu.memory_space<vmem_shared>>
      tpu.wait_indirect_dma semaphore(%run_scoped3A : memref<!tpu.dma_semaphore, #tpu.memory_space<semaphore_mem>>) src(%arg7 : memref<1000x32xf32, #tpu.memory_space<vmem>>) dst(%dma_wait3A_23 : memref<10000x32xf32, #tpu.memory_space<vmem_shared>>)
      tpu.yield
    }) : () -> ()
    %barrier3A_17 = arith.constant 0 : index
    tpu.barrier barrier_id(%barrier3A_17)
    %mul3A_18 = arith.constant 625 : i32
    %mul3A_19 = arith.muli %arg1, %mul3A_18 : i32
    "tpu.region"() ({
      %run_scoped3A = tpu.sem_alloc : memref<!tpu.dma_semaphore, #tpu.memory_space<semaphore_mem>>
      %dma_start3A = arith.constant 0 : i32
      %dma_start3A_20 = tpu.memref_slice %arg5[%arg0, %mul3A_19, %dma_start3A] : memref<2x10000x32xf32, #tpu.memory_space<hbm>> -> memref<1x625x32xf32, #tpu.memory_space<hbm>>
      %dma_start3A_21 = tpu.memref_squeeze %dma_start3A_20 : memref<1x625x32xf32, #tpu.memory_space<hbm>> -> memref<625x32xf32, #tpu.memory_space<hbm>>
      %dma_start3A_22 = arith.constant 0 : i32
      %dma_start3A_23 = tpu.memref_slice %arg8[%mul3A_19, %dma_start3A_22] : memref<10000x32xf32, #tpu.memory_space<vmem_shared>> -> memref<625x32xf32, #tpu.memory_space<vmem_shared>>
      tpu.enqueue_dma source(%dma_start3A_23 : memref<625x32xf32, #tpu.memory_space<vmem_shared>>) target(%dma_start3A_21 : memref<625x32xf32, #tpu.memory_space<hbm>>) target_semaphore(%run_scoped3A : memref<!tpu.dma_semaphore, #tpu.memory_space<semaphore_mem>>)
      %dma_wait3A = arith.constant 0 : i32
      %dma_wait3A_24 = tpu.memref_slice %arg5[%arg0, %mul3A_19, %dma_wait3A] : memref<2x10000x32xf32, #tpu.memory_space<hbm>> -> memref<1x625x32xf32, #tpu.memory_space<hbm>>
      %dma_wait3A_25 = tpu.memref_squeeze %dma_wait3A_24 : memref<1x625x32xf32, #tpu.memory_space<hbm>> -> memref<625x32xf32, #tpu.memory_space<hbm>>
      %dma_wait3A_26 = arith.constant 0 : i32
      %dma_wait3A_27 = tpu.memref_slice %arg8[%mul3A_19, %dma_wait3A_26] : memref<10000x32xf32, #tpu.memory_space<vmem_shared>> -> memref<625x32xf32, #tpu.memory_space<vmem_shared>>
      tpu.wait_dma2 semaphore(%run_scoped3A : memref<!tpu.dma_semaphore, #tpu.memory_space<semaphore_mem>>) src(%dma_wait3A_27 : memref<625x32xf32, #tpu.memory_space<vmem_shared>>) dst(%dma_wait3A_25 : memref<625x32xf32, #tpu.memory_space<hbm>>)
      tpu.yield
    }) : () -> ()
    return
  }
}

#map = affine_map<(d0, d1) -> (0, 0)>
module attributes {stable_mosaic.version = 14 : i64} {
  func.func @gk(%arg0: i32, %arg1: i32, %arg2: memref<10000x32xf32, #tpu.memory_space<hbm>>, %arg3: memref<2x160000xi32, #tpu.memory_space<hbm>>, %arg4: memref<96000x32xf32, #tpu.memory_space<hbm>>, %arg5: memref<96000x32xf32, #tpu.memory_space<hbm>>, %arg6: memref<1000xi32, #tpu.memory_space<vmem>>, %arg7: memref<1000x32xf32, #tpu.memory_space<vmem>>, %arg8: memref<!tpu.dma_semaphore, #tpu.memory_space<semaphore_mem>>) attributes {dimension_semantics = [#tpu.dimension_semantics<core_parallel>, #tpu.dimension_semantics<subcore_parallel>], iteration_bounds = array<i64: 2, 16>, scalar_prefetch = 0 : i64, scratch_operands = 3 : i64, tpu.core_type = #tpu.core_type<sc_vector_subcore>, window_params = [{transform_indices = #map}, {transform_indices = #map}, {transform_indices = #map}, {transform_indices = #map}]} {
    %mul3A = arith.constant 2 : i32
    %mul3A_0 = arith.muli %arg1, %mul3A : i32
    %add3A = arith.addi %mul3A_0, %arg0 : i32
    %mul3A_1 = arith.constant 3000 : i32
    %mul3A_2 = arith.muli %add3A, %mul3A_1 : i32
    %multiple_of3A = tpu.assume_multiple %mul3A_2, 8 : i32
    %add3A_3 = arith.constant 0 : i32
    %add3A_4 = arith.addi %multiple_of3A, %add3A_3 : i32
    %add3A_5 = arith.constant 0 : i32
    %add3A_6 = arith.addi %add3A_5, %add3A_4 : i32
    %run_scoped3A = arith.constant 0 : i32
    "tpu.region"() ({
      %run_scoped3A_66 = tpu.sem_alloc : memref<!tpu.dma_semaphore, #tpu.memory_space<semaphore_mem>>
      %dma_start3A_67 = tpu.memref_slice %arg3[%run_scoped3A, %add3A_6] : memref<2x160000xi32, #tpu.memory_space<hbm>> -> memref<1x1000xi32, #tpu.memory_space<hbm>>
      %dma_start3A_68 = tpu.memref_squeeze %dma_start3A_67 : memref<1x1000xi32, #tpu.memory_space<hbm>> -> memref<1000xi32, #tpu.memory_space<hbm>>
      %dma_start3A_69 = tpu.memref_slice %arg3[%run_scoped3A, %add3A_6] : memref<2x160000xi32, #tpu.memory_space<hbm>> -> memref<1x1000xi32, #tpu.memory_space<hbm>>
      %dma_start3A_70 = tpu.memref_squeeze %dma_start3A_69 : memref<1x1000xi32, #tpu.memory_space<hbm>> -> memref<1000xi32, #tpu.memory_space<hbm>>
      tpu.enqueue_dma source(%dma_start3A_70 : memref<1000xi32, #tpu.memory_space<hbm>>) target(%arg6 : memref<1000xi32, #tpu.memory_space<vmem>>) target_semaphore(%run_scoped3A_66 : memref<!tpu.dma_semaphore, #tpu.memory_space<semaphore_mem>>)
      %dma_wait3A_71 = tpu.memref_slice %arg3[%run_scoped3A, %add3A_6] : memref<2x160000xi32, #tpu.memory_space<hbm>> -> memref<1x1000xi32, #tpu.memory_space<hbm>>
      %dma_wait3A_72 = tpu.memref_squeeze %dma_wait3A_71 : memref<1x1000xi32, #tpu.memory_space<hbm>> -> memref<1000xi32, #tpu.memory_space<hbm>>
      %dma_wait3A_73 = tpu.memref_slice %arg3[%run_scoped3A, %add3A_6] : memref<2x160000xi32, #tpu.memory_space<hbm>> -> memref<1x1000xi32, #tpu.memory_space<hbm>>
      %dma_wait3A_74 = tpu.memref_squeeze %dma_wait3A_73 : memref<1x1000xi32, #tpu.memory_space<hbm>> -> memref<1000xi32, #tpu.memory_space<hbm>>
      tpu.wait_dma2 semaphore(%run_scoped3A_66 : memref<!tpu.dma_semaphore, #tpu.memory_space<semaphore_mem>>) src(%dma_wait3A_74 : memref<1000xi32, #tpu.memory_space<hbm>>) dst(%arg6 : memref<1000xi32, #tpu.memory_space<vmem>>)
      tpu.yield
    }) : () -> ()
    %dma_start3A = arith.constant 0 : i32
    %dma_start3A_7 = arith.constant 0 : i32
    %dma_start3A_8 = tpu.memref_slice %arg2[%dma_start3A, %dma_start3A_7] : memref<10000x32xf32, #tpu.memory_space<hbm>> -> memref<10000x32xf32, #tpu.memory_space<hbm>>
    tpu.enqueue_indirect_dma source(%dma_start3A_8 : memref<10000x32xf32, #tpu.memory_space<hbm>>) target(%arg7 : memref<1000x32xf32, #tpu.memory_space<vmem>>) offsets(%arg6 : memref<1000xi32, #tpu.memory_space<vmem>>) semaphore(%arg8 : memref<!tpu.dma_semaphore, #tpu.memory_space<semaphore_mem>>)
    %dma_wait3A = arith.constant 0 : i32
    %dma_wait3A_9 = arith.constant 0 : i32
    %dma_wait3A_10 = tpu.memref_slice %arg2[%dma_wait3A, %dma_wait3A_9] : memref<10000x32xf32, #tpu.memory_space<hbm>> -> memref<10000x32xf32, #tpu.memory_space<hbm>>
    tpu.wait_indirect_dma semaphore(%arg8 : memref<!tpu.dma_semaphore, #tpu.memory_space<semaphore_mem>>) src(%dma_wait3A_10 : memref<10000x32xf32, #tpu.memory_space<hbm>>) dst(%arg7 : memref<1000x32xf32, #tpu.memory_space<vmem>>)
    "tpu.region"() ({
      %run_scoped3A_66 = tpu.sem_alloc : memref<!tpu.dma_semaphore, #tpu.memory_space<semaphore_mem>>
      %dma_start3A_67 = arith.constant 0 : i32
      %dma_start3A_68 = tpu.memref_slice %arg4[%add3A_4, %dma_start3A_67] : memref<96000x32xf32, #tpu.memory_space<hbm>> -> memref<1000x32xf32, #tpu.memory_space<hbm>>
      %dma_start3A_69 = arith.constant 0 : i32
      %dma_start3A_70 = tpu.memref_slice %arg4[%add3A_4, %dma_start3A_69] : memref<96000x32xf32, #tpu.memory_space<hbm>> -> memref<1000x32xf32, #tpu.memory_space<hbm>>
      tpu.enqueue_dma source(%arg7 : memref<1000x32xf32, #tpu.memory_space<vmem>>) target(%dma_start3A_70 : memref<1000x32xf32, #tpu.memory_space<hbm>>) target_semaphore(%run_scoped3A_66 : memref<!tpu.dma_semaphore, #tpu.memory_space<semaphore_mem>>)
      %dma_wait3A_71 = arith.constant 0 : i32
      %dma_wait3A_72 = tpu.memref_slice %arg4[%add3A_4, %dma_wait3A_71] : memref<96000x32xf32, #tpu.memory_space<hbm>> -> memref<1000x32xf32, #tpu.memory_space<hbm>>
      %dma_wait3A_73 = arith.constant 0 : i32
      %dma_wait3A_74 = tpu.memref_slice %arg4[%add3A_4, %dma_wait3A_73] : memref<96000x32xf32, #tpu.memory_space<hbm>> -> memref<1000x32xf32, #tpu.memory_space<hbm>>
      tpu.wait_dma2 semaphore(%run_scoped3A_66 : memref<!tpu.dma_semaphore, #tpu.memory_space<semaphore_mem>>) src(%arg7 : memref<1000x32xf32, #tpu.memory_space<vmem>>) dst(%dma_wait3A_74 : memref<1000x32xf32, #tpu.memory_space<hbm>>)
      tpu.yield
    }) : () -> ()
    %add3A_11 = arith.constant 1000 : i32
    %add3A_12 = arith.addi %multiple_of3A, %add3A_11 : i32
    %add3A_13 = arith.constant 0 : i32
    %add3A_14 = arith.addi %add3A_13, %add3A_12 : i32
    %run_scoped3A_15 = arith.constant 0 : i32
    "tpu.region"() ({
      %run_scoped3A_66 = tpu.sem_alloc : memref<!tpu.dma_semaphore, #tpu.memory_space<semaphore_mem>>
      %dma_start3A_67 = tpu.memref_slice %arg3[%run_scoped3A_15, %add3A_14] : memref<2x160000xi32, #tpu.memory_space<hbm>> -> memref<1x1000xi32, #tpu.memory_space<hbm>>
      %dma_start3A_68 = tpu.memref_squeeze %dma_start3A_67 : memref<1x1000xi32, #tpu.memory_space<hbm>> -> memref<1000xi32, #tpu.memory_space<hbm>>
      %dma_start3A_69 = tpu.memref_slice %arg3[%run_scoped3A_15, %add3A_14] : memref<2x160000xi32, #tpu.memory_space<hbm>> -> memref<1x1000xi32, #tpu.memory_space<hbm>>
      %dma_start3A_70 = tpu.memref_squeeze %dma_start3A_69 : memref<1x1000xi32, #tpu.memory_space<hbm>> -> memref<1000xi32, #tpu.memory_space<hbm>>
      tpu.enqueue_dma source(%dma_start3A_70 : memref<1000xi32, #tpu.memory_space<hbm>>) target(%arg6 : memref<1000xi32, #tpu.memory_space<vmem>>) target_semaphore(%run_scoped3A_66 : memref<!tpu.dma_semaphore, #tpu.memory_space<semaphore_mem>>)
      %dma_wait3A_71 = tpu.memref_slice %arg3[%run_scoped3A_15, %add3A_14] : memref<2x160000xi32, #tpu.memory_space<hbm>> -> memref<1x1000xi32, #tpu.memory_space<hbm>>
      %dma_wait3A_72 = tpu.memref_squeeze %dma_wait3A_71 : memref<1x1000xi32, #tpu.memory_space<hbm>> -> memref<1000xi32, #tpu.memory_space<hbm>>
      %dma_wait3A_73 = tpu.memref_slice %arg3[%run_scoped3A_15, %add3A_14] : memref<2x160000xi32, #tpu.memory_space<hbm>> -> memref<1x1000xi32, #tpu.memory_space<hbm>>
      %dma_wait3A_74 = tpu.memref_squeeze %dma_wait3A_73 : memref<1x1000xi32, #tpu.memory_space<hbm>> -> memref<1000xi32, #tpu.memory_space<hbm>>
      tpu.wait_dma2 semaphore(%run_scoped3A_66 : memref<!tpu.dma_semaphore, #tpu.memory_space<semaphore_mem>>) src(%dma_wait3A_74 : memref<1000xi32, #tpu.memory_space<hbm>>) dst(%arg6 : memref<1000xi32, #tpu.memory_space<vmem>>)
      tpu.yield
    }) : () -> ()
    %dma_start3A_16 = arith.constant 0 : i32
    %dma_start3A_17 = arith.constant 0 : i32
    %dma_start3A_18 = tpu.memref_slice %arg2[%dma_start3A_16, %dma_start3A_17] : memref<10000x32xf32, #tpu.memory_space<hbm>> -> memref<10000x32xf32, #tpu.memory_space<hbm>>
    tpu.enqueue_indirect_dma source(%dma_start3A_18 : memref<10000x32xf32, #tpu.memory_space<hbm>>) target(%arg7 : memref<1000x32xf32, #tpu.memory_space<vmem>>) offsets(%arg6 : memref<1000xi32, #tpu.memory_space<vmem>>) semaphore(%arg8 : memref<!tpu.dma_semaphore, #tpu.memory_space<semaphore_mem>>)
    %dma_wait3A_19 = arith.constant 0 : i32
    %dma_wait3A_20 = arith.constant 0 : i32
    %dma_wait3A_21 = tpu.memref_slice %arg2[%dma_wait3A_19, %dma_wait3A_20] : memref<10000x32xf32, #tpu.memory_space<hbm>> -> memref<10000x32xf32, #tpu.memory_space<hbm>>
    tpu.wait_indirect_dma semaphore(%arg8 : memref<!tpu.dma_semaphore, #tpu.memory_space<semaphore_mem>>) src(%dma_wait3A_21 : memref<10000x32xf32, #tpu.memory_space<hbm>>) dst(%arg7 : memref<1000x32xf32, #tpu.memory_space<vmem>>)
    "tpu.region"() ({
      %run_scoped3A_66 = tpu.sem_alloc : memref<!tpu.dma_semaphore, #tpu.memory_space<semaphore_mem>>
      %dma_start3A_67 = arith.constant 0 : i32
      %dma_start3A_68 = tpu.memref_slice %arg4[%add3A_12, %dma_start3A_67] : memref<96000x32xf32, #tpu.memory_space<hbm>> -> memref<1000x32xf32, #tpu.memory_space<hbm>>
      %dma_start3A_69 = arith.constant 0 : i32
      %dma_start3A_70 = tpu.memref_slice %arg4[%add3A_12, %dma_start3A_69] : memref<96000x32xf32, #tpu.memory_space<hbm>> -> memref<1000x32xf32, #tpu.memory_space<hbm>>
      tpu.enqueue_dma source(%arg7 : memref<1000x32xf32, #tpu.memory_space<vmem>>) target(%dma_start3A_70 : memref<1000x32xf32, #tpu.memory_space<hbm>>) target_semaphore(%run_scoped3A_66 : memref<!tpu.dma_semaphore, #tpu.memory_space<semaphore_mem>>)
      %dma_wait3A_71 = arith.constant 0 : i32
      %dma_wait3A_72 = tpu.memref_slice %arg4[%add3A_12, %dma_wait3A_71] : memref<96000x32xf32, #tpu.memory_space<hbm>> -> memref<1000x32xf32, #tpu.memory_space<hbm>>
      %dma_wait3A_73 = arith.constant 0 : i32
      %dma_wait3A_74 = tpu.memref_slice %arg4[%add3A_12, %dma_wait3A_73] : memref<96000x32xf32, #tpu.memory_space<hbm>> -> memref<1000x32xf32, #tpu.memory_space<hbm>>
      tpu.wait_dma2 semaphore(%run_scoped3A_66 : memref<!tpu.dma_semaphore, #tpu.memory_space<semaphore_mem>>) src(%arg7 : memref<1000x32xf32, #tpu.memory_space<vmem>>) dst(%dma_wait3A_74 : memref<1000x32xf32, #tpu.memory_space<hbm>>)
      tpu.yield
    }) : () -> ()
    %add3A_22 = arith.constant 2000 : i32
    %add3A_23 = arith.addi %multiple_of3A, %add3A_22 : i32
    %add3A_24 = arith.constant 0 : i32
    %add3A_25 = arith.addi %add3A_24, %add3A_23 : i32
    %run_scoped3A_26 = arith.constant 0 : i32
    "tpu.region"() ({
      %run_scoped3A_66 = tpu.sem_alloc : memref<!tpu.dma_semaphore, #tpu.memory_space<semaphore_mem>>
      %dma_start3A_67 = tpu.memref_slice %arg3[%run_scoped3A_26, %add3A_25] : memref<2x160000xi32, #tpu.memory_space<hbm>> -> memref<1x1000xi32, #tpu.memory_space<hbm>>
      %dma_start3A_68 = tpu.memref_squeeze %dma_start3A_67 : memref<1x1000xi32, #tpu.memory_space<hbm>> -> memref<1000xi32, #tpu.memory_space<hbm>>
      %dma_start3A_69 = tpu.memref_slice %arg3[%run_scoped3A_26, %add3A_25] : memref<2x160000xi32, #tpu.memory_space<hbm>> -> memref<1x1000xi32, #tpu.memory_space<hbm>>
      %dma_start3A_70 = tpu.memref_squeeze %dma_start3A_69 : memref<1x1000xi32, #tpu.memory_space<hbm>> -> memref<1000xi32, #tpu.memory_space<hbm>>
      tpu.enqueue_dma source(%dma_start3A_70 : memref<1000xi32, #tpu.memory_space<hbm>>) target(%arg6 : memref<1000xi32, #tpu.memory_space<vmem>>) target_semaphore(%run_scoped3A_66 : memref<!tpu.dma_semaphore, #tpu.memory_space<semaphore_mem>>)
      %dma_wait3A_71 = tpu.memref_slice %arg3[%run_scoped3A_26, %add3A_25] : memref<2x160000xi32, #tpu.memory_space<hbm>> -> memref<1x1000xi32, #tpu.memory_space<hbm>>
      %dma_wait3A_72 = tpu.memref_squeeze %dma_wait3A_71 : memref<1x1000xi32, #tpu.memory_space<hbm>> -> memref<1000xi32, #tpu.memory_space<hbm>>
      %dma_wait3A_73 = tpu.memref_slice %arg3[%run_scoped3A_26, %add3A_25] : memref<2x160000xi32, #tpu.memory_space<hbm>> -> memref<1x1000xi32, #tpu.memory_space<hbm>>
      %dma_wait3A_74 = tpu.memref_squeeze %dma_wait3A_73 : memref<1x1000xi32, #tpu.memory_space<hbm>> -> memref<1000xi32, #tpu.memory_space<hbm>>
      tpu.wait_dma2 semaphore(%run_scoped3A_66 : memref<!tpu.dma_semaphore, #tpu.memory_space<semaphore_mem>>) src(%dma_wait3A_74 : memref<1000xi32, #tpu.memory_space<hbm>>) dst(%arg6 : memref<1000xi32, #tpu.memory_space<vmem>>)
      tpu.yield
    }) : () -> ()
    %dma_start3A_27 = arith.constant 0 : i32
    %dma_start3A_28 = arith.constant 0 : i32
    %dma_start3A_29 = tpu.memref_slice %arg2[%dma_start3A_27, %dma_start3A_28] : memref<10000x32xf32, #tpu.memory_space<hbm>> -> memref<10000x32xf32, #tpu.memory_space<hbm>>
    tpu.enqueue_indirect_dma source(%dma_start3A_29 : memref<10000x32xf32, #tpu.memory_space<hbm>>) target(%arg7 : memref<1000x32xf32, #tpu.memory_space<vmem>>) offsets(%arg6 : memref<1000xi32, #tpu.memory_space<vmem>>) semaphore(%arg8 : memref<!tpu.dma_semaphore, #tpu.memory_space<semaphore_mem>>)
    %dma_wait3A_30 = arith.constant 0 : i32
    %dma_wait3A_31 = arith.constant 0 : i32
    %dma_wait3A_32 = tpu.memref_slice %arg2[%dma_wait3A_30, %dma_wait3A_31] : memref<10000x32xf32, #tpu.memory_space<hbm>> -> memref<10000x32xf32, #tpu.memory_space<hbm>>
    tpu.wait_indirect_dma semaphore(%arg8 : memref<!tpu.dma_semaphore, #tpu.memory_space<semaphore_mem>>) src(%dma_wait3A_32 : memref<10000x32xf32, #tpu.memory_space<hbm>>) dst(%arg7 : memref<1000x32xf32, #tpu.memory_space<vmem>>)
    "tpu.region"() ({
      %run_scoped3A_66 = tpu.sem_alloc : memref<!tpu.dma_semaphore, #tpu.memory_space<semaphore_mem>>
      %dma_start3A_67 = arith.constant 0 : i32
      %dma_start3A_68 = tpu.memref_slice %arg4[%add3A_23, %dma_start3A_67] : memref<96000x32xf32, #tpu.memory_space<hbm>> -> memref<1000x32xf32, #tpu.memory_space<hbm>>
      %dma_start3A_69 = arith.constant 0 : i32
      %dma_start3A_70 = tpu.memref_slice %arg4[%add3A_23, %dma_start3A_69] : memref<96000x32xf32, #tpu.memory_space<hbm>> -> memref<1000x32xf32, #tpu.memory_space<hbm>>
      tpu.enqueue_dma source(%arg7 : memref<1000x32xf32, #tpu.memory_space<vmem>>) target(%dma_start3A_70 : memref<1000x32xf32, #tpu.memory_space<hbm>>) target_semaphore(%run_scoped3A_66 : memref<!tpu.dma_semaphore, #tpu.memory_space<semaphore_mem>>)
      %dma_wait3A_71 = arith.constant 0 : i32
      %dma_wait3A_72 = tpu.memref_slice %arg4[%add3A_23, %dma_wait3A_71] : memref<96000x32xf32, #tpu.memory_space<hbm>> -> memref<1000x32xf32, #tpu.memory_space<hbm>>
      %dma_wait3A_73 = arith.constant 0 : i32
      %dma_wait3A_74 = tpu.memref_slice %arg4[%add3A_23, %dma_wait3A_73] : memref<96000x32xf32, #tpu.memory_space<hbm>> -> memref<1000x32xf32, #tpu.memory_space<hbm>>
      tpu.wait_dma2 semaphore(%run_scoped3A_66 : memref<!tpu.dma_semaphore, #tpu.memory_space<semaphore_mem>>) src(%arg7 : memref<1000x32xf32, #tpu.memory_space<vmem>>) dst(%dma_wait3A_74 : memref<1000x32xf32, #tpu.memory_space<hbm>>)
      tpu.yield
    }) : () -> ()
    %add3A_33 = arith.constant 0 : i32
    %add3A_34 = arith.addi %multiple_of3A, %add3A_33 : i32
    %add3A_35 = arith.constant 0 : i32
    %add3A_36 = arith.addi %add3A_35, %add3A_34 : i32
    %run_scoped3A_37 = arith.constant 1 : i32
    "tpu.region"() ({
      %run_scoped3A_66 = tpu.sem_alloc : memref<!tpu.dma_semaphore, #tpu.memory_space<semaphore_mem>>
      %dma_start3A_67 = tpu.memref_slice %arg3[%run_scoped3A_37, %add3A_36] : memref<2x160000xi32, #tpu.memory_space<hbm>> -> memref<1x1000xi32, #tpu.memory_space<hbm>>
      %dma_start3A_68 = tpu.memref_squeeze %dma_start3A_67 : memref<1x1000xi32, #tpu.memory_space<hbm>> -> memref<1000xi32, #tpu.memory_space<hbm>>
      %dma_start3A_69 = tpu.memref_slice %arg3[%run_scoped3A_37, %add3A_36] : memref<2x160000xi32, #tpu.memory_space<hbm>> -> memref<1x1000xi32, #tpu.memory_space<hbm>>
      %dma_start3A_70 = tpu.memref_squeeze %dma_start3A_69 : memref<1x1000xi32, #tpu.memory_space<hbm>> -> memref<1000xi32, #tpu.memory_space<hbm>>
      tpu.enqueue_dma source(%dma_start3A_70 : memref<1000xi32, #tpu.memory_space<hbm>>) target(%arg6 : memref<1000xi32, #tpu.memory_space<vmem>>) target_semaphore(%run_scoped3A_66 : memref<!tpu.dma_semaphore, #tpu.memory_space<semaphore_mem>>)
      %dma_wait3A_71 = tpu.memref_slice %arg3[%run_scoped3A_37, %add3A_36] : memref<2x160000xi32, #tpu.memory_space<hbm>> -> memref<1x1000xi32, #tpu.memory_space<hbm>>
      %dma_wait3A_72 = tpu.memref_squeeze %dma_wait3A_71 : memref<1x1000xi32, #tpu.memory_space<hbm>> -> memref<1000xi32, #tpu.memory_space<hbm>>
      %dma_wait3A_73 = tpu.memref_slice %arg3[%run_scoped3A_37, %add3A_36] : memref<2x160000xi32, #tpu.memory_space<hbm>> -> memref<1x1000xi32, #tpu.memory_space<hbm>>
      %dma_wait3A_74 = tpu.memref_squeeze %dma_wait3A_73 : memref<1x1000xi32, #tpu.memory_space<hbm>> -> memref<1000xi32, #tpu.memory_space<hbm>>
      tpu.wait_dma2 semaphore(%run_scoped3A_66 : memref<!tpu.dma_semaphore, #tpu.memory_space<semaphore_mem>>) src(%dma_wait3A_74 : memref<1000xi32, #tpu.memory_space<hbm>>) dst(%arg6 : memref<1000xi32, #tpu.memory_space<vmem>>)
      tpu.yield
    }) : () -> ()
    %dma_start3A_38 = arith.constant 0 : i32
    %dma_start3A_39 = arith.constant 0 : i32
    %dma_start3A_40 = tpu.memref_slice %arg2[%dma_start3A_38, %dma_start3A_39] : memref<10000x32xf32, #tpu.memory_space<hbm>> -> memref<10000x32xf32, #tpu.memory_space<hbm>>
    tpu.enqueue_indirect_dma source(%dma_start3A_40 : memref<10000x32xf32, #tpu.memory_space<hbm>>) target(%arg7 : memref<1000x32xf32, #tpu.memory_space<vmem>>) offsets(%arg6 : memref<1000xi32, #tpu.memory_space<vmem>>) semaphore(%arg8 : memref<!tpu.dma_semaphore, #tpu.memory_space<semaphore_mem>>)
    %dma_wait3A_41 = arith.constant 0 : i32
    %dma_wait3A_42 = arith.constant 0 : i32
    %dma_wait3A_43 = tpu.memref_slice %arg2[%dma_wait3A_41, %dma_wait3A_42] : memref<10000x32xf32, #tpu.memory_space<hbm>> -> memref<10000x32xf32, #tpu.memory_space<hbm>>
    tpu.wait_indirect_dma semaphore(%arg8 : memref<!tpu.dma_semaphore, #tpu.memory_space<semaphore_mem>>) src(%dma_wait3A_43 : memref<10000x32xf32, #tpu.memory_space<hbm>>) dst(%arg7 : memref<1000x32xf32, #tpu.memory_space<vmem>>)
    "tpu.region"() ({
      %run_scoped3A_66 = tpu.sem_alloc : memref<!tpu.dma_semaphore, #tpu.memory_space<semaphore_mem>>
      %dma_start3A_67 = arith.constant 0 : i32
      %dma_start3A_68 = tpu.memref_slice %arg5[%add3A_34, %dma_start3A_67] : memref<96000x32xf32, #tpu.memory_space<hbm>> -> memref<1000x32xf32, #tpu.memory_space<hbm>>
      %dma_start3A_69 = arith.constant 0 : i32
      %dma_start3A_70 = tpu.memref_slice %arg5[%add3A_34, %dma_start3A_69] : memref<96000x32xf32, #tpu.memory_space<hbm>> -> memref<1000x32xf32, #tpu.memory_space<hbm>>
      tpu.enqueue_dma source(%arg7 : memref<1000x32xf32, #tpu.memory_space<vmem>>) target(%dma_start3A_70 : memref<1000x32xf32, #tpu.memory_space<hbm>>) target_semaphore(%run_scoped3A_66 : memref<!tpu.dma_semaphore, #tpu.memory_space<semaphore_mem>>)
      %dma_wait3A_71 = arith.constant 0 : i32
      %dma_wait3A_72 = tpu.memref_slice %arg5[%add3A_34, %dma_wait3A_71] : memref<96000x32xf32, #tpu.memory_space<hbm>> -> memref<1000x32xf32, #tpu.memory_space<hbm>>
      %dma_wait3A_73 = arith.constant 0 : i32
      %dma_wait3A_74 = tpu.memref_slice %arg5[%add3A_34, %dma_wait3A_73] : memref<96000x32xf32, #tpu.memory_space<hbm>> -> memref<1000x32xf32, #tpu.memory_space<hbm>>
      tpu.wait_dma2 semaphore(%run_scoped3A_66 : memref<!tpu.dma_semaphore, #tpu.memory_space<semaphore_mem>>) src(%arg7 : memref<1000x32xf32, #tpu.memory_space<vmem>>) dst(%dma_wait3A_74 : memref<1000x32xf32, #tpu.memory_space<hbm>>)
      tpu.yield
    }) : () -> ()
    %add3A_44 = arith.constant 1000 : i32
    %add3A_45 = arith.addi %multiple_of3A, %add3A_44 : i32
    %add3A_46 = arith.constant 0 : i32
    %add3A_47 = arith.addi %add3A_46, %add3A_45 : i32
    %run_scoped3A_48 = arith.constant 1 : i32
    "tpu.region"() ({
      %run_scoped3A_66 = tpu.sem_alloc : memref<!tpu.dma_semaphore, #tpu.memory_space<semaphore_mem>>
      %dma_start3A_67 = tpu.memref_slice %arg3[%run_scoped3A_48, %add3A_47] : memref<2x160000xi32, #tpu.memory_space<hbm>> -> memref<1x1000xi32, #tpu.memory_space<hbm>>
      %dma_start3A_68 = tpu.memref_squeeze %dma_start3A_67 : memref<1x1000xi32, #tpu.memory_space<hbm>> -> memref<1000xi32, #tpu.memory_space<hbm>>
      %dma_start3A_69 = tpu.memref_slice %arg3[%run_scoped3A_48, %add3A_47] : memref<2x160000xi32, #tpu.memory_space<hbm>> -> memref<1x1000xi32, #tpu.memory_space<hbm>>
      %dma_start3A_70 = tpu.memref_squeeze %dma_start3A_69 : memref<1x1000xi32, #tpu.memory_space<hbm>> -> memref<1000xi32, #tpu.memory_space<hbm>>
      tpu.enqueue_dma source(%dma_start3A_70 : memref<1000xi32, #tpu.memory_space<hbm>>) target(%arg6 : memref<1000xi32, #tpu.memory_space<vmem>>) target_semaphore(%run_scoped3A_66 : memref<!tpu.dma_semaphore, #tpu.memory_space<semaphore_mem>>)
      %dma_wait3A_71 = tpu.memref_slice %arg3[%run_scoped3A_48, %add3A_47] : memref<2x160000xi32, #tpu.memory_space<hbm>> -> memref<1x1000xi32, #tpu.memory_space<hbm>>
      %dma_wait3A_72 = tpu.memref_squeeze %dma_wait3A_71 : memref<1x1000xi32, #tpu.memory_space<hbm>> -> memref<1000xi32, #tpu.memory_space<hbm>>
      %dma_wait3A_73 = tpu.memref_slice %arg3[%run_scoped3A_48, %add3A_47] : memref<2x160000xi32, #tpu.memory_space<hbm>> -> memref<1x1000xi32, #tpu.memory_space<hbm>>
      %dma_wait3A_74 = tpu.memref_squeeze %dma_wait3A_73 : memref<1x1000xi32, #tpu.memory_space<hbm>> -> memref<1000xi32, #tpu.memory_space<hbm>>
      tpu.wait_dma2 semaphore(%run_scoped3A_66 : memref<!tpu.dma_semaphore, #tpu.memory_space<semaphore_mem>>) src(%dma_wait3A_74 : memref<1000xi32, #tpu.memory_space<hbm>>) dst(%arg6 : memref<1000xi32, #tpu.memory_space<vmem>>)
      tpu.yield
    }) : () -> ()
    %dma_start3A_49 = arith.constant 0 : i32
    %dma_start3A_50 = arith.constant 0 : i32
    %dma_start3A_51 = tpu.memref_slice %arg2[%dma_start3A_49, %dma_start3A_50] : memref<10000x32xf32, #tpu.memory_space<hbm>> -> memref<10000x32xf32, #tpu.memory_space<hbm>>
    tpu.enqueue_indirect_dma source(%dma_start3A_51 : memref<10000x32xf32, #tpu.memory_space<hbm>>) target(%arg7 : memref<1000x32xf32, #tpu.memory_space<vmem>>) offsets(%arg6 : memref<1000xi32, #tpu.memory_space<vmem>>) semaphore(%arg8 : memref<!tpu.dma_semaphore, #tpu.memory_space<semaphore_mem>>)
    %dma_wait3A_52 = arith.constant 0 : i32
    %dma_wait3A_53 = arith.constant 0 : i32
    %dma_wait3A_54 = tpu.memref_slice %arg2[%dma_wait3A_52, %dma_wait3A_53] : memref<10000x32xf32, #tpu.memory_space<hbm>> -> memref<10000x32xf32, #tpu.memory_space<hbm>>
    tpu.wait_indirect_dma semaphore(%arg8 : memref<!tpu.dma_semaphore, #tpu.memory_space<semaphore_mem>>) src(%dma_wait3A_54 : memref<10000x32xf32, #tpu.memory_space<hbm>>) dst(%arg7 : memref<1000x32xf32, #tpu.memory_space<vmem>>)
    "tpu.region"() ({
      %run_scoped3A_66 = tpu.sem_alloc : memref<!tpu.dma_semaphore, #tpu.memory_space<semaphore_mem>>
      %dma_start3A_67 = arith.constant 0 : i32
      %dma_start3A_68 = tpu.memref_slice %arg5[%add3A_45, %dma_start3A_67] : memref<96000x32xf32, #tpu.memory_space<hbm>> -> memref<1000x32xf32, #tpu.memory_space<hbm>>
      %dma_start3A_69 = arith.constant 0 : i32
      %dma_start3A_70 = tpu.memref_slice %arg5[%add3A_45, %dma_start3A_69] : memref<96000x32xf32, #tpu.memory_space<hbm>> -> memref<1000x32xf32, #tpu.memory_space<hbm>>
      tpu.enqueue_dma source(%arg7 : memref<1000x32xf32, #tpu.memory_space<vmem>>) target(%dma_start3A_70 : memref<1000x32xf32, #tpu.memory_space<hbm>>) target_semaphore(%run_scoped3A_66 : memref<!tpu.dma_semaphore, #tpu.memory_space<semaphore_mem>>)
      %dma_wait3A_71 = arith.constant 0 : i32
      %dma_wait3A_72 = tpu.memref_slice %arg5[%add3A_45, %dma_wait3A_71] : memref<96000x32xf32, #tpu.memory_space<hbm>> -> memref<1000x32xf32, #tpu.memory_space<hbm>>
      %dma_wait3A_73 = arith.constant 0 : i32
      %dma_wait3A_74 = tpu.memref_slice %arg5[%add3A_45, %dma_wait3A_73] : memref<96000x32xf32, #tpu.memory_space<hbm>> -> memref<1000x32xf32, #tpu.memory_space<hbm>>
      tpu.wait_dma2 semaphore(%run_scoped3A_66 : memref<!tpu.dma_semaphore, #tpu.memory_space<semaphore_mem>>) src(%arg7 : memref<1000x32xf32, #tpu.memory_space<vmem>>) dst(%dma_wait3A_74 : memref<1000x32xf32, #tpu.memory_space<hbm>>)
      tpu.yield
    }) : () -> ()
    %add3A_55 = arith.constant 2000 : i32
    %add3A_56 = arith.addi %multiple_of3A, %add3A_55 : i32
    %add3A_57 = arith.constant 0 : i32
    %add3A_58 = arith.addi %add3A_57, %add3A_56 : i32
    %run_scoped3A_59 = arith.constant 1 : i32
    "tpu.region"() ({
      %run_scoped3A_66 = tpu.sem_alloc : memref<!tpu.dma_semaphore, #tpu.memory_space<semaphore_mem>>
      %dma_start3A_67 = tpu.memref_slice %arg3[%run_scoped3A_59, %add3A_58] : memref<2x160000xi32, #tpu.memory_space<hbm>> -> memref<1x1000xi32, #tpu.memory_space<hbm>>
      %dma_start3A_68 = tpu.memref_squeeze %dma_start3A_67 : memref<1x1000xi32, #tpu.memory_space<hbm>> -> memref<1000xi32, #tpu.memory_space<hbm>>
      %dma_start3A_69 = tpu.memref_slice %arg3[%run_scoped3A_59, %add3A_58] : memref<2x160000xi32, #tpu.memory_space<hbm>> -> memref<1x1000xi32, #tpu.memory_space<hbm>>
      %dma_start3A_70 = tpu.memref_squeeze %dma_start3A_69 : memref<1x1000xi32, #tpu.memory_space<hbm>> -> memref<1000xi32, #tpu.memory_space<hbm>>
      tpu.enqueue_dma source(%dma_start3A_70 : memref<1000xi32, #tpu.memory_space<hbm>>) target(%arg6 : memref<1000xi32, #tpu.memory_space<vmem>>) target_semaphore(%run_scoped3A_66 : memref<!tpu.dma_semaphore, #tpu.memory_space<semaphore_mem>>)
      %dma_wait3A_71 = tpu.memref_slice %arg3[%run_scoped3A_59, %add3A_58] : memref<2x160000xi32, #tpu.memory_space<hbm>> -> memref<1x1000xi32, #tpu.memory_space<hbm>>
      %dma_wait3A_72 = tpu.memref_squeeze %dma_wait3A_71 : memref<1x1000xi32, #tpu.memory_space<hbm>> -> memref<1000xi32, #tpu.memory_space<hbm>>
      %dma_wait3A_73 = tpu.memref_slice %arg3[%run_scoped3A_59, %add3A_58] : memref<2x160000xi32, #tpu.memory_space<hbm>> -> memref<1x1000xi32, #tpu.memory_space<hbm>>
      %dma_wait3A_74 = tpu.memref_squeeze %dma_wait3A_73 : memref<1x1000xi32, #tpu.memory_space<hbm>> -> memref<1000xi32, #tpu.memory_space<hbm>>
      tpu.wait_dma2 semaphore(%run_scoped3A_66 : memref<!tpu.dma_semaphore, #tpu.memory_space<semaphore_mem>>) src(%dma_wait3A_74 : memref<1000xi32, #tpu.memory_space<hbm>>) dst(%arg6 : memref<1000xi32, #tpu.memory_space<vmem>>)
      tpu.yield
    }) : () -> ()
    %dma_start3A_60 = arith.constant 0 : i32
    %dma_start3A_61 = arith.constant 0 : i32
    %dma_start3A_62 = tpu.memref_slice %arg2[%dma_start3A_60, %dma_start3A_61] : memref<10000x32xf32, #tpu.memory_space<hbm>> -> memref<10000x32xf32, #tpu.memory_space<hbm>>
    tpu.enqueue_indirect_dma source(%dma_start3A_62 : memref<10000x32xf32, #tpu.memory_space<hbm>>) target(%arg7 : memref<1000x32xf32, #tpu.memory_space<vmem>>) offsets(%arg6 : memref<1000xi32, #tpu.memory_space<vmem>>) semaphore(%arg8 : memref<!tpu.dma_semaphore, #tpu.memory_space<semaphore_mem>>)
    %dma_wait3A_63 = arith.constant 0 : i32
    %dma_wait3A_64 = arith.constant 0 : i32
    %dma_wait3A_65 = tpu.memref_slice %arg2[%dma_wait3A_63, %dma_wait3A_64] : memref<10000x32xf32, #tpu.memory_space<hbm>> -> memref<10000x32xf32, #tpu.memory_space<hbm>>
    tpu.wait_indirect_dma semaphore(%arg8 : memref<!tpu.dma_semaphore, #tpu.memory_space<semaphore_mem>>) src(%dma_wait3A_65 : memref<10000x32xf32, #tpu.memory_space<hbm>>) dst(%arg7 : memref<1000x32xf32, #tpu.memory_space<vmem>>)
    "tpu.region"() ({
      %run_scoped3A_66 = tpu.sem_alloc : memref<!tpu.dma_semaphore, #tpu.memory_space<semaphore_mem>>
      %dma_start3A_67 = arith.constant 0 : i32
      %dma_start3A_68 = tpu.memref_slice %arg5[%add3A_56, %dma_start3A_67] : memref<96000x32xf32, #tpu.memory_space<hbm>> -> memref<1000x32xf32, #tpu.memory_space<hbm>>
      %dma_start3A_69 = arith.constant 0 : i32
      %dma_start3A_70 = tpu.memref_slice %arg5[%add3A_56, %dma_start3A_69] : memref<96000x32xf32, #tpu.memory_space<hbm>> -> memref<1000x32xf32, #tpu.memory_space<hbm>>
      tpu.enqueue_dma source(%arg7 : memref<1000x32xf32, #tpu.memory_space<vmem>>) target(%dma_start3A_70 : memref<1000x32xf32, #tpu.memory_space<hbm>>) target_semaphore(%run_scoped3A_66 : memref<!tpu.dma_semaphore, #tpu.memory_space<semaphore_mem>>)
      %dma_wait3A_71 = arith.constant 0 : i32
      %dma_wait3A_72 = tpu.memref_slice %arg5[%add3A_56, %dma_wait3A_71] : memref<96000x32xf32, #tpu.memory_space<hbm>> -> memref<1000x32xf32, #tpu.memory_space<hbm>>
      %dma_wait3A_73 = arith.constant 0 : i32
      %dma_wait3A_74 = tpu.memref_slice %arg5[%add3A_56, %dma_wait3A_73] : memref<96000x32xf32, #tpu.memory_space<hbm>> -> memref<1000x32xf32, #tpu.memory_space<hbm>>
      tpu.wait_dma2 semaphore(%run_scoped3A_66 : memref<!tpu.dma_semaphore, #tpu.memory_space<semaphore_mem>>) src(%arg7 : memref<1000x32xf32, #tpu.memory_space<vmem>>) dst(%dma_wait3A_74 : memref<1000x32xf32, #tpu.memory_space<hbm>>)
      tpu.yield
    }) : () -> ()
    return
  }
}

#map = affine_map<(d0, d1) -> (0, 0)>
module attributes {stable_mosaic.version = 14 : i64} {
  func.func @gk(%arg0: i32, %arg1: i32, %arg2: memref<10000x32xf32, #tpu.memory_space<hbm>>, %arg3: memref<2x160000xi32, #tpu.memory_space<hbm>>, %arg4: memref<64000x32xf32, #tpu.memory_space<hbm>>, %arg5: memref<64000x32xf32, #tpu.memory_space<hbm>>, %arg6: memref<1000xi32, #tpu.memory_space<vmem>>, %arg7: memref<1000x32xf32, #tpu.memory_space<vmem>>, %arg8: memref<!tpu.dma_semaphore, #tpu.memory_space<semaphore_mem>>) attributes {dimension_semantics = [#tpu.dimension_semantics<core_parallel>, #tpu.dimension_semantics<subcore_parallel>], iteration_bounds = array<i64: 2, 16>, scalar_prefetch = 0 : i64, scratch_operands = 3 : i64, tpu.core_type = #tpu.core_type<sc_vector_subcore>, window_params = [{transform_indices = #map}, {transform_indices = #map}, {transform_indices = #map}, {transform_indices = #map}]} {
    %mul3A = arith.constant 2 : i32
    %mul3A_0 = arith.muli %arg1, %mul3A : i32
    %add3A = arith.addi %mul3A_0, %arg0 : i32
    %mul3A_1 = arith.constant 2000 : i32
    %mul3A_2 = arith.muli %add3A, %mul3A_1 : i32
    %multiple_of3A = tpu.assume_multiple %mul3A_2, 8 : i32
    %add3A_3 = arith.constant 0 : i32
    %add3A_4 = arith.addi %multiple_of3A, %add3A_3 : i32
    %add3A_5 = arith.constant 96000 : i32
    %add3A_6 = arith.addi %add3A_5, %add3A_4 : i32
    %run_scoped3A = arith.constant 0 : i32
    "tpu.region"() ({
      %run_scoped3A_44 = tpu.sem_alloc : memref<!tpu.dma_semaphore, #tpu.memory_space<semaphore_mem>>
      %dma_start3A_45 = tpu.memref_slice %arg3[%run_scoped3A, %add3A_6] : memref<2x160000xi32, #tpu.memory_space<hbm>> -> memref<1x1000xi32, #tpu.memory_space<hbm>>
      %dma_start3A_46 = tpu.memref_squeeze %dma_start3A_45 : memref<1x1000xi32, #tpu.memory_space<hbm>> -> memref<1000xi32, #tpu.memory_space<hbm>>
      %dma_start3A_47 = tpu.memref_slice %arg3[%run_scoped3A, %add3A_6] : memref<2x160000xi32, #tpu.memory_space<hbm>> -> memref<1x1000xi32, #tpu.memory_space<hbm>>
      %dma_start3A_48 = tpu.memref_squeeze %dma_start3A_47 : memref<1x1000xi32, #tpu.memory_space<hbm>> -> memref<1000xi32, #tpu.memory_space<hbm>>
      tpu.enqueue_dma source(%dma_start3A_48 : memref<1000xi32, #tpu.memory_space<hbm>>) target(%arg6 : memref<1000xi32, #tpu.memory_space<vmem>>) target_semaphore(%run_scoped3A_44 : memref<!tpu.dma_semaphore, #tpu.memory_space<semaphore_mem>>)
      %dma_wait3A_49 = tpu.memref_slice %arg3[%run_scoped3A, %add3A_6] : memref<2x160000xi32, #tpu.memory_space<hbm>> -> memref<1x1000xi32, #tpu.memory_space<hbm>>
      %dma_wait3A_50 = tpu.memref_squeeze %dma_wait3A_49 : memref<1x1000xi32, #tpu.memory_space<hbm>> -> memref<1000xi32, #tpu.memory_space<hbm>>
      %dma_wait3A_51 = tpu.memref_slice %arg3[%run_scoped3A, %add3A_6] : memref<2x160000xi32, #tpu.memory_space<hbm>> -> memref<1x1000xi32, #tpu.memory_space<hbm>>
      %dma_wait3A_52 = tpu.memref_squeeze %dma_wait3A_51 : memref<1x1000xi32, #tpu.memory_space<hbm>> -> memref<1000xi32, #tpu.memory_space<hbm>>
      tpu.wait_dma2 semaphore(%run_scoped3A_44 : memref<!tpu.dma_semaphore, #tpu.memory_space<semaphore_mem>>) src(%dma_wait3A_52 : memref<1000xi32, #tpu.memory_space<hbm>>) dst(%arg6 : memref<1000xi32, #tpu.memory_space<vmem>>)
      tpu.yield
    }) : () -> ()
    %dma_start3A = arith.constant 0 : i32
    %dma_start3A_7 = arith.constant 0 : i32
    %dma_start3A_8 = tpu.memref_slice %arg2[%dma_start3A, %dma_start3A_7] : memref<10000x32xf32, #tpu.memory_space<hbm>> -> memref<10000x32xf32, #tpu.memory_space<hbm>>
    tpu.enqueue_indirect_dma source(%dma_start3A_8 : memref<10000x32xf32, #tpu.memory_space<hbm>>) target(%arg7 : memref<1000x32xf32, #tpu.memory_space<vmem>>) offsets(%arg6 : memref<1000xi32, #tpu.memory_space<vmem>>) semaphore(%arg8 : memref<!tpu.dma_semaphore, #tpu.memory_space<semaphore_mem>>)
    %dma_wait3A = arith.constant 0 : i32
    %dma_wait3A_9 = arith.constant 0 : i32
    %dma_wait3A_10 = tpu.memref_slice %arg2[%dma_wait3A, %dma_wait3A_9] : memref<10000x32xf32, #tpu.memory_space<hbm>> -> memref<10000x32xf32, #tpu.memory_space<hbm>>
    tpu.wait_indirect_dma semaphore(%arg8 : memref<!tpu.dma_semaphore, #tpu.memory_space<semaphore_mem>>) src(%dma_wait3A_10 : memref<10000x32xf32, #tpu.memory_space<hbm>>) dst(%arg7 : memref<1000x32xf32, #tpu.memory_space<vmem>>)
    "tpu.region"() ({
      %run_scoped3A_44 = tpu.sem_alloc : memref<!tpu.dma_semaphore, #tpu.memory_space<semaphore_mem>>
      %dma_start3A_45 = arith.constant 0 : i32
      %dma_start3A_46 = tpu.memref_slice %arg4[%add3A_4, %dma_start3A_45] : memref<64000x32xf32, #tpu.memory_space<hbm>> -> memref<1000x32xf32, #tpu.memory_space<hbm>>
      %dma_start3A_47 = arith.constant 0 : i32
      %dma_start3A_48 = tpu.memref_slice %arg4[%add3A_4, %dma_start3A_47] : memref<64000x32xf32, #tpu.memory_space<hbm>> -> memref<1000x32xf32, #tpu.memory_space<hbm>>
      tpu.enqueue_dma source(%arg7 : memref<1000x32xf32, #tpu.memory_space<vmem>>) target(%dma_start3A_48 : memref<1000x32xf32, #tpu.memory_space<hbm>>) target_semaphore(%run_scoped3A_44 : memref<!tpu.dma_semaphore, #tpu.memory_space<semaphore_mem>>)
      %dma_wait3A_49 = arith.constant 0 : i32
      %dma_wait3A_50 = tpu.memref_slice %arg4[%add3A_4, %dma_wait3A_49] : memref<64000x32xf32, #tpu.memory_space<hbm>> -> memref<1000x32xf32, #tpu.memory_space<hbm>>
      %dma_wait3A_51 = arith.constant 0 : i32
      %dma_wait3A_52 = tpu.memref_slice %arg4[%add3A_4, %dma_wait3A_51] : memref<64000x32xf32, #tpu.memory_space<hbm>> -> memref<1000x32xf32, #tpu.memory_space<hbm>>
      tpu.wait_dma2 semaphore(%run_scoped3A_44 : memref<!tpu.dma_semaphore, #tpu.memory_space<semaphore_mem>>) src(%arg7 : memref<1000x32xf32, #tpu.memory_space<vmem>>) dst(%dma_wait3A_52 : memref<1000x32xf32, #tpu.memory_space<hbm>>)
      tpu.yield
    }) : () -> ()
    %add3A_11 = arith.constant 1000 : i32
    %add3A_12 = arith.addi %multiple_of3A, %add3A_11 : i32
    %add3A_13 = arith.constant 96000 : i32
    %add3A_14 = arith.addi %add3A_13, %add3A_12 : i32
    %run_scoped3A_15 = arith.constant 0 : i32
    "tpu.region"() ({
      %run_scoped3A_44 = tpu.sem_alloc : memref<!tpu.dma_semaphore, #tpu.memory_space<semaphore_mem>>
      %dma_start3A_45 = tpu.memref_slice %arg3[%run_scoped3A_15, %add3A_14] : memref<2x160000xi32, #tpu.memory_space<hbm>> -> memref<1x1000xi32, #tpu.memory_space<hbm>>
      %dma_start3A_46 = tpu.memref_squeeze %dma_start3A_45 : memref<1x1000xi32, #tpu.memory_space<hbm>> -> memref<1000xi32, #tpu.memory_space<hbm>>
      %dma_start3A_47 = tpu.memref_slice %arg3[%run_scoped3A_15, %add3A_14] : memref<2x160000xi32, #tpu.memory_space<hbm>> -> memref<1x1000xi32, #tpu.memory_space<hbm>>
      %dma_start3A_48 = tpu.memref_squeeze %dma_start3A_47 : memref<1x1000xi32, #tpu.memory_space<hbm>> -> memref<1000xi32, #tpu.memory_space<hbm>>
      tpu.enqueue_dma source(%dma_start3A_48 : memref<1000xi32, #tpu.memory_space<hbm>>) target(%arg6 : memref<1000xi32, #tpu.memory_space<vmem>>) target_semaphore(%run_scoped3A_44 : memref<!tpu.dma_semaphore, #tpu.memory_space<semaphore_mem>>)
      %dma_wait3A_49 = tpu.memref_slice %arg3[%run_scoped3A_15, %add3A_14] : memref<2x160000xi32, #tpu.memory_space<hbm>> -> memref<1x1000xi32, #tpu.memory_space<hbm>>
      %dma_wait3A_50 = tpu.memref_squeeze %dma_wait3A_49 : memref<1x1000xi32, #tpu.memory_space<hbm>> -> memref<1000xi32, #tpu.memory_space<hbm>>
      %dma_wait3A_51 = tpu.memref_slice %arg3[%run_scoped3A_15, %add3A_14] : memref<2x160000xi32, #tpu.memory_space<hbm>> -> memref<1x1000xi32, #tpu.memory_space<hbm>>
      %dma_wait3A_52 = tpu.memref_squeeze %dma_wait3A_51 : memref<1x1000xi32, #tpu.memory_space<hbm>> -> memref<1000xi32, #tpu.memory_space<hbm>>
      tpu.wait_dma2 semaphore(%run_scoped3A_44 : memref<!tpu.dma_semaphore, #tpu.memory_space<semaphore_mem>>) src(%dma_wait3A_52 : memref<1000xi32, #tpu.memory_space<hbm>>) dst(%arg6 : memref<1000xi32, #tpu.memory_space<vmem>>)
      tpu.yield
    }) : () -> ()
    %dma_start3A_16 = arith.constant 0 : i32
    %dma_start3A_17 = arith.constant 0 : i32
    %dma_start3A_18 = tpu.memref_slice %arg2[%dma_start3A_16, %dma_start3A_17] : memref<10000x32xf32, #tpu.memory_space<hbm>> -> memref<10000x32xf32, #tpu.memory_space<hbm>>
    tpu.enqueue_indirect_dma source(%dma_start3A_18 : memref<10000x32xf32, #tpu.memory_space<hbm>>) target(%arg7 : memref<1000x32xf32, #tpu.memory_space<vmem>>) offsets(%arg6 : memref<1000xi32, #tpu.memory_space<vmem>>) semaphore(%arg8 : memref<!tpu.dma_semaphore, #tpu.memory_space<semaphore_mem>>)
    %dma_wait3A_19 = arith.constant 0 : i32
    %dma_wait3A_20 = arith.constant 0 : i32
    %dma_wait3A_21 = tpu.memref_slice %arg2[%dma_wait3A_19, %dma_wait3A_20] : memref<10000x32xf32, #tpu.memory_space<hbm>> -> memref<10000x32xf32, #tpu.memory_space<hbm>>
    tpu.wait_indirect_dma semaphore(%arg8 : memref<!tpu.dma_semaphore, #tpu.memory_space<semaphore_mem>>) src(%dma_wait3A_21 : memref<10000x32xf32, #tpu.memory_space<hbm>>) dst(%arg7 : memref<1000x32xf32, #tpu.memory_space<vmem>>)
    "tpu.region"() ({
      %run_scoped3A_44 = tpu.sem_alloc : memref<!tpu.dma_semaphore, #tpu.memory_space<semaphore_mem>>
      %dma_start3A_45 = arith.constant 0 : i32
      %dma_start3A_46 = tpu.memref_slice %arg4[%add3A_12, %dma_start3A_45] : memref<64000x32xf32, #tpu.memory_space<hbm>> -> memref<1000x32xf32, #tpu.memory_space<hbm>>
      %dma_start3A_47 = arith.constant 0 : i32
      %dma_start3A_48 = tpu.memref_slice %arg4[%add3A_12, %dma_start3A_47] : memref<64000x32xf32, #tpu.memory_space<hbm>> -> memref<1000x32xf32, #tpu.memory_space<hbm>>
      tpu.enqueue_dma source(%arg7 : memref<1000x32xf32, #tpu.memory_space<vmem>>) target(%dma_start3A_48 : memref<1000x32xf32, #tpu.memory_space<hbm>>) target_semaphore(%run_scoped3A_44 : memref<!tpu.dma_semaphore, #tpu.memory_space<semaphore_mem>>)
      %dma_wait3A_49 = arith.constant 0 : i32
      %dma_wait3A_50 = tpu.memref_slice %arg4[%add3A_12, %dma_wait3A_49] : memref<64000x32xf32, #tpu.memory_space<hbm>> -> memref<1000x32xf32, #tpu.memory_space<hbm>>
      %dma_wait3A_51 = arith.constant 0 : i32
      %dma_wait3A_52 = tpu.memref_slice %arg4[%add3A_12, %dma_wait3A_51] : memref<64000x32xf32, #tpu.memory_space<hbm>> -> memref<1000x32xf32, #tpu.memory_space<hbm>>
      tpu.wait_dma2 semaphore(%run_scoped3A_44 : memref<!tpu.dma_semaphore, #tpu.memory_space<semaphore_mem>>) src(%arg7 : memref<1000x32xf32, #tpu.memory_space<vmem>>) dst(%dma_wait3A_52 : memref<1000x32xf32, #tpu.memory_space<hbm>>)
      tpu.yield
    }) : () -> ()
    %add3A_22 = arith.constant 0 : i32
    %add3A_23 = arith.addi %multiple_of3A, %add3A_22 : i32
    %add3A_24 = arith.constant 96000 : i32
    %add3A_25 = arith.addi %add3A_24, %add3A_23 : i32
    %run_scoped3A_26 = arith.constant 1 : i32
    "tpu.region"() ({
      %run_scoped3A_44 = tpu.sem_alloc : memref<!tpu.dma_semaphore, #tpu.memory_space<semaphore_mem>>
      %dma_start3A_45 = tpu.memref_slice %arg3[%run_scoped3A_26, %add3A_25] : memref<2x160000xi32, #tpu.memory_space<hbm>> -> memref<1x1000xi32, #tpu.memory_space<hbm>>
      %dma_start3A_46 = tpu.memref_squeeze %dma_start3A_45 : memref<1x1000xi32, #tpu.memory_space<hbm>> -> memref<1000xi32, #tpu.memory_space<hbm>>
      %dma_start3A_47 = tpu.memref_slice %arg3[%run_scoped3A_26, %add3A_25] : memref<2x160000xi32, #tpu.memory_space<hbm>> -> memref<1x1000xi32, #tpu.memory_space<hbm>>
      %dma_start3A_48 = tpu.memref_squeeze %dma_start3A_47 : memref<1x1000xi32, #tpu.memory_space<hbm>> -> memref<1000xi32, #tpu.memory_space<hbm>>
      tpu.enqueue_dma source(%dma_start3A_48 : memref<1000xi32, #tpu.memory_space<hbm>>) target(%arg6 : memref<1000xi32, #tpu.memory_space<vmem>>) target_semaphore(%run_scoped3A_44 : memref<!tpu.dma_semaphore, #tpu.memory_space<semaphore_mem>>)
      %dma_wait3A_49 = tpu.memref_slice %arg3[%run_scoped3A_26, %add3A_25] : memref<2x160000xi32, #tpu.memory_space<hbm>> -> memref<1x1000xi32, #tpu.memory_space<hbm>>
      %dma_wait3A_50 = tpu.memref_squeeze %dma_wait3A_49 : memref<1x1000xi32, #tpu.memory_space<hbm>> -> memref<1000xi32, #tpu.memory_space<hbm>>
      %dma_wait3A_51 = tpu.memref_slice %arg3[%run_scoped3A_26, %add3A_25] : memref<2x160000xi32, #tpu.memory_space<hbm>> -> memref<1x1000xi32, #tpu.memory_space<hbm>>
      %dma_wait3A_52 = tpu.memref_squeeze %dma_wait3A_51 : memref<1x1000xi32, #tpu.memory_space<hbm>> -> memref<1000xi32, #tpu.memory_space<hbm>>
      tpu.wait_dma2 semaphore(%run_scoped3A_44 : memref<!tpu.dma_semaphore, #tpu.memory_space<semaphore_mem>>) src(%dma_wait3A_52 : memref<1000xi32, #tpu.memory_space<hbm>>) dst(%arg6 : memref<1000xi32, #tpu.memory_space<vmem>>)
      tpu.yield
    }) : () -> ()
    %dma_start3A_27 = arith.constant 0 : i32
    %dma_start3A_28 = arith.constant 0 : i32
    %dma_start3A_29 = tpu.memref_slice %arg2[%dma_start3A_27, %dma_start3A_28] : memref<10000x32xf32, #tpu.memory_space<hbm>> -> memref<10000x32xf32, #tpu.memory_space<hbm>>
    tpu.enqueue_indirect_dma source(%dma_start3A_29 : memref<10000x32xf32, #tpu.memory_space<hbm>>) target(%arg7 : memref<1000x32xf32, #tpu.memory_space<vmem>>) offsets(%arg6 : memref<1000xi32, #tpu.memory_space<vmem>>) semaphore(%arg8 : memref<!tpu.dma_semaphore, #tpu.memory_space<semaphore_mem>>)
    %dma_wait3A_30 = arith.constant 0 : i32
    %dma_wait3A_31 = arith.constant 0 : i32
    %dma_wait3A_32 = tpu.memref_slice %arg2[%dma_wait3A_30, %dma_wait3A_31] : memref<10000x32xf32, #tpu.memory_space<hbm>> -> memref<10000x32xf32, #tpu.memory_space<hbm>>
    tpu.wait_indirect_dma semaphore(%arg8 : memref<!tpu.dma_semaphore, #tpu.memory_space<semaphore_mem>>) src(%dma_wait3A_32 : memref<10000x32xf32, #tpu.memory_space<hbm>>) dst(%arg7 : memref<1000x32xf32, #tpu.memory_space<vmem>>)
    "tpu.region"() ({
      %run_scoped3A_44 = tpu.sem_alloc : memref<!tpu.dma_semaphore, #tpu.memory_space<semaphore_mem>>
      %dma_start3A_45 = arith.constant 0 : i32
      %dma_start3A_46 = tpu.memref_slice %arg5[%add3A_23, %dma_start3A_45] : memref<64000x32xf32, #tpu.memory_space<hbm>> -> memref<1000x32xf32, #tpu.memory_space<hbm>>
      %dma_start3A_47 = arith.constant 0 : i32
      %dma_start3A_48 = tpu.memref_slice %arg5[%add3A_23, %dma_start3A_47] : memref<64000x32xf32, #tpu.memory_space<hbm>> -> memref<1000x32xf32, #tpu.memory_space<hbm>>
      tpu.enqueue_dma source(%arg7 : memref<1000x32xf32, #tpu.memory_space<vmem>>) target(%dma_start3A_48 : memref<1000x32xf32, #tpu.memory_space<hbm>>) target_semaphore(%run_scoped3A_44 : memref<!tpu.dma_semaphore, #tpu.memory_space<semaphore_mem>>)
      %dma_wait3A_49 = arith.constant 0 : i32
      %dma_wait3A_50 = tpu.memref_slice %arg5[%add3A_23, %dma_wait3A_49] : memref<64000x32xf32, #tpu.memory_space<hbm>> -> memref<1000x32xf32, #tpu.memory_space<hbm>>
      %dma_wait3A_51 = arith.constant 0 : i32
      %dma_wait3A_52 = tpu.memref_slice %arg5[%add3A_23, %dma_wait3A_51] : memref<64000x32xf32, #tpu.memory_space<hbm>> -> memref<1000x32xf32, #tpu.memory_space<hbm>>
      tpu.wait_dma2 semaphore(%run_scoped3A_44 : memref<!tpu.dma_semaphore, #tpu.memory_space<semaphore_mem>>) src(%arg7 : memref<1000x32xf32, #tpu.memory_space<vmem>>) dst(%dma_wait3A_52 : memref<1000x32xf32, #tpu.memory_space<hbm>>)
      tpu.yield
    }) : () -> ()
    %add3A_33 = arith.constant 1000 : i32
    %add3A_34 = arith.addi %multiple_of3A, %add3A_33 : i32
    %add3A_35 = arith.constant 96000 : i32
    %add3A_36 = arith.addi %add3A_35, %add3A_34 : i32
    %run_scoped3A_37 = arith.constant 1 : i32
    "tpu.region"() ({
      %run_scoped3A_44 = tpu.sem_alloc : memref<!tpu.dma_semaphore, #tpu.memory_space<semaphore_mem>>
      %dma_start3A_45 = tpu.memref_slice %arg3[%run_scoped3A_37, %add3A_36] : memref<2x160000xi32, #tpu.memory_space<hbm>> -> memref<1x1000xi32, #tpu.memory_space<hbm>>
      %dma_start3A_46 = tpu.memref_squeeze %dma_start3A_45 : memref<1x1000xi32, #tpu.memory_space<hbm>> -> memref<1000xi32, #tpu.memory_space<hbm>>
      %dma_start3A_47 = tpu.memref_slice %arg3[%run_scoped3A_37, %add3A_36] : memref<2x160000xi32, #tpu.memory_space<hbm>> -> memref<1x1000xi32, #tpu.memory_space<hbm>>
      %dma_start3A_48 = tpu.memref_squeeze %dma_start3A_47 : memref<1x1000xi32, #tpu.memory_space<hbm>> -> memref<1000xi32, #tpu.memory_space<hbm>>
      tpu.enqueue_dma source(%dma_start3A_48 : memref<1000xi32, #tpu.memory_space<hbm>>) target(%arg6 : memref<1000xi32, #tpu.memory_space<vmem>>) target_semaphore(%run_scoped3A_44 : memref<!tpu.dma_semaphore, #tpu.memory_space<semaphore_mem>>)
      %dma_wait3A_49 = tpu.memref_slice %arg3[%run_scoped3A_37, %add3A_36] : memref<2x160000xi32, #tpu.memory_space<hbm>> -> memref<1x1000xi32, #tpu.memory_space<hbm>>
      %dma_wait3A_50 = tpu.memref_squeeze %dma_wait3A_49 : memref<1x1000xi32, #tpu.memory_space<hbm>> -> memref<1000xi32, #tpu.memory_space<hbm>>
      %dma_wait3A_51 = tpu.memref_slice %arg3[%run_scoped3A_37, %add3A_36] : memref<2x160000xi32, #tpu.memory_space<hbm>> -> memref<1x1000xi32, #tpu.memory_space<hbm>>
      %dma_wait3A_52 = tpu.memref_squeeze %dma_wait3A_51 : memref<1x1000xi32, #tpu.memory_space<hbm>> -> memref<1000xi32, #tpu.memory_space<hbm>>
      tpu.wait_dma2 semaphore(%run_scoped3A_44 : memref<!tpu.dma_semaphore, #tpu.memory_space<semaphore_mem>>) src(%dma_wait3A_52 : memref<1000xi32, #tpu.memory_space<hbm>>) dst(%arg6 : memref<1000xi32, #tpu.memory_space<vmem>>)
      tpu.yield
    }) : () -> ()
    %dma_start3A_38 = arith.constant 0 : i32
    %dma_start3A_39 = arith.constant 0 : i32
    %dma_start3A_40 = tpu.memref_slice %arg2[%dma_start3A_38, %dma_start3A_39] : memref<10000x32xf32, #tpu.memory_space<hbm>> -> memref<10000x32xf32, #tpu.memory_space<hbm>>
    tpu.enqueue_indirect_dma source(%dma_start3A_40 : memref<10000x32xf32, #tpu.memory_space<hbm>>) target(%arg7 : memref<1000x32xf32, #tpu.memory_space<vmem>>) offsets(%arg6 : memref<1000xi32, #tpu.memory_space<vmem>>) semaphore(%arg8 : memref<!tpu.dma_semaphore, #tpu.memory_space<semaphore_mem>>)
    %dma_wait3A_41 = arith.constant 0 : i32
    %dma_wait3A_42 = arith.constant 0 : i32
    %dma_wait3A_43 = tpu.memref_slice %arg2[%dma_wait3A_41, %dma_wait3A_42] : memref<10000x32xf32, #tpu.memory_space<hbm>> -> memref<10000x32xf32, #tpu.memory_space<hbm>>
    tpu.wait_indirect_dma semaphore(%arg8 : memref<!tpu.dma_semaphore, #tpu.memory_space<semaphore_mem>>) src(%dma_wait3A_43 : memref<10000x32xf32, #tpu.memory_space<hbm>>) dst(%arg7 : memref<1000x32xf32, #tpu.memory_space<vmem>>)
    "tpu.region"() ({
      %run_scoped3A_44 = tpu.sem_alloc : memref<!tpu.dma_semaphore, #tpu.memory_space<semaphore_mem>>
      %dma_start3A_45 = arith.constant 0 : i32
      %dma_start3A_46 = tpu.memref_slice %arg5[%add3A_34, %dma_start3A_45] : memref<64000x32xf32, #tpu.memory_space<hbm>> -> memref<1000x32xf32, #tpu.memory_space<hbm>>
      %dma_start3A_47 = arith.constant 0 : i32
      %dma_start3A_48 = tpu.memref_slice %arg5[%add3A_34, %dma_start3A_47] : memref<64000x32xf32, #tpu.memory_space<hbm>> -> memref<1000x32xf32, #tpu.memory_space<hbm>>
      tpu.enqueue_dma source(%arg7 : memref<1000x32xf32, #tpu.memory_space<vmem>>) target(%dma_start3A_48 : memref<1000x32xf32, #tpu.memory_space<hbm>>) target_semaphore(%run_scoped3A_44 : memref<!tpu.dma_semaphore, #tpu.memory_space<semaphore_mem>>)
      %dma_wait3A_49 = arith.constant 0 : i32
      %dma_wait3A_50 = tpu.memref_slice %arg5[%add3A_34, %dma_wait3A_49] : memref<64000x32xf32, #tpu.memory_space<hbm>> -> memref<1000x32xf32, #tpu.memory_space<hbm>>
      %dma_wait3A_51 = arith.constant 0 : i32
      %dma_wait3A_52 = tpu.memref_slice %arg5[%add3A_34, %dma_wait3A_51] : memref<64000x32xf32, #tpu.memory_space<hbm>> -> memref<1000x32xf32, #tpu.memory_space<hbm>>
      tpu.wait_dma2 semaphore(%run_scoped3A_44 : memref<!tpu.dma_semaphore, #tpu.memory_space<semaphore_mem>>) src(%arg7 : memref<1000x32xf32, #tpu.memory_space<vmem>>) dst(%dma_wait3A_52 : memref<1000x32xf32, #tpu.memory_space<hbm>>)
      tpu.yield
    }) : () -> ()
    return
  }
}

module attributes {stable_mosaic.version = 14 : i64} {
  func.func @_prep_body(%arg0: memref<10000x16xf32, #tpu.memory_space<vmem>>, %arg1: memref<1x16xf32, #tpu.memory_space<vmem>>, %arg2: memref<1x16xf32, #tpu.memory_space<vmem>>, %arg3: memref<16x32xf32, #tpu.memory_space<vmem>>, %arg4: memref<1x32xf32, #tpu.memory_space<vmem>>, %arg5: memref<10000x16xf32, #tpu.memory_space<vmem>>, %arg6: memref<10000x32xf32, #tpu.memory_space<vmem>>) attributes {dimension_semantics = [], scalar_prefetch = 0 : i64, scratch_operands = 0 : i64, tpu.core_type = #tpu.core_type<tc>} {
    %get3A = arith.constant 0 : index
    %get3A_0 = arith.constant 0 : index
    %get3A_1 = vector.load %arg0[%get3A, %get3A_0] : memref<10000x16xf32, #tpu.memory_space<vmem>>, vector<10000x16xf32>
    %reduce_sum3A = arith.constant dense<0.000000e+00> : vector<16xf32>
    %reduce_sum3A_2 = vector.multi_reduction <add>, %get3A_1, %reduce_sum3A [0] : vector<10000x16xf32> to vector<16xf32>
    %broadcast_in_dim3A = vector.shape_cast %reduce_sum3A_2 : vector<16xf32> to vector<1x16xf32>
    %div3A = arith.constant 1.000000e+04 : f32
    %div3A_3 = vector.broadcast %div3A : f32 to vector<1x16xf32>
    %div3A_4 = arith.divf %broadcast_in_dim3A, %div3A_3 : vector<1x16xf32>
    %sub3A = vector.broadcast %div3A_4 : vector<1x16xf32> to vector<10000x16xf32>
    %sub3A_5 = arith.subf %get3A_1, %sub3A : vector<10000x16xf32>
    %mul3A = arith.mulf %sub3A_5, %sub3A_5 : vector<10000x16xf32>
    %reduce_sum3A_6 = arith.constant dense<0.000000e+00> : vector<16xf32>
    %reduce_sum3A_7 = vector.multi_reduction <add>, %mul3A, %reduce_sum3A_6 [0] : vector<10000x16xf32> to vector<16xf32>
    %broadcast_in_dim3A_8 = vector.shape_cast %reduce_sum3A_7 : vector<16xf32> to vector<1x16xf32>
    %div3A_9 = arith.constant 1.000000e+04 : f32
    %div3A_10 = vector.broadcast %div3A_9 : f32 to vector<1x16xf32>
    %div3A_11 = arith.divf %broadcast_in_dim3A_8, %div3A_10 : vector<1x16xf32>
    %get3A_12 = arith.constant 0 : index
    %get3A_13 = arith.constant 0 : index
    %get3A_14 = vector.load %arg1[%get3A_12, %get3A_13] : memref<1x16xf32, #tpu.memory_space<vmem>>, vector<1x16xf32>
    %mul3A_15 = vector.broadcast %get3A_14 : vector<1x16xf32> to vector<10000x16xf32>
    %mul3A_16 = arith.mulf %mul3A_15, %sub3A_5 : vector<10000x16xf32>
    %add3A = arith.constant 9.99999974E-6 : f32
    %add3A_17 = vector.broadcast %add3A : f32 to vector<1x16xf32>
    %add3A_18 = arith.addf %div3A_11, %add3A_17 : vector<1x16xf32>
    %rsqrt3A = math.rsqrt %add3A_18 : vector<1x16xf32>
    %mul3A_19 = vector.broadcast %rsqrt3A : vector<1x16xf32> to vector<10000x16xf32>
    %mul3A_20 = arith.mulf %mul3A_16, %mul3A_19 : vector<10000x16xf32>
    %get3A_21 = arith.constant 0 : index
    %get3A_22 = arith.constant 0 : index
    %get3A_23 = vector.load %arg2[%get3A_21, %get3A_22] : memref<1x16xf32, #tpu.memory_space<vmem>>, vector<1x16xf32>
    %add3A_24 = vector.broadcast %get3A_23 : vector<1x16xf32> to vector<10000x16xf32>
    %add3A_25 = arith.addf %mul3A_20, %add3A_24 : vector<10000x16xf32>
    %swap3A = arith.constant 0 : index
    %swap3A_26 = arith.constant 0 : index
    %swap3A_27 = vector.load %arg5[%swap3A, %swap3A_26] : memref<10000x16xf32, #tpu.memory_space<vmem>>, vector<10000x16xf32>
    tpu.vector_store %arg5[%swap3A, %swap3A_26], %add3A_25 {strides = array<i32>} : memref<10000x16xf32, #tpu.memory_space<vmem>>, vector<10000x16xf32>,
    %get3A_28 = arith.constant 0 : index
    %get3A_29 = arith.constant 0 : index
    %get3A_30 = vector.load %arg3[%get3A_28, %get3A_29] : memref<16x32xf32, #tpu.memory_space<vmem>>, vector<16x32xf32>
    %dot_general3A = arith.constant dense<0.000000e+00> : vector<10000x32xf32>
    %dot_general3A_31 = tpu.matmul %add3A_25, %get3A_30, %dot_general3A {dimension_numbers = #tpu.dot_dimension_numbers<[1], [0], [0], [1], [0, 0, 1, 1], [], []>, transpose_lhs_hint = false} : vector<10000x16xf32>, vector<16x32xf32>, vector<10000x32xf32> -> vector<10000x32xf32>
    %get3A_32 = arith.constant 0 : index
    %get3A_33 = arith.constant 0 : index
    %get3A_34 = vector.load %arg4[%get3A_32, %get3A_33] : memref<1x32xf32, #tpu.memory_space<vmem>>, vector<1x32xf32>
    %add3A_35 = vector.broadcast %get3A_34 : vector<1x32xf32> to vector<10000x32xf32>
    %add3A_36 = arith.addf %dot_general3A_31, %add3A_35 : vector<10000x32xf32>
    %swap3A_37 = arith.constant 0 : index
    %swap3A_38 = arith.constant 0 : index
    %swap3A_39 = vector.load %arg6[%swap3A_37, %swap3A_38] : memref<10000x32xf32, #tpu.memory_space<vmem>>, vector<10000x32xf32>
    tpu.vector_store %arg6[%swap3A_37, %swap3A_38], %add3A_36 {strides = array<i32>} : memref<10000x32xf32, #tpu.memory_space<vmem>>, vector<10000x32xf32>,
    return
  }
}

module attributes {stable_mosaic.version = 14 : i64} {
  func.func @_estats_body(%arg0: i32, %arg1: memref<10000x16xf32, #tpu.memory_space<vmem>>, %arg2: memref<1x16xf32, #tpu.memory_space<vmem>>, %arg3: memref<1x16xf32, #tpu.memory_space<vmem>>) attributes {dimension_semantics = [#tpu.dimension_semantics<arbitrary>], iteration_bounds = array<i64: 16>, scalar_prefetch = 0 : i64, scratch_operands = 0 : i64, tpu.core_type = #tpu.core_type<tc>, window_params = [{transform_indices = @transform_0, window_bounds = array<i64: 10000, 16>}, {pipeline_mode = #tpu.pipeline_mode<synchronous>, transform_indices = @transform_1, window_bounds = array<i64: 1, 16>}, {pipeline_mode = #tpu.pipeline_mode<synchronous>, transform_indices = @transform_2, window_bounds = array<i64: 1, 16>}]} {
    %get3A = arith.constant 0 : index
    %get3A_0 = arith.constant 0 : index
    %get3A_1 = vector.load %arg1[%get3A, %get3A_0] : memref<10000x16xf32, #tpu.memory_space<vmem>>, vector<10000x16xf32>
    %reduce_sum3A = arith.constant dense<0.000000e+00> : vector<16xf32>
    %reduce_sum3A_2 = vector.multi_reduction <add>, %get3A_1, %reduce_sum3A [0] : vector<10000x16xf32> to vector<16xf32>
    %broadcast_in_dim3A = vector.shape_cast %reduce_sum3A_2 : vector<16xf32> to vector<1x16xf32>
    %mul3A = arith.mulf %get3A_1, %get3A_1 : vector<10000x16xf32>
    %reduce_sum3A_3 = arith.constant dense<0.000000e+00> : vector<16xf32>
    %reduce_sum3A_4 = vector.multi_reduction <add>, %mul3A, %reduce_sum3A_3 [0] : vector<10000x16xf32> to vector<16xf32>
    %broadcast_in_dim3A_5 = vector.shape_cast %reduce_sum3A_4 : vector<16xf32> to vector<1x16xf32>
    %eq3A = arith.constant 0 : i32
    %eq3A_6 = arith.cmpi eq, %arg0, %eq3A : i32
    %convert_element_type3A = arith.extui %eq3A_6 : i1 to i32
    %cond3A = arith.constant 0 : i32
    %cond3A_7 = arith.cmpi ne, %convert_element_type3A, %cond3A : i32
    scf.if %cond3A_7 {
      %swap3A = arith.constant 0 : index
      %swap3A_12 = arith.constant 0 : index
      %swap3A_13 = vector.load %arg2[%swap3A, %swap3A_12] : memref<1x16xf32, #tpu.memory_space<vmem>>, vector<1x16xf32>
      tpu.vector_store %arg2[%swap3A, %swap3A_12], %broadcast_in_dim3A {strides = array<i32>} : memref<1x16xf32, #tpu.memory_space<vmem>>, vector<1x16xf32>,
      %swap3A_14 = arith.constant 0 : index
      %swap3A_15 = arith.constant 0 : index
      %swap3A_16 = vector.load %arg3[%swap3A_14, %swap3A_15] : memref<1x16xf32, #tpu.memory_space<vmem>>, vector<1x16xf32>
      tpu.vector_store %arg3[%swap3A_14, %swap3A_15], %broadcast_in_dim3A_5 {strides = array<i32>} : memref<1x16xf32, #tpu.memory_space<vmem>>, vector<1x16xf32>,
    } else {
    }
    %gt3A = arith.constant 0 : i32
    %gt3A_8 = arith.cmpi sgt, %arg0, %gt3A : i32
    %convert_element_type3A_9 = arith.extui %gt3A_8 : i1 to i32
    %cond3A_10 = arith.constant 0 : i32
    %cond3A_11 = arith.cmpi ne, %convert_element_type3A_9, %cond3A_10 : i32
    scf.if %cond3A_11 {
      %get3A_12 = arith.constant 0 : index
      %get3A_13 = arith.constant 0 : index
      %get3A_14 = vector.load %arg2[%get3A_12, %get3A_13] : memref<1x16xf32, #tpu.memory_space<vmem>>, vector<1x16xf32>
      %add3A = arith.addf %get3A_14, %broadcast_in_dim3A : vector<1x16xf32>
      %swap3A = arith.constant 0 : index
      %swap3A_15 = arith.constant 0 : index
      %swap3A_16 = vector.load %arg2[%swap3A, %swap3A_15] : memref<1x16xf32, #tpu.memory_space<vmem>>, vector<1x16xf32>
      tpu.vector_store %arg2[%swap3A, %swap3A_15], %add3A {strides = array<i32>} : memref<1x16xf32, #tpu.memory_space<vmem>>, vector<1x16xf32>,
      %get3A_17 = arith.constant 0 : index
      %get3A_18 = arith.constant 0 : index
      %get3A_19 = vector.load %arg3[%get3A_17, %get3A_18] : memref<1x16xf32, #tpu.memory_space<vmem>>, vector<1x16xf32>
      %add3A_20 = arith.addf %get3A_19, %broadcast_in_dim3A_5 : vector<1x16xf32>
      %swap3A_21 = arith.constant 0 : index
      %swap3A_22 = arith.constant 0 : index
      %swap3A_23 = vector.load %arg3[%swap3A_21, %swap3A_22] : memref<1x16xf32, #tpu.memory_space<vmem>>, vector<1x16xf32>
      tpu.vector_store %arg3[%swap3A_21, %swap3A_22], %add3A_20 {strides = array<i32>} : memref<1x16xf32, #tpu.memory_space<vmem>>, vector<1x16xf32>,
    } else {
    }
    return
  }
  func.func @transform_0(%arg0: i32) -> (i32, i32) {
    %c0_i32 = arith.constant 0 : i32
    %c0_i32_0 = arith.constant 0 : i32
    return %arg0, %c0_i32 : i32, i32
  }
  func.func @transform_1(%arg0: i32) -> (i32, i32) {
    %c0_i32 = arith.constant 0 : i32
    %c0_i32_0 = arith.constant 0 : i32
    %c0_i32_1 = arith.constant 0 : i32
    return %c0_i32, %c0_i32_0 : i32, i32
  }
  func.func @transform_2(%arg0: i32) -> (i32, i32) {
    %c0_i32 = arith.constant 0 : i32
    %c0_i32_0 = arith.constant 0 : i32
    %c0_i32_1 = arith.constant 0 : i32
    return %c0_i32, %c0_i32_0 : i32, i32
  }
}

module attributes {stable_mosaic.version = 14 : i64} {
  func.func @_msg_body(%arg0: i32, %arg1: memref<1600x16xf32, #tpu.memory_space<vmem>>, %arg2: memref<1600x16xf32, #tpu.memory_space<vmem>>, %arg3: memref<1x16xf32, #tpu.memory_space<vmem>>, %arg4: memref<1x16xf32, #tpu.memory_space<vmem>>, %arg5: memref<16x16xbf16, #tpu.memory_space<vmem>>, %arg6: memref<1x16xf32, #tpu.memory_space<vmem>>, %arg7: memref<16x512xbf16, #tpu.memory_space<vmem>>, %arg8: memref<1x512xf32, #tpu.memory_space<vmem>>, %arg9: memref<16x512xbf16, #tpu.memory_space<vmem>>, %arg10: memref<512x128xbf16, #tpu.memory_space<vmem>>, %arg11: memref<1600x128xf32, #tpu.memory_space<vmem>>) attributes {dimension_semantics = [#tpu.dimension_semantics<arbitrary>], iteration_bounds = array<i64: 60>, scalar_prefetch = 0 : i64, scratch_operands = 0 : i64, tpu.core_type = #tpu.core_type<tc>, window_params = [{transform_indices = @transform_0, window_bounds = array<i64: 1600, 16>}, {transform_indices = @transform_1, window_bounds = array<i64: 1600, 16>}, {pipeline_mode = #tpu.pipeline_mode<synchronous>, transform_indices = @transform_2, window_bounds = array<i64: 1, 16>}, {pipeline_mode = #tpu.pipeline_mode<synchronous>, transform_indices = @transform_3, window_bounds = array<i64: 1, 16>}, {pipeline_mode = #tpu.pipeline_mode<synchronous>, transform_indices = @transform_4, window_bounds = array<i64: 16, 16>}, {pipeline_mode = #tpu.pipeline_mode<synchronous>, transform_indices = @transform_5, window_bounds = array<i64: 1, 16>}, {pipeline_mode = #tpu.pipeline_mode<synchronous>, transform_indices = @transform_6, window_bounds = array<i64: 16, 512>}, {pipeline_mode = #tpu.pipeline_mode<synchronous>, transform_indices = @transform_7, window_bounds = array<i64: 1, 512>}, {pipeline_mode = #tpu.pipeline_mode<synchronous>, transform_indices = @transform_8, window_bounds = array<i64: 16, 512>}, {pipeline_mode = #tpu.pipeline_mode<synchronous>, transform_indices = @transform_9, window_bounds = array<i64: 512, 128>}, {transform_indices = @transform_10, window_bounds = array<i64: 1600, 128>}]} {
    %get3A = arith.constant 0 : index
    %get3A_0 = arith.constant 0 : index
    %get3A_1 = vector.load %arg1[%get3A, %get3A_0] : memref<1600x16xf32, #tpu.memory_space<vmem>>, vector<1600x16xf32>
    %get3A_2 = arith.constant 0 : index
    %get3A_3 = arith.constant 0 : index
    %get3A_4 = vector.load %arg3[%get3A_2, %get3A_3] : memref<1x16xf32, #tpu.memory_space<vmem>>, vector<1x16xf32>
    %mul3A = vector.broadcast %get3A_4 : vector<1x16xf32> to vector<1600x16xf32>
    %mul3A_5 = arith.mulf %get3A_1, %mul3A : vector<1600x16xf32>
    %get3A_6 = arith.constant 0 : index
    %get3A_7 = arith.constant 0 : index
    %get3A_8 = vector.load %arg4[%get3A_6, %get3A_7] : memref<1x16xf32, #tpu.memory_space<vmem>>, vector<1x16xf32>
    %add3A = vector.broadcast %get3A_8 : vector<1x16xf32> to vector<1600x16xf32>
    %add3A_9 = arith.addf %mul3A_5, %add3A : vector<1600x16xf32>
    %convert_element_type3A = arith.truncf %add3A_9 : vector<1600x16xf32> to vector<1600x16xbf16>
    %get3A_10 = arith.constant 0 : index
    %get3A_11 = arith.constant 0 : index
    %get3A_12 = vector.load %arg5[%get3A_10, %get3A_11] : memref<16x16xbf16, #tpu.memory_space<vmem>>, vector<16x16xbf16>
    %dot_general3A = arith.constant dense<0.000000e+00> : vector<1600x16xf32>
    %dot_general3A_13 = tpu.matmul %convert_element_type3A, %get3A_12, %dot_general3A {dimension_numbers = #tpu.dot_dimension_numbers<[1], [0], [0], [1], [0, 0, 1, 1], [], []>, transpose_lhs_hint = false} : vector<1600x16xbf16>, vector<16x16xbf16>, vector<1600x16xf32> -> vector<1600x16xf32>
    %get3A_14 = arith.constant 0 : index
    %get3A_15 = arith.constant 0 : index
    %get3A_16 = vector.load %arg6[%get3A_14, %get3A_15] : memref<1x16xf32, #tpu.memory_space<vmem>>, vector<1x16xf32>
    %add3A_17 = vector.broadcast %get3A_16 : vector<1x16xf32> to vector<1600x16xf32>
    %add3A_18 = arith.addf %dot_general3A_13, %add3A_17 : vector<1600x16xf32>
    %ge3A = arith.constant 0.000000e+00 : f32
    %ge3A_19 = vector.broadcast %ge3A : f32 to vector<1600x16xf32>
    %ge3A_20 = arith.cmpf oge, %add3A_18, %ge3A_19 : vector<1600x16xf32>
    %mul3A_21 = arith.constant 1.000000e-01 : f32
    %mul3A_22 = vector.broadcast %mul3A_21 : f32 to vector<1600x16xf32>
    %mul3A_23 = arith.mulf %mul3A_22, %add3A_18 : vector<1600x16xf32>
    %select_n3A = arith.select %ge3A_20, %add3A_18, %mul3A_23 : vector<1600x16xi1>, vector<1600x16xf32>
    %convert_element_type3A_24 = arith.truncf %select_n3A : vector<1600x16xf32> to vector<1600x16xbf16>
    %get3A_25 = arith.constant 0 : index
    %get3A_26 = arith.constant 0 : index
    %get3A_27 = vector.load %arg7[%get3A_25, %get3A_26] : memref<16x512xbf16, #tpu.memory_space<vmem>>, vector<16x512xbf16>
    %dot_general3A_28 = arith.constant dense<0.000000e+00> : vector<1600x512xf32>
    %dot_general3A_29 = tpu.matmul %convert_element_type3A_24, %get3A_27, %dot_general3A_28 {dimension_numbers = #tpu.dot_dimension_numbers<[1], [0], [0], [1], [0, 0, 1, 1], [], []>, transpose_lhs_hint = false} : vector<1600x16xbf16>, vector<16x512xbf16>, vector<1600x512xf32> -> vector<1600x512xf32>
    %get3A_30 = arith.constant 0 : index
    %get3A_31 = arith.constant 0 : index
    %get3A_32 = vector.load %arg8[%get3A_30, %get3A_31] : memref<1x512xf32, #tpu.memory_space<vmem>>, vector<1x512xf32>
    %add3A_33 = vector.broadcast %get3A_32 : vector<1x512xf32> to vector<1600x512xf32>
    %add3A_34 = arith.addf %dot_general3A_29, %add3A_33 : vector<1600x512xf32>
    %ge3A_35 = arith.constant 0.000000e+00 : f32
    %ge3A_36 = vector.broadcast %ge3A_35 : f32 to vector<1600x512xf32>
    %ge3A_37 = arith.cmpf oge, %add3A_34, %ge3A_36 : vector<1600x512xf32>
    %mul3A_38 = arith.constant 1.000000e-01 : f32
    %mul3A_39 = vector.broadcast %mul3A_38 : f32 to vector<1600x512xf32>
    %mul3A_40 = arith.mulf %mul3A_39, %add3A_34 : vector<1600x512xf32>
    %select_n3A_41 = arith.select %ge3A_37, %add3A_34, %mul3A_40 : vector<1600x512xi1>, vector<1600x512xf32>
    %get3A_42 = arith.constant 0 : index
    %get3A_43 = arith.constant 0 : index
    %get3A_44 = vector.load %arg2[%get3A_42, %get3A_43] : memref<1600x16xf32, #tpu.memory_space<vmem>>, vector<1600x16xf32>
    %convert_element_type3A_45 = arith.truncf %get3A_44 : vector<1600x16xf32> to vector<1600x16xbf16>
    %get3A_46 = arith.constant 0 : index
    %get3A_47 = arith.constant 0 : index
    %get3A_48 = vector.load %arg9[%get3A_46, %get3A_47] : memref<16x512xbf16, #tpu.memory_space<vmem>>, vector<16x512xbf16>
    %dot_general3A_49 = arith.constant dense<0.000000e+00> : vector<1600x512xf32>
    %dot_general3A_50 = tpu.matmul %convert_element_type3A_45, %get3A_48, %dot_general3A_49 {dimension_numbers = #tpu.dot_dimension_numbers<[1], [0], [0], [1], [0, 0, 1, 1], [], []>, transpose_lhs_hint = false} : vector<1600x16xbf16>, vector<16x512xbf16>, vector<1600x512xf32> -> vector<1600x512xf32>
    %mul3A_51 = arith.mulf %select_n3A_41, %dot_general3A_50 : vector<1600x512xf32>
    %convert_element_type3A_52 = arith.truncf %mul3A_51 : vector<1600x512xf32> to vector<1600x512xbf16>
    %get3A_53 = arith.constant 0 : index
    %get3A_54 = arith.constant 0 : index
    %get3A_55 = vector.load %arg10[%get3A_53, %get3A_54] : memref<512x128xbf16, #tpu.memory_space<vmem>>, vector<512x128xbf16>
    %dot_general3A_56 = arith.constant dense<0.000000e+00> : vector<1600x128xf32>
    %dot_general3A_57 = tpu.matmul %convert_element_type3A_52, %get3A_55, %dot_general3A_56 {dimension_numbers = #tpu.dot_dimension_numbers<[1], [0], [0], [1], [0, 0, 1, 1], [], []>, transpose_lhs_hint = false} : vector<1600x512xbf16>, vector<512x128xbf16>, vector<1600x128xf32> -> vector<1600x128xf32>
    %swap3A = arith.constant 0 : index
    %swap3A_58 = arith.constant 0 : index
    %swap3A_59 = vector.load %arg11[%swap3A, %swap3A_58] : memref<1600x128xf32, #tpu.memory_space<vmem>>, vector<1600x128xf32>
    tpu.vector_store %arg11[%swap3A, %swap3A_58], %dot_general3A_57 {strides = array<i32>} : memref<1600x128xf32, #tpu.memory_space<vmem>>, vector<1600x128xf32>,
    return
  }
  func.func @transform_0(%arg0: i32) -> (i32, i32) {
    %add3A = arith.constant 0 : i32
    %add3A_0 = arith.addi %arg0, %add3A : i32
    %c0_i32 = arith.constant 0 : i32
    %c0_i32_1 = arith.constant 0 : i32
    return %add3A_0, %c0_i32 : i32, i32
  }
  func.func @transform_1(%arg0: i32) -> (i32, i32) {
    %c0_i32 = arith.constant 0 : i32
    %c0_i32_0 = arith.constant 0 : i32
    return %arg0, %c0_i32 : i32, i32
  }
  func.func @transform_2(%arg0: i32) -> (i32, i32) {
    %c0_i32 = arith.constant 0 : i32
    %c0_i32_0 = arith.constant 0 : i32
    %c0_i32_1 = arith.constant 0 : i32
    return %c0_i32, %c0_i32_0 : i32, i32
  }
  func.func @transform_3(%arg0: i32) -> (i32, i32) {
    %c0_i32 = arith.constant 0 : i32
    %c0_i32_0 = arith.constant 0 : i32
    %c0_i32_1 = arith.constant 0 : i32
    return %c0_i32, %c0_i32_0 : i32, i32
  }
  func.func @transform_4(%arg0: i32) -> (i32, i32) {
    %c0_i32 = arith.constant 0 : i32
    %c0_i32_0 = arith.constant 0 : i32
    %c0_i32_1 = arith.constant 0 : i32
    return %c0_i32, %c0_i32_0 : i32, i32
  }
  func.func @transform_5(%arg0: i32) -> (i32, i32) {
    %c0_i32 = arith.constant 0 : i32
    %c0_i32_0 = arith.constant 0 : i32
    %c0_i32_1 = arith.constant 0 : i32
    return %c0_i32, %c0_i32_0 : i32, i32
  }
  func.func @transform_6(%arg0: i32) -> (i32, i32) {
    %c0_i32 = arith.constant 0 : i32
    %c0_i32_0 = arith.constant 0 : i32
    %c0_i32_1 = arith.constant 0 : i32
    return %c0_i32, %c0_i32_0 : i32, i32
  }
  func.func @transform_7(%arg0: i32) -> (i32, i32) {
    %c0_i32 = arith.constant 0 : i32
    %c0_i32_0 = arith.constant 0 : i32
    %c0_i32_1 = arith.constant 0 : i32
    return %c0_i32, %c0_i32_0 : i32, i32
  }
  func.func @transform_8(%arg0: i32) -> (i32, i32) {
    %c0_i32 = arith.constant 0 : i32
    %c0_i32_0 = arith.constant 0 : i32
    %c0_i32_1 = arith.constant 0 : i32
    return %c0_i32, %c0_i32_0 : i32, i32
  }
  func.func @transform_9(%arg0: i32) -> (i32, i32) {
    %c0_i32 = arith.constant 0 : i32
    %c0_i32_0 = arith.constant 0 : i32
    %c0_i32_1 = arith.constant 0 : i32
    return %c0_i32, %c0_i32_0 : i32, i32
  }
  func.func @transform_10(%arg0: i32) -> (i32, i32) {
    %c0_i32 = arith.constant 0 : i32
    %c0_i32_0 = arith.constant 0 : i32
    return %arg0, %c0_i32 : i32, i32
  }
}

module attributes {stable_mosaic.version = 14 : i64} {
  func.func @_msg_body(%arg0: i32, %arg1: memref<1600x16xf32, #tpu.memory_space<vmem>>, %arg2: memref<1600x16xf32, #tpu.memory_space<vmem>>, %arg3: memref<1x16xf32, #tpu.memory_space<vmem>>, %arg4: memref<1x16xf32, #tpu.memory_space<vmem>>, %arg5: memref<16x16xbf16, #tpu.memory_space<vmem>>, %arg6: memref<1x16xf32, #tpu.memory_space<vmem>>, %arg7: memref<16x512xbf16, #tpu.memory_space<vmem>>, %arg8: memref<1x512xf32, #tpu.memory_space<vmem>>, %arg9: memref<16x512xbf16, #tpu.memory_space<vmem>>, %arg10: memref<512x128xbf16, #tpu.memory_space<vmem>>, %arg11: memref<1600x128xf32, #tpu.memory_space<vmem>>) attributes {dimension_semantics = [#tpu.dimension_semantics<arbitrary>], iteration_bounds = array<i64: 40>, scalar_prefetch = 0 : i64, scratch_operands = 0 : i64, tpu.core_type = #tpu.core_type<tc>, window_params = [{transform_indices = @transform_0, window_bounds = array<i64: 1600, 16>}, {transform_indices = @transform_1, window_bounds = array<i64: 1600, 16>}, {pipeline_mode = #tpu.pipeline_mode<synchronous>, transform_indices = @transform_2, window_bounds = array<i64: 1, 16>}, {pipeline_mode = #tpu.pipeline_mode<synchronous>, transform_indices = @transform_3, window_bounds = array<i64: 1, 16>}, {pipeline_mode = #tpu.pipeline_mode<synchronous>, transform_indices = @transform_4, window_bounds = array<i64: 16, 16>}, {pipeline_mode = #tpu.pipeline_mode<synchronous>, transform_indices = @transform_5, window_bounds = array<i64: 1, 16>}, {pipeline_mode = #tpu.pipeline_mode<synchronous>, transform_indices = @transform_6, window_bounds = array<i64: 16, 512>}, {pipeline_mode = #tpu.pipeline_mode<synchronous>, transform_indices = @transform_7, window_bounds = array<i64: 1, 512>}, {pipeline_mode = #tpu.pipeline_mode<synchronous>, transform_indices = @transform_8, window_bounds = array<i64: 16, 512>}, {pipeline_mode = #tpu.pipeline_mode<synchronous>, transform_indices = @transform_9, window_bounds = array<i64: 512, 128>}, {transform_indices = @transform_10, window_bounds = array<i64: 1600, 128>}]} {
    %get3A = arith.constant 0 : index
    %get3A_0 = arith.constant 0 : index
    %get3A_1 = vector.load %arg1[%get3A, %get3A_0] : memref<1600x16xf32, #tpu.memory_space<vmem>>, vector<1600x16xf32>
    %get3A_2 = arith.constant 0 : index
    %get3A_3 = arith.constant 0 : index
    %get3A_4 = vector.load %arg3[%get3A_2, %get3A_3] : memref<1x16xf32, #tpu.memory_space<vmem>>, vector<1x16xf32>
    %mul3A = vector.broadcast %get3A_4 : vector<1x16xf32> to vector<1600x16xf32>
    %mul3A_5 = arith.mulf %get3A_1, %mul3A : vector<1600x16xf32>
    %get3A_6 = arith.constant 0 : index
    %get3A_7 = arith.constant 0 : index
    %get3A_8 = vector.load %arg4[%get3A_6, %get3A_7] : memref<1x16xf32, #tpu.memory_space<vmem>>, vector<1x16xf32>
    %add3A = vector.broadcast %get3A_8 : vector<1x16xf32> to vector<1600x16xf32>
    %add3A_9 = arith.addf %mul3A_5, %add3A : vector<1600x16xf32>
    %convert_element_type3A = arith.truncf %add3A_9 : vector<1600x16xf32> to vector<1600x16xbf16>
    %get3A_10 = arith.constant 0 : index
    %get3A_11 = arith.constant 0 : index
    %get3A_12 = vector.load %arg5[%get3A_10, %get3A_11] : memref<16x16xbf16, #tpu.memory_space<vmem>>, vector<16x16xbf16>
    %dot_general3A = arith.constant dense<0.000000e+00> : vector<1600x16xf32>
    %dot_general3A_13 = tpu.matmul %convert_element_type3A, %get3A_12, %dot_general3A {dimension_numbers = #tpu.dot_dimension_numbers<[1], [0], [0], [1], [0, 0, 1, 1], [], []>, transpose_lhs_hint = false} : vector<1600x16xbf16>, vector<16x16xbf16>, vector<1600x16xf32> -> vector<1600x16xf32>
    %get3A_14 = arith.constant 0 : index
    %get3A_15 = arith.constant 0 : index
    %get3A_16 = vector.load %arg6[%get3A_14, %get3A_15] : memref<1x16xf32, #tpu.memory_space<vmem>>, vector<1x16xf32>
    %add3A_17 = vector.broadcast %get3A_16 : vector<1x16xf32> to vector<1600x16xf32>
    %add3A_18 = arith.addf %dot_general3A_13, %add3A_17 : vector<1600x16xf32>
    %ge3A = arith.constant 0.000000e+00 : f32
    %ge3A_19 = vector.broadcast %ge3A : f32 to vector<1600x16xf32>
    %ge3A_20 = arith.cmpf oge, %add3A_18, %ge3A_19 : vector<1600x16xf32>
    %mul3A_21 = arith.constant 1.000000e-01 : f32
    %mul3A_22 = vector.broadcast %mul3A_21 : f32 to vector<1600x16xf32>
    %mul3A_23 = arith.mulf %mul3A_22, %add3A_18 : vector<1600x16xf32>
    %select_n3A = arith.select %ge3A_20, %add3A_18, %mul3A_23 : vector<1600x16xi1>, vector<1600x16xf32>
    %convert_element_type3A_24 = arith.truncf %select_n3A : vector<1600x16xf32> to vector<1600x16xbf16>
    %get3A_25 = arith.constant 0 : index
    %get3A_26 = arith.constant 0 : index
    %get3A_27 = vector.load %arg7[%get3A_25, %get3A_26] : memref<16x512xbf16, #tpu.memory_space<vmem>>, vector<16x512xbf16>
    %dot_general3A_28 = arith.constant dense<0.000000e+00> : vector<1600x512xf32>
    %dot_general3A_29 = tpu.matmul %convert_element_type3A_24, %get3A_27, %dot_general3A_28 {dimension_numbers = #tpu.dot_dimension_numbers<[1], [0], [0], [1], [0, 0, 1, 1], [], []>, transpose_lhs_hint = false} : vector<1600x16xbf16>, vector<16x512xbf16>, vector<1600x512xf32> -> vector<1600x512xf32>
    %get3A_30 = arith.constant 0 : index
    %get3A_31 = arith.constant 0 : index
    %get3A_32 = vector.load %arg8[%get3A_30, %get3A_31] : memref<1x512xf32, #tpu.memory_space<vmem>>, vector<1x512xf32>
    %add3A_33 = vector.broadcast %get3A_32 : vector<1x512xf32> to vector<1600x512xf32>
    %add3A_34 = arith.addf %dot_general3A_29, %add3A_33 : vector<1600x512xf32>
    %ge3A_35 = arith.constant 0.000000e+00 : f32
    %ge3A_36 = vector.broadcast %ge3A_35 : f32 to vector<1600x512xf32>
    %ge3A_37 = arith.cmpf oge, %add3A_34, %ge3A_36 : vector<1600x512xf32>
    %mul3A_38 = arith.constant 1.000000e-01 : f32
    %mul3A_39 = vector.broadcast %mul3A_38 : f32 to vector<1600x512xf32>
    %mul3A_40 = arith.mulf %mul3A_39, %add3A_34 : vector<1600x512xf32>
    %select_n3A_41 = arith.select %ge3A_37, %add3A_34, %mul3A_40 : vector<1600x512xi1>, vector<1600x512xf32>
    %get3A_42 = arith.constant 0 : index
    %get3A_43 = arith.constant 0 : index
    %get3A_44 = vector.load %arg2[%get3A_42, %get3A_43] : memref<1600x16xf32, #tpu.memory_space<vmem>>, vector<1600x16xf32>
    %convert_element_type3A_45 = arith.truncf %get3A_44 : vector<1600x16xf32> to vector<1600x16xbf16>
    %get3A_46 = arith.constant 0 : index
    %get3A_47 = arith.constant 0 : index
    %get3A_48 = vector.load %arg9[%get3A_46, %get3A_47] : memref<16x512xbf16, #tpu.memory_space<vmem>>, vector<16x512xbf16>
    %dot_general3A_49 = arith.constant dense<0.000000e+00> : vector<1600x512xf32>
    %dot_general3A_50 = tpu.matmul %convert_element_type3A_45, %get3A_48, %dot_general3A_49 {dimension_numbers = #tpu.dot_dimension_numbers<[1], [0], [0], [1], [0, 0, 1, 1], [], []>, transpose_lhs_hint = false} : vector<1600x16xbf16>, vector<16x512xbf16>, vector<1600x512xf32> -> vector<1600x512xf32>
    %mul3A_51 = arith.mulf %select_n3A_41, %dot_general3A_50 : vector<1600x512xf32>
    %convert_element_type3A_52 = arith.truncf %mul3A_51 : vector<1600x512xf32> to vector<1600x512xbf16>
    %get3A_53 = arith.constant 0 : index
    %get3A_54 = arith.constant 0 : index
    %get3A_55 = vector.load %arg10[%get3A_53, %get3A_54] : memref<512x128xbf16, #tpu.memory_space<vmem>>, vector<512x128xbf16>
    %dot_general3A_56 = arith.constant dense<0.000000e+00> : vector<1600x128xf32>
    %dot_general3A_57 = tpu.matmul %convert_element_type3A_52, %get3A_55, %dot_general3A_56 {dimension_numbers = #tpu.dot_dimension_numbers<[1], [0], [0], [1], [0, 0, 1, 1], [], []>, transpose_lhs_hint = false} : vector<1600x512xbf16>, vector<512x128xbf16>, vector<1600x128xf32> -> vector<1600x128xf32>
    %swap3A = arith.constant 0 : index
    %swap3A_58 = arith.constant 0 : index
    %swap3A_59 = vector.load %arg11[%swap3A, %swap3A_58] : memref<1600x128xf32, #tpu.memory_space<vmem>>, vector<1600x128xf32>
    tpu.vector_store %arg11[%swap3A, %swap3A_58], %dot_general3A_57 {strides = array<i32>} : memref<1600x128xf32, #tpu.memory_space<vmem>>, vector<1600x128xf32>,
    return
  }
  func.func @transform_0(%arg0: i32) -> (i32, i32) {
    %add3A = arith.constant 60 : i32
    %add3A_0 = arith.addi %arg0, %add3A : i32
    %c0_i32 = arith.constant 0 : i32
    %c0_i32_1 = arith.constant 0 : i32
    return %add3A_0, %c0_i32 : i32, i32
  }
  func.func @transform_1(%arg0: i32) -> (i32, i32) {
    %c0_i32 = arith.constant 0 : i32
    %c0_i32_0 = arith.constant 0 : i32
    return %arg0, %c0_i32 : i32, i32
  }
  func.func @transform_2(%arg0: i32) -> (i32, i32) {
    %c0_i32 = arith.constant 0 : i32
    %c0_i32_0 = arith.constant 0 : i32
    %c0_i32_1 = arith.constant 0 : i32
    return %c0_i32, %c0_i32_0 : i32, i32
  }
  func.func @transform_3(%arg0: i32) -> (i32, i32) {
    %c0_i32 = arith.constant 0 : i32
    %c0_i32_0 = arith.constant 0 : i32
    %c0_i32_1 = arith.constant 0 : i32
    return %c0_i32, %c0_i32_0 : i32, i32
  }
  func.func @transform_4(%arg0: i32) -> (i32, i32) {
    %c0_i32 = arith.constant 0 : i32
    %c0_i32_0 = arith.constant 0 : i32
    %c0_i32_1 = arith.constant 0 : i32
    return %c0_i32, %c0_i32_0 : i32, i32
  }
  func.func @transform_5(%arg0: i32) -> (i32, i32) {
    %c0_i32 = arith.constant 0 : i32
    %c0_i32_0 = arith.constant 0 : i32
    %c0_i32_1 = arith.constant 0 : i32
    return %c0_i32, %c0_i32_0 : i32, i32
  }
  func.func @transform_6(%arg0: i32) -> (i32, i32) {
    %c0_i32 = arith.constant 0 : i32
    %c0_i32_0 = arith.constant 0 : i32
    %c0_i32_1 = arith.constant 0 : i32
    return %c0_i32, %c0_i32_0 : i32, i32
  }
  func.func @transform_7(%arg0: i32) -> (i32, i32) {
    %c0_i32 = arith.constant 0 : i32
    %c0_i32_0 = arith.constant 0 : i32
    %c0_i32_1 = arith.constant 0 : i32
    return %c0_i32, %c0_i32_0 : i32, i32
  }
  func.func @transform_8(%arg0: i32) -> (i32, i32) {
    %c0_i32 = arith.constant 0 : i32
    %c0_i32_0 = arith.constant 0 : i32
    %c0_i32_1 = arith.constant 0 : i32
    return %c0_i32, %c0_i32_0 : i32, i32
  }
  func.func @transform_9(%arg0: i32) -> (i32, i32) {
    %c0_i32 = arith.constant 0 : i32
    %c0_i32_0 = arith.constant 0 : i32
    %c0_i32_1 = arith.constant 0 : i32
    return %c0_i32, %c0_i32_0 : i32, i32
  }
  func.func @transform_10(%arg0: i32) -> (i32, i32) {
    %c0_i32 = arith.constant 0 : i32
    %c0_i32_0 = arith.constant 0 : i32
    return %arg0, %c0_i32 : i32, i32
  }
}

module attributes {stable_mosaic.version = 14 : i64} {
  func.func @_hup_body(%arg0: memref<2x10000x32xf32, #tpu.memory_space<vmem>>, %arg1: memref<2x10000x32xf32, #tpu.memory_space<vmem>>, %arg2: memref<10000x32xf32, #tpu.memory_space<vmem>>, %arg3: memref<32x32xf32, #tpu.memory_space<vmem>>, %arg4: memref<1x32xf32, #tpu.memory_space<vmem>>, %arg5: memref<10000x32xf32, #tpu.memory_space<vmem>>, %arg6: memref<10000x32xf32, #tpu.memory_space<vmem>>) attributes {dimension_semantics = [], scalar_prefetch = 0 : i64, scratch_operands = 0 : i64, tpu.core_type = #tpu.core_type<tc>} {
    %get3A = arith.constant 0 : index
    %get3A_0 = arith.constant 0 : index
    %get3A_1 = arith.constant 0 : index
    %get3A_2 = vector.load %arg0[%get3A, %get3A_0, %get3A_1] : memref<2x10000x32xf32, #tpu.memory_space<vmem>>, vector<1x10000x32xf32>
    %get3A_3 = vector.shape_cast %get3A_2 : vector<1x10000x32xf32> to vector<10000x32xf32>
    %get3A_4 = arith.constant 1 : index
    %get3A_5 = arith.constant 0 : index
    %get3A_6 = arith.constant 0 : index
    %get3A_7 = vector.load %arg0[%get3A_4, %get3A_5, %get3A_6] : memref<2x10000x32xf32, #tpu.memory_space<vmem>>, vector<1x10000x32xf32>
    %get3A_8 = vector.shape_cast %get3A_7 : vector<1x10000x32xf32> to vector<10000x32xf32>
    %add3A = arith.addf %get3A_3, %get3A_8 : vector<10000x32xf32>
    %get3A_9 = arith.constant 0 : index
    %get3A_10 = arith.constant 0 : index
    %get3A_11 = arith.constant 0 : index
    %get3A_12 = vector.load %arg1[%get3A_9, %get3A_10, %get3A_11] : memref<2x10000x32xf32, #tpu.memory_space<vmem>>, vector<1x10000x32xf32>
    %get3A_13 = vector.shape_cast %get3A_12 : vector<1x10000x32xf32> to vector<10000x32xf32>
    %add3A_14 = arith.addf %add3A, %get3A_13 : vector<10000x32xf32>
    %get3A_15 = arith.constant 1 : index
    %get3A_16 = arith.constant 0 : index
    %get3A_17 = arith.constant 0 : index
    %get3A_18 = vector.load %arg1[%get3A_15, %get3A_16, %get3A_17] : memref<2x10000x32xf32, #tpu.memory_space<vmem>>, vector<1x10000x32xf32>
    %get3A_19 = vector.shape_cast %get3A_18 : vector<1x10000x32xf32> to vector<10000x32xf32>
    %add3A_20 = arith.addf %add3A_14, %get3A_19 : vector<10000x32xf32>
    %get3A_21 = arith.constant 0 : index
    %get3A_22 = arith.constant 0 : index
    %get3A_23 = vector.load %arg2[%get3A_21, %get3A_22] : memref<10000x32xf32, #tpu.memory_space<vmem>>, vector<10000x32xf32>
    %add3A_24 = arith.addf %add3A_20, %get3A_23 : vector<10000x32xf32>
    %swap3A = arith.constant 0 : index
    %swap3A_25 = arith.constant 0 : index
    %swap3A_26 = vector.load %arg5[%swap3A, %swap3A_25] : memref<10000x32xf32, #tpu.memory_space<vmem>>, vector<10000x32xf32>
    tpu.vector_store %arg5[%swap3A, %swap3A_25], %add3A_24 {strides = array<i32>} : memref<10000x32xf32, #tpu.memory_space<vmem>>, vector<10000x32xf32>,
    %get3A_27 = arith.constant 0 : index
    %get3A_28 = arith.constant 0 : index
    %get3A_29 = vector.load %arg3[%get3A_27, %get3A_28] : memref<32x32xf32, #tpu.memory_space<vmem>>, vector<32x32xf32>
    %dot_general3A = arith.constant dense<0.000000e+00> : vector<10000x32xf32>
    %dot_general3A_30 = tpu.matmul %add3A_24, %get3A_29, %dot_general3A {dimension_numbers = #tpu.dot_dimension_numbers<[1], [0], [0], [1], [0, 0, 1, 1], [], []>, transpose_lhs_hint = false} : vector<10000x32xf32>, vector<32x32xf32>, vector<10000x32xf32> -> vector<10000x32xf32>
    %get3A_31 = arith.constant 0 : index
    %get3A_32 = arith.constant 0 : index
    %get3A_33 = vector.load %arg4[%get3A_31, %get3A_32] : memref<1x32xf32, #tpu.memory_space<vmem>>, vector<1x32xf32>
    %add3A_34 = vector.broadcast %get3A_33 : vector<1x32xf32> to vector<10000x32xf32>
    %add3A_35 = arith.addf %dot_general3A_30, %add3A_34 : vector<10000x32xf32>
    %swap3A_36 = arith.constant 0 : index
    %swap3A_37 = arith.constant 0 : index
    %swap3A_38 = vector.load %arg6[%swap3A_36, %swap3A_37] : memref<10000x32xf32, #tpu.memory_space<vmem>>, vector<10000x32xf32>
    tpu.vector_store %arg6[%swap3A_36, %swap3A_37], %add3A_35 {strides = array<i32>} : memref<10000x32xf32, #tpu.memory_space<vmem>>, vector<10000x32xf32>,
    return
  }
}

module attributes {stable_mosaic.version = 14 : i64} {
  func.func @_msg_body(%arg0: i32, %arg1: memref<1600x16xf32, #tpu.memory_space<vmem>>, %arg2: memref<1600x32xf32, #tpu.memory_space<vmem>>, %arg3: memref<1x16xf32, #tpu.memory_space<vmem>>, %arg4: memref<1x16xf32, #tpu.memory_space<vmem>>, %arg5: memref<16x32xbf16, #tpu.memory_space<vmem>>, %arg6: memref<1x32xf32, #tpu.memory_space<vmem>>, %arg7: memref<32x1024xbf16, #tpu.memory_space<vmem>>, %arg8: memref<1x1024xf32, #tpu.memory_space<vmem>>, %arg9: memref<32x1024xbf16, #tpu.memory_space<vmem>>, %arg10: memref<1024x128xbf16, #tpu.memory_space<vmem>>, %arg11: memref<1600x128xf32, #tpu.memory_space<vmem>>) attributes {dimension_semantics = [#tpu.dimension_semantics<arbitrary>], iteration_bounds = array<i64: 40>, scalar_prefetch = 0 : i64, scratch_operands = 0 : i64, tpu.core_type = #tpu.core_type<tc>, window_params = [{transform_indices = @transform_0, window_bounds = array<i64: 1600, 16>}, {transform_indices = @transform_1, window_bounds = array<i64: 1600, 32>}, {pipeline_mode = #tpu.pipeline_mode<synchronous>, transform_indices = @transform_2, window_bounds = array<i64: 1, 16>}, {pipeline_mode = #tpu.pipeline_mode<synchronous>, transform_indices = @transform_3, window_bounds = array<i64: 1, 16>}, {pipeline_mode = #tpu.pipeline_mode<synchronous>, transform_indices = @transform_4, window_bounds = array<i64: 16, 32>}, {pipeline_mode = #tpu.pipeline_mode<synchronous>, transform_indices = @transform_5, window_bounds = array<i64: 1, 32>}, {pipeline_mode = #tpu.pipeline_mode<synchronous>, transform_indices = @transform_6, window_bounds = array<i64: 32, 1024>}, {pipeline_mode = #tpu.pipeline_mode<synchronous>, transform_indices = @transform_7, window_bounds = array<i64: 1, 1024>}, {pipeline_mode = #tpu.pipeline_mode<synchronous>, transform_indices = @transform_8, window_bounds = array<i64: 32, 1024>}, {pipeline_mode = #tpu.pipeline_mode<synchronous>, transform_indices = @transform_9, window_bounds = array<i64: 1024, 128>}, {transform_indices = @transform_10, window_bounds = array<i64: 1600, 128>}]} {
    %get3A = arith.constant 0 : index
    %get3A_0 = arith.constant 0 : index
    %get3A_1 = vector.load %arg1[%get3A, %get3A_0] : memref<1600x16xf32, #tpu.memory_space<vmem>>, vector<1600x16xf32>
    %get3A_2 = arith.constant 0 : index
    %get3A_3 = arith.constant 0 : index
    %get3A_4 = vector.load %arg3[%get3A_2, %get3A_3] : memref<1x16xf32, #tpu.memory_space<vmem>>, vector<1x16xf32>
    %mul3A = vector.broadcast %get3A_4 : vector<1x16xf32> to vector<1600x16xf32>
    %mul3A_5 = arith.mulf %get3A_1, %mul3A : vector<1600x16xf32>
    %get3A_6 = arith.constant 0 : index
    %get3A_7 = arith.constant 0 : index
    %get3A_8 = vector.load %arg4[%get3A_6, %get3A_7] : memref<1x16xf32, #tpu.memory_space<vmem>>, vector<1x16xf32>
    %add3A = vector.broadcast %get3A_8 : vector<1x16xf32> to vector<1600x16xf32>
    %add3A_9 = arith.addf %mul3A_5, %add3A : vector<1600x16xf32>
    %convert_element_type3A = arith.truncf %add3A_9 : vector<1600x16xf32> to vector<1600x16xbf16>
    %get3A_10 = arith.constant 0 : index
    %get3A_11 = arith.constant 0 : index
    %get3A_12 = vector.load %arg5[%get3A_10, %get3A_11] : memref<16x32xbf16, #tpu.memory_space<vmem>>, vector<16x32xbf16>
    %dot_general3A = arith.constant dense<0.000000e+00> : vector<1600x32xf32>
    %dot_general3A_13 = tpu.matmul %convert_element_type3A, %get3A_12, %dot_general3A {dimension_numbers = #tpu.dot_dimension_numbers<[1], [0], [0], [1], [0, 0, 1, 1], [], []>, transpose_lhs_hint = false} : vector<1600x16xbf16>, vector<16x32xbf16>, vector<1600x32xf32> -> vector<1600x32xf32>
    %get3A_14 = arith.constant 0 : index
    %get3A_15 = arith.constant 0 : index
    %get3A_16 = vector.load %arg6[%get3A_14, %get3A_15] : memref<1x32xf32, #tpu.memory_space<vmem>>, vector<1x32xf32>
    %add3A_17 = vector.broadcast %get3A_16 : vector<1x32xf32> to vector<1600x32xf32>
    %add3A_18 = arith.addf %dot_general3A_13, %add3A_17 : vector<1600x32xf32>
    %ge3A = arith.constant 0.000000e+00 : f32
    %ge3A_19 = vector.broadcast %ge3A : f32 to vector<1600x32xf32>
    %ge3A_20 = arith.cmpf oge, %add3A_18, %ge3A_19 : vector<1600x32xf32>
    %mul3A_21 = arith.constant 1.000000e-01 : f32
    %mul3A_22 = vector.broadcast %mul3A_21 : f32 to vector<1600x32xf32>
    %mul3A_23 = arith.mulf %mul3A_22, %add3A_18 : vector<1600x32xf32>
    %select_n3A = arith.select %ge3A_20, %add3A_18, %mul3A_23 : vector<1600x32xi1>, vector<1600x32xf32>
    %convert_element_type3A_24 = arith.truncf %select_n3A : vector<1600x32xf32> to vector<1600x32xbf16>
    %get3A_25 = arith.constant 0 : index
    %get3A_26 = arith.constant 0 : index
    %get3A_27 = vector.load %arg7[%get3A_25, %get3A_26] : memref<32x1024xbf16, #tpu.memory_space<vmem>>, vector<32x1024xbf16>
    %dot_general3A_28 = arith.constant dense<0.000000e+00> : vector<1600x1024xf32>
    %dot_general3A_29 = tpu.matmul %convert_element_type3A_24, %get3A_27, %dot_general3A_28 {dimension_numbers = #tpu.dot_dimension_numbers<[1], [0], [0], [1], [0, 0, 1, 1], [], []>, transpose_lhs_hint = false} : vector<1600x32xbf16>, vector<32x1024xbf16>, vector<1600x1024xf32> -> vector<1600x1024xf32>
    %get3A_30 = arith.constant 0 : index
    %get3A_31 = arith.constant 0 : index
    %get3A_32 = vector.load %arg8[%get3A_30, %get3A_31] : memref<1x1024xf32, #tpu.memory_space<vmem>>, vector<1x1024xf32>
    %add3A_33 = vector.broadcast %get3A_32 : vector<1x1024xf32> to vector<1600x1024xf32>
    %add3A_34 = arith.addf %dot_general3A_29, %add3A_33 : vector<1600x1024xf32>
    %ge3A_35 = arith.constant 0.000000e+00 : f32
    %ge3A_36 = vector.broadcast %ge3A_35 : f32 to vector<1600x1024xf32>
    %ge3A_37 = arith.cmpf oge, %add3A_34, %ge3A_36 : vector<1600x1024xf32>
    %mul3A_38 = arith.constant 1.000000e-01 : f32
    %mul3A_39 = vector.broadcast %mul3A_38 : f32 to vector<1600x1024xf32>
    %mul3A_40 = arith.mulf %mul3A_39, %add3A_34 : vector<1600x1024xf32>
    %select_n3A_41 = arith.select %ge3A_37, %add3A_34, %mul3A_40 : vector<1600x1024xi1>, vector<1600x1024xf32>
    %get3A_42 = arith.constant 0 : index
    %get3A_43 = arith.constant 0 : index
    %get3A_44 = vector.load %arg2[%get3A_42, %get3A_43] : memref<1600x32xf32, #tpu.memory_space<vmem>>, vector<1600x32xf32>
    %convert_element_type3A_45 = arith.truncf %get3A_44 : vector<1600x32xf32> to vector<1600x32xbf16>
    %get3A_46 = arith.constant 0 : index
    %get3A_47 = arith.constant 0 : index
    %get3A_48 = vector.load %arg9[%get3A_46, %get3A_47] : memref<32x1024xbf16, #tpu.memory_space<vmem>>, vector<32x1024xbf16>
    %dot_general3A_49 = arith.constant dense<0.000000e+00> : vector<1600x1024xf32>
    %dot_general3A_50 = tpu.matmul %convert_element_type3A_45, %get3A_48, %dot_general3A_49 {dimension_numbers = #tpu.dot_dimension_numbers<[1], [0], [0], [1], [0, 0, 1, 1], [], []>, transpose_lhs_hint = false} : vector<1600x32xbf16>, vector<32x1024xbf16>, vector<1600x1024xf32> -> vector<1600x1024xf32>
    %mul3A_51 = arith.mulf %select_n3A_41, %dot_general3A_50 : vector<1600x1024xf32>
    %convert_element_type3A_52 = arith.truncf %mul3A_51 : vector<1600x1024xf32> to vector<1600x1024xbf16>
    %get3A_53 = arith.constant 0 : index
    %get3A_54 = arith.constant 0 : index
    %get3A_55 = vector.load %arg10[%get3A_53, %get3A_54] : memref<1024x128xbf16, #tpu.memory_space<vmem>>, vector<1024x128xbf16>
    %dot_general3A_56 = arith.constant dense<0.000000e+00> : vector<1600x128xf32>
    %dot_general3A_57 = tpu.matmul %convert_element_type3A_52, %get3A_55, %dot_general3A_56 {dimension_numbers = #tpu.dot_dimension_numbers<[1], [0], [0], [1], [0, 0, 1, 1], [], []>, transpose_lhs_hint = false} : vector<1600x1024xbf16>, vector<1024x128xbf16>, vector<1600x128xf32> -> vector<1600x128xf32>
    %swap3A = arith.constant 0 : index
    %swap3A_58 = arith.constant 0 : index
    %swap3A_59 = vector.load %arg11[%swap3A, %swap3A_58] : memref<1600x128xf32, #tpu.memory_space<vmem>>, vector<1600x128xf32>
    tpu.vector_store %arg11[%swap3A, %swap3A_58], %dot_general3A_57 {strides = array<i32>} : memref<1600x128xf32, #tpu.memory_space<vmem>>, vector<1600x128xf32>,
    return
  }
  func.func @transform_0(%arg0: i32) -> (i32, i32) {
    %add3A = arith.constant 60 : i32
    %add3A_0 = arith.addi %arg0, %add3A : i32
    %c0_i32 = arith.constant 0 : i32
    %c0_i32_1 = arith.constant 0 : i32
    return %add3A_0, %c0_i32 : i32, i32
  }
  func.func @transform_1(%arg0: i32) -> (i32, i32) {
    %c0_i32 = arith.constant 0 : i32
    %c0_i32_0 = arith.constant 0 : i32
    return %arg0, %c0_i32 : i32, i32
  }
  func.func @transform_2(%arg0: i32) -> (i32, i32) {
    %c0_i32 = arith.constant 0 : i32
    %c0_i32_0 = arith.constant 0 : i32
    %c0_i32_1 = arith.constant 0 : i32
    return %c0_i32, %c0_i32_0 : i32, i32
  }
  func.func @transform_3(%arg0: i32) -> (i32, i32) {
    %c0_i32 = arith.constant 0 : i32
    %c0_i32_0 = arith.constant 0 : i32
    %c0_i32_1 = arith.constant 0 : i32
    return %c0_i32, %c0_i32_0 : i32, i32
  }
  func.func @transform_4(%arg0: i32) -> (i32, i32) {
    %c0_i32 = arith.constant 0 : i32
    %c0_i32_0 = arith.constant 0 : i32
    %c0_i32_1 = arith.constant 0 : i32
    return %c0_i32, %c0_i32_0 : i32, i32
  }
  func.func @transform_5(%arg0: i32) -> (i32, i32) {
    %c0_i32 = arith.constant 0 : i32
    %c0_i32_0 = arith.constant 0 : i32
    %c0_i32_1 = arith.constant 0 : i32
    return %c0_i32, %c0_i32_0 : i32, i32
  }
  func.func @transform_6(%arg0: i32) -> (i32, i32) {
    %c0_i32 = arith.constant 0 : i32
    %c0_i32_0 = arith.constant 0 : i32
    %c0_i32_1 = arith.constant 0 : i32
    return %c0_i32, %c0_i32_0 : i32, i32
  }
  func.func @transform_7(%arg0: i32) -> (i32, i32) {
    %c0_i32 = arith.constant 0 : i32
    %c0_i32_0 = arith.constant 0 : i32
    %c0_i32_1 = arith.constant 0 : i32
    return %c0_i32, %c0_i32_0 : i32, i32
  }
  func.func @transform_8(%arg0: i32) -> (i32, i32) {
    %c0_i32 = arith.constant 0 : i32
    %c0_i32_0 = arith.constant 0 : i32
    %c0_i32_1 = arith.constant 0 : i32
    return %c0_i32, %c0_i32_0 : i32, i32
  }
  func.func @transform_9(%arg0: i32) -> (i32, i32) {
    %c0_i32 = arith.constant 0 : i32
    %c0_i32_0 = arith.constant 0 : i32
    %c0_i32_1 = arith.constant 0 : i32
    return %c0_i32, %c0_i32_0 : i32, i32
  }
  func.func @transform_10(%arg0: i32) -> (i32, i32) {
    %c0_i32 = arith.constant 0 : i32
    %c0_i32_0 = arith.constant 0 : i32
    return %arg0, %c0_i32 : i32, i32
  }
}

module attributes {stable_mosaic.version = 14 : i64} {
  func.func @_msg_body(%arg0: i32, %arg1: memref<1600x16xf32, #tpu.memory_space<vmem>>, %arg2: memref<1600x32xf32, #tpu.memory_space<vmem>>, %arg3: memref<1x16xf32, #tpu.memory_space<vmem>>, %arg4: memref<1x16xf32, #tpu.memory_space<vmem>>, %arg5: memref<16x32xbf16, #tpu.memory_space<vmem>>, %arg6: memref<1x32xf32, #tpu.memory_space<vmem>>, %arg7: memref<32x1024xbf16, #tpu.memory_space<vmem>>, %arg8: memref<1x1024xf32, #tpu.memory_space<vmem>>, %arg9: memref<32x1024xbf16, #tpu.memory_space<vmem>>, %arg10: memref<1024x128xbf16, #tpu.memory_space<vmem>>, %arg11: memref<1600x128xf32, #tpu.memory_space<vmem>>) attributes {dimension_semantics = [#tpu.dimension_semantics<arbitrary>], iteration_bounds = array<i64: 60>, scalar_prefetch = 0 : i64, scratch_operands = 0 : i64, tpu.core_type = #tpu.core_type<tc>, window_params = [{transform_indices = @transform_0, window_bounds = array<i64: 1600, 16>}, {transform_indices = @transform_1, window_bounds = array<i64: 1600, 32>}, {pipeline_mode = #tpu.pipeline_mode<synchronous>, transform_indices = @transform_2, window_bounds = array<i64: 1, 16>}, {pipeline_mode = #tpu.pipeline_mode<synchronous>, transform_indices = @transform_3, window_bounds = array<i64: 1, 16>}, {pipeline_mode = #tpu.pipeline_mode<synchronous>, transform_indices = @transform_4, window_bounds = array<i64: 16, 32>}, {pipeline_mode = #tpu.pipeline_mode<synchronous>, transform_indices = @transform_5, window_bounds = array<i64: 1, 32>}, {pipeline_mode = #tpu.pipeline_mode<synchronous>, transform_indices = @transform_6, window_bounds = array<i64: 32, 1024>}, {pipeline_mode = #tpu.pipeline_mode<synchronous>, transform_indices = @transform_7, window_bounds = array<i64: 1, 1024>}, {pipeline_mode = #tpu.pipeline_mode<synchronous>, transform_indices = @transform_8, window_bounds = array<i64: 32, 1024>}, {pipeline_mode = #tpu.pipeline_mode<synchronous>, transform_indices = @transform_9, window_bounds = array<i64: 1024, 128>}, {transform_indices = @transform_10, window_bounds = array<i64: 1600, 128>}]} {
    %get3A = arith.constant 0 : index
    %get3A_0 = arith.constant 0 : index
    %get3A_1 = vector.load %arg1[%get3A, %get3A_0] : memref<1600x16xf32, #tpu.memory_space<vmem>>, vector<1600x16xf32>
    %get3A_2 = arith.constant 0 : index
    %get3A_3 = arith.constant 0 : index
    %get3A_4 = vector.load %arg3[%get3A_2, %get3A_3] : memref<1x16xf32, #tpu.memory_space<vmem>>, vector<1x16xf32>
    %mul3A = vector.broadcast %get3A_4 : vector<1x16xf32> to vector<1600x16xf32>
    %mul3A_5 = arith.mulf %get3A_1, %mul3A : vector<1600x16xf32>
    %get3A_6 = arith.constant 0 : index
    %get3A_7 = arith.constant 0 : index
    %get3A_8 = vector.load %arg4[%get3A_6, %get3A_7] : memref<1x16xf32, #tpu.memory_space<vmem>>, vector<1x16xf32>
    %add3A = vector.broadcast %get3A_8 : vector<1x16xf32> to vector<1600x16xf32>
    %add3A_9 = arith.addf %mul3A_5, %add3A : vector<1600x16xf32>
    %convert_element_type3A = arith.truncf %add3A_9 : vector<1600x16xf32> to vector<1600x16xbf16>
    %get3A_10 = arith.constant 0 : index
    %get3A_11 = arith.constant 0 : index
    %get3A_12 = vector.load %arg5[%get3A_10, %get3A_11] : memref<16x32xbf16, #tpu.memory_space<vmem>>, vector<16x32xbf16>
    %dot_general3A = arith.constant dense<0.000000e+00> : vector<1600x32xf32>
    %dot_general3A_13 = tpu.matmul %convert_element_type3A, %get3A_12, %dot_general3A {dimension_numbers = #tpu.dot_dimension_numbers<[1], [0], [0], [1], [0, 0, 1, 1], [], []>, transpose_lhs_hint = false} : vector<1600x16xbf16>, vector<16x32xbf16>, vector<1600x32xf32> -> vector<1600x32xf32>
    %get3A_14 = arith.constant 0 : index
    %get3A_15 = arith.constant 0 : index
    %get3A_16 = vector.load %arg6[%get3A_14, %get3A_15] : memref<1x32xf32, #tpu.memory_space<vmem>>, vector<1x32xf32>
    %add3A_17 = vector.broadcast %get3A_16 : vector<1x32xf32> to vector<1600x32xf32>
    %add3A_18 = arith.addf %dot_general3A_13, %add3A_17 : vector<1600x32xf32>
    %ge3A = arith.constant 0.000000e+00 : f32
    %ge3A_19 = vector.broadcast %ge3A : f32 to vector<1600x32xf32>
    %ge3A_20 = arith.cmpf oge, %add3A_18, %ge3A_19 : vector<1600x32xf32>
    %mul3A_21 = arith.constant 1.000000e-01 : f32
    %mul3A_22 = vector.broadcast %mul3A_21 : f32 to vector<1600x32xf32>
    %mul3A_23 = arith.mulf %mul3A_22, %add3A_18 : vector<1600x32xf32>
    %select_n3A = arith.select %ge3A_20, %add3A_18, %mul3A_23 : vector<1600x32xi1>, vector<1600x32xf32>
    %convert_element_type3A_24 = arith.truncf %select_n3A : vector<1600x32xf32> to vector<1600x32xbf16>
    %get3A_25 = arith.constant 0 : index
    %get3A_26 = arith.constant 0 : index
    %get3A_27 = vector.load %arg7[%get3A_25, %get3A_26] : memref<32x1024xbf16, #tpu.memory_space<vmem>>, vector<32x1024xbf16>
    %dot_general3A_28 = arith.constant dense<0.000000e+00> : vector<1600x1024xf32>
    %dot_general3A_29 = tpu.matmul %convert_element_type3A_24, %get3A_27, %dot_general3A_28 {dimension_numbers = #tpu.dot_dimension_numbers<[1], [0], [0], [1], [0, 0, 1, 1], [], []>, transpose_lhs_hint = false} : vector<1600x32xbf16>, vector<32x1024xbf16>, vector<1600x1024xf32> -> vector<1600x1024xf32>
    %get3A_30 = arith.constant 0 : index
    %get3A_31 = arith.constant 0 : index
    %get3A_32 = vector.load %arg8[%get3A_30, %get3A_31] : memref<1x1024xf32, #tpu.memory_space<vmem>>, vector<1x1024xf32>
    %add3A_33 = vector.broadcast %get3A_32 : vector<1x1024xf32> to vector<1600x1024xf32>
    %add3A_34 = arith.addf %dot_general3A_29, %add3A_33 : vector<1600x1024xf32>
    %ge3A_35 = arith.constant 0.000000e+00 : f32
    %ge3A_36 = vector.broadcast %ge3A_35 : f32 to vector<1600x1024xf32>
    %ge3A_37 = arith.cmpf oge, %add3A_34, %ge3A_36 : vector<1600x1024xf32>
    %mul3A_38 = arith.constant 1.000000e-01 : f32
    %mul3A_39 = vector.broadcast %mul3A_38 : f32 to vector<1600x1024xf32>
    %mul3A_40 = arith.mulf %mul3A_39, %add3A_34 : vector<1600x1024xf32>
    %select_n3A_41 = arith.select %ge3A_37, %add3A_34, %mul3A_40 : vector<1600x1024xi1>, vector<1600x1024xf32>
    %get3A_42 = arith.constant 0 : index
    %get3A_43 = arith.constant 0 : index
    %get3A_44 = vector.load %arg2[%get3A_42, %get3A_43] : memref<1600x32xf32, #tpu.memory_space<vmem>>, vector<1600x32xf32>
    %convert_element_type3A_45 = arith.truncf %get3A_44 : vector<1600x32xf32> to vector<1600x32xbf16>
    %get3A_46 = arith.constant 0 : index
    %get3A_47 = arith.constant 0 : index
    %get3A_48 = vector.load %arg9[%get3A_46, %get3A_47] : memref<32x1024xbf16, #tpu.memory_space<vmem>>, vector<32x1024xbf16>
    %dot_general3A_49 = arith.constant dense<0.000000e+00> : vector<1600x1024xf32>
    %dot_general3A_50 = tpu.matmul %convert_element_type3A_45, %get3A_48, %dot_general3A_49 {dimension_numbers = #tpu.dot_dimension_numbers<[1], [0], [0], [1], [0, 0, 1, 1], [], []>, transpose_lhs_hint = false} : vector<1600x32xbf16>, vector<32x1024xbf16>, vector<1600x1024xf32> -> vector<1600x1024xf32>
    %mul3A_51 = arith.mulf %select_n3A_41, %dot_general3A_50 : vector<1600x1024xf32>
    %convert_element_type3A_52 = arith.truncf %mul3A_51 : vector<1600x1024xf32> to vector<1600x1024xbf16>
    %get3A_53 = arith.constant 0 : index
    %get3A_54 = arith.constant 0 : index
    %get3A_55 = vector.load %arg10[%get3A_53, %get3A_54] : memref<1024x128xbf16, #tpu.memory_space<vmem>>, vector<1024x128xbf16>
    %dot_general3A_56 = arith.constant dense<0.000000e+00> : vector<1600x128xf32>
    %dot_general3A_57 = tpu.matmul %convert_element_type3A_52, %get3A_55, %dot_general3A_56 {dimension_numbers = #tpu.dot_dimension_numbers<[1], [0], [0], [1], [0, 0, 1, 1], [], []>, transpose_lhs_hint = false} : vector<1600x1024xbf16>, vector<1024x128xbf16>, vector<1600x128xf32> -> vector<1600x128xf32>
    %swap3A = arith.constant 0 : index
    %swap3A_58 = arith.constant 0 : index
    %swap3A_59 = vector.load %arg11[%swap3A, %swap3A_58] : memref<1600x128xf32, #tpu.memory_space<vmem>>, vector<1600x128xf32>
    tpu.vector_store %arg11[%swap3A, %swap3A_58], %dot_general3A_57 {strides = array<i32>} : memref<1600x128xf32, #tpu.memory_space<vmem>>, vector<1600x128xf32>,
    return
  }
  func.func @transform_0(%arg0: i32) -> (i32, i32) {
    %add3A = arith.constant 0 : i32
    %add3A_0 = arith.addi %arg0, %add3A : i32
    %c0_i32 = arith.constant 0 : i32
    %c0_i32_1 = arith.constant 0 : i32
    return %add3A_0, %c0_i32 : i32, i32
  }
  func.func @transform_1(%arg0: i32) -> (i32, i32) {
    %c0_i32 = arith.constant 0 : i32
    %c0_i32_0 = arith.constant 0 : i32
    return %arg0, %c0_i32 : i32, i32
  }
  func.func @transform_2(%arg0: i32) -> (i32, i32) {
    %c0_i32 = arith.constant 0 : i32
    %c0_i32_0 = arith.constant 0 : i32
    %c0_i32_1 = arith.constant 0 : i32
    return %c0_i32, %c0_i32_0 : i32, i32
  }
  func.func @transform_3(%arg0: i32) -> (i32, i32) {
    %c0_i32 = arith.constant 0 : i32
    %c0_i32_0 = arith.constant 0 : i32
    %c0_i32_1 = arith.constant 0 : i32
    return %c0_i32, %c0_i32_0 : i32, i32
  }
  func.func @transform_4(%arg0: i32) -> (i32, i32) {
    %c0_i32 = arith.constant 0 : i32
    %c0_i32_0 = arith.constant 0 : i32
    %c0_i32_1 = arith.constant 0 : i32
    return %c0_i32, %c0_i32_0 : i32, i32
  }
  func.func @transform_5(%arg0: i32) -> (i32, i32) {
    %c0_i32 = arith.constant 0 : i32
    %c0_i32_0 = arith.constant 0 : i32
    %c0_i32_1 = arith.constant 0 : i32
    return %c0_i32, %c0_i32_0 : i32, i32
  }
  func.func @transform_6(%arg0: i32) -> (i32, i32) {
    %c0_i32 = arith.constant 0 : i32
    %c0_i32_0 = arith.constant 0 : i32
    %c0_i32_1 = arith.constant 0 : i32
    return %c0_i32, %c0_i32_0 : i32, i32
  }
  func.func @transform_7(%arg0: i32) -> (i32, i32) {
    %c0_i32 = arith.constant 0 : i32
    %c0_i32_0 = arith.constant 0 : i32
    %c0_i32_1 = arith.constant 0 : i32
    return %c0_i32, %c0_i32_0 : i32, i32
  }
  func.func @transform_8(%arg0: i32) -> (i32, i32) {
    %c0_i32 = arith.constant 0 : i32
    %c0_i32_0 = arith.constant 0 : i32
    %c0_i32_1 = arith.constant 0 : i32
    return %c0_i32, %c0_i32_0 : i32, i32
  }
  func.func @transform_9(%arg0: i32) -> (i32, i32) {
    %c0_i32 = arith.constant 0 : i32
    %c0_i32_0 = arith.constant 0 : i32
    %c0_i32_1 = arith.constant 0 : i32
    return %c0_i32, %c0_i32_0 : i32, i32
  }
  func.func @transform_10(%arg0: i32) -> (i32, i32) {
    %c0_i32 = arith.constant 0 : i32
    %c0_i32_0 = arith.constant 0 : i32
    return %arg0, %c0_i32 : i32, i32
  }
}

module attributes {stable_mosaic.version = 14 : i64} {
  func.func @_hfin_body(%arg0: memref<2x10000x32xf32, #tpu.memory_space<vmem>>, %arg1: memref<2x10000x32xf32, #tpu.memory_space<vmem>>, %arg2: memref<10000x32xf32, #tpu.memory_space<vmem>>, %arg3: memref<10000x32xf32, #tpu.memory_space<vmem>>) attributes {dimension_semantics = [], scalar_prefetch = 0 : i64, scratch_operands = 0 : i64, tpu.core_type = #tpu.core_type<tc>} {
    %get3A = arith.constant 0 : index
    %get3A_0 = arith.constant 0 : index
    %get3A_1 = arith.constant 0 : index
    %get3A_2 = vector.load %arg0[%get3A, %get3A_0, %get3A_1] : memref<2x10000x32xf32, #tpu.memory_space<vmem>>, vector<1x10000x32xf32>
    %get3A_3 = vector.shape_cast %get3A_2 : vector<1x10000x32xf32> to vector<10000x32xf32>
    %get3A_4 = arith.constant 1 : index
    %get3A_5 = arith.constant 0 : index
    %get3A_6 = arith.constant 0 : index
    %get3A_7 = vector.load %arg0[%get3A_4, %get3A_5, %get3A_6] : memref<2x10000x32xf32, #tpu.memory_space<vmem>>, vector<1x10000x32xf32>
    %get3A_8 = vector.shape_cast %get3A_7 : vector<1x10000x32xf32> to vector<10000x32xf32>
    %add3A = arith.addf %get3A_3, %get3A_8 : vector<10000x32xf32>
    %get3A_9 = arith.constant 0 : index
    %get3A_10 = arith.constant 0 : index
    %get3A_11 = arith.constant 0 : index
    %get3A_12 = vector.load %arg1[%get3A_9, %get3A_10, %get3A_11] : memref<2x10000x32xf32, #tpu.memory_space<vmem>>, vector<1x10000x32xf32>
    %get3A_13 = vector.shape_cast %get3A_12 : vector<1x10000x32xf32> to vector<10000x32xf32>
    %add3A_14 = arith.addf %add3A, %get3A_13 : vector<10000x32xf32>
    %get3A_15 = arith.constant 1 : index
    %get3A_16 = arith.constant 0 : index
    %get3A_17 = arith.constant 0 : index
    %get3A_18 = vector.load %arg1[%get3A_15, %get3A_16, %get3A_17] : memref<2x10000x32xf32, #tpu.memory_space<vmem>>, vector<1x10000x32xf32>
    %get3A_19 = vector.shape_cast %get3A_18 : vector<1x10000x32xf32> to vector<10000x32xf32>
    %add3A_20 = arith.addf %add3A_14, %get3A_19 : vector<10000x32xf32>
    %get3A_21 = arith.constant 0 : index
    %get3A_22 = arith.constant 0 : index
    %get3A_23 = vector.load %arg2[%get3A_21, %get3A_22] : memref<10000x32xf32, #tpu.memory_space<vmem>>, vector<10000x32xf32>
    %add3A_24 = arith.addf %add3A_20, %get3A_23 : vector<10000x32xf32>
    %swap3A = arith.constant 0 : index
    %swap3A_25 = arith.constant 0 : index
    %swap3A_26 = vector.load %arg3[%swap3A, %swap3A_25] : memref<10000x32xf32, #tpu.memory_space<vmem>>, vector<10000x32xf32>
    tpu.vector_store %arg3[%swap3A, %swap3A_25], %add3A_24 {strides = array<i32>} : memref<10000x32xf32, #tpu.memory_space<vmem>>, vector<10000x32xf32>,
    return
  }
}

module attributes {stable_mosaic.version = 14 : i64} {
  func.func @_ep_body(%arg0: i32, %arg1: memref<1600x32xf32, #tpu.memory_space<vmem>>, %arg2: memref<1600x32xf32, #tpu.memory_space<vmem>>, %arg3: memref<1600x16xf32, #tpu.memory_space<vmem>>, %arg4: memref<1x16xf32, #tpu.memory_space<vmem>>, %arg5: memref<1x16xf32, #tpu.memory_space<vmem>>, %arg6: memref<80x64xf32, #tpu.memory_space<vmem>>, %arg7: memref<1x64xf32, #tpu.memory_space<vmem>>, %arg8: memref<64x32xf32, #tpu.memory_space<vmem>>, %arg9: memref<1x32xf32, #tpu.memory_space<vmem>>, %arg10: memref<32x16xf32, #tpu.memory_space<vmem>>, %arg11: memref<1x16xf32, #tpu.memory_space<vmem>>, %arg12: memref<16x8xf32, #tpu.memory_space<vmem>>, %arg13: memref<1x8xf32, #tpu.memory_space<vmem>>, %arg14: memref<8x2xf32, #tpu.memory_space<vmem>>, %arg15: memref<1x2xf32, #tpu.memory_space<vmem>>, %arg16: memref<1600x2xf32, #tpu.memory_space<vmem>>) attributes {dimension_semantics = [#tpu.dimension_semantics<arbitrary>], iteration_bounds = array<i64: 40>, scalar_prefetch = 0 : i64, scratch_operands = 0 : i64, tpu.core_type = #tpu.core_type<tc>, window_params = [{transform_indices = @transform_0, window_bounds = array<i64: 1600, 32>}, {transform_indices = @transform_1, window_bounds = array<i64: 1600, 32>}, {transform_indices = @transform_2, window_bounds = array<i64: 1600, 16>}, {pipeline_mode = #tpu.pipeline_mode<synchronous>, transform_indices = @transform_3, window_bounds = array<i64: 1, 16>}, {pipeline_mode = #tpu.pipeline_mode<synchronous>, transform_indices = @transform_4, window_bounds = array<i64: 1, 16>}, {pipeline_mode = #tpu.pipeline_mode<synchronous>, transform_indices = @transform_5, window_bounds = array<i64: 80, 64>}, {pipeline_mode = #tpu.pipeline_mode<synchronous>, transform_indices = @transform_6, window_bounds = array<i64: 1, 64>}, {pipeline_mode = #tpu.pipeline_mode<synchronous>, transform_indices = @transform_7, window_bounds = array<i64: 64, 32>}, {pipeline_mode = #tpu.pipeline_mode<synchronous>, transform_indices = @transform_8, window_bounds = array<i64: 1, 32>}, {pipeline_mode = #tpu.pipeline_mode<synchronous>, transform_indices = @transform_9, window_bounds = array<i64: 32, 16>}, {pipeline_mode = #tpu.pipeline_mode<synchronous>, transform_indices = @transform_10, window_bounds = array<i64: 1, 16>}, {pipeline_mode = #tpu.pipeline_mode<synchronous>, transform_indices = @transform_11, window_bounds = array<i64: 16, 8>}, {pipeline_mode = #tpu.pipeline_mode<synchronous>, transform_indices = @transform_12, window_bounds = array<i64: 1, 8>}, {pipeline_mode = #tpu.pipeline_mode<synchronous>, transform_indices = @transform_13, window_bounds = array<i64: 8, 2>}, {pipeline_mode = #tpu.pipeline_mode<synchronous>, transform_indices = @transform_14, window_bounds = array<i64: 1, 2>}, {transform_indices = @transform_15, window_bounds = array<i64: 1600, 2>}]} {
    %get3A = arith.constant 0 : index
    %get3A_0 = arith.constant 0 : index
    %get3A_1 = vector.load %arg3[%get3A, %get3A_0] : memref<1600x16xf32, #tpu.memory_space<vmem>>, vector<1600x16xf32>
    %get3A_2 = arith.constant 0 : index
    %get3A_3 = arith.constant 0 : index
    %get3A_4 = vector.load %arg4[%get3A_2, %get3A_3] : memref<1x16xf32, #tpu.memory_space<vmem>>, vector<1x16xf32>
    %mul3A = vector.broadcast %get3A_4 : vector<1x16xf32> to vector<1600x16xf32>
    %mul3A_5 = arith.mulf %get3A_1, %mul3A : vector<1600x16xf32>
    %get3A_6 = arith.constant 0 : index
    %get3A_7 = arith.constant 0 : index
    %get3A_8 = vector.load %arg5[%get3A_6, %get3A_7] : memref<1x16xf32, #tpu.memory_space<vmem>>, vector<1x16xf32>
    %add3A = vector.broadcast %get3A_8 : vector<1x16xf32> to vector<1600x16xf32>
    %add3A_9 = arith.addf %mul3A_5, %add3A : vector<1600x16xf32>
    %get3A_10 = arith.constant 0 : index
    %get3A_11 = arith.constant 0 : index
    %get3A_12 = vector.load %arg6[%get3A_10, %get3A_11] : memref<80x64xf32, #tpu.memory_space<vmem>>, vector<80x64xf32>
    %get3A_13 = arith.constant 0 : index
    %get3A_14 = arith.constant 0 : index
    %get3A_15 = vector.load %arg1[%get3A_13, %get3A_14] : memref<1600x32xf32, #tpu.memory_space<vmem>>, vector<1600x32xf32>
    %slice3A = vector.extract_strided_slice %get3A_12 {offsets = [0, 0], sizes = [32, 64], strides = [1, 1]} : vector<80x64xf32> to vector<32x64xf32>
    %dot_general3A = arith.constant dense<0.000000e+00> : vector<1600x64xf32>
    %dot_general3A_16 = tpu.matmul %get3A_15, %slice3A, %dot_general3A {dimension_numbers = #tpu.dot_dimension_numbers<[1], [0], [0], [1], [0, 0, 1, 1], [], []>, transpose_lhs_hint = false} : vector<1600x32xf32>, vector<32x64xf32>, vector<1600x64xf32> -> vector<1600x64xf32>
    %get3A_17 = arith.constant 0 : index
    %get3A_18 = arith.constant 0 : index
    %get3A_19 = vector.load %arg2[%get3A_17, %get3A_18] : memref<1600x32xf32, #tpu.memory_space<vmem>>, vector<1600x32xf32>
    %slice3A_20 = vector.extract_strided_slice %get3A_12 {offsets = [32, 0], sizes = [32, 64], strides = [1, 1]} : vector<80x64xf32> to vector<32x64xf32>
    %dot_general3A_21 = arith.constant dense<0.000000e+00> : vector<1600x64xf32>
    %dot_general3A_22 = tpu.matmul %get3A_19, %slice3A_20, %dot_general3A_21 {dimension_numbers = #tpu.dot_dimension_numbers<[1], [0], [0], [1], [0, 0, 1, 1], [], []>, transpose_lhs_hint = false} : vector<1600x32xf32>, vector<32x64xf32>, vector<1600x64xf32> -> vector<1600x64xf32>
    %add3A_23 = arith.addf %dot_general3A_16, %dot_general3A_22 : vector<1600x64xf32>
    %slice3A_24 = vector.extract_strided_slice %get3A_12 {offsets = [64, 0], sizes = [16, 64], strides = [1, 1]} : vector<80x64xf32> to vector<16x64xf32>
    %dot_general3A_25 = arith.constant dense<0.000000e+00> : vector<1600x64xf32>
    %dot_general3A_26 = tpu.matmul %add3A_9, %slice3A_24, %dot_general3A_25 {dimension_numbers = #tpu.dot_dimension_numbers<[1], [0], [0], [1], [0, 0, 1, 1], [], []>, transpose_lhs_hint = false} : vector<1600x16xf32>, vector<16x64xf32>, vector<1600x64xf32> -> vector<1600x64xf32>
    %add3A_27 = arith.addf %add3A_23, %dot_general3A_26 : vector<1600x64xf32>
    %get3A_28 = arith.constant 0 : index
    %get3A_29 = arith.constant 0 : index
    %get3A_30 = vector.load %arg7[%get3A_28, %get3A_29] : memref<1x64xf32, #tpu.memory_space<vmem>>, vector<1x64xf32>
    %add3A_31 = vector.broadcast %get3A_30 : vector<1x64xf32> to vector<1600x64xf32>
    %add3A_32 = arith.addf %add3A_27, %add3A_31 : vector<1600x64xf32>
    %ge3A = arith.constant 0.000000e+00 : f32
    %ge3A_33 = vector.broadcast %ge3A : f32 to vector<1600x64xf32>
    %ge3A_34 = arith.cmpf oge, %add3A_32, %ge3A_33 : vector<1600x64xf32>
    %mul3A_35 = arith.constant 1.000000e-01 : f32
    %mul3A_36 = vector.broadcast %mul3A_35 : f32 to vector<1600x64xf32>
    %mul3A_37 = arith.mulf %mul3A_36, %add3A_32 : vector<1600x64xf32>
    %select_n3A = arith.select %ge3A_34, %add3A_32, %mul3A_37 : vector<1600x64xi1>, vector<1600x64xf32>
    %get3A_38 = arith.constant 0 : index
    %get3A_39 = arith.constant 0 : index
    %get3A_40 = vector.load %arg8[%get3A_38, %get3A_39] : memref<64x32xf32, #tpu.memory_space<vmem>>, vector<64x32xf32>
    %dot_general3A_41 = arith.constant dense<0.000000e+00> : vector<1600x32xf32>
    %dot_general3A_42 = tpu.matmul %select_n3A, %get3A_40, %dot_general3A_41 {dimension_numbers = #tpu.dot_dimension_numbers<[1], [0], [0], [1], [0, 0, 1, 1], [], []>, transpose_lhs_hint = false} : vector<1600x64xf32>, vector<64x32xf32>, vector<1600x32xf32> -> vector<1600x32xf32>
    %get3A_43 = arith.constant 0 : index
    %get3A_44 = arith.constant 0 : index
    %get3A_45 = vector.load %arg9[%get3A_43, %get3A_44] : memref<1x32xf32, #tpu.memory_space<vmem>>, vector<1x32xf32>
    %add3A_46 = vector.broadcast %get3A_45 : vector<1x32xf32> to vector<1600x32xf32>
    %add3A_47 = arith.addf %dot_general3A_42, %add3A_46 : vector<1600x32xf32>
    %ge3A_48 = arith.constant 0.000000e+00 : f32
    %ge3A_49 = vector.broadcast %ge3A_48 : f32 to vector<1600x32xf32>
    %ge3A_50 = arith.cmpf oge, %add3A_47, %ge3A_49 : vector<1600x32xf32>
    %mul3A_51 = arith.constant 1.000000e-01 : f32
    %mul3A_52 = vector.broadcast %mul3A_51 : f32 to vector<1600x32xf32>
    %mul3A_53 = arith.mulf %mul3A_52, %add3A_47 : vector<1600x32xf32>
    %select_n3A_54 = arith.select %ge3A_50, %add3A_47, %mul3A_53 : vector<1600x32xi1>, vector<1600x32xf32>
    %get3A_55 = arith.constant 0 : index
    %get3A_56 = arith.constant 0 : index
    %get3A_57 = vector.load %arg10[%get3A_55, %get3A_56] : memref<32x16xf32, #tpu.memory_space<vmem>>, vector<32x16xf32>
    %dot_general3A_58 = arith.constant dense<0.000000e+00> : vector<1600x16xf32>
    %dot_general3A_59 = tpu.matmul %select_n3A_54, %get3A_57, %dot_general3A_58 {dimension_numbers = #tpu.dot_dimension_numbers<[1], [0], [0], [1], [0, 0, 1, 1], [], []>, transpose_lhs_hint = false} : vector<1600x32xf32>, vector<32x16xf32>, vector<1600x16xf32> -> vector<1600x16xf32>
    %get3A_60 = arith.constant 0 : index
    %get3A_61 = arith.constant 0 : index
    %get3A_62 = vector.load %arg11[%get3A_60, %get3A_61] : memref<1x16xf32, #tpu.memory_space<vmem>>, vector<1x16xf32>
    %add3A_63 = vector.broadcast %get3A_62 : vector<1x16xf32> to vector<1600x16xf32>
    %add3A_64 = arith.addf %dot_general3A_59, %add3A_63 : vector<1600x16xf32>
    %ge3A_65 = arith.constant 0.000000e+00 : f32
    %ge3A_66 = vector.broadcast %ge3A_65 : f32 to vector<1600x16xf32>
    %ge3A_67 = arith.cmpf oge, %add3A_64, %ge3A_66 : vector<1600x16xf32>
    %mul3A_68 = arith.constant 1.000000e-01 : f32
    %mul3A_69 = vector.broadcast %mul3A_68 : f32 to vector<1600x16xf32>
    %mul3A_70 = arith.mulf %mul3A_69, %add3A_64 : vector<1600x16xf32>
    %select_n3A_71 = arith.select %ge3A_67, %add3A_64, %mul3A_70 : vector<1600x16xi1>, vector<1600x16xf32>
    %get3A_72 = arith.constant 0 : index
    %get3A_73 = arith.constant 0 : index
    %get3A_74 = vector.load %arg12[%get3A_72, %get3A_73] : memref<16x8xf32, #tpu.memory_space<vmem>>, vector<16x8xf32>
    %dot_general3A_75 = arith.constant dense<0.000000e+00> : vector<1600x8xf32>
    %dot_general3A_76 = tpu.matmul %select_n3A_71, %get3A_74, %dot_general3A_75 {dimension_numbers = #tpu.dot_dimension_numbers<[1], [0], [0], [1], [0, 0, 1, 1], [], []>, transpose_lhs_hint = false} : vector<1600x16xf32>, vector<16x8xf32>, vector<1600x8xf32> -> vector<1600x8xf32>
    %get3A_77 = arith.constant 0 : index
    %get3A_78 = arith.constant 0 : index
    %get3A_79 = vector.load %arg13[%get3A_77, %get3A_78] : memref<1x8xf32, #tpu.memory_space<vmem>>, vector<1x8xf32>
    %add3A_80 = vector.broadcast %get3A_79 : vector<1x8xf32> to vector<1600x8xf32>
    %add3A_81 = arith.addf %dot_general3A_76, %add3A_80 : vector<1600x8xf32>
    %ge3A_82 = arith.constant 0.000000e+00 : f32
    %ge3A_83 = vector.broadcast %ge3A_82 : f32 to vector<1600x8xf32>
    %ge3A_84 = arith.cmpf oge, %add3A_81, %ge3A_83 : vector<1600x8xf32>
    %mul3A_85 = arith.constant 1.000000e-01 : f32
    %mul3A_86 = vector.broadcast %mul3A_85 : f32 to vector<1600x8xf32>
    %mul3A_87 = arith.mulf %mul3A_86, %add3A_81 : vector<1600x8xf32>
    %select_n3A_88 = arith.select %ge3A_84, %add3A_81, %mul3A_87 : vector<1600x8xi1>, vector<1600x8xf32>
    %get3A_89 = arith.constant 0 : index
    %get3A_90 = arith.constant 0 : index
    %get3A_91 = vector.load %arg14[%get3A_89, %get3A_90] : memref<8x2xf32, #tpu.memory_space<vmem>>, vector<8x2xf32>
    %dot_general3A_92 = arith.constant dense<0.000000e+00> : vector<1600x2xf32>
    %dot_general3A_93 = tpu.matmul %select_n3A_88, %get3A_91, %dot_general3A_92 {dimension_numbers = #tpu.dot_dimension_numbers<[1], [0], [0], [1], [0, 0, 1, 1], [], []>, transpose_lhs_hint = false} : vector<1600x8xf32>, vector<8x2xf32>, vector<1600x2xf32> -> vector<1600x2xf32>
    %get3A_94 = arith.constant 0 : index
    %get3A_95 = arith.constant 0 : index
    %get3A_96 = vector.load %arg15[%get3A_94, %get3A_95] : memref<1x2xf32, #tpu.memory_space<vmem>>, vector<1x2xf32>
    %add3A_97 = vector.broadcast %get3A_96 : vector<1x2xf32> to vector<1600x2xf32>
    %add3A_98 = arith.addf %dot_general3A_93, %add3A_97 : vector<1600x2xf32>
    %swap3A = arith.constant 0 : index
    %swap3A_99 = arith.constant 0 : index
    %swap3A_100 = vector.load %arg16[%swap3A, %swap3A_99] : memref<1600x2xf32, #tpu.memory_space<vmem>>, vector<1600x2xf32>
    tpu.vector_store %arg16[%swap3A, %swap3A_99], %add3A_98 {strides = array<i32>} : memref<1600x2xf32, #tpu.memory_space<vmem>>, vector<1600x2xf32>,
    return
  }
  func.func @transform_0(%arg0: i32) -> (i32, i32) {
    %c0_i32 = arith.constant 0 : i32
    %c0_i32_0 = arith.constant 0 : i32
    return %arg0, %c0_i32 : i32, i32
  }
  func.func @transform_1(%arg0: i32) -> (i32, i32) {
    %c0_i32 = arith.constant 0 : i32
    %c0_i32_0 = arith.constant 0 : i32
    return %arg0, %c0_i32 : i32, i32
  }
  func.func @transform_2(%arg0: i32) -> (i32, i32) {
    %add3A = arith.constant 60 : i32
    %add3A_0 = arith.addi %arg0, %add3A : i32
    %c0_i32 = arith.constant 0 : i32
    %c0_i32_1 = arith.constant 0 : i32
    return %add3A_0, %c0_i32 : i32, i32
  }
  func.func @transform_3(%arg0: i32) -> (i32, i32) {
    %c0_i32 = arith.constant 0 : i32
    %c0_i32_0 = arith.constant 0 : i32
    %c0_i32_1 = arith.constant 0 : i32
    return %c0_i32, %c0_i32_0 : i32, i32
  }
  func.func @transform_4(%arg0: i32) -> (i32, i32) {
    %c0_i32 = arith.constant 0 : i32
    %c0_i32_0 = arith.constant 0 : i32
    %c0_i32_1 = arith.constant 0 : i32
    return %c0_i32, %c0_i32_0 : i32, i32
  }
  func.func @transform_5(%arg0: i32) -> (i32, i32) {
    %c0_i32 = arith.constant 0 : i32
    %c0_i32_0 = arith.constant 0 : i32
    %c0_i32_1 = arith.constant 0 : i32
    return %c0_i32, %c0_i32_0 : i32, i32
  }
  func.func @transform_6(%arg0: i32) -> (i32, i32) {
    %c0_i32 = arith.constant 0 : i32
    %c0_i32_0 = arith.constant 0 : i32
    %c0_i32_1 = arith.constant 0 : i32
    return %c0_i32, %c0_i32_0 : i32, i32
  }
  func.func @transform_7(%arg0: i32) -> (i32, i32) {
    %c0_i32 = arith.constant 0 : i32
    %c0_i32_0 = arith.constant 0 : i32
    %c0_i32_1 = arith.constant 0 : i32
    return %c0_i32, %c0_i32_0 : i32, i32
  }
  func.func @transform_8(%arg0: i32) -> (i32, i32) {
    %c0_i32 = arith.constant 0 : i32
    %c0_i32_0 = arith.constant 0 : i32
    %c0_i32_1 = arith.constant 0 : i32
    return %c0_i32, %c0_i32_0 : i32, i32
  }
  func.func @transform_9(%arg0: i32) -> (i32, i32) {
    %c0_i32 = arith.constant 0 : i32
    %c0_i32_0 = arith.constant 0 : i32
    %c0_i32_1 = arith.constant 0 : i32
    return %c0_i32, %c0_i32_0 : i32, i32
  }
  func.func @transform_10(%arg0: i32) -> (i32, i32) {
    %c0_i32 = arith.constant 0 : i32
    %c0_i32_0 = arith.constant 0 : i32
    %c0_i32_1 = arith.constant 0 : i32
    return %c0_i32, %c0_i32_0 : i32, i32
  }
  func.func @transform_11(%arg0: i32) -> (i32, i32) {
    %c0_i32 = arith.constant 0 : i32
    %c0_i32_0 = arith.constant 0 : i32
    %c0_i32_1 = arith.constant 0 : i32
    return %c0_i32, %c0_i32_0 : i32, i32
  }
  func.func @transform_12(%arg0: i32) -> (i32, i32) {
    %c0_i32 = arith.constant 0 : i32
    %c0_i32_0 = arith.constant 0 : i32
    %c0_i32_1 = arith.constant 0 : i32
    return %c0_i32, %c0_i32_0 : i32, i32
  }
  func.func @transform_13(%arg0: i32) -> (i32, i32) {
    %c0_i32 = arith.constant 0 : i32
    %c0_i32_0 = arith.constant 0 : i32
    %c0_i32_1 = arith.constant 0 : i32
    return %c0_i32, %c0_i32_0 : i32, i32
  }
  func.func @transform_14(%arg0: i32) -> (i32, i32) {
    %c0_i32 = arith.constant 0 : i32
    %c0_i32_0 = arith.constant 0 : i32
    %c0_i32_1 = arith.constant 0 : i32
    return %c0_i32, %c0_i32_0 : i32, i32
  }
  func.func @transform_15(%arg0: i32) -> (i32, i32) {
    %c0_i32 = arith.constant 0 : i32
    %c0_i32_0 = arith.constant 0 : i32
    return %arg0, %c0_i32 : i32, i32
  }
}

module attributes {stable_mosaic.version = 14 : i64} {
  func.func @_ep_body(%arg0: i32, %arg1: memref<1600x32xf32, #tpu.memory_space<vmem>>, %arg2: memref<1600x32xf32, #tpu.memory_space<vmem>>, %arg3: memref<1600x16xf32, #tpu.memory_space<vmem>>, %arg4: memref<1x16xf32, #tpu.memory_space<vmem>>, %arg5: memref<1x16xf32, #tpu.memory_space<vmem>>, %arg6: memref<80x64xf32, #tpu.memory_space<vmem>>, %arg7: memref<1x64xf32, #tpu.memory_space<vmem>>, %arg8: memref<64x32xf32, #tpu.memory_space<vmem>>, %arg9: memref<1x32xf32, #tpu.memory_space<vmem>>, %arg10: memref<32x16xf32, #tpu.memory_space<vmem>>, %arg11: memref<1x16xf32, #tpu.memory_space<vmem>>, %arg12: memref<16x8xf32, #tpu.memory_space<vmem>>, %arg13: memref<1x8xf32, #tpu.memory_space<vmem>>, %arg14: memref<8x2xf32, #tpu.memory_space<vmem>>, %arg15: memref<1x2xf32, #tpu.memory_space<vmem>>, %arg16: memref<1600x2xf32, #tpu.memory_space<vmem>>) attributes {dimension_semantics = [#tpu.dimension_semantics<arbitrary>], iteration_bounds = array<i64: 60>, scalar_prefetch = 0 : i64, scratch_operands = 0 : i64, tpu.core_type = #tpu.core_type<tc>, window_params = [{transform_indices = @transform_0, window_bounds = array<i64: 1600, 32>}, {transform_indices = @transform_1, window_bounds = array<i64: 1600, 32>}, {transform_indices = @transform_2, window_bounds = array<i64: 1600, 16>}, {pipeline_mode = #tpu.pipeline_mode<synchronous>, transform_indices = @transform_3, window_bounds = array<i64: 1, 16>}, {pipeline_mode = #tpu.pipeline_mode<synchronous>, transform_indices = @transform_4, window_bounds = array<i64: 1, 16>}, {pipeline_mode = #tpu.pipeline_mode<synchronous>, transform_indices = @transform_5, window_bounds = array<i64: 80, 64>}, {pipeline_mode = #tpu.pipeline_mode<synchronous>, transform_indices = @transform_6, window_bounds = array<i64: 1, 64>}, {pipeline_mode = #tpu.pipeline_mode<synchronous>, transform_indices = @transform_7, window_bounds = array<i64: 64, 32>}, {pipeline_mode = #tpu.pipeline_mode<synchronous>, transform_indices = @transform_8, window_bounds = array<i64: 1, 32>}, {pipeline_mode = #tpu.pipeline_mode<synchronous>, transform_indices = @transform_9, window_bounds = array<i64: 32, 16>}, {pipeline_mode = #tpu.pipeline_mode<synchronous>, transform_indices = @transform_10, window_bounds = array<i64: 1, 16>}, {pipeline_mode = #tpu.pipeline_mode<synchronous>, transform_indices = @transform_11, window_bounds = array<i64: 16, 8>}, {pipeline_mode = #tpu.pipeline_mode<synchronous>, transform_indices = @transform_12, window_bounds = array<i64: 1, 8>}, {pipeline_mode = #tpu.pipeline_mode<synchronous>, transform_indices = @transform_13, window_bounds = array<i64: 8, 2>}, {pipeline_mode = #tpu.pipeline_mode<synchronous>, transform_indices = @transform_14, window_bounds = array<i64: 1, 2>}, {transform_indices = @transform_15, window_bounds = array<i64: 1600, 2>}]} {
    %get3A = arith.constant 0 : index
    %get3A_0 = arith.constant 0 : index
    %get3A_1 = vector.load %arg3[%get3A, %get3A_0] : memref<1600x16xf32, #tpu.memory_space<vmem>>, vector<1600x16xf32>
    %get3A_2 = arith.constant 0 : index
    %get3A_3 = arith.constant 0 : index
    %get3A_4 = vector.load %arg4[%get3A_2, %get3A_3] : memref<1x16xf32, #tpu.memory_space<vmem>>, vector<1x16xf32>
    %mul3A = vector.broadcast %get3A_4 : vector<1x16xf32> to vector<1600x16xf32>
    %mul3A_5 = arith.mulf %get3A_1, %mul3A : vector<1600x16xf32>
    %get3A_6 = arith.constant 0 : index
    %get3A_7 = arith.constant 0 : index
    %get3A_8 = vector.load %arg5[%get3A_6, %get3A_7] : memref<1x16xf32, #tpu.memory_space<vmem>>, vector<1x16xf32>
    %add3A = vector.broadcast %get3A_8 : vector<1x16xf32> to vector<1600x16xf32>
    %add3A_9 = arith.addf %mul3A_5, %add3A : vector<1600x16xf32>
    %get3A_10 = arith.constant 0 : index
    %get3A_11 = arith.constant 0 : index
    %get3A_12 = vector.load %arg6[%get3A_10, %get3A_11] : memref<80x64xf32, #tpu.memory_space<vmem>>, vector<80x64xf32>
    %get3A_13 = arith.constant 0 : index
    %get3A_14 = arith.constant 0 : index
    %get3A_15 = vector.load %arg1[%get3A_13, %get3A_14] : memref<1600x32xf32, #tpu.memory_space<vmem>>, vector<1600x32xf32>
    %slice3A = vector.extract_strided_slice %get3A_12 {offsets = [0, 0], sizes = [32, 64], strides = [1, 1]} : vector<80x64xf32> to vector<32x64xf32>
    %dot_general3A = arith.constant dense<0.000000e+00> : vector<1600x64xf32>
    %dot_general3A_16 = tpu.matmul %get3A_15, %slice3A, %dot_general3A {dimension_numbers = #tpu.dot_dimension_numbers<[1], [0], [0], [1], [0, 0, 1, 1], [], []>, transpose_lhs_hint = false} : vector<1600x32xf32>, vector<32x64xf32>, vector<1600x64xf32> -> vector<1600x64xf32>
    %get3A_17 = arith.constant 0 : index
    %get3A_18 = arith.constant 0 : index
    %get3A_19 = vector.load %arg2[%get3A_17, %get3A_18] : memref<1600x32xf32, #tpu.memory_space<vmem>>, vector<1600x32xf32>
    %slice3A_20 = vector.extract_strided_slice %get3A_12 {offsets = [32, 0], sizes = [32, 64], strides = [1, 1]} : vector<80x64xf32> to vector<32x64xf32>
    %dot_general3A_21 = arith.constant dense<0.000000e+00> : vector<1600x64xf32>
    %dot_general3A_22 = tpu.matmul %get3A_19, %slice3A_20, %dot_general3A_21 {dimension_numbers = #tpu.dot_dimension_numbers<[1], [0], [0], [1], [0, 0, 1, 1], [], []>, transpose_lhs_hint = false} : vector<1600x32xf32>, vector<32x64xf32>, vector<1600x64xf32> -> vector<1600x64xf32>
    %add3A_23 = arith.addf %dot_general3A_16, %dot_general3A_22 : vector<1600x64xf32>
    %slice3A_24 = vector.extract_strided_slice %get3A_12 {offsets = [64, 0], sizes = [16, 64], strides = [1, 1]} : vector<80x64xf32> to vector<16x64xf32>
    %dot_general3A_25 = arith.constant dense<0.000000e+00> : vector<1600x64xf32>
    %dot_general3A_26 = tpu.matmul %add3A_9, %slice3A_24, %dot_general3A_25 {dimension_numbers = #tpu.dot_dimension_numbers<[1], [0], [0], [1], [0, 0, 1, 1], [], []>, transpose_lhs_hint = false} : vector<1600x16xf32>, vector<16x64xf32>, vector<1600x64xf32> -> vector<1600x64xf32>
    %add3A_27 = arith.addf %add3A_23, %dot_general3A_26 : vector<1600x64xf32>
    %get3A_28 = arith.constant 0 : index
    %get3A_29 = arith.constant 0 : index
    %get3A_30 = vector.load %arg7[%get3A_28, %get3A_29] : memref<1x64xf32, #tpu.memory_space<vmem>>, vector<1x64xf32>
    %add3A_31 = vector.broadcast %get3A_30 : vector<1x64xf32> to vector<1600x64xf32>
    %add3A_32 = arith.addf %add3A_27, %add3A_31 : vector<1600x64xf32>
    %ge3A = arith.constant 0.000000e+00 : f32
    %ge3A_33 = vector.broadcast %ge3A : f32 to vector<1600x64xf32>
    %ge3A_34 = arith.cmpf oge, %add3A_32, %ge3A_33 : vector<1600x64xf32>
    %mul3A_35 = arith.constant 1.000000e-01 : f32
    %mul3A_36 = vector.broadcast %mul3A_35 : f32 to vector<1600x64xf32>
    %mul3A_37 = arith.mulf %mul3A_36, %add3A_32 : vector<1600x64xf32>
    %select_n3A = arith.select %ge3A_34, %add3A_32, %mul3A_37 : vector<1600x64xi1>, vector<1600x64xf32>
    %get3A_38 = arith.constant 0 : index
    %get3A_39 = arith.constant 0 : index
    %get3A_40 = vector.load %arg8[%get3A_38, %get3A_39] : memref<64x32xf32, #tpu.memory_space<vmem>>, vector<64x32xf32>
    %dot_general3A_41 = arith.constant dense<0.000000e+00> : vector<1600x32xf32>
    %dot_general3A_42 = tpu.matmul %select_n3A, %get3A_40, %dot_general3A_41 {dimension_numbers = #tpu.dot_dimension_numbers<[1], [0], [0], [1], [0, 0, 1, 1], [], []>, transpose_lhs_hint = false} : vector<1600x64xf32>, vector<64x32xf32>, vector<1600x32xf32> -> vector<1600x32xf32>
    %get3A_43 = arith.constant 0 : index
    %get3A_44 = arith.constant 0 : index
    %get3A_45 = vector.load %arg9[%get3A_43, %get3A_44] : memref<1x32xf32, #tpu.memory_space<vmem>>, vector<1x32xf32>
    %add3A_46 = vector.broadcast %get3A_45 : vector<1x32xf32> to vector<1600x32xf32>
    %add3A_47 = arith.addf %dot_general3A_42, %add3A_46 : vector<1600x32xf32>
    %ge3A_48 = arith.constant 0.000000e+00 : f32
    %ge3A_49 = vector.broadcast %ge3A_48 : f32 to vector<1600x32xf32>
    %ge3A_50 = arith.cmpf oge, %add3A_47, %ge3A_49 : vector<1600x32xf32>
    %mul3A_51 = arith.constant 1.000000e-01 : f32
    %mul3A_52 = vector.broadcast %mul3A_51 : f32 to vector<1600x32xf32>
    %mul3A_53 = arith.mulf %mul3A_52, %add3A_47 : vector<1600x32xf32>
    %select_n3A_54 = arith.select %ge3A_50, %add3A_47, %mul3A_53 : vector<1600x32xi1>, vector<1600x32xf32>
    %get3A_55 = arith.constant 0 : index
    %get3A_56 = arith.constant 0 : index
    %get3A_57 = vector.load %arg10[%get3A_55, %get3A_56] : memref<32x16xf32, #tpu.memory_space<vmem>>, vector<32x16xf32>
    %dot_general3A_58 = arith.constant dense<0.000000e+00> : vector<1600x16xf32>
    %dot_general3A_59 = tpu.matmul %select_n3A_54, %get3A_57, %dot_general3A_58 {dimension_numbers = #tpu.dot_dimension_numbers<[1], [0], [0], [1], [0, 0, 1, 1], [], []>, transpose_lhs_hint = false} : vector<1600x32xf32>, vector<32x16xf32>, vector<1600x16xf32> -> vector<1600x16xf32>
    %get3A_60 = arith.constant 0 : index
    %get3A_61 = arith.constant 0 : index
    %get3A_62 = vector.load %arg11[%get3A_60, %get3A_61] : memref<1x16xf32, #tpu.memory_space<vmem>>, vector<1x16xf32>
    %add3A_63 = vector.broadcast %get3A_62 : vector<1x16xf32> to vector<1600x16xf32>
    %add3A_64 = arith.addf %dot_general3A_59, %add3A_63 : vector<1600x16xf32>
    %ge3A_65 = arith.constant 0.000000e+00 : f32
    %ge3A_66 = vector.broadcast %ge3A_65 : f32 to vector<1600x16xf32>
    %ge3A_67 = arith.cmpf oge, %add3A_64, %ge3A_66 : vector<1600x16xf32>
    %mul3A_68 = arith.constant 1.000000e-01 : f32
    %mul3A_69 = vector.broadcast %mul3A_68 : f32 to vector<1600x16xf32>
    %mul3A_70 = arith.mulf %mul3A_69, %add3A_64 : vector<1600x16xf32>
    %select_n3A_71 = arith.select %ge3A_67, %add3A_64, %mul3A_70 : vector<1600x16xi1>, vector<1600x16xf32>
    %get3A_72 = arith.constant 0 : index
    %get3A_73 = arith.constant 0 : index
    %get3A_74 = vector.load %arg12[%get3A_72, %get3A_73] : memref<16x8xf32, #tpu.memory_space<vmem>>, vector<16x8xf32>
    %dot_general3A_75 = arith.constant dense<0.000000e+00> : vector<1600x8xf32>
    %dot_general3A_76 = tpu.matmul %select_n3A_71, %get3A_74, %dot_general3A_75 {dimension_numbers = #tpu.dot_dimension_numbers<[1], [0], [0], [1], [0, 0, 1, 1], [], []>, transpose_lhs_hint = false} : vector<1600x16xf32>, vector<16x8xf32>, vector<1600x8xf32> -> vector<1600x8xf32>
    %get3A_77 = arith.constant 0 : index
    %get3A_78 = arith.constant 0 : index
    %get3A_79 = vector.load %arg13[%get3A_77, %get3A_78] : memref<1x8xf32, #tpu.memory_space<vmem>>, vector<1x8xf32>
    %add3A_80 = vector.broadcast %get3A_79 : vector<1x8xf32> to vector<1600x8xf32>
    %add3A_81 = arith.addf %dot_general3A_76, %add3A_80 : vector<1600x8xf32>
    %ge3A_82 = arith.constant 0.000000e+00 : f32
    %ge3A_83 = vector.broadcast %ge3A_82 : f32 to vector<1600x8xf32>
    %ge3A_84 = arith.cmpf oge, %add3A_81, %ge3A_83 : vector<1600x8xf32>
    %mul3A_85 = arith.constant 1.000000e-01 : f32
    %mul3A_86 = vector.broadcast %mul3A_85 : f32 to vector<1600x8xf32>
    %mul3A_87 = arith.mulf %mul3A_86, %add3A_81 : vector<1600x8xf32>
    %select_n3A_88 = arith.select %ge3A_84, %add3A_81, %mul3A_87 : vector<1600x8xi1>, vector<1600x8xf32>
    %get3A_89 = arith.constant 0 : index
    %get3A_90 = arith.constant 0 : index
    %get3A_91 = vector.load %arg14[%get3A_89, %get3A_90] : memref<8x2xf32, #tpu.memory_space<vmem>>, vector<8x2xf32>
    %dot_general3A_92 = arith.constant dense<0.000000e+00> : vector<1600x2xf32>
    %dot_general3A_93 = tpu.matmul %select_n3A_88, %get3A_91, %dot_general3A_92 {dimension_numbers = #tpu.dot_dimension_numbers<[1], [0], [0], [1], [0, 0, 1, 1], [], []>, transpose_lhs_hint = false} : vector<1600x8xf32>, vector<8x2xf32>, vector<1600x2xf32> -> vector<1600x2xf32>
    %get3A_94 = arith.constant 0 : index
    %get3A_95 = arith.constant 0 : index
    %get3A_96 = vector.load %arg15[%get3A_94, %get3A_95] : memref<1x2xf32, #tpu.memory_space<vmem>>, vector<1x2xf32>
    %add3A_97 = vector.broadcast %get3A_96 : vector<1x2xf32> to vector<1600x2xf32>
    %add3A_98 = arith.addf %dot_general3A_93, %add3A_97 : vector<1600x2xf32>
    %swap3A = arith.constant 0 : index
    %swap3A_99 = arith.constant 0 : index
    %swap3A_100 = vector.load %arg16[%swap3A, %swap3A_99] : memref<1600x2xf32, #tpu.memory_space<vmem>>, vector<1600x2xf32>
    tpu.vector_store %arg16[%swap3A, %swap3A_99], %add3A_98 {strides = array<i32>} : memref<1600x2xf32, #tpu.memory_space<vmem>>, vector<1600x2xf32>,
    return
  }
  func.func @transform_0(%arg0: i32) -> (i32, i32) {
    %c0_i32 = arith.constant 0 : i32
    %c0_i32_0 = arith.constant 0 : i32
    return %arg0, %c0_i32 : i32, i32
  }
  func.func @transform_1(%arg0: i32) -> (i32, i32) {
    %c0_i32 = arith.constant 0 : i32
    %c0_i32_0 = arith.constant 0 : i32
    return %arg0, %c0_i32 : i32, i32
  }
  func.func @transform_2(%arg0: i32) -> (i32, i32) {
    %add3A = arith.constant 0 : i32
    %add3A_0 = arith.addi %arg0, %add3A : i32
    %c0_i32 = arith.constant 0 : i32
    %c0_i32_1 = arith.constant 0 : i32
    return %add3A_0, %c0_i32 : i32, i32
  }
  func.func @transform_3(%arg0: i32) -> (i32, i32) {
    %c0_i32 = arith.constant 0 : i32
    %c0_i32_0 = arith.constant 0 : i32
    %c0_i32_1 = arith.constant 0 : i32
    return %c0_i32, %c0_i32_0 : i32, i32
  }
  func.func @transform_4(%arg0: i32) -> (i32, i32) {
    %c0_i32 = arith.constant 0 : i32
    %c0_i32_0 = arith.constant 0 : i32
    %c0_i32_1 = arith.constant 0 : i32
    return %c0_i32, %c0_i32_0 : i32, i32
  }
  func.func @transform_5(%arg0: i32) -> (i32, i32) {
    %c0_i32 = arith.constant 0 : i32
    %c0_i32_0 = arith.constant 0 : i32
    %c0_i32_1 = arith.constant 0 : i32
    return %c0_i32, %c0_i32_0 : i32, i32
  }
  func.func @transform_6(%arg0: i32) -> (i32, i32) {
    %c0_i32 = arith.constant 0 : i32
    %c0_i32_0 = arith.constant 0 : i32
    %c0_i32_1 = arith.constant 0 : i32
    return %c0_i32, %c0_i32_0 : i32, i32
  }
  func.func @transform_7(%arg0: i32) -> (i32, i32) {
    %c0_i32 = arith.constant 0 : i32
    %c0_i32_0 = arith.constant 0 : i32
    %c0_i32_1 = arith.constant 0 : i32
    return %c0_i32, %c0_i32_0 : i32, i32
  }
  func.func @transform_8(%arg0: i32) -> (i32, i32) {
    %c0_i32 = arith.constant 0 : i32
    %c0_i32_0 = arith.constant 0 : i32
    %c0_i32_1 = arith.constant 0 : i32
    return %c0_i32, %c0_i32_0 : i32, i32
  }
  func.func @transform_9(%arg0: i32) -> (i32, i32) {
    %c0_i32 = arith.constant 0 : i32
    %c0_i32_0 = arith.constant 0 : i32
    %c0_i32_1 = arith.constant 0 : i32
    return %c0_i32, %c0_i32_0 : i32, i32
  }
  func.func @transform_10(%arg0: i32) -> (i32, i32) {
    %c0_i32 = arith.constant 0 : i32
    %c0_i32_0 = arith.constant 0 : i32
    %c0_i32_1 = arith.constant 0 : i32
    return %c0_i32, %c0_i32_0 : i32, i32
  }
  func.func @transform_11(%arg0: i32) -> (i32, i32) {
    %c0_i32 = arith.constant 0 : i32
    %c0_i32_0 = arith.constant 0 : i32
    %c0_i32_1 = arith.constant 0 : i32
    return %c0_i32, %c0_i32_0 : i32, i32
  }
  func.func @transform_12(%arg0: i32) -> (i32, i32) {
    %c0_i32 = arith.constant 0 : i32
    %c0_i32_0 = arith.constant 0 : i32
    %c0_i32_1 = arith.constant 0 : i32
    return %c0_i32, %c0_i32_0 : i32, i32
  }
  func.func @transform_13(%arg0: i32) -> (i32, i32) {
    %c0_i32 = arith.constant 0 : i32
    %c0_i32_0 = arith.constant 0 : i32
    %c0_i32_1 = arith.constant 0 : i32
    return %c0_i32, %c0_i32_0 : i32, i32
  }
  func.func @transform_14(%arg0: i32) -> (i32, i32) {
    %c0_i32 = arith.constant 0 : i32
    %c0_i32_0 = arith.constant 0 : i32
    %c0_i32_1 = arith.constant 0 : i32
    return %c0_i32, %c0_i32_0 : i32, i32
  }
  func.func @transform_15(%arg0: i32) -> (i32, i32) {
    %c0_i32 = arith.constant 0 : i32
    %c0_i32_0 = arith.constant 0 : i32
    return %arg0, %c0_i32 : i32, i32
  }
}

</mosaic_0001>

<sc_bundles>
// kernel: kernel.22.cloned.1.call-start
scs
__scs_entry_jumppad:
0x0: {  	(pc) =	sbr.rel $0x88, $3  }
0x1: {  	(tag) =	ssettag $0x0;
	lr =	simm.s32 $0x1  }
0x2: {  	[smem:$0x3F84] =	sst lr;
	_ =	strace $0xD0000000  }
0x3: {  	_ = 	snop  }
0x4: {  	_ = 	snop  }
0x5: {  	_ = 	snop  }
0x6: {  	_ = 	snop  }
0x7: {  	_ = 	snop  }
__scs_overlays_trampoline_lowered:
0x8: {  	[smem:$0x3F93] =	sst s0  }
0x9: {  	[smem:$0x3F94] =	sst s1  }
0xa: {  	[smem:$0x3F95] =	sst s2  }
0xb: {  	[smem:$0x3F96] =	sst s3  }
0xc: {  	[smem:$0x3F97] =	sst s4  }
0xd: {  	[smem:$0x3F98] =	sst s5  }
0xe: {  	[smem:$0x3F99] =	sst s6  }
0xf: {  	[smem:$0x3F9A] =	sst s7  }
0x10: {  	[smem:$0x3F9B] =	sst s8  }
0x11: {  	[smem:$0x3F9C] =	sst s9;
	s0 =	simm.s32 @!p0 $0x0  }
0x12: {  	s1 =	sld [smem:$0x3F82];
	s0 =	simm.s32 @p0 $0x1  }
0x13: {  	[smem:$0x3F9D] =	sst s0;
	s0 =	simm.s32 @!p1 $0x0  }
0x14: {  	s2 =	sld [smem:$0x3F81];
	s0 =	simm.s32 @p1 $0x1  }
0x15: {  	[smem:$0x3F9E] =	sst s0;
	s0 =	simm.s32 @!p2 $0x0  }
0x16: {  	s3 =	sld [smem:$0x3FDB];
	s0 =	simm.s32 @p2 $0x1  }
0x17: {  	s4 =	simm.s32 $0x1BF5;
	[smem:$0x3FA0] =	sst s0  }
0x18: {  	s0 =	sld [smem:$0x3F83];
	_ =	swait.ge [sflag:s4], $0x0  }
0x19: {  	s7 =	sld [smem:$0x3F84]  }
0x1a: {  	s8 =	sadd.s32 $0xFFFFE003, lr  }
0x1b: {  	s9 =	sadd.s32 $0xFFFFFEF7, lr;
	s5 =	simm.s32 $0xFFFFFFFF;
	p2 =	slt.u32 s8, $0xFFFFF086  }
0x1c: {  	p1 =	slt.u32 s9, $0xF7A;
	s5 =	simm.s32 @!p2 $0x0  }
0x1d: {  	s5 =	simm.s32 @p1 $0x1;
	p0 =	seq.s32 s7, s2  }
0x1e: {  	s7 =	smul.u32 @!p0 $0xF7A, s2;
	p2 =	seq.s32 @!p0 s5, $0x0  }
0x1f: {  	s9 =	smul.u32 $0xF7A, s1;
	s8 =	simm.s32 @!p0 $0x1BF5;
	p2 =	por !p2, p0  }
0x20: {  	[sflag:s8] =	ssyncset.s32 @!p0 $0xFFFFF086;
	s6 =	sadd.s32 @!p0 s3, s7;
	s7 =	simm.s32 @!p0 $0x108  }
0x21: {  	s3 =	sadd.s32 s3, s9;
	s6 =	sadd.s32 @!p0 $0x88, s6;
	s7 =	simm.s32 @p2 $0x1082  }
0x22: {  	[simem:s7], [sflag:s8] =	dma.local @!p0 [hbm:s6], $0xF7A  }
0x23: {  	s9 =	sor.u32 $0xD0000000, s2;
	s6 =	simm.s32 $0x108;
	_ =	swait.ge @!p0 [sflag:s8], $0x0  }
0x24: {  	s3 =	sadd.s32 $0x88, s3;
	s6 =	simm.s32 @!p1 $0x1082;
	[sflag:s4] =	ssyncset.s32 $0xFFFFF086  }
0x25: {  	[simem:s6], [sflag:s4] =	dma.local [hbm:s3], $0xF7A  }
0x26: {  	[smem:$0x3F84] =	sst s1;
	(tag) =	ssettag s2;
	_ =	strace s9  }
0x27: {  	s1 =	sld [smem:$0x3F94]  }
0x28: {  	s2 =	sld [smem:$0x3F95]  }
0x29: {  	s4 =	sld [smem:$0x3F97]  }
0x2a: {  	p0 =	seq.s32 s5, $0x0;
	s5 =	sld [smem:$0x3F98]  }
0x2b: {  	s6 =	sld [smem:$0x3F99]  }
0x2c: {  	s7 =	sld [smem:$0x3F9A]  }
0x2d: {  	s3 =	simm.s32 $0x108;
	s8 =	sld [smem:$0x3F9B]  }
0x2e: {  	s3 =	simm.s32 @!p0 $0x1082;
	s9 =	sld [smem:$0x3F9C]  }
0x2f: {  	lr =	sadd.s32 s0, s3;
	s0 =	sld [smem:$0x3F93]  }
0x30: {  	s3 =	sld [smem:$0x3F96]  }
0x31: {  	[smem:$0x3F9F] =	sst s10  }
0x32: {  	s10 =	sld [smem:$0x3F9D];
	_ =	sdelay $0x3  }
0x33: {  	p0 =	seq.s32 s10, $0x1;
	s10 =	sld [smem:$0x3F9F];
	_ =	sdelay $0x3  }
0x34: {  	[smem:$0x3F9F] =	sst s10  }
0x35: {  	s10 =	sld [smem:$0x3F9E];
	_ =	sdelay $0x3  }
0x36: {  	p1 =	seq.s32 s10, $0x1;
	s10 =	sld [smem:$0x3F9F];
	_ =	sdelay $0x3  }
0x37: {  	[smem:$0x3F9F] =	sst s10  }
0x38: {  	s10 =	sld [smem:$0x3FA0]  }
0x39: {  	_ = 	snop;
	(pc) =	sbr.ind lr, $3  }
0x3a: {  	_ = 	snop  }
0x3b: {  	_ = 	snop  }
0x3c: {  	p2 =	seq.s32 s10, $0x1;
	s10 =	sld [smem:$0x3F9F]  }
0x3d: {  	_ =	shalt  }
0x3e: {  	_ =	shalt  }
0x3f: {  	_ =	shalt  }
0x40: {  	_ =	shalt  }
0x41: {  	_ =	shalt  }
0x42: {  	_ =	shalt  }
0x43: {  	_ =	shalt  }
0x44: {  	_ =	shalt  }
0x45: {  	_ =	shalt  }
0x46: {  	_ =	shalt  }
0x47: {  	_ =	shalt  }
0x48: {  	_ =	shalt  }
0x49: {  	_ =	shalt  }
0x4a: {  	_ =	shalt  }
0x4b: {  	_ =	shalt  }
0x4c: {  	_ =	shalt  }
0x4d: {  	_ =	shalt  }
0x4e: {  	_ =	shalt  }
0x4f: {  	_ =	shalt  }
0x50: {  	_ =	shalt  }
0x51: {  	_ =	shalt  }
0x52: {  	_ =	shalt  }
0x53: {  	_ =	shalt  }
0x54: {  	_ =	shalt  }
0x55: {  	_ =	shalt  }
0x56: {  	_ =	shalt  }
0x57: {  	_ =	shalt  }
0x58: {  	_ =	shalt  }
0x59: {  	_ =	shalt  }
0x5a: {  	_ =	shalt  }
0x5b: {  	_ =	shalt  }
0x5c: {  	_ =	shalt  }
0x5d: {  	_ =	shalt  }
0x5e: {  	_ =	shalt  }
0x5f: {  	_ =	shalt  }
0x60: {  	_ =	shalt  }
0x61: {  	_ =	shalt  }
0x62: {  	_ =	shalt  }
0x63: {  	_ =	shalt  }
0x64: {  	_ =	shalt  }
0x65: {  	_ =	shalt  }
0x66: {  	_ =	shalt  }
0x67: {  	_ =	shalt  }
0x68: {  	_ =	shalt  }
0x69: {  	_ =	shalt  }
0x6a: {  	_ =	shalt  }
0x6b: {  	_ =	shalt  }
0x6c: {  	_ =	shalt  }
0x6d: {  	_ =	shalt  }
0x6e: {  	_ =	shalt  }
0x6f: {  	_ =	shalt  }
0x70: {  	_ =	shalt  }
0x71: {  	_ =	shalt  }
0x72: {  	_ =	shalt  }
0x73: {  	_ =	shalt  }
0x74: {  	_ =	shalt  }
0x75: {  	_ =	shalt  }
0x76: {  	_ =	shalt  }
0x77: {  	_ =	shalt  }
0x78: {  	_ =	shalt  }
0x79: {  	_ =	shalt  }
0x7a: {  	_ =	shalt  }
0x7b: {  	_ =	shalt  }
0x7c: {  	_ =	shalt  }
0x7d: {  	_ =	shalt  }
0x7e: {  	_ =	shalt  }
0x7f: {  	_ =	shalt  }
0x80: {  	_ =	shalt  }
0x81: {  	_ =	shalt  }
0x82: {  	_ =	shalt  }
0x83: {  	_ =	shalt  }
0x84: {  	_ =	shalt  }
0x85: {  	_ =	shalt  }
0x86: {  	_ =	shalt  }
0x87: {  	_ =	shalt  }
.Lfunc_end0:
.L_simem_size_0:
called_computation_lowered:
.L_overlay_start_0:
0x88: {  	s2 =	sld [smem:$0x3FD9]  }
0x89: {  	s3 =	sld [smem:$0x3FFE];
	_ =	sdelay $0x1  }
0x8a: {  	s1 =	srdreg.scid  }
0x8b: {  	s0 =	sand.u32 $0x1, s1  }
0x8c: {  	s17 =	sshll.u32 s0, $0xA;
	s2 =	sadd.s32 s3, s2  }
0x8d: {  	s2 =	sadd.s32 s2, s17  }
0x8e: {  	[smem:$0x3FAB] =	sst s2  }
0x8f: {  	_ = 	snop  }
0x90: {  	s2 =	sld [smem:$0x3FD0];
	(tm) =	ssettm $0x1  }
0x91: {  	s18 =	sld [smem:$0x3FFB];
	_ =	sdelay $0x3  }
0x92: {  	_ =	strace s18  }
0x93: {  	s3 =	sld [smem:$0x3FFC];
	_ =	sdelay $0x3  }
0x94: {  	_ =	strace s3  }
0x95: {  	s3 =	sld [smem:$0x3FFD];
	_ =	sdelay $0x3  }
0x96: {  	_ =	strace s3  }
0x97: {  	_ =	strace $0x8FFFFFFF  }
0x98: {  	s19 =	sld [smem:$0x3FDB];
	_ =	sdelay $0x1  }
0x99: {  	s4 =	simm.s32 $_scs_section_size  }
0x9a: {  	s5 =	simm.s32 $_size__tile_overlayer_lowered;
	s6 =	simm.s32 $_tile_overlayer_lowered  }
0x9b: {  	s22 =	simm.s32 $0x1BFF;
	s21 =	sshll.u32 s6, $0x1;
	s3 =	sadd.s32 s4, s19  }
0x9c: {  	s7 =	simm.s32 $0x0;
	s20 =	sshll.u32 s5, $0x1;
	s5 =	sadd.s32 s21, s3  }
0x9d: {  	[timem:s7], [sflag:s22] =	dma.local [hbm:s5], s20  }
0x9e: {  	_ =	swait.ge [sflag:s22], s20  }
0x9f: {  	s4 =	ssub.s32 $0x0, s20;
	[sflag:s22] =	ssyncset.done $0x0  }
0xa0: {  	[sflag:s22] =	ssyncadd.s32 s4;
	_ =	sdelay $0x1  }
0xa1: {  	s23 =	simm.s32 $0x1B8B  }
0xa2: {  	_ =	swait.ge [sflag:s23], $0x1  }
0xa3: {  	[sflag:s23] =	ssyncset.done $0x0  }
0xa4: {  	s25 =	simm.s32 $0x1B8E;
	s24 =	sld [smem:$0x3FFE];
	[sflag:s23] =	ssyncadd.s32 $0xFFFFFFFF  }
0xa5: {  	s26 =	simm.s32 $execute0_lowered;
	[smem:$0x3FD2] =	sst s25  }
0xa6: {  	s5 =	sshll.u32 s26, $0x1;
	_ =	strace $0x80000046;
	[dreg:$0x1] =	wrdreg $0xFFFFFFFF  }
0xa7: {  	s28 =	simm.s32 $_size_execute0_lowered;
	s3 =	sadd.s32 s3, s5;
	[dreg:$0x0] =	wrdreg $0x0  }
0xa8: {  	s5 =	sshll.u32 s28, $0x1;
	[dreg:$0x2] =	wrdreg s3  }
0xa9: {  	[dreg:$0x3] =	wrdreg s5  }
0xaa: {  	[dreg:$0x4] =	wrdreg $0xC0  }
0xab: {  	_ =	task [dreg:s7], $0x5FFFF  }
0xac: {  	[dreg:$0x1] =	wrdreg $0xFFFFFFFF  }
0xad: {  	[dreg:$0x0] =	wrdreg $0x60  }
0xae: {  	[dreg:$0x2] =	wrdreg s2  }
0xaf: {  	[dreg:$0x3] =	wrdreg s24  }
0xb0: {  	[dreg:$0x4] =	wrdreg $0xA  }
0xb1: {  	_ =	task.clear_ibuf [dreg:s7], $0x5FFFF;
	_ =	strace $0x90000046  }
0xb2: {  	s29 =	simm.s32 $0xA;
	_ =	strace $0x80000048  }
0xb3: {  	_ =	swait.ge [sflag:s29], $0x1  }
0xb4: {  	[sflag:s29] =	ssyncadd.s32 $0xFFFFFFFF  }
0xb5: {  	_ =	strace $0x90000048  }
0xb6: {  	_ =	sfence  }
0xb7: {  	s30 =	sld [smem:$0x0];
	_ =	sdelay $0x2  }
0xb8: {  	s31 =	sshll.u32 s1, $0xD;
	s1 =	sshrl.u32 s1, $0x2  }
0xb9: {  	s3 =	sand.u32 $0x4000, s31;
	s1 =	sadd.s32 s1, s30  }
0xba: {  	s0 =	sor.u32 s3, s0;
	s1 =	sshll.u32 s1, $0x11  }
0xbb: {  	s0 =	sor.u32 s1, s0  }
0xbc: {  	s0 =	sadd.s32 $0x8F2B, s0  }
0xbd: {  	[sflag:s0] =	ssyncadd.remote.s32 $0x1  }
0xbe: {  	_ =	sfence.sel $0xFFFF  }
0xbf: {  	[dreg:$0x0] =	wrdreg $0xFFFFFFFF;
	(pc) =	sbr.abs _section_cstart, $3  }
0xc0: {  	[dreg:$0x1] =	wrdreg $0xFFFFFFFF  }
0xc1: {  	_ =	task.clear_ibuf [dreg:s7], $0x2FFFF;
	_ =	strace $0x9FFFFFFF  }
0xc2: {  	(tm) =	ssettm $0x7FFFFFFF  }
0xc3: {  	_ =	shalt  }
tec
execute0_lowered:
.L_overlay_start_1:
0x0: {  	(tag) =	ssettag $0x1  }
0x1: {  	s1 =	srdreg.scid;
	s0 =	stileid.u32  }
0x2: {  	s12 =	sand.u32 $0x1, s1;
	s28 =	sshll.u32 s0, $0x1  }
0x3: {  	s2 =	rddreg [dreg:$0x0];
	s8 =	sor.u32 s12, s28  }
0x4: {  	s9 =	rddreg [dreg:$0x1];
	s11 =	smul.u32 $0xBB8, s8  }
0x5: {  	s3 =	simm.s32 $0x0;
	s1 =	rddreg [dreg:$0x2]  }
0x6: {  	[smem:$0x7FF] =	sst s3;
	s13 =	sadd.s32 $0x8E00, s9;
	s4 =	sshrl.u32 s11, $0x3  }
0x7: {  	_ =	strace $0x80000047;
	s5 =	sadd.s32 s13, s4;
	s4 =	simm.s32 $0x2  }
0x8: {  	[tilespmem:s3], [sflag:$0x2] =	stream.linear.gather [hbm4b:s5+s3], $0x3E8, $0x38;
	[tilespmem:$0x4268] =	vst v63  }
0x9: {  	_ =	swait.ge [sflag:s4], $0x3E8  }
0xa: {  	[sflag:s4] =	ssyncset.done $0x0  }
0xb: {  	s6 =	simm.s32 $0x3E8;
	s7 =	simm.s32 $0x1;
	[sflag:s4] =	ssyncadd.s32 $0xFFFFFC18  }
0xc: {  	[tilespmem:s6], [sflag:$0x1] =	stream.indirect.gather [hbm4b:s2+s6], $0x10, s3, s6, $0xb8;
	[tilespmem:$0x4268] =	vst v63  }
0xd: {  	s8 =	smul.u32 $0x1770, s8;
	_ =	swait.ge [sflag:s7], $0x3E80  }
0xe: {  	s14 =	sadd.s32 $0x3A000, s9;
	[sflag:s7] =	ssyncset.done $0x0  }
0xf: {  	s8 =	sadd.s32 s14, s8;
	[sflag:s7] =	ssyncadd.s32 $0xFFFFC180  }
0x10: {  	[hbm4b:s8+s3] =	stream.linear.scatter [tilespmem:s6], [sflag:$0x2], $0x3E80, $0x38;
	[tilespmem:$0x4268] =	vst v63  }
0x11: {  	s10 =	sadd.s32 $0x3E8, s11;
	_ =	swait.ge [sflag:s4], $0x3E80  }
0x12: {  	s29 =	sshrl.u32 s10, $0x3;
	[sflag:s4] =	ssyncset.done $0x0  }
0x13: {  	s9 =	sadd.s32 s13, s29;
	[sflag:s4] =	ssyncadd.s32 $0xFFFFC180  }
0x14: {  	[tilespmem:s3], [sflag:$0x2] =	stream.linear.gather [hbm4b:s9+s3], $0x3E8, $0x38;
	[tilespmem:$0x4268] =	vst v63  }
0x15: {  	_ =	swait.ge [sflag:s4], $0x3E8  }
0x16: {  	[sflag:s4] =	ssyncset.done $0x0  }
0x17: {  	[sflag:s4] =	ssyncadd.s32 $0xFFFFFC18  }
0x18: {  	[tilespmem:s6], [sflag:$0x1] =	stream.indirect.gather [hbm4b:s2+s6], $0x10, s3, s6, $0xb8;
	[tilespmem:$0x4268] =	vst v63  }
0x19: {  	_ =	swait.ge [sflag:s7], $0x3E80  }
0x1a: {  	s10 =	sshll.u32 s10, $0x1;
	[sflag:s7] =	ssyncset.done $0x0  }
0x1b: {  	s10 =	sadd.s32 s14, s10;
	[sflag:s7] =	ssyncadd.s32 $0xFFFFC180  }
0x1c: {  	[hbm4b:s10+s3] =	stream.linear.scatter [tilespmem:s6], [sflag:$0x2], $0x3E80, $0x38;
	[tilespmem:$0x4268] =	vst v63  }
0x1d: {  	s15 =	sadd.s32 $0x7D0, s11;
	_ =	swait.ge [sflag:s4], $0x3E80  }
0x1e: {  	s11 =	sshrl.u32 s15, $0x3;
	[sflag:s4] =	ssyncset.done $0x0  }
0x1f: {  	s12 =	ssub.s32 $0x2, s12;
	s11 =	sadd.s32 s13, s11;
	[sflag:s4] =	ssyncadd.s32 $0xFFFFC180  }
0x20: {  	[tilespmem:s3], [sflag:$0x2] =	stream.linear.gather [hbm4b:s11+s3], $0x3E8, $0x38;
	[tilespmem:$0x4268] =	vst v63  }
0x21: {  	s30 =	sshrl.u32 s12, $0x1;
	_ =	swait.ge [sflag:s4], $0x3E8  }
0x22: {  	s13 =	ssub.s32 s12, s30;
	[sflag:s4] =	ssyncset.done $0x0  }
0x23: {  	s13 =	smax.u32 s13, $0x1;
	[sflag:s4] =	ssyncadd.s32 $0xFFFFFC18  }
0x24: {  	[tilespmem:s6], [sflag:$0x1] =	stream.indirect.gather [hbm4b:s2+s6], $0x10, s3, s6, $0xb8;
	[tilespmem:$0x4268] =	vst v63  }
0x25: {  	p0 =	sne.s32 s13, $0x1;
	_ =	swait.ge [sflag:s7], $0x3E80  }
.Ltmp0:
0x26: {  	s31 =	sshll.u32 s15, $0x1;
	[sflag:s7] =	ssyncset.done $0x0;
	(pc) =	sbr.rel @!p0 .LBB2_2-.Ltmp0, $4  }
0x27: {  	s12 =	sadd.s32 s14, s31;
	[sflag:s7] =	ssyncadd.s32 $0xFFFFC180  }
0x28: {  	[hbm4b:s12+s3] =	stream.linear.scatter [tilespmem:s6], [sflag:$0x2], $0x3E80, $0x38;
	[tilespmem:$0x4268] =	vst v63  }
0x29: {  	_ =	swait.ge [sflag:s4], $0x3E80  }
0x2a: {  	s13 =	sadd.s32 $0xFFFFFFFF, s13;
	[sflag:s4] =	ssyncset.done $0x0  }
.LBB2_1:
0x2b: {  	p0 =	sne.s32 s13, $0x1;
	s13 =	sadd.s32 $0xFFFFFFFF, s13;
	[sflag:s4] =	ssyncadd.s32 $0xFFFFC180  }
0x2c: {  	[tilespmem:s3], [sflag:$0x2] =	stream.linear.gather [hbm4b:s5+s3], $0x3E8, $0x38;
	[tilespmem:$0x4268] =	vst v63  }
0x2d: {  	_ =	swait.ge [sflag:s4], $0x3E8  }
0x2e: {  	[sflag:s4] =	ssyncset.done $0x0  }
0x2f: {  	[sflag:s4] =	ssyncadd.s32 $0xFFFFFC18  }
0x30: {  	[tilespmem:s6], [sflag:$0x1] =	stream.indirect.gather [hbm4b:s2+s6], $0x10, s3, s6, $0xb8;
	[tilespmem:$0x4268] =	vst v63  }
0x31: {  	_ =	swait.ge [sflag:s7], $0x3E80  }
0x32: {  	[sflag:s7] =	ssyncset.done $0x0  }
0x33: {  	[sflag:s7] =	ssyncadd.s32 $0xFFFFC180  }
0x34: {  	[hbm4b:s8+s3] =	stream.linear.scatter [tilespmem:s6], [sflag:$0x2], $0x3E80, $0x38;
	[tilespmem:$0x4268] =	vst v63  }
0x35: {  	_ =	swait.ge [sflag:s4], $0x3E80  }
0x36: {  	[sflag:s4] =	ssyncset.done $0x0  }
0x37: {  	[sflag:s4] =	ssyncadd.s32 $0xFFFFC180  }
0x38: {  	[tilespmem:s3], [sflag:$0x2] =	stream.linear.gather [hbm4b:s9+s3], $0x3E8, $0x38;
	[tilespmem:$0x4268] =	vst v63  }
0x39: {  	_ =	swait.ge [sflag:s4], $0x3E8  }
0x3a: {  	[sflag:s4] =	ssyncset.done $0x0  }
0x3b: {  	[sflag:s4] =	ssyncadd.s32 $0xFFFFFC18  }
0x3c: {  	[tilespmem:s6], [sflag:$0x1] =	stream.indirect.gather [hbm4b:s2+s6], $0x10, s3, s6, $0xb8;
	[tilespmem:$0x4268] =	vst v63  }
0x3d: {  	_ =	swait.ge [sflag:s7], $0x3E80  }
0x3e: {  	[sflag:s7] =	ssyncset.done $0x0  }
0x3f: {  	[sflag:s7] =	ssyncadd.s32 $0xFFFFC180  }
0x40: {  	[hbm4b:s10+s3] =	stream.linear.scatter [tilespmem:s6], [sflag:$0x2], $0x3E80, $0x38;
	[tilespmem:$0x4268] =	vst v63  }
0x41: {  	_ =	swait.ge [sflag:s4], $0x3E80  }
0x42: {  	[sflag:s4] =	ssyncset.done $0x0  }
0x43: {  	[sflag:s4] =	ssyncadd.s32 $0xFFFFC180  }
0x44: {  	[tilespmem:s3], [sflag:$0x2] =	stream.linear.gather [hbm4b:s11+s3], $0x3E8, $0x38;
	[tilespmem:$0x4268] =	vst v63  }
0x45: {  	_ =	swait.ge [sflag:s4], $0x3E8  }
0x46: {  	[sflag:s4] =	ssyncset.done $0x0  }
0x47: {  	[sflag:s4] =	ssyncadd.s32 $0xFFFFFC18  }
0x48: {  	[tilespmem:s6], [sflag:$0x1] =	stream.indirect.gather [hbm4b:s2+s6], $0x10, s3, s6, $0xb8;
	[tilespmem:$0x4268] =	vst v63  }
0x49: {  	_ =	swait.ge [sflag:s7], $0x3E80  }
.Ltmp1:
0x4a: {  	[sflag:s7] =	ssyncset.done $0x0;
	(pc) =	sbr.rel @p0 .LBB2_1-.Ltmp1, $4  }
0x4b: {  	[sflag:s7] =	ssyncadd.s32 $0xFFFFC180  }
0x4c: {  	[hbm4b:s12+s3] =	stream.linear.scatter [tilespmem:s6], [sflag:$0x2], $0x3E80, $0x38;
	[tilespmem:$0x4268] =	vst v63  }
0x4d: {  	_ =	swait.ge [sflag:s4], $0x3E80  }
0x4e: {  	[sflag:s4] =	ssyncset.done $0x0  }
.LBB2_2:
0x4f: {  	[sflag:s4] =	ssyncadd.s32 $0xFFFFC180  }
0x50: {  	_ =	sfence.sel $0x180000  }
0x51: {  	[bflag:$0x0] =	sbarrier.arrive $0xFFFF  }
0x52: {  	p0 =	sne.s32 s0, $0x0;
	_ =	strace $0x90000047  }
0x53: {  	s0 =	sadd.s32 @!p0 $0x100000, s1;
	[bflag:$0x2] =	sbarrier.arrive $0xFFFF  }
0x54: {  	[sflag:s0] =	ssyncadd.tile.s32 @!p0 $0x1;
	_ =	shalt  }
.Lfunc_end2:
_tile_overlayer_lowered:
.L_overlay_start_2:
0x55: {  	(tag) =	ssettag $0x2  }
0x56: {  	s0 =	rddreg [dreg:$0x0];
	s2 =	stileid.u32  }
0x57: {  	s1 =	rddreg [dreg:$0x1];
	p0 =	sne.s32 s2, $0x0  }
0x58: {  	s3 =	rddreg [dreg:$0x2];
	[bflag:$0x3] =	sbarrier.arrive $0xFFFF;
	s2 =	simm.s32 @!p0 $0x1C02  }
0x59: {  	[timem:s3], [sflag:s2] =	dma.local @!p0 [hbm:s0], s1  }
0x5a: {  	s0 =	simm.s32 @!p0 $0x2  }
0x5b: {  	_ =	swait.ge @!p0 [sflag:s0], s1  }
0x5c: {  	s1 =	ssub.s32 @!p0 $0x0, s1;
	[sflag:s0] =	ssyncset.done @!p0 $0x0  }
0x5d: {  	[sflag:s0] =	ssyncadd.s32 @!p0 s1  }
0x5e: {  	[bflag:$0x3] =	sbarrier.arrive $0xFFFF  }
0x5f: {  	_ =	shalt  }

// kernel: kernel.25.cloned.1.call-start
scs
__scs_entry_jumppad:
0x0: {  	(pc) =	sbr.rel $0x88, $3  }
0x1: {  	(tag) =	ssettag $0x0;
	lr =	simm.s32 $0x1  }
0x2: {  	[smem:$0x3F84] =	sst lr;
	_ =	strace $0xD0000000  }
0x3: {  	_ = 	snop  }
0x4: {  	_ = 	snop  }
0x5: {  	_ = 	snop  }
0x6: {  	_ = 	snop  }
0x7: {  	_ = 	snop  }
__scs_overlays_trampoline_lowered:
0x8: {  	[smem:$0x3F93] =	sst s0  }
0x9: {  	[smem:$0x3F94] =	sst s1  }
0xa: {  	[smem:$0x3F95] =	sst s2  }
0xb: {  	[smem:$0x3F96] =	sst s3  }
0xc: {  	[smem:$0x3F97] =	sst s4  }
0xd: {  	[smem:$0x3F98] =	sst s5  }
0xe: {  	[smem:$0x3F99] =	sst s6  }
0xf: {  	[smem:$0x3F9A] =	sst s7  }
0x10: {  	[smem:$0x3F9B] =	sst s8  }
0x11: {  	[smem:$0x3F9C] =	sst s9;
	s0 =	simm.s32 @!p0 $0x0  }
0x12: {  	s1 =	sld [smem:$0x3F82];
	s0 =	simm.s32 @p0 $0x1  }
0x13: {  	[smem:$0x3F9D] =	sst s0;
	s0 =	simm.s32 @!p1 $0x0  }
0x14: {  	s2 =	sld [smem:$0x3F81];
	s0 =	simm.s32 @p1 $0x1  }
0x15: {  	[smem:$0x3F9E] =	sst s0;
	s0 =	simm.s32 @!p2 $0x0  }
0x16: {  	s3 =	sld [smem:$0x3FDB];
	s0 =	simm.s32 @p2 $0x1  }
0x17: {  	s4 =	simm.s32 $0x1BF5;
	[smem:$0x3FA0] =	sst s0  }
0x18: {  	s0 =	sld [smem:$0x3F83];
	_ =	swait.ge [sflag:s4], $0x0  }
0x19: {  	s7 =	sld [smem:$0x3F84]  }
0x1a: {  	s8 =	sadd.s32 $0xFFFFE003, lr  }
0x1b: {  	s9 =	sadd.s32 $0xFFFFFEF7, lr;
	s5 =	simm.s32 $0xFFFFFFFF;
	p2 =	slt.u32 s8, $0xFFFFF086  }
0x1c: {  	p1 =	slt.u32 s9, $0xF7A;
	s5 =	simm.s32 @!p2 $0x0  }
0x1d: {  	s5 =	simm.s32 @p1 $0x1;
	p0 =	seq.s32 s7, s2  }
0x1e: {  	s7 =	smul.u32 @!p0 $0xF7A, s2;
	p2 =	seq.s32 @!p0 s5, $0x0  }
0x1f: {  	s9 =	smul.u32 $0xF7A, s1;
	s8 =	simm.s32 @!p0 $0x1BF5;
	p2 =	por !p2, p0  }
0x20: {  	[sflag:s8] =	ssyncset.s32 @!p0 $0xFFFFF086;
	s6 =	sadd.s32 @!p0 s3, s7;
	s7 =	simm.s32 @!p0 $0x108  }
0x21: {  	s3 =	sadd.s32 s3, s9;
	s6 =	sadd.s32 @!p0 $0x88, s6;
	s7 =	simm.s32 @p2 $0x1082  }
0x22: {  	[simem:s7], [sflag:s8] =	dma.local @!p0 [hbm:s6], $0xF7A  }
0x23: {  	s9 =	sor.u32 $0xD0000000, s2;
	s6 =	simm.s32 $0x108;
	_ =	swait.ge @!p0 [sflag:s8], $0x0  }
0x24: {  	s3 =	sadd.s32 $0x88, s3;
	s6 =	simm.s32 @!p1 $0x1082;
	[sflag:s4] =	ssyncset.s32 $0xFFFFF086  }
0x25: {  	[simem:s6], [sflag:s4] =	dma.local [hbm:s3], $0xF7A  }
0x26: {  	[smem:$0x3F84] =	sst s1;
	(tag) =	ssettag s2;
	_ =	strace s9  }
0x27: {  	s1 =	sld [smem:$0x3F94]  }
0x28: {  	s2 =	sld [smem:$0x3F95]  }
0x29: {  	s4 =	sld [smem:$0x3F97]  }
0x2a: {  	p0 =	seq.s32 s5, $0x0;
	s5 =	sld [smem:$0x3F98]  }
0x2b: {  	s6 =	sld [smem:$0x3F99]  }
0x2c: {  	s7 =	sld [smem:$0x3F9A]  }
0x2d: {  	s3 =	simm.s32 $0x108;
	s8 =	sld [smem:$0x3F9B]  }
0x2e: {  	s3 =	simm.s32 @!p0 $0x1082;
	s9 =	sld [smem:$0x3F9C]  }
0x2f: {  	lr =	sadd.s32 s0, s3;
	s0 =	sld [smem:$0x3F93]  }
0x30: {  	s3 =	sld [smem:$0x3F96]  }
0x31: {  	[smem:$0x3F9F] =	sst s10  }
0x32: {  	s10 =	sld [smem:$0x3F9D];
	_ =	sdelay $0x3  }
0x33: {  	p0 =	seq.s32 s10, $0x1;
	s10 =	sld [smem:$0x3F9F];
	_ =	sdelay $0x3  }
0x34: {  	[smem:$0x3F9F] =	sst s10  }
0x35: {  	s10 =	sld [smem:$0x3F9E];
	_ =	sdelay $0x3  }
0x36: {  	p1 =	seq.s32 s10, $0x1;
	s10 =	sld [smem:$0x3F9F];
	_ =	sdelay $0x3  }
0x37: {  	[smem:$0x3F9F] =	sst s10  }
0x38: {  	s10 =	sld [smem:$0x3FA0]  }
0x39: {  	_ = 	snop;
	(pc) =	sbr.ind lr, $3  }
0x3a: {  	_ = 	snop  }
0x3b: {  	_ = 	snop  }
0x3c: {  	p2 =	seq.s32 s10, $0x1;
	s10 =	sld [smem:$0x3F9F]  }
0x3d: {  	_ =	shalt  }
0x3e: {  	_ =	shalt  }
0x3f: {  	_ =	shalt  }
0x40: {  	_ =	shalt  }
0x41: {  	_ =	shalt  }
0x42: {  	_ =	shalt  }
0x43: {  	_ =	shalt  }
0x44: {  	_ =	shalt  }
0x45: {  	_ =	shalt  }
0x46: {  	_ =	shalt  }
0x47: {  	_ =	shalt  }
0x48: {  	_ =	shalt  }
0x49: {  	_ =	shalt  }
0x4a: {  	_ =	shalt  }
0x4b: {  	_ =	shalt  }
0x4c: {  	_ =	shalt  }
0x4d: {  	_ =	shalt  }
0x4e: {  	_ =	shalt  }
0x4f: {  	_ =	shalt  }
0x50: {  	_ =	shalt  }
0x51: {  	_ =	shalt  }
0x52: {  	_ =	shalt  }
0x53: {  	_ =	shalt  }
0x54: {  	_ =	shalt  }
0x55: {  	_ =	shalt  }
0x56: {  	_ =	shalt  }
0x57: {  	_ =	shalt  }
0x58: {  	_ =	shalt  }
0x59: {  	_ =	shalt  }
0x5a: {  	_ =	shalt  }
0x5b: {  	_ =	shalt  }
0x5c: {  	_ =	shalt  }
0x5d: {  	_ =	shalt  }
0x5e: {  	_ =	shalt  }
0x5f: {  	_ =	shalt  }
0x60: {  	_ =	shalt  }
0x61: {  	_ =	shalt  }
0x62: {  	_ =	shalt  }
0x63: {  	_ =	shalt  }
0x64: {  	_ =	shalt  }
0x65: {  	_ =	shalt  }
0x66: {  	_ =	shalt  }
0x67: {  	_ =	shalt  }
0x68: {  	_ =	shalt  }
0x69: {  	_ =	shalt  }
0x6a: {  	_ =	shalt  }
0x6b: {  	_ =	shalt  }
0x6c: {  	_ =	shalt  }
0x6d: {  	_ =	shalt  }
0x6e: {  	_ =	shalt  }
0x6f: {  	_ =	shalt  }
0x70: {  	_ =	shalt  }
0x71: {  	_ =	shalt  }
0x72: {  	_ =	shalt  }
0x73: {  	_ =	shalt  }
0x74: {  	_ =	shalt  }
0x75: {  	_ =	shalt  }
0x76: {  	_ =	shalt  }
0x77: {  	_ =	shalt  }
0x78: {  	_ =	shalt  }
0x79: {  	_ =	shalt  }
0x7a: {  	_ =	shalt  }
0x7b: {  	_ =	shalt  }
0x7c: {  	_ =	shalt  }
0x7d: {  	_ =	shalt  }
0x7e: {  	_ =	shalt  }
0x7f: {  	_ =	shalt  }
0x80: {  	_ =	shalt  }
0x81: {  	_ =	shalt  }
0x82: {  	_ =	shalt  }
0x83: {  	_ =	shalt  }
0x84: {  	_ =	shalt  }
0x85: {  	_ =	shalt  }
0x86: {  	_ =	shalt  }
0x87: {  	_ =	shalt  }
.Lfunc_end0:
.L_simem_size_0:
called_computation.1_lowered:
.L_overlay_start_0:
0x88: {  	s2 =	sld [smem:$0x3FD9]  }
0x89: {  	s3 =	sld [smem:$0x3FFE];
	_ =	sdelay $0x1  }
0x8a: {  	s1 =	srdreg.scid  }
0x8b: {  	s0 =	sand.u32 $0x1, s1  }
0x8c: {  	s17 =	sshll.u32 s0, $0xA;
	s2 =	sadd.s32 s3, s2  }
0x8d: {  	s2 =	sadd.s32 s2, s17  }
0x8e: {  	[smem:$0x3FAB] =	sst s2  }
0x8f: {  	_ = 	snop  }
0x90: {  	s18 =	sld [smem:$0x3FD0];
	(tm) =	ssettm $0x1  }
0x91: {  	s19 =	sld [smem:$0x3FFB];
	_ =	sdelay $0x3  }
0x92: {  	_ =	strace s19  }
0x93: {  	s2 =	sld [smem:$0x3FFC];
	_ =	sdelay $0x3  }
0x94: {  	_ =	strace s2  }
0x95: {  	s2 =	sld [smem:$0x3FFD];
	_ =	sdelay $0x3  }
0x96: {  	_ =	strace s2  }
0x97: {  	_ =	strace $0x8FFFFFFF  }
0x98: {  	s20 =	sld [smem:$0x3FDB];
	_ =	sdelay $0x1  }
0x99: {  	s4 =	simm.s32 $_scs_section_size  }
0x9a: {  	s5 =	simm.s32 $_size__tile_overlayer_lowered;
	s6 =	simm.s32 $_tile_overlayer_lowered  }
0x9b: {  	s7 =	simm.s32 $0x1BFF;
	s21 =	sshll.u32 s6, $0x1;
	s4 =	sadd.s32 s4, s20  }
0x9c: {  	s22 =	simm.s32 $0x0;
	s5 =	sshll.u32 s5, $0x1;
	s6 =	sadd.s32 s21, s4  }
0x9d: {  	[timem:s22], [sflag:s7] =	dma.local [hbm:s6], s5  }
0x9e: {  	_ =	swait.ge [sflag:s7], s5  }
0x9f: {  	s5 =	ssub.s32 $0x0, s5;
	[sflag:s7] =	ssyncset.done $0x0  }
0xa0: {  	[sflag:s7] =	ssyncadd.s32 s5;
	_ =	sdelay $0x1  }
0xa1: {  	s23 =	simm.s32 $0x1B8B  }
0xa2: {  	_ =	swait.ge [sflag:s23], $0x1  }
0xa3: {  	[sflag:s23] =	ssyncset.done $0x0  }
0xa4: {  	[sflag:s23] =	ssyncadd.s32 $0xFFFFFFFF  }
0xa5: {  	s5 =	sld [smem:$0x0]  }
0xa6: {  	s6 =	sand.u32 $0xFFFFFFFE, s1  }
0xa7: {  	p0 =	sne.s32 s1, s6  }
0xa8: {  	s6 =	sshll.u32 @p0 s6, $0xE  }
0xa9: {  	s6 =	sadd.s32 @p0 $0x11B8D, s6;
	s7 =	sshll.u32 @p0 s5, $0x11  }
0xaa: {  	s6 =	sor.u32 @p0 s7, s6  }
0xab: {  	[sflag:s6] =	ssyncadd.remote.s32 @p0 $0x1;
	_ =	sdelay $0x1  }
0xac: {  	s6 =	simm.s32 @p0 $0x1B8D  }
0xad: {  	_ =	swait.eq @p0 [sflag:s6], $0x1  }
0xae: {  	[sflag:s6] =	ssyncadd.s32 @p0 $0xFFFFFFFF  }
0xaf: {  	s7 =	sshll.u32 @!p0 s1, $0xE  }
0xb0: {  	s7 =	sor.u32 @!p0 $0x4000, s7;
	s6 =	simm.s32 @!p0 $0x1B8D  }
0xb1: {  	s5 =	sshll.u32 @!p0 s5, $0x11;
	s7 =	sadd.s32 @!p0 $0x11B8D, s7;
	_ =	swait.eq @!p0 [sflag:s6], $0x1  }
0xb2: {  	s5 =	sor.u32 @!p0 s5, s7;
	[sflag:s6] =	ssyncadd.s32 @!p0 $0xFFFFFFFF  }
0xb3: {  	s25 =	simm.s32 $0x1B8E;
	s24 =	sld [smem:$0x3FFE];
	[sflag:s5] =	ssyncadd.remote.s32 @!p0 $0x1  }
0xb4: {  	s26 =	simm.s32 $execute0_lowered;
	[smem:$0x3FD2] =	sst s25  }
0xb5: {  	s6 =	sshll.u32 s26, $0x1;
	_ =	strace $0x80000049;
	[dreg:$0x1] =	wrdreg $0xFFFFFFFF  }
0xb6: {  	s28 =	simm.s32 $_size_execute0_lowered;
	s4 =	sadd.s32 s4, s6;
	[dreg:$0x0] =	wrdreg $0x0  }
0xb7: {  	s6 =	sshll.u32 s28, $0x1;
	[dreg:$0x2] =	wrdreg s4  }
0xb8: {  	[dreg:$0x3] =	wrdreg s6  }
0xb9: {  	[dreg:$0x4] =	wrdreg $0xC0  }
0xba: {  	_ =	task [dreg:s22], $0x5FFFF  }
0xbb: {  	[dreg:$0x1] =	wrdreg $0xFFFFFFFF  }
0xbc: {  	[dreg:$0x0] =	wrdreg $0x60  }
0xbd: {  	[dreg:$0x2] =	wrdreg s18  }
0xbe: {  	[dreg:$0x3] =	wrdreg s24  }
0xbf: {  	[dreg:$0x4] =	wrdreg $0x9  }
0xc0: {  	_ =	task.clear_ibuf [dreg:s22], $0x5FFFF;
	_ =	strace $0x90000049  }
0xc1: {  	s29 =	simm.s32 $0x9;
	_ =	strace $0x8000004B  }
0xc2: {  	_ =	swait.ge [sflag:s29], $0x1  }
0xc3: {  	[sflag:s29] =	ssyncadd.s32 $0xFFFFFFFF  }
0xc4: {  	_ =	strace $0x9000004B  }
0xc5: {  	_ =	sfence  }
0xc6: {  	s30 =	sld [smem:$0x0];
	_ =	sdelay $0x2  }
0xc7: {  	s31 =	sshll.u32 s1, $0xD;
	s1 =	sshrl.u32 s1, $0x2  }
0xc8: {  	s4 =	sand.u32 $0x4000, s31;
	s1 =	sadd.s32 s1, s30  }
0xc9: {  	s0 =	sor.u32 s4, s0;
	s1 =	sshll.u32 s1, $0x11  }
0xca: {  	s0 =	sor.u32 s1, s0  }
0xcb: {  	s0 =	sadd.s32 $0x8F2B, s0  }
0xcc: {  	[sflag:s0] =	ssyncadd.remote.s32 $0x1  }
0xcd: {  	_ =	sfence.sel $0xFFFF  }
0xce: {  	[dreg:$0x0] =	wrdreg $0xFFFFFFFF;
	(pc) =	sbr.abs _section_cstart, $3  }
0xcf: {  	[dreg:$0x1] =	wrdreg $0xFFFFFFFF  }
0xd0: {  	_ =	task.clear_ibuf [dreg:s22], $0x2FFFF;
	_ =	strace $0x9FFFFFFF  }
0xd1: {  	(tm) =	ssettm $0x7FFFFFFF  }
tec
execute0_lowered:
.L_overlay_start_1:
0x0: {  	(tag) =	ssettag $0x1  }
0x1: {  	s1 =	srdreg.scid;
	s0 =	stileid.u32  }
0x2: {  	s10 =	sand.u32 $0x1, s1;
	s28 =	sshll.u32 s0, $0x1  }
0x3: {  	s11 =	sor.u32 s10, s28  }
0x4: {  	s2 =	rddreg [dreg:$0x0];
	s9 =	smul.u32 $0x7D0, s11  }
0x5: {  	s8 =	rddreg [dreg:$0x1];
	s3 =	simm.s32 $0x0  }
0x6: {  	s1 =	rddreg [dreg:$0x2];
	s12 =	sadd.s32 $0x8E00, s8;
	s4 =	sshrl.u32 s9, $0x3  }
0x7: {  	[smem:$0x7FF] =	sst s3;
	s4 =	sadd.s32 s12, s4  }
0x8: {  	_ =	strace $0x8000004A;
	s5 =	sadd.s32 $0x2EE0, s4;
	s4 =	simm.s32 $0x2  }
0x9: {  	[tilespmem:s3], [sflag:$0x2] =	stream.linear.gather [hbm4b:s5+s3], $0x3E8, $0x38;
	[tilespmem:$0x4268] =	vst v63  }
0xa: {  	_ =	swait.ge [sflag:s4], $0x3E8  }
0xb: {  	[sflag:s4] =	ssyncset.done $0x0  }
0xc: {  	s6 =	simm.s32 $0x3E8;
	s7 =	simm.s32 $0x1;
	[sflag:s4] =	ssyncadd.s32 $0xFFFFFC18  }
0xd: {  	[tilespmem:s6], [sflag:$0x1] =	stream.indirect.gather [hbm4b:s2+s6], $0x10, s3, s6, $0xb8;
	[tilespmem:$0x4268] =	vst v63  }
0xe: {  	s13 =	smul.u32 $0xFA0, s11;
	_ =	swait.ge [sflag:s7], $0x3E80  }
0xf: {  	s14 =	sadd.s32 $0x68E00, s8;
	[sflag:s7] =	ssyncset.done $0x0  }
0x10: {  	s8 =	sadd.s32 s14, s13;
	[sflag:s7] =	ssyncadd.s32 $0xFFFFC180  }
0x11: {  	[hbm4b:s8+s3] =	stream.linear.scatter [tilespmem:s6], [sflag:$0x2], $0x3E80, $0x38;
	[tilespmem:$0x4268] =	vst v63  }
0x12: {  	s9 =	sadd.s32 $0x17AE8, s9;
	_ =	swait.ge [sflag:s4], $0x3E80  }
0x13: {  	s9 =	sshrl.u32 s9, $0x3;
	[sflag:s4] =	ssyncset.done $0x0  }
0x14: {  	s10 =	ssub.s32 $0x2, s10;
	s9 =	sadd.s32 s12, s9;
	[sflag:s4] =	ssyncadd.s32 $0xFFFFC180  }
0x15: {  	[tilespmem:s3], [sflag:$0x2] =	stream.linear.gather [hbm4b:s9+s3], $0x3E8, $0x38;
	[tilespmem:$0x4268] =	vst v63  }
0x16: {  	s29 =	sshrl.u32 s10, $0x1;
	_ =	swait.ge [sflag:s4], $0x3E8  }
0x17: {  	s12 =	ssub.s32 s10, s29;
	[sflag:s4] =	ssyncset.done $0x0  }
0x18: {  	s11 =	smul.u32 $0x7D00, s11;
	s31 =	smax.u32 s12, $0x1;
	[sflag:s4] =	ssyncadd.s32 $0xFFFFFC18  }
0x19: {  	[tilespmem:s6], [sflag:$0x1] =	stream.indirect.gather [hbm4b:s2+s6], $0x10, s3, s6, $0xb8;
	[tilespmem:$0x4268] =	vst v63  }
0x1a: {  	s11 =	sshrl.u32 s11, $0x3;
	p0 =	sne.s32 s31, $0x1;
	_ =	swait.ge [sflag:s7], $0x3E80  }
.Ltmp0:
0x1b: {  	s30 =	sadd.s32 s14, s11;
	[sflag:s7] =	ssyncset.done $0x0;
	(pc) =	sbr.rel @!p0 .LBB2_2-.Ltmp0, $4  }
0x1c: {  	s10 =	sadd.s32 $0x7D0, s30;
	[sflag:s7] =	ssyncadd.s32 $0xFFFFC180  }
0x1d: {  	[hbm4b:s10+s3] =	stream.linear.scatter [tilespmem:s6], [sflag:$0x2], $0x3E80, $0x38;
	[tilespmem:$0x4268] =	vst v63  }
0x1e: {  	_ =	swait.ge [sflag:s4], $0x3E80  }
0x1f: {  	s11 =	sadd.s32 $0xFFFFFFFF, s31;
	[sflag:s4] =	ssyncset.done $0x0  }
.LBB2_1:
0x20: {  	p0 =	sne.s32 s11, $0x1;
	s11 =	sadd.s32 $0xFFFFFFFF, s11;
	[sflag:s4] =	ssyncadd.s32 $0xFFFFC180  }
0x21: {  	[tilespmem:s3], [sflag:$0x2] =	stream.linear.gather [hbm4b:s5+s3], $0x3E8, $0x38;
	[tilespmem:$0x4268] =	vst v63  }
0x22: {  	_ =	swait.ge [sflag:s4], $0x3E8  }
0x23: {  	[sflag:s4] =	ssyncset.done $0x0  }
0x24: {  	[sflag:s4] =	ssyncadd.s32 $0xFFFFFC18  }
0x25: {  	[tilespmem:s6], [sflag:$0x1] =	stream.indirect.gather [hbm4b:s2+s6], $0x10, s3, s6, $0xb8;
	[tilespmem:$0x4268] =	vst v63  }
0x26: {  	_ =	swait.ge [sflag:s7], $0x3E80  }
0x27: {  	[sflag:s7] =	ssyncset.done $0x0  }
0x28: {  	[sflag:s7] =	ssyncadd.s32 $0xFFFFC180  }
0x29: {  	[hbm4b:s8+s3] =	stream.linear.scatter [tilespmem:s6], [sflag:$0x2], $0x3E80, $0x38;
	[tilespmem:$0x4268] =	vst v63  }
0x2a: {  	_ =	swait.ge [sflag:s4], $0x3E80  }
0x2b: {  	[sflag:s4] =	ssyncset.done $0x0  }
0x2c: {  	[sflag:s4] =	ssyncadd.s32 $0xFFFFC180  }
0x2d: {  	[tilespmem:s3], [sflag:$0x2] =	stream.linear.gather [hbm4b:s9+s3], $0x3E8, $0x38;
	[tilespmem:$0x4268] =	vst v63  }
0x2e: {  	_ =	swait.ge [sflag:s4], $0x3E8  }
0x2f: {  	[sflag:s4] =	ssyncset.done $0x0  }
0x30: {  	[sflag:s4] =	ssyncadd.s32 $0xFFFFFC18  }
0x31: {  	[tilespmem:s6], [sflag:$0x1] =	stream.indirect.gather [hbm4b:s2+s6], $0x10, s3, s6, $0xb8;
	[tilespmem:$0x4268] =	vst v63  }
0x32: {  	_ =	swait.ge [sflag:s7], $0x3E80  }
.Ltmp1:
0x33: {  	[sflag:s7] =	ssyncset.done $0x0;
	(pc) =	sbr.rel @p0 .LBB2_1-.Ltmp1, $4  }
0x34: {  	[sflag:s7] =	ssyncadd.s32 $0xFFFFC180  }
0x35: {  	[hbm4b:s10+s3] =	stream.linear.scatter [tilespmem:s6], [sflag:$0x2], $0x3E80, $0x38;
	[tilespmem:$0x4268] =	vst v63  }
0x36: {  	_ =	swait.ge [sflag:s4], $0x3E80  }
0x37: {  	[sflag:s4] =	ssyncset.done $0x0  }
.LBB2_2:
0x38: {  	[sflag:s4] =	ssyncadd.s32 $0xFFFFC180  }
0x39: {  	_ =	sfence.sel $0x180000  }
0x3a: {  	[bflag:$0x0] =	sbarrier.arrive $0xFFFF  }
0x3b: {  	p0 =	sne.s32 s0, $0x0;
	_ =	strace $0x9000004A  }
0x3c: {  	s0 =	sadd.s32 @!p0 $0x100000, s1;
	[bflag:$0x2] =	sbarrier.arrive $0xFFFF  }
0x3d: {  	[sflag:s0] =	ssyncadd.tile.s32 @!p0 $0x1;
	_ =	shalt  }
.Lfunc_end2:
_tile_overlayer_lowered:
.L_overlay_start_2:
0x3e: {  	(tag) =	ssettag $0x2  }
0x3f: {  	s0 =	rddreg [dreg:$0x0];
	s2 =	stileid.u32  }
0x40: {  	s1 =	rddreg [dreg:$0x1];
	p0 =	sne.s32 s2, $0x0  }
0x41: {  	s3 =	rddreg [dreg:$0x2];
	[bflag:$0x3] =	sbarrier.arrive $0xFFFF;
	s2 =	simm.s32 @!p0 $0x1C02  }
0x42: {  	[timem:s3], [sflag:s2] =	dma.local @!p0 [hbm:s0], s1  }
0x43: {  	s0 =	simm.s32 @!p0 $0x2  }
0x44: {  	_ =	swait.ge @!p0 [sflag:s0], s1  }
0x45: {  	s1 =	ssub.s32 @!p0 $0x0, s1;
	[sflag:s0] =	ssyncset.done @!p0 $0x0  }
0x46: {  	[sflag:s0] =	ssyncadd.s32 @!p0 s1  }
0x47: {  	[bflag:$0x3] =	sbarrier.arrive $0xFFFF  }
0x48: {  	_ =	shalt  }

// kernel: kernel.28.cloned.1.call-start
scs
__scs_entry_jumppad:
0x0: {  	(pc) =	sbr.rel $0x88, $3  }
0x1: {  	(tag) =	ssettag $0x0;
	lr =	simm.s32 $0x1  }
0x2: {  	[smem:$0x3F84] =	sst lr;
	_ =	strace $0xD0000000  }
0x3: {  	_ = 	snop  }
0x4: {  	_ = 	snop  }
0x5: {  	_ = 	snop  }
0x6: {  	_ = 	snop  }
0x7: {  	_ = 	snop  }
__scs_overlays_trampoline_lowered:
0x8: {  	[smem:$0x3F93] =	sst s0  }
0x9: {  	[smem:$0x3F94] =	sst s1  }
0xa: {  	[smem:$0x3F95] =	sst s2  }
0xb: {  	[smem:$0x3F96] =	sst s3  }
0xc: {  	[smem:$0x3F97] =	sst s4  }
0xd: {  	[smem:$0x3F98] =	sst s5  }
0xe: {  	[smem:$0x3F99] =	sst s6  }
0xf: {  	[smem:$0x3F9A] =	sst s7  }
0x10: {  	[smem:$0x3F9B] =	sst s8  }
0x11: {  	[smem:$0x3F9C] =	sst s9;
	s0 =	simm.s32 @!p0 $0x0  }
0x12: {  	s1 =	sld [smem:$0x3F82];
	s0 =	simm.s32 @p0 $0x1  }
0x13: {  	[smem:$0x3F9D] =	sst s0;
	s0 =	simm.s32 @!p1 $0x0  }
0x14: {  	s2 =	sld [smem:$0x3F81];
	s0 =	simm.s32 @p1 $0x1  }
0x15: {  	[smem:$0x3F9E] =	sst s0;
	s0 =	simm.s32 @!p2 $0x0  }
0x16: {  	s3 =	sld [smem:$0x3FDB];
	s0 =	simm.s32 @p2 $0x1  }
0x17: {  	s4 =	simm.s32 $0x1BF5;
	[smem:$0x3FA0] =	sst s0  }
0x18: {  	s0 =	sld [smem:$0x3F83];
	_ =	swait.ge [sflag:s4], $0x0  }
0x19: {  	s7 =	sld [smem:$0x3F84]  }
0x1a: {  	s8 =	sadd.s32 $0xFFFFE003, lr  }
0x1b: {  	s9 =	sadd.s32 $0xFFFFFEF7, lr;
	s5 =	simm.s32 $0xFFFFFFFF;
	p2 =	slt.u32 s8, $0xFFFFF086  }
0x1c: {  	p1 =	slt.u32 s9, $0xF7A;
	s5 =	simm.s32 @!p2 $0x0  }
0x1d: {  	s5 =	simm.s32 @p1 $0x1;
	p0 =	seq.s32 s7, s2  }
0x1e: {  	s7 =	smul.u32 @!p0 $0xF7A, s2;
	p2 =	seq.s32 @!p0 s5, $0x0  }
0x1f: {  	s9 =	smul.u32 $0xF7A, s1;
	s8 =	simm.s32 @!p0 $0x1BF5;
	p2 =	por !p2, p0  }
0x20: {  	[sflag:s8] =	ssyncset.s32 @!p0 $0xFFFFF086;
	s6 =	sadd.s32 @!p0 s3, s7;
	s7 =	simm.s32 @!p0 $0x108  }
0x21: {  	s3 =	sadd.s32 s3, s9;
	s6 =	sadd.s32 @!p0 $0x88, s6;
	s7 =	simm.s32 @p2 $0x1082  }
0x22: {  	[simem:s7], [sflag:s8] =	dma.local @!p0 [hbm:s6], $0xF7A  }
0x23: {  	s9 =	sor.u32 $0xD0000000, s2;
	s6 =	simm.s32 $0x108;
	_ =	swait.ge @!p0 [sflag:s8], $0x0  }
0x24: {  	s3 =	sadd.s32 $0x88, s3;
	s6 =	simm.s32 @!p1 $0x1082;
	[sflag:s4] =	ssyncset.s32 $0xFFFFF086  }
0x25: {  	[simem:s6], [sflag:s4] =	dma.local [hbm:s3], $0xF7A  }
0x26: {  	[smem:$0x3F84] =	sst s1;
	(tag) =	ssettag s2;
	_ =	strace s9  }
0x27: {  	s1 =	sld [smem:$0x3F94]  }
0x28: {  	s2 =	sld [smem:$0x3F95]  }
0x29: {  	s4 =	sld [smem:$0x3F97]  }
0x2a: {  	p0 =	seq.s32 s5, $0x0;
	s5 =	sld [smem:$0x3F98]  }
0x2b: {  	s6 =	sld [smem:$0x3F99]  }
0x2c: {  	s7 =	sld [smem:$0x3F9A]  }
0x2d: {  	s3 =	simm.s32 $0x108;
	s8 =	sld [smem:$0x3F9B]  }
0x2e: {  	s3 =	simm.s32 @!p0 $0x1082;
	s9 =	sld [smem:$0x3F9C]  }
0x2f: {  	lr =	sadd.s32 s0, s3;
	s0 =	sld [smem:$0x3F93]  }
0x30: {  	s3 =	sld [smem:$0x3F96]  }
0x31: {  	[smem:$0x3F9F] =	sst s10  }
0x32: {  	s10 =	sld [smem:$0x3F9D];
	_ =	sdelay $0x3  }
0x33: {  	p0 =	seq.s32 s10, $0x1;
	s10 =	sld [smem:$0x3F9F];
	_ =	sdelay $0x3  }
0x34: {  	[smem:$0x3F9F] =	sst s10  }
0x35: {  	s10 =	sld [smem:$0x3F9E];
	_ =	sdelay $0x3  }
0x36: {  	p1 =	seq.s32 s10, $0x1;
	s10 =	sld [smem:$0x3F9F];
	_ =	sdelay $0x3  }
0x37: {  	[smem:$0x3F9F] =	sst s10  }
0x38: {  	s10 =	sld [smem:$0x3FA0]  }
0x39: {  	_ = 	snop;
	(pc) =	sbr.ind lr, $3  }
0x3a: {  	_ = 	snop  }
0x3b: {  	_ = 	snop  }
0x3c: {  	p2 =	seq.s32 s10, $0x1;
	s10 =	sld [smem:$0x3F9F]  }
0x3d: {  	_ =	shalt  }
0x3e: {  	_ =	shalt  }
0x3f: {  	_ =	shalt  }
0x40: {  	_ =	shalt  }
0x41: {  	_ =	shalt  }
0x42: {  	_ =	shalt  }
0x43: {  	_ =	shalt  }
0x44: {  	_ =	shalt  }
0x45: {  	_ =	shalt  }
0x46: {  	_ =	shalt  }
0x47: {  	_ =	shalt  }
0x48: {  	_ =	shalt  }
0x49: {  	_ =	shalt  }
0x4a: {  	_ =	shalt  }
0x4b: {  	_ =	shalt  }
0x4c: {  	_ =	shalt  }
0x4d: {  	_ =	shalt  }
0x4e: {  	_ =	shalt  }
0x4f: {  	_ =	shalt  }
0x50: {  	_ =	shalt  }
0x51: {  	_ =	shalt  }
0x52: {  	_ =	shalt  }
0x53: {  	_ =	shalt  }
0x54: {  	_ =	shalt  }
0x55: {  	_ =	shalt  }
0x56: {  	_ =	shalt  }
0x57: {  	_ =	shalt  }
0x58: {  	_ =	shalt  }
0x59: {  	_ =	shalt  }
0x5a: {  	_ =	shalt  }
0x5b: {  	_ =	shalt  }
0x5c: {  	_ =	shalt  }
0x5d: {  	_ =	shalt  }
0x5e: {  	_ =	shalt  }
0x5f: {  	_ =	shalt  }
0x60: {  	_ =	shalt  }
0x61: {  	_ =	shalt  }
0x62: {  	_ =	shalt  }
0x63: {  	_ =	shalt  }
0x64: {  	_ =	shalt  }
0x65: {  	_ =	shalt  }
0x66: {  	_ =	shalt  }
0x67: {  	_ =	shalt  }
0x68: {  	_ =	shalt  }
0x69: {  	_ =	shalt  }
0x6a: {  	_ =	shalt  }
0x6b: {  	_ =	shalt  }
0x6c: {  	_ =	shalt  }
0x6d: {  	_ =	shalt  }
0x6e: {  	_ =	shalt  }
0x6f: {  	_ =	shalt  }
0x70: {  	_ =	shalt  }
0x71: {  	_ =	shalt  }
0x72: {  	_ =	shalt  }
0x73: {  	_ =	shalt  }
0x74: {  	_ =	shalt  }
0x75: {  	_ =	shalt  }
0x76: {  	_ =	shalt  }
0x77: {  	_ =	shalt  }
0x78: {  	_ =	shalt  }
0x79: {  	_ =	shalt  }
0x7a: {  	_ =	shalt  }
0x7b: {  	_ =	shalt  }
0x7c: {  	_ =	shalt  }
0x7d: {  	_ =	shalt  }
0x7e: {  	_ =	shalt  }
0x7f: {  	_ =	shalt  }
0x80: {  	_ =	shalt  }
0x81: {  	_ =	shalt  }
0x82: {  	_ =	shalt  }
0x83: {  	_ =	shalt  }
0x84: {  	_ =	shalt  }
0x85: {  	_ =	shalt  }
0x86: {  	_ =	shalt  }
0x87: {  	_ =	shalt  }
.Lfunc_end0:
.L_simem_size_0:
called_computation.2_lowered:
.L_overlay_start_0:
0x88: {  	s2 =	sld [smem:$0x3FD9]  }
0x89: {  	s3 =	sld [smem:$0x3FFE];
	_ =	sdelay $0x1  }
0x8a: {  	s1 =	srdreg.scid  }
0x8b: {  	s0 =	sand.u32 $0x1, s1  }
0x8c: {  	s17 =	sshll.u32 s0, $0xA;
	s2 =	sadd.s32 s3, s2  }
0x8d: {  	s2 =	sadd.s32 s2, s17  }
0x8e: {  	[smem:$0x3FAB] =	sst s2  }
0x8f: {  	_ = 	snop  }
0x90: {  	(tm) =	ssettm $0x1  }
0x91: {  	s18 =	sld [smem:$0x3FFB];
	_ =	sdelay $0x3  }
0x92: {  	_ =	strace s18  }
0x93: {  	s2 =	sld [smem:$0x3FFC];
	_ =	sdelay $0x3  }
0x94: {  	_ =	strace s2  }
0x95: {  	s2 =	sld [smem:$0x3FFD];
	_ =	sdelay $0x3  }
0x96: {  	_ =	strace s2  }
0x97: {  	_ =	strace $0x8FFFFFFF  }
0x98: {  	s19 =	sld [smem:$0x3FDB];
	_ =	sdelay $0x1  }
0x99: {  	s20 =	simm.s32 $_scs_section_size  }
0x9a: {  	s4 =	simm.s32 $_size__tile_overlayer_lowered;
	s5 =	simm.s32 $_tile_overlayer_lowered  }
0x9b: {  	s6 =	simm.s32 $0x1BFF;
	s21 =	sshll.u32 s5, $0x1;
	s3 =	sadd.s32 s20, s19  }
0x9c: {  	s22 =	simm.s32 $0x0;
	s4 =	sshll.u32 s4, $0x1;
	s5 =	sadd.s32 s21, s3  }
0x9d: {  	[timem:s22], [sflag:s6] =	dma.local [hbm:s5], s4  }
0x9e: {  	_ =	swait.ge [sflag:s6], s4  }
0x9f: {  	s4 =	ssub.s32 $0x0, s4;
	[sflag:s6] =	ssyncset.done $0x0  }
0xa0: {  	[sflag:s6] =	ssyncadd.s32 s4;
	_ =	sdelay $0x1  }
0xa1: {  	s23 =	simm.s32 $0x1B8B  }
0xa2: {  	_ =	swait.ge [sflag:s23], $0x1  }
0xa3: {  	[sflag:s23] =	ssyncset.done $0x0  }
0xa4: {  	[sflag:s23] =	ssyncadd.s32 $0xFFFFFFFF  }
0xa5: {  	s4 =	sld [smem:$0x0]  }
0xa6: {  	s5 =	sand.u32 $0xFFFFFFFE, s1  }
0xa7: {  	p0 =	sne.s32 s1, s5  }
0xa8: {  	s5 =	sshll.u32 @p0 s5, $0xE  }
0xa9: {  	s5 =	sadd.s32 @p0 $0x11B8D, s5;
	s6 =	sshll.u32 @p0 s4, $0x11  }
0xaa: {  	s5 =	sor.u32 @p0 s6, s5  }
0xab: {  	[sflag:s5] =	ssyncadd.remote.s32 @p0 $0x1;
	_ =	sdelay $0x1  }
0xac: {  	s5 =	simm.s32 @p0 $0x1B8D  }
0xad: {  	_ =	swait.eq @p0 [sflag:s5], $0x1  }
0xae: {  	[sflag:s5] =	ssyncadd.s32 @p0 $0xFFFFFFFF  }
0xaf: {  	s6 =	sshll.u32 @!p0 s1, $0xE  }
0xb0: {  	s6 =	sor.u32 @!p0 $0x4000, s6;
	s5 =	simm.s32 @!p0 $0x1B8D  }
0xb1: {  	s4 =	sshll.u32 @!p0 s4, $0x11;
	s6 =	sadd.s32 @!p0 $0x11B8D, s6;
	_ =	swait.eq @!p0 [sflag:s5], $0x1  }
0xb2: {  	s4 =	sor.u32 @!p0 s4, s6;
	[sflag:s5] =	ssyncadd.s32 @!p0 $0xFFFFFFFF  }
0xb3: {  	s25 =	simm.s32 $0x1B8E;
	s24 =	sld [smem:$0x3FFE];
	[sflag:s4] =	ssyncadd.remote.s32 @!p0 $0x1  }
0xb4: {  	s26 =	simm.s32 $execute0_lowered;
	[smem:$0x3FD2] =	sst s25  }
0xb5: {  	s5 =	sshll.u32 s26, $0x1;
	_ =	strace $0x8000004C;
	[dreg:$0x1] =	wrdreg $0xFFFFFFFF  }
0xb6: {  	s28 =	simm.s32 $_size_execute0_lowered;
	s3 =	sadd.s32 s3, s5;
	[dreg:$0x0] =	wrdreg $0x0  }
0xb7: {  	s5 =	sshll.u32 s28, $0x1;
	[dreg:$0x2] =	wrdreg s3  }
0xb8: {  	[dreg:$0x3] =	wrdreg s5  }
0xb9: {  	[dreg:$0x4] =	wrdreg $0xC0  }
0xba: {  	_ =	task [dreg:s22], $0x5FFFF  }
0xbb: {  	[dreg:$0x1] =	wrdreg $0xFFFFFFFF  }
0xbc: {  	[dreg:$0x0] =	wrdreg $0x60  }
0xbd: {  	[dreg:$0x2] =	wrdreg s24  }
0xbe: {  	[dreg:$0x3] =	wrdreg $0x80E80  }
0xbf: {  	[dreg:$0x4] =	wrdreg $0xA  }
0xc0: {  	_ =	task.clear_ibuf [dreg:s22], $0x5FFFF;
	_ =	strace $0x9000004C  }
0xc1: {  	s29 =	simm.s32 $0xA;
	_ =	strace $0x8000004E  }
0xc2: {  	_ =	swait.ge [sflag:s29], $0x1  }
0xc3: {  	[sflag:s29] =	ssyncadd.s32 $0xFFFFFFFF  }
0xc4: {  	_ =	strace $0x9000004E  }
0xc5: {  	_ =	sfence  }
0xc6: {  	s30 =	sld [smem:$0x0];
	_ =	sdelay $0x2  }
0xc7: {  	s31 =	sshll.u32 s1, $0xD;
	s1 =	sshrl.u32 s1, $0x2  }
0xc8: {  	s4 =	sand.u32 $0x4000, s31;
	s1 =	sadd.s32 s1, s30  }
0xc9: {  	s0 =	sor.u32 s4, s0;
	s1 =	sshll.u32 s1, $0x11  }
0xca: {  	s0 =	sor.u32 s1, s0  }
0xcb: {  	s0 =	sadd.s32 $0x8F2B, s0  }
0xcc: {  	[sflag:s0] =	ssyncadd.remote.s32 $0x1  }
0xcd: {  	_ =	sfence.sel $0xFFFF  }
0xce: {  	[dreg:$0x0] =	wrdreg $0xFFFFFFFF;
	(pc) =	sbr.abs _section_cstart, $3  }
0xcf: {  	[dreg:$0x1] =	wrdreg $0xFFFFFFFF  }
0xd0: {  	_ =	task.clear_ibuf [dreg:s22], $0x2FFFF;
	_ =	strace $0x9FFFFFFF  }
0xd1: {  	(tm) =	ssettm $0x7FFFFFFF  }
tec
execute0_lowered:
.L_overlay_start_1:
0x0: {  	(tag) =	ssettag $0x1  }
0x1: {  	s3 =	rddreg [dreg:$0x0]  }
0x2: {  	s1 =	rddreg [dreg:$0x1]  }
0x3: {  	s0 =	rddreg [dreg:$0x2];
	s2 =	simm.s32 $0x0  }
0x4: {  	s4 =	srdreg.scid;
	s7 =	stileid.u32;
	p1 =	por $0x0, $0x0  }
0x5: {  	[smem:$0x7FF] =	sst s2;
	s4 =	sand.u32 $0x1, s4;
	s8 =	sadd.s32 $0x470400, s3  }
0x6: {  	s9 =	smul.u32 $0x4E20, s7;
	s6 =	sadd.s32 $0xDE00, s3;
	s11 =	sshll.u32 s7, $0x1  }
0x7: {  	p0 =	sne.s32 s7, $0x0;
	s7 =	sshll.u32 s7, $0x6;
	s5 =	smul.u32 $0x4E200, s4  }
0x8: {  	s10 =	smul.u32 $0x9C40, s4;
	s12 =	ssub.s32 $0x2, s4;
	s4 =	sor.u32 s4, s11  }
0x9: {  	_ =	strace $0x8000004D;
	s7 =	sor.u32 $0x1C01, s7;
	s13 =	smul.u32 $0xBB8, s4  }
0xa: {  	s23 =	sshrl.u32 s12, $0x1;
	s4 =	smul.u32 $0xBB80, s4;
	s30 =	sadd.s32 s9, s1  }
0xb: {  	s5 =	sadd.s32 s9, s5;
	s10 =	sadd.s32 s10, s3;
	s11 =	ssub.s32 s12, s23  }
0xc: {  	s9 =	simm.s32 $0x3E8;
	s5 =	sshrl.u32 s5, $0x3;
	s24 =	sshrl.u32 s13, $0x3  }
0xd: {  	s17 =	sadd.s32 $0x3E8, s13;
	s16 =	sadd.s32 $0x3A000, s10;
	s31 =	smax.u32 s11, $0x1  }
0xe: {  	s14 =	sadd.s32 s8, s4;
	s26 =	sadd.s32 $0x7D0, s13;
	s20 =	sadd.s32 $0xFFFFFFFF, s31  }
0xf: {  	s10 =	simm.s32 $0x20;
	s11 =	simm.s32 $0x80;
	p2 =	sne.s32 s20, $0x0  }
.Ltmp0:
0x10: {  	s3 =	sadd.s32 s5, s3;
	s15 =	sadd.s32 s6, s24;
	(pc) =	sbr.rel @!p2 .LBB2_3-.Ltmp0, $4  }
0x11: {  	s25 =	sshrl.u32 s17, $0x3;
	s28 =	sshll.u32 s17, $0x4;
	s29 =	sshrl.u32 s26, $0x3  }
0x12: {  	s4 =	sshll.u32 s26, $0x4;
	s17 =	sshrl.u32 @!p0 s1, $0x3;
	s12 =	sadd.s32 s6, s25  }
0x13: {  	s13 =	sadd.s32 s8, s28;
	s6 =	sadd.s32 s6, s29;
	s5 =	sadd.s32 s8, s4  }
0x14: {  	s3 =	sadd.s32 $0x4DA00, s3;
	s4 =	simm.s32 $0x1;
	s8 =	sshrl.u32 s30, $0x3  }
0x15: {  	s18 =	simm.s32 @!p0 $0x1C01;
	s19 =	simm.s32 @!p0 $0x1  }
0x16: {  	[spmem:s17], [sflag:s18] =	dma.local @!p0 [hbm:s16], $0x9C40  }
0x17: {  	_ =	swait.ge @!p0 [sflag:s19], $0x9C40  }
0x18: {  	[sflag:s19] =	ssyncset.done @!p0 $0x0  }
0x19: {  	[sflag:s19] =	ssyncadd.s32 @!p0 $0xFFFF63C0  }
0x1a: {  	[bflag:$0x0] =	sbarrier.arrive $0xFFFF  }
0x1b: {  	[tilespmem:s2], [sflag:$0x1] =	stream.linear.gather [hbm4b:s15+s2], $0x3E8, $0x38;
	[tilespmem:$0xCF08] =	vst v63  }
0x1c: {  	_ =	swait.ge [sflag:s4], $0x3E8  }
0x1d: {  	[sflag:s4] =	ssyncset.done $0x0  }
0x1e: {  	[sflag:s4] =	ssyncadd.s32 $0xFFFFFC18  }
0x1f: {  	[tilespmem:s9], [sflag:$0x1] =	stream.strided.gather [hbm4b:s14+s10], $0x7D00, s11, s10, $0x38;
	[tilespmem:$0xCF08] =	vst v63  }
0x20: {  	_ =	swait.ge [sflag:s4], $0x7D00  }
0x21: {  	[sflag:s4] =	ssyncset.done $0x0  }
0x22: {  	[sflag:s4] =	ssyncadd.s32 $0xFFFF8300  }
0x23: {  	[spmem:s1] =	stream.indirect.scatter.add.f32 [tilespmem:s9], [sflag:$0x1], $0x20, s2, s9, $0xb8;
	[tilespmem:$0xCF08] =	vst v63  }
0x24: {  	_ =	swait.ge [sflag:s4], $0x7D00  }
0x25: {  	[sflag:s4] =	ssyncset.done $0x0  }
0x26: {  	[sflag:s4] =	ssyncadd.s32 $0xFFFF8300  }
0x27: {  	[tilespmem:s2], [sflag:$0x1] =	stream.linear.gather [hbm4b:s12+s2], $0x3E8, $0x38;
	[tilespmem:$0xCF08] =	vst v63  }
0x28: {  	_ =	swait.ge [sflag:s4], $0x3E8  }
0x29: {  	[sflag:s4] =	ssyncset.done $0x0  }
0x2a: {  	[sflag:s4] =	ssyncadd.s32 $0xFFFFFC18  }
0x2b: {  	[tilespmem:s9], [sflag:$0x1] =	stream.strided.gather [hbm4b:s13+s10], $0x7D00, s11, s10, $0x38;
	[tilespmem:$0xCF08] =	vst v63  }
0x2c: {  	_ =	swait.ge [sflag:s4], $0x7D00  }
0x2d: {  	[sflag:s4] =	ssyncset.done $0x0  }
0x2e: {  	[sflag:s4] =	ssyncadd.s32 $0xFFFF8300  }
0x2f: {  	[spmem:s1] =	stream.indirect.scatter.add.f32 [tilespmem:s9], [sflag:$0x1], $0x20, s2, s9, $0xb8;
	[tilespmem:$0xCF08] =	vst v63  }
0x30: {  	_ =	swait.ge [sflag:s4], $0x7D00  }
0x31: {  	[sflag:s4] =	ssyncset.done $0x0  }
0x32: {  	[sflag:s4] =	ssyncadd.s32 $0xFFFF8300  }
0x33: {  	[tilespmem:s2], [sflag:$0x1] =	stream.linear.gather [hbm4b:s6+s2], $0x3E8, $0x38;
	[tilespmem:$0xCF08] =	vst v63  }
0x34: {  	_ =	swait.ge [sflag:s4], $0x3E8  }
0x35: {  	[sflag:s4] =	ssyncset.done $0x0  }
0x36: {  	[sflag:s4] =	ssyncadd.s32 $0xFFFFFC18  }
0x37: {  	[tilespmem:s9], [sflag:$0x1] =	stream.strided.gather [hbm4b:s5+s10], $0x7D00, s11, s10, $0x38;
	[tilespmem:$0xCF08] =	vst v63  }
0x38: {  	_ =	swait.ge [sflag:s4], $0x7D00  }
0x39: {  	[sflag:s4] =	ssyncset.done $0x0  }
0x3a: {  	[sflag:s4] =	ssyncadd.s32 $0xFFFF8300  }
0x3b: {  	[spmem:s1] =	stream.indirect.scatter.add.f32 [tilespmem:s9], [sflag:$0x1], $0x20, s2, s9, $0xb8;
	[tilespmem:$0xCF08] =	vst v63  }
0x3c: {  	s20 =	sadd.s32 $0xFFFFFFFF, s20;
	_ =	swait.ge [sflag:s4], $0x7D00  }
0x3d: {  	p2 =	sne.s32 s20, $0x0;
	[sflag:s4] =	ssyncset.done $0x0  }
.Ltmp1:
0x3e: {  	[sflag:s4] =	ssyncadd.s32 $0xFFFF8300;
	(pc) =	sbr.rel @!p2 .LBB2_3-.Ltmp1, $4  }
0x3f: {  	[bflag:$0x0] =	sbarrier.arrive $0xFFFF  }
0x40: {  	[hbm:s3], [sflag:s7] =	dma.local [spmem:s8], $0x9C4  }
0x41: {  	_ =	swait.ge [sflag:s4], $0x9C4  }
0x42: {  	p1 =	por $0x1, $0x1;
	[sflag:s4] =	ssyncset.done $0x0  }
.LBB2_2:
0x43: {  	[sflag:s4] =	ssyncadd.s32 $0xFFFFF63C  }
0x44: {  	[spmem:s17], [sflag:s18] =	dma.local @!p0 [hbm:s16], $0x9C40  }
0x45: {  	s20 =	sadd.s32 $0xFFFFFFFF, s20;
	_ =	swait.ge @!p0 [sflag:s19], $0x9C40  }
0x46: {  	p2 =	sne.s32 s20, $0x0;
	[sflag:s19] =	ssyncset.done @!p0 $0x0  }
0x47: {  	[sflag:s19] =	ssyncadd.s32 @!p0 $0xFFFF63C0  }
0x48: {  	[bflag:$0x0] =	sbarrier.arrive $0xFFFF  }
0x49: {  	[tilespmem:s2], [sflag:$0x1] =	stream.linear.gather [hbm4b:s15+s2], $0x3E8, $0x38;
	[tilespmem:$0xCF08] =	vst v63  }
0x4a: {  	_ =	swait.ge [sflag:s4], $0x3E8  }
0x4b: {  	[sflag:s4] =	ssyncset.done $0x0  }
0x4c: {  	[sflag:s4] =	ssyncadd.s32 $0xFFFFFC18  }
0x4d: {  	[tilespmem:s9], [sflag:$0x1] =	stream.strided.gather [hbm4b:s14+s10], $0x7D00, s11, s10, $0x38;
	[tilespmem:$0xCF08] =	vst v63  }
0x4e: {  	_ =	swait.ge [sflag:s4], $0x7D00  }
0x4f: {  	[sflag:s4] =	ssyncset.done $0x0  }
0x50: {  	[sflag:s4] =	ssyncadd.s32 $0xFFFF8300  }
0x51: {  	[spmem:s1] =	stream.indirect.scatter.add.f32 [tilespmem:s9], [sflag:$0x1], $0x20, s2, s9, $0xb8;
	[tilespmem:$0xCF08] =	vst v63  }
0x52: {  	_ =	swait.ge [sflag:s4], $0x7D00  }
0x53: {  	[sflag:s4] =	ssyncset.done $0x0  }
0x54: {  	[sflag:s4] =	ssyncadd.s32 $0xFFFF8300  }
0x55: {  	[tilespmem:s2], [sflag:$0x1] =	stream.linear.gather [hbm4b:s12+s2], $0x3E8, $0x38;
	[tilespmem:$0xCF08] =	vst v63  }
0x56: {  	_ =	swait.ge [sflag:s4], $0x3E8  }
0x57: {  	[sflag:s4] =	ssyncset.done $0x0  }
0x58: {  	[sflag:s4] =	ssyncadd.s32 $0xFFFFFC18  }
0x59: {  	[tilespmem:s9], [sflag:$0x1] =	stream.strided.gather [hbm4b:s13+s10], $0x7D00, s11, s10, $0x38;
	[tilespmem:$0xCF08] =	vst v63  }
0x5a: {  	_ =	swait.ge [sflag:s4], $0x7D00  }
0x5b: {  	[sflag:s4] =	ssyncset.done $0x0  }
0x5c: {  	[sflag:s4] =	ssyncadd.s32 $0xFFFF8300  }
0x5d: {  	[spmem:s1] =	stream.indirect.scatter.add.f32 [tilespmem:s9], [sflag:$0x1], $0x20, s2, s9, $0xb8;
	[tilespmem:$0xCF08] =	vst v63  }
0x5e: {  	_ =	swait.ge [sflag:s4], $0x7D00  }
0x5f: {  	[sflag:s4] =	ssyncset.done $0x0  }
0x60: {  	[sflag:s4] =	ssyncadd.s32 $0xFFFF8300  }
0x61: {  	[tilespmem:s2], [sflag:$0x1] =	stream.linear.gather [hbm4b:s6+s2], $0x3E8, $0x38;
	[tilespmem:$0xCF08] =	vst v63  }
0x62: {  	_ =	swait.ge [sflag:s4], $0x3E8  }
0x63: {  	[sflag:s4] =	ssyncset.done $0x0  }
0x64: {  	[sflag:s4] =	ssyncadd.s32 $0xFFFFFC18  }
0x65: {  	[tilespmem:s9], [sflag:$0x1] =	stream.strided.gather [hbm4b:s5+s10], $0x7D00, s11, s10, $0x38;
	[tilespmem:$0xCF08] =	vst v63  }
0x66: {  	_ =	swait.ge [sflag:s4], $0x7D00  }
0x67: {  	[sflag:s4] =	ssyncset.done $0x0  }
0x68: {  	[sflag:s4] =	ssyncadd.s32 $0xFFFF8300  }
0x69: {  	[spmem:s1] =	stream.indirect.scatter.add.f32 [tilespmem:s9], [sflag:$0x1], $0x20, s2, s9, $0xb8;
	[tilespmem:$0xCF08] =	vst v63  }
0x6a: {  	_ =	swait.ge [sflag:s4], $0x7D00  }
0x6b: {  	[sflag:s4] =	ssyncset.done $0x0  }
.Ltmp2:
0x6c: {  	[sflag:s4] =	ssyncadd.s32 $0xFFFF8300;
	(pc) =	sbr.rel @p2 .LBB2_2-.Ltmp2, $4  }
0x6d: {  	[bflag:$0x0] =	sbarrier.arrive $0xFFFF  }
0x6e: {  	[hbm:s3], [sflag:s7] =	dma.local [spmem:s8], $0x9C4  }
0x6f: {  	_ =	swait.ge [sflag:s4], $0x9C4  }
0x70: {  	[sflag:s4] =	ssyncset.done $0x0  }
.LBB2_3:
0x71: {  	s18 =	simm.s32 @!p0 $0x1C01;
	s19 =	simm.s32 @!p0 $0x1;
	[sflag:s4] =	ssyncadd.s32 @p1 $0xFFFFF63C  }
0x72: {  	[spmem:s17], [sflag:s18] =	dma.local @!p0 [hbm:s16], $0x9C40  }
0x73: {  	_ =	swait.ge @!p0 [sflag:s19], $0x9C40  }
0x74: {  	[sflag:s19] =	ssyncset.done @!p0 $0x0  }
0x75: {  	[sflag:s19] =	ssyncadd.s32 @!p0 $0xFFFF63C0  }
0x76: {  	[bflag:$0x0] =	sbarrier.arrive $0xFFFF  }
0x77: {  	[tilespmem:s2], [sflag:$0x1] =	stream.linear.gather [hbm4b:s15+s2], $0x3E8, $0x38;
	[tilespmem:$0xCF08] =	vst v63  }
0x78: {  	_ =	swait.ge [sflag:s4], $0x3E8  }
0x79: {  	[sflag:s4] =	ssyncset.done $0x0  }
0x7a: {  	[sflag:s4] =	ssyncadd.s32 $0xFFFFFC18  }
0x7b: {  	[tilespmem:s9], [sflag:$0x1] =	stream.strided.gather [hbm4b:s14+s10], $0x7D00, s11, s10, $0x38;
	[tilespmem:$0xCF08] =	vst v63  }
0x7c: {  	_ =	swait.ge [sflag:s4], $0x7D00  }
0x7d: {  	[sflag:s4] =	ssyncset.done $0x0  }
0x7e: {  	[sflag:s4] =	ssyncadd.s32 $0xFFFF8300  }
0x7f: {  	[spmem:s1] =	stream.indirect.scatter.add.f32 [tilespmem:s9], [sflag:$0x1], $0x20, s2, s9, $0xb8;
	[tilespmem:$0xCF08] =	vst v63  }
0x80: {  	_ =	swait.ge [sflag:s4], $0x7D00  }
0x81: {  	[sflag:s4] =	ssyncset.done $0x0  }
0x82: {  	[sflag:s4] =	ssyncadd.s32 $0xFFFF8300  }
0x83: {  	[tilespmem:s2], [sflag:$0x1] =	stream.linear.gather [hbm4b:s12+s2], $0x3E8, $0x38;
	[tilespmem:$0xCF08] =	vst v63  }
0x84: {  	_ =	swait.ge [sflag:s4], $0x3E8  }
0x85: {  	[sflag:s4] =	ssyncset.done $0x0  }
0x86: {  	[sflag:s4] =	ssyncadd.s32 $0xFFFFFC18  }
0x87: {  	[tilespmem:s9], [sflag:$0x1] =	stream.strided.gather [hbm4b:s13+s10], $0x7D00, s11, s10, $0x38;
	[tilespmem:$0xCF08] =	vst v63  }
0x88: {  	_ =	swait.ge [sflag:s4], $0x7D00  }
0x89: {  	[sflag:s4] =	ssyncset.done $0x0  }
0x8a: {  	[sflag:s4] =	ssyncadd.s32 $0xFFFF8300  }
0x8b: {  	[spmem:s1] =	stream.indirect.scatter.add.f32 [tilespmem:s9], [sflag:$0x1], $0x20, s2, s9, $0xb8;
	[tilespmem:$0xCF08] =	vst v63  }
0x8c: {  	_ =	swait.ge [sflag:s4], $0x7D00  }
0x8d: {  	[sflag:s4] =	ssyncset.done $0x0  }
0x8e: {  	[sflag:s4] =	ssyncadd.s32 $0xFFFF8300  }
0x8f: {  	[tilespmem:s2], [sflag:$0x1] =	stream.linear.gather [hbm4b:s6+s2], $0x3E8, $0x38;
	[tilespmem:$0xCF08] =	vst v63  }
0x90: {  	_ =	swait.ge [sflag:s4], $0x3E8  }
0x91: {  	[sflag:s4] =	ssyncset.done $0x0  }
0x92: {  	[sflag:s4] =	ssyncadd.s32 $0xFFFFFC18  }
0x93: {  	[tilespmem:s9], [sflag:$0x1] =	stream.strided.gather [hbm4b:s5+s10], $0x7D00, s11, s10, $0x38;
	[tilespmem:$0xCF08] =	vst v63  }
0x94: {  	_ =	swait.ge [sflag:s4], $0x7D00  }
0x95: {  	[sflag:s4] =	ssyncset.done $0x0  }
0x96: {  	[sflag:s4] =	ssyncadd.s32 $0xFFFF8300  }
0x97: {  	[spmem:s1] =	stream.indirect.scatter.add.f32 [tilespmem:s9], [sflag:$0x1], $0x20, s2, s9, $0xb8;
	[tilespmem:$0xCF08] =	vst v63  }
0x98: {  	_ =	swait.ge [sflag:s4], $0x7D00  }
0x99: {  	[sflag:s4] =	ssyncset.done $0x0  }
0x9a: {  	[sflag:s4] =	ssyncadd.s32 $0xFFFF8300  }
0x9b: {  	[bflag:$0x0] =	sbarrier.arrive $0xFFFF  }
0x9c: {  	[hbm:s3], [sflag:s7] =	dma.local [spmem:s8], $0x9C4  }
0x9d: {  	_ =	swait.ge [sflag:s4], $0x9C4  }
0x9e: {  	[sflag:s4] =	ssyncset.done $0x0  }
0x9f: {  	[sflag:s4] =	ssyncadd.s32 $0xFFFFF63C  }
0xa0: {  	_ =	sfence.sel $0x180000  }
0xa1: {  	[bflag:$0x0] =	sbarrier.arrive $0xFFFF  }
0xa2: {  	_ =	strace $0x9000004D  }
0xa3: {  	s0 =	sadd.s32 @!p0 $0x100000, s0;
	[bflag:$0x2] =	sbarrier.arrive $0xFFFF  }
0xa4: {  	[sflag:s0] =	ssyncadd.tile.s32 @!p0 $0x1;
	_ =	shalt  }
.Lfunc_end2:
_tile_overlayer_lowered:
.L_overlay_start_2:
0xa5: {  	(tag) =	ssettag $0x2  }
0xa6: {  	s0 =	rddreg [dreg:$0x0];
	s2 =	stileid.u32  }
0xa7: {  	s1 =	rddreg [dreg:$0x1];
	p0 =	sne.s32 s2, $0x0  }
0xa8: {  	s3 =	rddreg [dreg:$0x2];
	[bflag:$0x3] =	sbarrier.arrive $0xFFFF;
	s2 =	simm.s32 @!p0 $0x1C01  }
0xa9: {  	[timem:s3], [sflag:s2] =	dma.local @!p0 [hbm:s0], s1  }
0xaa: {  	s0 =	simm.s32 @!p0 $0x1  }
0xab: {  	_ =	swait.ge @!p0 [sflag:s0], s1  }
0xac: {  	s1 =	ssub.s32 @!p0 $0x0, s1;
	[sflag:s0] =	ssyncset.done @!p0 $0x0  }
0xad: {  	[sflag:s0] =	ssyncadd.s32 @!p0 s1  }
0xae: {  	[bflag:$0x3] =	sbarrier.arrive $0xFFFF  }
0xaf: {  	_ =	shalt  }

// kernel: kernel.31.cloned.1.call-start
scs
__scs_entry_jumppad:
0x0: {  	(pc) =	sbr.rel $0x88, $3  }
0x1: {  	(tag) =	ssettag $0x0;
	lr =	simm.s32 $0x1  }
0x2: {  	[smem:$0x3F84] =	sst lr;
	_ =	strace $0xD0000000  }
0x3: {  	_ = 	snop  }
0x4: {  	_ = 	snop  }
0x5: {  	_ = 	snop  }
0x6: {  	_ = 	snop  }
0x7: {  	_ = 	snop  }
__scs_overlays_trampoline_lowered:
0x8: {  	[smem:$0x3F93] =	sst s0  }
0x9: {  	[smem:$0x3F94] =	sst s1  }
0xa: {  	[smem:$0x3F95] =	sst s2  }
0xb: {  	[smem:$0x3F96] =	sst s3  }
0xc: {  	[smem:$0x3F97] =	sst s4  }
0xd: {  	[smem:$0x3F98] =	sst s5  }
0xe: {  	[smem:$0x3F99] =	sst s6  }
0xf: {  	[smem:$0x3F9A] =	sst s7  }
0x10: {  	[smem:$0x3F9B] =	sst s8  }
0x11: {  	[smem:$0x3F9C] =	sst s9;
	s0 =	simm.s32 @!p0 $0x0  }
0x12: {  	s1 =	sld [smem:$0x3F82];
	s0 =	simm.s32 @p0 $0x1  }
0x13: {  	[smem:$0x3F9D] =	sst s0;
	s0 =	simm.s32 @!p1 $0x0  }
0x14: {  	s2 =	sld [smem:$0x3F81];
	s0 =	simm.s32 @p1 $0x1  }
0x15: {  	[smem:$0x3F9E] =	sst s0;
	s0 =	simm.s32 @!p2 $0x0  }
0x16: {  	s3 =	sld [smem:$0x3FDB];
	s0 =	simm.s32 @p2 $0x1  }
0x17: {  	s4 =	simm.s32 $0x1BF5;
	[smem:$0x3FA0] =	sst s0  }
0x18: {  	s0 =	sld [smem:$0x3F83];
	_ =	swait.ge [sflag:s4], $0x0  }
0x19: {  	s7 =	sld [smem:$0x3F84]  }
0x1a: {  	s8 =	sadd.s32 $0xFFFFE003, lr  }
0x1b: {  	s9 =	sadd.s32 $0xFFFFFEF7, lr;
	s5 =	simm.s32 $0xFFFFFFFF;
	p2 =	slt.u32 s8, $0xFFFFF086  }
0x1c: {  	p1 =	slt.u32 s9, $0xF7A;
	s5 =	simm.s32 @!p2 $0x0  }
0x1d: {  	s5 =	simm.s32 @p1 $0x1;
	p0 =	seq.s32 s7, s2  }
0x1e: {  	s7 =	smul.u32 @!p0 $0xF7A, s2;
	p2 =	seq.s32 @!p0 s5, $0x0  }
0x1f: {  	s9 =	smul.u32 $0xF7A, s1;
	s8 =	simm.s32 @!p0 $0x1BF5;
	p2 =	por !p2, p0  }
0x20: {  	[sflag:s8] =	ssyncset.s32 @!p0 $0xFFFFF086;
	s6 =	sadd.s32 @!p0 s3, s7;
	s7 =	simm.s32 @!p0 $0x108  }
0x21: {  	s3 =	sadd.s32 s3, s9;
	s6 =	sadd.s32 @!p0 $0x88, s6;
	s7 =	simm.s32 @p2 $0x1082  }
0x22: {  	[simem:s7], [sflag:s8] =	dma.local @!p0 [hbm:s6], $0xF7A  }
0x23: {  	s9 =	sor.u32 $0xD0000000, s2;
	s6 =	simm.s32 $0x108;
	_ =	swait.ge @!p0 [sflag:s8], $0x0  }
0x24: {  	s3 =	sadd.s32 $0x88, s3;
	s6 =	simm.s32 @!p1 $0x1082;
	[sflag:s4] =	ssyncset.s32 $0xFFFFF086  }
0x25: {  	[simem:s6], [sflag:s4] =	dma.local [hbm:s3], $0xF7A  }
0x26: {  	[smem:$0x3F84] =	sst s1;
	(tag) =	ssettag s2;
	_ =	strace s9  }
0x27: {  	s1 =	sld [smem:$0x3F94]  }
0x28: {  	s2 =	sld [smem:$0x3F95]  }
0x29: {  	s4 =	sld [smem:$0x3F97]  }
0x2a: {  	p0 =	seq.s32 s5, $0x0;
	s5 =	sld [smem:$0x3F98]  }
0x2b: {  	s6 =	sld [smem:$0x3F99]  }
0x2c: {  	s7 =	sld [smem:$0x3F9A]  }
0x2d: {  	s3 =	simm.s32 $0x108;
	s8 =	sld [smem:$0x3F9B]  }
0x2e: {  	s3 =	simm.s32 @!p0 $0x1082;
	s9 =	sld [smem:$0x3F9C]  }
0x2f: {  	lr =	sadd.s32 s0, s3;
	s0 =	sld [smem:$0x3F93]  }
0x30: {  	s3 =	sld [smem:$0x3F96]  }
0x31: {  	[smem:$0x3F9F] =	sst s10  }
0x32: {  	s10 =	sld [smem:$0x3F9D];
	_ =	sdelay $0x3  }
0x33: {  	p0 =	seq.s32 s10, $0x1;
	s10 =	sld [smem:$0x3F9F];
	_ =	sdelay $0x3  }
0x34: {  	[smem:$0x3F9F] =	sst s10  }
0x35: {  	s10 =	sld [smem:$0x3F9E];
	_ =	sdelay $0x3  }
0x36: {  	p1 =	seq.s32 s10, $0x1;
	s10 =	sld [smem:$0x3F9F];
	_ =	sdelay $0x3  }
0x37: {  	[smem:$0x3F9F] =	sst s10  }
0x38: {  	s10 =	sld [smem:$0x3FA0]  }
0x39: {  	_ = 	snop;
	(pc) =	sbr.ind lr, $3  }
0x3a: {  	_ = 	snop  }
0x3b: {  	_ = 	snop  }
0x3c: {  	p2 =	seq.s32 s10, $0x1;
	s10 =	sld [smem:$0x3F9F]  }
0x3d: {  	_ =	shalt  }
0x3e: {  	_ =	shalt  }
0x3f: {  	_ =	shalt  }
0x40: {  	_ =	shalt  }
0x41: {  	_ =	shalt  }
0x42: {  	_ =	shalt  }
0x43: {  	_ =	shalt  }
0x44: {  	_ =	shalt  }
0x45: {  	_ =	shalt  }
0x46: {  	_ =	shalt  }
0x47: {  	_ =	shalt  }
0x48: {  	_ =	shalt  }
0x49: {  	_ =	shalt  }
0x4a: {  	_ =	shalt  }
0x4b: {  	_ =	shalt  }
0x4c: {  	_ =	shalt  }
0x4d: {  	_ =	shalt  }
0x4e: {  	_ =	shalt  }
0x4f: {  	_ =	shalt  }
0x50: {  	_ =	shalt  }
0x51: {  	_ =	shalt  }
0x52: {  	_ =	shalt  }
0x53: {  	_ =	shalt  }
0x54: {  	_ =	shalt  }
0x55: {  	_ =	shalt  }
0x56: {  	_ =	shalt  }
0x57: {  	_ =	shalt  }
0x58: {  	_ =	shalt  }
0x59: {  	_ =	shalt  }
0x5a: {  	_ =	shalt  }
0x5b: {  	_ =	shalt  }
0x5c: {  	_ =	shalt  }
0x5d: {  	_ =	shalt  }
0x5e: {  	_ =	shalt  }
0x5f: {  	_ =	shalt  }
0x60: {  	_ =	shalt  }
0x61: {  	_ =	shalt  }
0x62: {  	_ =	shalt  }
0x63: {  	_ =	shalt  }
0x64: {  	_ =	shalt  }
0x65: {  	_ =	shalt  }
0x66: {  	_ =	shalt  }
0x67: {  	_ =	shalt  }
0x68: {  	_ =	shalt  }
0x69: {  	_ =	shalt  }
0x6a: {  	_ =	shalt  }
0x6b: {  	_ =	shalt  }
0x6c: {  	_ =	shalt  }
0x6d: {  	_ =	shalt  }
0x6e: {  	_ =	shalt  }
0x6f: {  	_ =	shalt  }
0x70: {  	_ =	shalt  }
0x71: {  	_ =	shalt  }
0x72: {  	_ =	shalt  }
0x73: {  	_ =	shalt  }
0x74: {  	_ =	shalt  }
0x75: {  	_ =	shalt  }
0x76: {  	_ =	shalt  }
0x77: {  	_ =	shalt  }
0x78: {  	_ =	shalt  }
0x79: {  	_ =	shalt  }
0x7a: {  	_ =	shalt  }
0x7b: {  	_ =	shalt  }
0x7c: {  	_ =	shalt  }
0x7d: {  	_ =	shalt  }
0x7e: {  	_ =	shalt  }
0x7f: {  	_ =	shalt  }
0x80: {  	_ =	shalt  }
0x81: {  	_ =	shalt  }
0x82: {  	_ =	shalt  }
0x83: {  	_ =	shalt  }
0x84: {  	_ =	shalt  }
0x85: {  	_ =	shalt  }
0x86: {  	_ =	shalt  }
0x87: {  	_ =	shalt  }
.Lfunc_end0:
.L_simem_size_0:
called_computation.3_lowered:
.L_overlay_start_0:
0x88: {  	s2 =	sld [smem:$0x3FD9]  }
0x89: {  	s3 =	sld [smem:$0x3FFE];
	_ =	sdelay $0x1  }
0x8a: {  	s1 =	srdreg.scid  }
0x8b: {  	s0 =	sand.u32 $0x1, s1  }
0x8c: {  	s17 =	sshll.u32 s0, $0xA;
	s2 =	sadd.s32 s3, s2  }
0x8d: {  	s2 =	sadd.s32 s2, s17  }
0x8e: {  	[smem:$0x3FAB] =	sst s2  }
0x8f: {  	_ = 	snop  }
0x90: {  	(tm) =	ssettm $0x1  }
0x91: {  	s18 =	sld [smem:$0x3FFB];
	_ =	sdelay $0x3  }
0x92: {  	_ =	strace s18  }
0x93: {  	s2 =	sld [smem:$0x3FFC];
	_ =	sdelay $0x3  }
0x94: {  	_ =	strace s2  }
0x95: {  	s2 =	sld [smem:$0x3FFD];
	_ =	sdelay $0x3  }
0x96: {  	_ =	strace s2  }
0x97: {  	_ =	strace $0x8FFFFFFF  }
0x98: {  	s19 =	sld [smem:$0x3FDB];
	_ =	sdelay $0x1  }
0x99: {  	s20 =	simm.s32 $_scs_section_size  }
0x9a: {  	s4 =	simm.s32 $_size__tile_overlayer_lowered;
	s5 =	simm.s32 $_tile_overlayer_lowered  }
0x9b: {  	s6 =	simm.s32 $0x1BFF;
	s21 =	sshll.u32 s5, $0x1;
	s3 =	sadd.s32 s20, s19  }
0x9c: {  	s22 =	simm.s32 $0x0;
	s4 =	sshll.u32 s4, $0x1;
	s5 =	sadd.s32 s21, s3  }
0x9d: {  	[timem:s22], [sflag:s6] =	dma.local [hbm:s5], s4  }
0x9e: {  	_ =	swait.ge [sflag:s6], s4  }
0x9f: {  	s4 =	ssub.s32 $0x0, s4;
	[sflag:s6] =	ssyncset.done $0x0  }
0xa0: {  	[sflag:s6] =	ssyncadd.s32 s4;
	_ =	sdelay $0x1  }
0xa1: {  	s23 =	simm.s32 $0x1B8B  }
0xa2: {  	_ =	swait.ge [sflag:s23], $0x1  }
0xa3: {  	[sflag:s23] =	ssyncset.done $0x0  }
0xa4: {  	[sflag:s23] =	ssyncadd.s32 $0xFFFFFFFF  }
0xa5: {  	s4 =	sld [smem:$0x0]  }
0xa6: {  	s5 =	sand.u32 $0xFFFFFFFE, s1  }
0xa7: {  	p0 =	sne.s32 s1, s5  }
0xa8: {  	s5 =	sshll.u32 @p0 s5, $0xE  }
0xa9: {  	s5 =	sadd.s32 @p0 $0x11B8D, s5;
	s6 =	sshll.u32 @p0 s4, $0x11  }
0xaa: {  	s5 =	sor.u32 @p0 s6, s5  }
0xab: {  	[sflag:s5] =	ssyncadd.remote.s32 @p0 $0x1;
	_ =	sdelay $0x1  }
0xac: {  	s5 =	simm.s32 @p0 $0x1B8D  }
0xad: {  	_ =	swait.eq @p0 [sflag:s5], $0x1  }
0xae: {  	[sflag:s5] =	ssyncadd.s32 @p0 $0xFFFFFFFF  }
0xaf: {  	s6 =	sshll.u32 @!p0 s1, $0xE  }
0xb0: {  	s6 =	sor.u32 @!p0 $0x4000, s6;
	s5 =	simm.s32 @!p0 $0x1B8D  }
0xb1: {  	s4 =	sshll.u32 @!p0 s4, $0x11;
	s6 =	sadd.s32 @!p0 $0x11B8D, s6;
	_ =	swait.eq @!p0 [sflag:s5], $0x1  }
0xb2: {  	s4 =	sor.u32 @!p0 s4, s6;
	[sflag:s5] =	ssyncadd.s32 @!p0 $0xFFFFFFFF  }
0xb3: {  	s25 =	simm.s32 $0x1B8E;
	s24 =	sld [smem:$0x3FFE];
	[sflag:s4] =	ssyncadd.remote.s32 @!p0 $0x1  }
0xb4: {  	s26 =	simm.s32 $execute0_lowered;
	[smem:$0x3FD2] =	sst s25  }
0xb5: {  	s5 =	sshll.u32 s26, $0x1;
	_ =	strace $0x8000004F;
	[dreg:$0x1] =	wrdreg $0xFFFFFFFF  }
0xb6: {  	s28 =	simm.s32 $_size_execute0_lowered;
	s3 =	sadd.s32 s3, s5;
	[dreg:$0x0] =	wrdreg $0x0  }
0xb7: {  	s5 =	sshll.u32 s28, $0x1;
	[dreg:$0x2] =	wrdreg s3  }
0xb8: {  	[dreg:$0x3] =	wrdreg s5  }
0xb9: {  	[dreg:$0x4] =	wrdreg $0xC0  }
0xba: {  	_ =	task [dreg:s22], $0x5FFFF  }
0xbb: {  	[dreg:$0x1] =	wrdreg $0xFFFFFFFF  }
0xbc: {  	[dreg:$0x0] =	wrdreg $0x60  }
0xbd: {  	[dreg:$0x2] =	wrdreg s24  }
0xbe: {  	[dreg:$0x3] =	wrdreg $0x80E80  }
0xbf: {  	[dreg:$0x4] =	wrdreg $0x9  }
0xc0: {  	_ =	task.clear_ibuf [dreg:s22], $0x5FFFF;
	_ =	strace $0x9000004F  }
0xc1: {  	s29 =	simm.s32 $0x9;
	_ =	strace $0x80000051  }
0xc2: {  	_ =	swait.ge [sflag:s29], $0x1  }
0xc3: {  	[sflag:s29] =	ssyncadd.s32 $0xFFFFFFFF  }
0xc4: {  	_ =	strace $0x90000051  }
0xc5: {  	_ =	sfence  }
0xc6: {  	s30 =	sld [smem:$0x0];
	_ =	sdelay $0x2  }
0xc7: {  	s31 =	sshll.u32 s1, $0xD;
	s1 =	sshrl.u32 s1, $0x2  }
0xc8: {  	s4 =	sand.u32 $0x4000, s31;
	s1 =	sadd.s32 s1, s30  }
0xc9: {  	s0 =	sor.u32 s4, s0;
	s1 =	sshll.u32 s1, $0x11  }
0xca: {  	s0 =	sor.u32 s1, s0  }
0xcb: {  	s0 =	sadd.s32 $0x8F2B, s0  }
0xcc: {  	[sflag:s0] =	ssyncadd.remote.s32 $0x1  }
0xcd: {  	_ =	sfence.sel $0xFFFF  }
0xce: {  	[dreg:$0x0] =	wrdreg $0xFFFFFFFF;
	(pc) =	sbr.abs _section_cstart, $3  }
0xcf: {  	[dreg:$0x1] =	wrdreg $0xFFFFFFFF  }
0xd0: {  	_ =	task.clear_ibuf [dreg:s22], $0x2FFFF;
	_ =	strace $0x9FFFFFFF  }
0xd1: {  	(tm) =	ssettm $0x7FFFFFFF  }
tec
execute0_lowered:
.L_overlay_start_1:
0x0: {  	(tag) =	ssettag $0x1  }
0x1: {  	s3 =	rddreg [dreg:$0x0]  }
0x2: {  	s1 =	rddreg [dreg:$0x1];
	s2 =	srdreg.scid  }
0x3: {  	s0 =	rddreg [dreg:$0x2];
	s7 =	stileid.u32  }
0x4: {  	p1 =	por $0x0, $0x0;
	s4 =	sand.u32 $0x1, s2;
	s2 =	simm.s32 $0x0  }
0x5: {  	s8 =	smul.u32 $0x4E20, s7;
	s6 =	sadd.s32 $0x5E7400, s3;
	s9 =	sshll.u32 s7, $0x1  }
0x6: {  	s11 =	sadd.s32 $0xDE00, s3;
	p0 =	sne.s32 s7, $0x0;
	s5 =	smul.u32 $0x4E200, s4  }
0x7: {  	s7 =	sshll.u32 s7, $0x6;
	s10 =	smul.u32 $0x9C40, s4;
	s9 =	sor.u32 s4, s9  }
0x8: {  	[smem:$0x7FF] =	sst s2;
	s4 =	ssub.s32 $0x2, s4;
	s12 =	smul.u32 $0x7D0, s9  }
0x9: {  	s7 =	sor.u32 $0x1C01, s7;
	_ =	strace $0x80000050;
	s15 =	smul.u32 $0x3E800, s9  }
0xa: {  	s24 =	sshrl.u32 s4, $0x1;
	s9 =	smul.u32 $0x7D00, s9;
	s5 =	sadd.s32 s8, s5  }
0xb: {  	s10 =	sadd.s32 s10, s3;
	s4 =	ssub.s32 s4, s24;
	s8 =	sadd.s32 s8, s1  }
0xc: {  	s5 =	sshrl.u32 s5, $0x3;
	s14 =	sshrl.u32 s12, $0x3;
	s31 =	smax.u32 s4, $0x1  }
0xd: {  	s13 =	sadd.s32 $0x3A000, s10;
	s26 =	sadd.s32 $0x17AE8, s12;
	s18 =	sadd.s32 $0xFFFFFFFF, s31  }
0xe: {  	s28 =	sshrl.u32 s15, $0x3;
	s12 =	sadd.s32 s6, s9;
	p2 =	sne.s32 s18, $0x0  }
.Ltmp0:
0xf: {  	s15 =	sshrl.u32 @!p0 s1, $0x3;
	s4 =	simm.s32 $0x1;
	(pc) =	sbr.rel @!p2 .LBB2_3-.Ltmp0, $4  }
0x10: {  	s10 =	simm.s32 $0x20;
	s9 =	simm.s32 $0x3E8;
	s8 =	sshrl.u32 s8, $0x3  }
0x11: {  	s3 =	sadd.s32 s5, s3;
	s25 =	sadd.s32 s11, s14;
	s29 =	sshrl.u32 s26, $0x3  }
0x12: {  	s30 =	sadd.s32 s6, s28;
	s14 =	sadd.s32 $0x2EE0, s25;
	s6 =	sadd.s32 s11, s29  }
0x13: {  	s5 =	sadd.s32 $0x3E80, s30;
	s3 =	sadd.s32 $0x61400, s3;
	s11 =	simm.s32 $0x80  }
0x14: {  	s16 =	simm.s32 @!p0 $0x1C01;
	s17 =	simm.s32 @!p0 $0x1  }
0x15: {  	[spmem:s15], [sflag:s16] =	dma.local @!p0 [hbm:s13], $0x9C40  }
0x16: {  	_ =	swait.ge @!p0 [sflag:s17], $0x9C40  }
0x17: {  	[sflag:s17] =	ssyncset.done @!p0 $0x0  }
0x18: {  	[sflag:s17] =	ssyncadd.s32 @!p0 $0xFFFF63C0  }
0x19: {  	[bflag:$0x0] =	sbarrier.arrive $0xFFFF  }
0x1a: {  	[tilespmem:s2], [sflag:$0x1] =	stream.linear.gather [hbm4b:s14+s2], $0x3E8, $0x38;
	[tilespmem:$0xCF08] =	vst v63  }
0x1b: {  	_ =	swait.ge [sflag:s4], $0x3E8  }
0x1c: {  	[sflag:s4] =	ssyncset.done $0x0  }
0x1d: {  	[sflag:s4] =	ssyncadd.s32 $0xFFFFFC18  }
0x1e: {  	[tilespmem:s9], [sflag:$0x1] =	stream.strided.gather [hbm4b:s12+s10], $0x7D00, s11, s10, $0x38;
	[tilespmem:$0xCF08] =	vst v63  }
0x1f: {  	_ =	swait.ge [sflag:s4], $0x7D00  }
0x20: {  	[sflag:s4] =	ssyncset.done $0x0  }
0x21: {  	[sflag:s4] =	ssyncadd.s32 $0xFFFF8300  }
0x22: {  	[spmem:s1] =	stream.indirect.scatter.add.f32 [tilespmem:s9], [sflag:$0x1], $0x20, s2, s9, $0xb8;
	[tilespmem:$0xCF08] =	vst v63  }
0x23: {  	_ =	swait.ge [sflag:s4], $0x7D00  }
0x24: {  	[sflag:s4] =	ssyncset.done $0x0  }
0x25: {  	[sflag:s4] =	ssyncadd.s32 $0xFFFF8300  }
0x26: {  	[tilespmem:s2], [sflag:$0x1] =	stream.linear.gather [hbm4b:s6+s2], $0x3E8, $0x38;
	[tilespmem:$0xCF08] =	vst v63  }
0x27: {  	_ =	swait.ge [sflag:s4], $0x3E8  }
0x28: {  	[sflag:s4] =	ssyncset.done $0x0  }
0x29: {  	[sflag:s4] =	ssyncadd.s32 $0xFFFFFC18  }
0x2a: {  	[tilespmem:s9], [sflag:$0x1] =	stream.strided.gather [hbm4b:s5+s10], $0x7D00, s11, s10, $0x38;
	[tilespmem:$0xCF08] =	vst v63  }
0x2b: {  	_ =	swait.ge [sflag:s4], $0x7D00  }
0x2c: {  	[sflag:s4] =	ssyncset.done $0x0  }
0x2d: {  	[sflag:s4] =	ssyncadd.s32 $0xFFFF8300  }
0x2e: {  	[spmem:s1] =	stream.indirect.scatter.add.f32 [tilespmem:s9], [sflag:$0x1], $0x20, s2, s9, $0xb8;
	[tilespmem:$0xCF08] =	vst v63  }
0x2f: {  	s18 =	sadd.s32 $0xFFFFFFFF, s18;
	_ =	swait.ge [sflag:s4], $0x7D00  }
0x30: {  	p2 =	sne.s32 s18, $0x0;
	[sflag:s4] =	ssyncset.done $0x0  }
.Ltmp1:
0x31: {  	[sflag:s4] =	ssyncadd.s32 $0xFFFF8300;
	(pc) =	sbr.rel @!p2 .LBB2_3-.Ltmp1, $4  }
0x32: {  	[bflag:$0x0] =	sbarrier.arrive $0xFFFF  }
0x33: {  	[hbm:s3], [sflag:s7] =	dma.local [spmem:s8], $0x9C4  }
0x34: {  	_ =	swait.ge [sflag:s4], $0x9C4  }
0x35: {  	p1 =	por $0x1, $0x1;
	[sflag:s4] =	ssyncset.done $0x0  }
.LBB2_2:
0x36: {  	[sflag:s4] =	ssyncadd.s32 $0xFFFFF63C  }
0x37: {  	[spmem:s15], [sflag:s16] =	dma.local @!p0 [hbm:s13], $0x9C40  }
0x38: {  	s18 =	sadd.s32 $0xFFFFFFFF, s18;
	_ =	swait.ge @!p0 [sflag:s17], $0x9C40  }
0x39: {  	p2 =	sne.s32 s18, $0x0;
	[sflag:s17] =	ssyncset.done @!p0 $0x0  }
0x3a: {  	[sflag:s17] =	ssyncadd.s32 @!p0 $0xFFFF63C0  }
0x3b: {  	[bflag:$0x0] =	sbarrier.arrive $0xFFFF  }
0x3c: {  	[tilespmem:s2], [sflag:$0x1] =	stream.linear.gather [hbm4b:s14+s2], $0x3E8, $0x38;
	[tilespmem:$0xCF08] =	vst v63  }
0x3d: {  	_ =	swait.ge [sflag:s4], $0x3E8  }
0x3e: {  	[sflag:s4] =	ssyncset.done $0x0  }
0x3f: {  	[sflag:s4] =	ssyncadd.s32 $0xFFFFFC18  }
0x40: {  	[tilespmem:s9], [sflag:$0x1] =	stream.strided.gather [hbm4b:s12+s10], $0x7D00, s11, s10, $0x38;
	[tilespmem:$0xCF08] =	vst v63  }
0x41: {  	_ =	swait.ge [sflag:s4], $0x7D00  }
0x42: {  	[sflag:s4] =	ssyncset.done $0x0  }
0x43: {  	[sflag:s4] =	ssyncadd.s32 $0xFFFF8300  }
0x44: {  	[spmem:s1] =	stream.indirect.scatter.add.f32 [tilespmem:s9], [sflag:$0x1], $0x20, s2, s9, $0xb8;
	[tilespmem:$0xCF08] =	vst v63  }
0x45: {  	_ =	swait.ge [sflag:s4], $0x7D00  }
0x46: {  	[sflag:s4] =	ssyncset.done $0x0  }
0x47: {  	[sflag:s4] =	ssyncadd.s32 $0xFFFF8300  }
0x48: {  	[tilespmem:s2], [sflag:$0x1] =	stream.linear.gather [hbm4b:s6+s2], $0x3E8, $0x38;
	[tilespmem:$0xCF08] =	vst v63  }
0x49: {  	_ =	swait.ge [sflag:s4], $0x3E8  }
0x4a: {  	[sflag:s4] =	ssyncset.done $0x0  }
0x4b: {  	[sflag:s4] =	ssyncadd.s32 $0xFFFFFC18  }
0x4c: {  	[tilespmem:s9], [sflag:$0x1] =	stream.strided.gather [hbm4b:s5+s10], $0x7D00, s11, s10, $0x38;
	[tilespmem:$0xCF08] =	vst v63  }
0x4d: {  	_ =	swait.ge [sflag:s4], $0x7D00  }
0x4e: {  	[sflag:s4] =	ssyncset.done $0x0  }
0x4f: {  	[sflag:s4] =	ssyncadd.s32 $0xFFFF8300  }
0x50: {  	[spmem:s1] =	stream.indirect.scatter.add.f32 [tilespmem:s9], [sflag:$0x1], $0x20, s2, s9, $0xb8;
	[tilespmem:$0xCF08] =	vst v63  }
0x51: {  	_ =	swait.ge [sflag:s4], $0x7D00  }
0x52: {  	[sflag:s4] =	ssyncset.done $0x0  }
.Ltmp2:
0x53: {  	[sflag:s4] =	ssyncadd.s32 $0xFFFF8300;
	(pc) =	sbr.rel @p2 .LBB2_2-.Ltmp2, $4  }
0x54: {  	[bflag:$0x0] =	sbarrier.arrive $0xFFFF  }
0x55: {  	[hbm:s3], [sflag:s7] =	dma.local [spmem:s8], $0x9C4  }
0x56: {  	_ =	swait.ge [sflag:s4], $0x9C4  }
0x57: {  	[sflag:s4] =	ssyncset.done $0x0  }
.LBB2_3:
0x58: {  	s16 =	simm.s32 @!p0 $0x1C01;
	s17 =	simm.s32 @!p0 $0x1;
	[sflag:s4] =	ssyncadd.s32 @p1 $0xFFFFF63C  }
0x59: {  	[spmem:s15], [sflag:s16] =	dma.local @!p0 [hbm:s13], $0x9C40  }
0x5a: {  	_ =	swait.ge @!p0 [sflag:s17], $0x9C40  }
0x5b: {  	[sflag:s17] =	ssyncset.done @!p0 $0x0  }
0x5c: {  	[sflag:s17] =	ssyncadd.s32 @!p0 $0xFFFF63C0  }
0x5d: {  	[bflag:$0x0] =	sbarrier.arrive $0xFFFF  }
0x5e: {  	[tilespmem:s2], [sflag:$0x1] =	stream.linear.gather [hbm4b:s14+s2], $0x3E8, $0x38;
	[tilespmem:$0xCF08] =	vst v63  }
0x5f: {  	_ =	swait.ge [sflag:s4], $0x3E8  }
0x60: {  	[sflag:s4] =	ssyncset.done $0x0  }
0x61: {  	[sflag:s4] =	ssyncadd.s32 $0xFFFFFC18  }
0x62: {  	[tilespmem:s9], [sflag:$0x1] =	stream.strided.gather [hbm4b:s12+s10], $0x7D00, s11, s10, $0x38;
	[tilespmem:$0xCF08] =	vst v63  }
0x63: {  	_ =	swait.ge [sflag:s4], $0x7D00  }
0x64: {  	[sflag:s4] =	ssyncset.done $0x0  }
0x65: {  	[sflag:s4] =	ssyncadd.s32 $0xFFFF8300  }
0x66: {  	[spmem:s1] =	stream.indirect.scatter.add.f32 [tilespmem:s9], [sflag:$0x1], $0x20, s2, s9, $0xb8;
	[tilespmem:$0xCF08] =	vst v63  }
0x67: {  	_ =	swait.ge [sflag:s4], $0x7D00  }
0x68: {  	[sflag:s4] =	ssyncset.done $0x0  }
0x69: {  	[sflag:s4] =	ssyncadd.s32 $0xFFFF8300  }
0x6a: {  	[tilespmem:s2], [sflag:$0x1] =	stream.linear.gather [hbm4b:s6+s2], $0x3E8, $0x38;
	[tilespmem:$0xCF08] =	vst v63  }
0x6b: {  	_ =	swait.ge [sflag:s4], $0x3E8  }
0x6c: {  	[sflag:s4] =	ssyncset.done $0x0  }
0x6d: {  	[sflag:s4] =	ssyncadd.s32 $0xFFFFFC18  }
0x6e: {  	[tilespmem:s9], [sflag:$0x1] =	stream.strided.gather [hbm4b:s5+s10], $0x7D00, s11, s10, $0x38;
	[tilespmem:$0xCF08] =	vst v63  }
0x6f: {  	_ =	swait.ge [sflag:s4], $0x7D00  }
0x70: {  	[sflag:s4] =	ssyncset.done $0x0  }
0x71: {  	[sflag:s4] =	ssyncadd.s32 $0xFFFF8300  }
0x72: {  	[spmem:s1] =	stream.indirect.scatter.add.f32 [tilespmem:s9], [sflag:$0x1], $0x20, s2, s9, $0xb8;
	[tilespmem:$0xCF08] =	vst v63  }
0x73: {  	_ =	swait.ge [sflag:s4], $0x7D00  }
0x74: {  	[sflag:s4] =	ssyncset.done $0x0  }
0x75: {  	[sflag:s4] =	ssyncadd.s32 $0xFFFF8300  }
0x76: {  	[bflag:$0x0] =	sbarrier.arrive $0xFFFF  }
0x77: {  	[hbm:s3], [sflag:s7] =	dma.local [spmem:s8], $0x9C4  }
0x78: {  	_ =	swait.ge [sflag:s4], $0x9C4  }
0x79: {  	[sflag:s4] =	ssyncset.done $0x0  }
0x7a: {  	[sflag:s4] =	ssyncadd.s32 $0xFFFFF63C  }
0x7b: {  	_ =	sfence.sel $0x180000  }
0x7c: {  	[bflag:$0x0] =	sbarrier.arrive $0xFFFF  }
0x7d: {  	_ =	strace $0x90000050  }
0x7e: {  	s0 =	sadd.s32 @!p0 $0x100000, s0;
	[bflag:$0x2] =	sbarrier.arrive $0xFFFF  }
0x7f: {  	[sflag:s0] =	ssyncadd.tile.s32 @!p0 $0x1;
	_ =	shalt  }
.Lfunc_end2:
_tile_overlayer_lowered:
.L_overlay_start_2:
0x80: {  	(tag) =	ssettag $0x2  }
0x81: {  	s0 =	rddreg [dreg:$0x0];
	s2 =	stileid.u32  }
0x82: {  	s1 =	rddreg [dreg:$0x1];
	p0 =	sne.s32 s2, $0x0  }
0x83: {  	s3 =	rddreg [dreg:$0x2];
	[bflag:$0x3] =	sbarrier.arrive $0xFFFF;
	s2 =	simm.s32 @!p0 $0x1C01  }
0x84: {  	[timem:s3], [sflag:s2] =	dma.local @!p0 [hbm:s0], s1  }
0x85: {  	s0 =	simm.s32 @!p0 $0x1  }
0x86: {  	_ =	swait.ge @!p0 [sflag:s0], s1  }
0x87: {  	s1 =	ssub.s32 @!p0 $0x0, s1;
	[sflag:s0] =	ssyncset.done @!p0 $0x0  }
0x88: {  	[sflag:s0] =	ssyncadd.s32 @!p0 s1  }
0x89: {  	[bflag:$0x3] =	sbarrier.arrive $0xFFFF  }
0x8a: {  	_ =	shalt  }

// kernel: kernel.34.cloned.1.call-start
scs
__scs_entry_jumppad:
0x0: {  	(pc) =	sbr.rel $0x88, $3  }
0x1: {  	(tag) =	ssettag $0x0;
	lr =	simm.s32 $0x1  }
0x2: {  	[smem:$0x3F84] =	sst lr;
	_ =	strace $0xD0000000  }
0x3: {  	_ = 	snop  }
0x4: {  	_ = 	snop  }
0x5: {  	_ = 	snop  }
0x6: {  	_ = 	snop  }
0x7: {  	_ = 	snop  }
__scs_overlays_trampoline_lowered:
0x8: {  	[smem:$0x3F93] =	sst s0  }
0x9: {  	[smem:$0x3F94] =	sst s1  }
0xa: {  	[smem:$0x3F95] =	sst s2  }
0xb: {  	[smem:$0x3F96] =	sst s3  }
0xc: {  	[smem:$0x3F97] =	sst s4  }
0xd: {  	[smem:$0x3F98] =	sst s5  }
0xe: {  	[smem:$0x3F99] =	sst s6  }
0xf: {  	[smem:$0x3F9A] =	sst s7  }
0x10: {  	[smem:$0x3F9B] =	sst s8  }
0x11: {  	[smem:$0x3F9C] =	sst s9;
	s0 =	simm.s32 @!p0 $0x0  }
0x12: {  	s1 =	sld [smem:$0x3F82];
	s0 =	simm.s32 @p0 $0x1  }
0x13: {  	[smem:$0x3F9D] =	sst s0;
	s0 =	simm.s32 @!p1 $0x0  }
0x14: {  	s2 =	sld [smem:$0x3F81];
	s0 =	simm.s32 @p1 $0x1  }
0x15: {  	[smem:$0x3F9E] =	sst s0;
	s0 =	simm.s32 @!p2 $0x0  }
0x16: {  	s3 =	sld [smem:$0x3FDB];
	s0 =	simm.s32 @p2 $0x1  }
0x17: {  	s4 =	simm.s32 $0x1BF5;
	[smem:$0x3FA0] =	sst s0  }
0x18: {  	s0 =	sld [smem:$0x3F83];
	_ =	swait.ge [sflag:s4], $0x0  }
0x19: {  	s7 =	sld [smem:$0x3F84]  }
0x1a: {  	s8 =	sadd.s32 $0xFFFFE003, lr  }
0x1b: {  	s9 =	sadd.s32 $0xFFFFFEF7, lr;
	s5 =	simm.s32 $0xFFFFFFFF;
	p2 =	slt.u32 s8, $0xFFFFF086  }
0x1c: {  	p1 =	slt.u32 s9, $0xF7A;
	s5 =	simm.s32 @!p2 $0x0  }
0x1d: {  	s5 =	simm.s32 @p1 $0x1;
	p0 =	seq.s32 s7, s2  }
0x1e: {  	s7 =	smul.u32 @!p0 $0xF7A, s2;
	p2 =	seq.s32 @!p0 s5, $0x0  }
0x1f: {  	s9 =	smul.u32 $0xF7A, s1;
	s8 =	simm.s32 @!p0 $0x1BF5;
	p2 =	por !p2, p0  }
0x20: {  	[sflag:s8] =	ssyncset.s32 @!p0 $0xFFFFF086;
	s6 =	sadd.s32 @!p0 s3, s7;
	s7 =	simm.s32 @!p0 $0x108  }
0x21: {  	s3 =	sadd.s32 s3, s9;
	s6 =	sadd.s32 @!p0 $0x88, s6;
	s7 =	simm.s32 @p2 $0x1082  }
0x22: {  	[simem:s7], [sflag:s8] =	dma.local @!p0 [hbm:s6], $0xF7A  }
0x23: {  	s9 =	sor.u32 $0xD0000000, s2;
	s6 =	simm.s32 $0x108;
	_ =	swait.ge @!p0 [sflag:s8], $0x0  }
0x24: {  	s3 =	sadd.s32 $0x88, s3;
	s6 =	simm.s32 @!p1 $0x1082;
	[sflag:s4] =	ssyncset.s32 $0xFFFFF086  }
0x25: {  	[simem:s6], [sflag:s4] =	dma.local [hbm:s3], $0xF7A  }
0x26: {  	[smem:$0x3F84] =	sst s1;
	(tag) =	ssettag s2;
	_ =	strace s9  }
0x27: {  	s1 =	sld [smem:$0x3F94]  }
0x28: {  	s2 =	sld [smem:$0x3F95]  }
0x29: {  	s4 =	sld [smem:$0x3F97]  }
0x2a: {  	p0 =	seq.s32 s5, $0x0;
	s5 =	sld [smem:$0x3F98]  }
0x2b: {  	s6 =	sld [smem:$0x3F99]  }
0x2c: {  	s7 =	sld [smem:$0x3F9A]  }
0x2d: {  	s3 =	simm.s32 $0x108;
	s8 =	sld [smem:$0x3F9B]  }
0x2e: {  	s3 =	simm.s32 @!p0 $0x1082;
	s9 =	sld [smem:$0x3F9C]  }
0x2f: {  	lr =	sadd.s32 s0, s3;
	s0 =	sld [smem:$0x3F93]  }
0x30: {  	s3 =	sld [smem:$0x3F96]  }
0x31: {  	[smem:$0x3F9F] =	sst s10  }
0x32: {  	s10 =	sld [smem:$0x3F9D];
	_ =	sdelay $0x3  }
0x33: {  	p0 =	seq.s32 s10, $0x1;
	s10 =	sld [smem:$0x3F9F];
	_ =	sdelay $0x3  }
0x34: {  	[smem:$0x3F9F] =	sst s10  }
0x35: {  	s10 =	sld [smem:$0x3F9E];
	_ =	sdelay $0x3  }
0x36: {  	p1 =	seq.s32 s10, $0x1;
	s10 =	sld [smem:$0x3F9F];
	_ =	sdelay $0x3  }
0x37: {  	[smem:$0x3F9F] =	sst s10  }
0x38: {  	s10 =	sld [smem:$0x3FA0]  }
0x39: {  	_ = 	snop;
	(pc) =	sbr.ind lr, $3  }
0x3a: {  	_ = 	snop  }
0x3b: {  	_ = 	snop  }
0x3c: {  	p2 =	seq.s32 s10, $0x1;
	s10 =	sld [smem:$0x3F9F]  }
0x3d: {  	_ =	shalt  }
0x3e: {  	_ =	shalt  }
0x3f: {  	_ =	shalt  }
0x40: {  	_ =	shalt  }
0x41: {  	_ =	shalt  }
0x42: {  	_ =	shalt  }
0x43: {  	_ =	shalt  }
0x44: {  	_ =	shalt  }
0x45: {  	_ =	shalt  }
0x46: {  	_ =	shalt  }
0x47: {  	_ =	shalt  }
0x48: {  	_ =	shalt  }
0x49: {  	_ =	shalt  }
0x4a: {  	_ =	shalt  }
0x4b: {  	_ =	shalt  }
0x4c: {  	_ =	shalt  }
0x4d: {  	_ =	shalt  }
0x4e: {  	_ =	shalt  }
0x4f: {  	_ =	shalt  }
0x50: {  	_ =	shalt  }
0x51: {  	_ =	shalt  }
0x52: {  	_ =	shalt  }
0x53: {  	_ =	shalt  }
0x54: {  	_ =	shalt  }
0x55: {  	_ =	shalt  }
0x56: {  	_ =	shalt  }
0x57: {  	_ =	shalt  }
0x58: {  	_ =	shalt  }
0x59: {  	_ =	shalt  }
0x5a: {  	_ =	shalt  }
0x5b: {  	_ =	shalt  }
0x5c: {  	_ =	shalt  }
0x5d: {  	_ =	shalt  }
0x5e: {  	_ =	shalt  }
0x5f: {  	_ =	shalt  }
0x60: {  	_ =	shalt  }
0x61: {  	_ =	shalt  }
0x62: {  	_ =	shalt  }
0x63: {  	_ =	shalt  }
0x64: {  	_ =	shalt  }
0x65: {  	_ =	shalt  }
0x66: {  	_ =	shalt  }
0x67: {  	_ =	shalt  }
0x68: {  	_ =	shalt  }
0x69: {  	_ =	shalt  }
0x6a: {  	_ =	shalt  }
0x6b: {  	_ =	shalt  }
0x6c: {  	_ =	shalt  }
0x6d: {  	_ =	shalt  }
0x6e: {  	_ =	shalt  }
0x6f: {  	_ =	shalt  }
0x70: {  	_ =	shalt  }
0x71: {  	_ =	shalt  }
0x72: {  	_ =	shalt  }
0x73: {  	_ =	shalt  }
0x74: {  	_ =	shalt  }
0x75: {  	_ =	shalt  }
0x76: {  	_ =	shalt  }
0x77: {  	_ =	shalt  }
0x78: {  	_ =	shalt  }
0x79: {  	_ =	shalt  }
0x7a: {  	_ =	shalt  }
0x7b: {  	_ =	shalt  }
0x7c: {  	_ =	shalt  }
0x7d: {  	_ =	shalt  }
0x7e: {  	_ =	shalt  }
0x7f: {  	_ =	shalt  }
0x80: {  	_ =	shalt  }
0x81: {  	_ =	shalt  }
0x82: {  	_ =	shalt  }
0x83: {  	_ =	shalt  }
0x84: {  	_ =	shalt  }
0x85: {  	_ =	shalt  }
0x86: {  	_ =	shalt  }
0x87: {  	_ =	shalt  }
.Lfunc_end0:
.L_simem_size_0:
called_computation.4_lowered:
.L_overlay_start_0:
0x88: {  	s2 =	sld [smem:$0x3FD9]  }
0x89: {  	s3 =	sld [smem:$0x3FFE];
	_ =	sdelay $0x1  }
0x8a: {  	s1 =	srdreg.scid  }
0x8b: {  	s0 =	sand.u32 $0x1, s1  }
0x8c: {  	s17 =	sshll.u32 s0, $0xA;
	s2 =	sadd.s32 s3, s2  }
0x8d: {  	s2 =	sadd.s32 s2, s17  }
0x8e: {  	[smem:$0x3FAB] =	sst s2  }
0x8f: {  	_ = 	snop  }
0x90: {  	(tm) =	ssettm $0x1  }
0x91: {  	s18 =	sld [smem:$0x3FFB];
	_ =	sdelay $0x3  }
0x92: {  	_ =	strace s18  }
0x93: {  	s2 =	sld [smem:$0x3FFC];
	_ =	sdelay $0x3  }
0x94: {  	_ =	strace s2  }
0x95: {  	s2 =	sld [smem:$0x3FFD];
	_ =	sdelay $0x3  }
0x96: {  	_ =	strace s2  }
0x97: {  	_ =	strace $0x8FFFFFFF  }
0x98: {  	s19 =	sld [smem:$0x3FDB];
	_ =	sdelay $0x1  }
0x99: {  	s20 =	simm.s32 $_scs_section_size  }
0x9a: {  	s4 =	simm.s32 $_size__tile_overlayer_lowered;
	s5 =	simm.s32 $_tile_overlayer_lowered  }
0x9b: {  	s6 =	simm.s32 $0x1BFF;
	s21 =	sshll.u32 s5, $0x1;
	s3 =	sadd.s32 s20, s19  }
0x9c: {  	s22 =	simm.s32 $0x0;
	s4 =	sshll.u32 s4, $0x1;
	s5 =	sadd.s32 s21, s3  }
0x9d: {  	[timem:s22], [sflag:s6] =	dma.local [hbm:s5], s4  }
0x9e: {  	_ =	swait.ge [sflag:s6], s4  }
0x9f: {  	s4 =	ssub.s32 $0x0, s4;
	[sflag:s6] =	ssyncset.done $0x0  }
0xa0: {  	[sflag:s6] =	ssyncadd.s32 s4;
	_ =	sdelay $0x1  }
0xa1: {  	s23 =	simm.s32 $0x1B8B  }
0xa2: {  	_ =	swait.ge [sflag:s23], $0x1  }
0xa3: {  	[sflag:s23] =	ssyncset.done $0x0  }
0xa4: {  	[sflag:s23] =	ssyncadd.s32 $0xFFFFFFFF  }
0xa5: {  	s4 =	sld [smem:$0x0]  }
0xa6: {  	s5 =	sand.u32 $0xFFFFFFFE, s1  }
0xa7: {  	p0 =	sne.s32 s1, s5  }
0xa8: {  	s5 =	sshll.u32 @p0 s5, $0xE  }
0xa9: {  	s5 =	sadd.s32 @p0 $0x11B8D, s5;
	s6 =	sshll.u32 @p0 s4, $0x11  }
0xaa: {  	s5 =	sor.u32 @p0 s6, s5  }
0xab: {  	[sflag:s5] =	ssyncadd.remote.s32 @p0 $0x1;
	_ =	sdelay $0x1  }
0xac: {  	s5 =	simm.s32 @p0 $0x1B8D  }
0xad: {  	_ =	swait.eq @p0 [sflag:s5], $0x1  }
0xae: {  	[sflag:s5] =	ssyncadd.s32 @p0 $0xFFFFFFFF  }
0xaf: {  	s6 =	sshll.u32 @!p0 s1, $0xE  }
0xb0: {  	s6 =	sor.u32 @!p0 $0x4000, s6;
	s5 =	simm.s32 @!p0 $0x1B8D  }
0xb1: {  	s4 =	sshll.u32 @!p0 s4, $0x11;
	s6 =	sadd.s32 @!p0 $0x11B8D, s6;
	_ =	swait.eq @!p0 [sflag:s5], $0x1  }
0xb2: {  	s4 =	sor.u32 @!p0 s4, s6;
	[sflag:s5] =	ssyncadd.s32 @!p0 $0xFFFFFFFF  }
0xb3: {  	s25 =	simm.s32 $0x1B8E;
	s24 =	sld [smem:$0x3FFE];
	[sflag:s4] =	ssyncadd.remote.s32 @!p0 $0x1  }
0xb4: {  	s26 =	simm.s32 $execute0_lowered;
	[smem:$0x3FD2] =	sst s25  }
0xb5: {  	s5 =	sshll.u32 s26, $0x1;
	_ =	strace $0x80000055;
	[dreg:$0x1] =	wrdreg $0xFFFFFFFF  }
0xb6: {  	s28 =	simm.s32 $_size_execute0_lowered;
	s3 =	sadd.s32 s3, s5;
	[dreg:$0x0] =	wrdreg $0x0  }
0xb7: {  	s5 =	sshll.u32 s28, $0x1;
	[dreg:$0x2] =	wrdreg s3  }
0xb8: {  	[dreg:$0x3] =	wrdreg s5  }
0xb9: {  	[dreg:$0x4] =	wrdreg $0xC0  }
0xba: {  	_ =	task [dreg:s22], $0x5FFFF  }
0xbb: {  	[dreg:$0x1] =	wrdreg $0xFFFFFFFF  }
0xbc: {  	[dreg:$0x0] =	wrdreg $0x60  }
0xbd: {  	[dreg:$0x2] =	wrdreg s24  }
0xbe: {  	[dreg:$0x3] =	wrdreg $0x9  }
0xbf: {  	_ =	task.clear_ibuf [dreg:s22], $0x4FFFF;
	_ =	strace $0x90000055  }
0xc0: {  	s29 =	simm.s32 $0x9;
	_ =	strace $0x80000057  }
0xc1: {  	_ =	swait.ge [sflag:s29], $0x1  }
0xc2: {  	[sflag:s29] =	ssyncadd.s32 $0xFFFFFFFF  }
0xc3: {  	_ =	strace $0x90000057  }
0xc4: {  	_ =	sfence  }
0xc5: {  	s30 =	sld [smem:$0x0];
	_ =	sdelay $0x2  }
0xc6: {  	s31 =	sshll.u32 s1, $0xD;
	s1 =	sshrl.u32 s1, $0x2  }
0xc7: {  	s4 =	sand.u32 $0x4000, s31;
	s1 =	sadd.s32 s1, s30  }
0xc8: {  	s0 =	sor.u32 s4, s0;
	s1 =	sshll.u32 s1, $0x11  }
0xc9: {  	s0 =	sor.u32 s1, s0  }
0xca: {  	s0 =	sadd.s32 $0x8F2B, s0  }
0xcb: {  	[sflag:s0] =	ssyncadd.remote.s32 $0x1  }
0xcc: {  	_ =	sfence.sel $0xFFFF  }
0xcd: {  	[dreg:$0x0] =	wrdreg $0xFFFFFFFF;
	(pc) =	sbr.abs _section_cstart, $3  }
0xce: {  	[dreg:$0x1] =	wrdreg $0xFFFFFFFF  }
0xcf: {  	_ =	task.clear_ibuf [dreg:s22], $0x2FFFF;
	_ =	strace $0x9FFFFFFF  }
0xd0: {  	(tm) =	ssettm $0x7FFFFFFF  }
0xd1: {  	_ =	shalt  }
tec
execute0_lowered:
.L_overlay_start_1:
0x0: {  	(tag) =	ssettag $0x1  }
0x1: {  	s1 =	srdreg.scid;
	s0 =	stileid.u32  }
0x2: {  	s12 =	sand.u32 $0x1, s1;
	s28 =	sshll.u32 s0, $0x1  }
0x3: {  	s8 =	sor.u32 s12, s28  }
0x4: {  	s9 =	rddreg [dreg:$0x0];
	s11 =	smul.u32 $0xBB8, s8  }
0x5: {  	s2 =	simm.s32 $0x0;
	s1 =	rddreg [dreg:$0x1]  }
0x6: {  	[smem:$0x7FF] =	sst s2;
	s13 =	sadd.s32 $0x8E00, s9;
	s3 =	sshrl.u32 s11, $0x3  }
0x7: {  	_ =	strace $0x80000056;
	s4 =	sadd.s32 s13, s3;
	s3 =	simm.s32 $0x2  }
0x8: {  	[tilespmem:s2], [sflag:$0x2] =	stream.linear.gather [hbm4b:s4+s2], $0x3E8, $0x38;
	[tilespmem:$0x80E8] =	vst v63  }
0x9: {  	_ =	swait.ge [sflag:s3], $0x3E8  }
0xa: {  	s6 =	simm.s32 $0x3E8;
	[sflag:s3] =	ssyncset.done $0x0  }
0xb: {  	s7 =	simm.s32 $0x1;
	s5 =	sadd.s32 $0x4DA00, s9;
	[sflag:s3] =	ssyncadd.s32 $0xFFFFFC18  }
0xc: {  	[tilespmem:s6], [sflag:$0x1] =	stream.indirect.gather [hbm4b:s5+s6], $0x20, s2, s6, $0xb8;
	[tilespmem:$0x80E8] =	vst v63  }
0xd: {  	s8 =	smul.u32 $0x2EE0, s8;
	_ =	swait.ge [sflag:s7], $0x7D00  }
0xe: {  	s14 =	sadd.s32 $0x337C00, s9;
	[sflag:s7] =	ssyncset.done $0x0  }
0xf: {  	s8 =	sadd.s32 s14, s8;
	[sflag:s7] =	ssyncadd.s32 $0xFFFF8300  }
0x10: {  	[hbm4b:s8+s2] =	stream.linear.scatter [tilespmem:s6], [sflag:$0x2], $0x7D00, $0x38;
	[tilespmem:$0x80E8] =	vst v63  }
0x11: {  	s10 =	sadd.s32 $0x3E8, s11;
	_ =	swait.ge [sflag:s3], $0x7D00  }
0x12: {  	s29 =	sshrl.u32 s10, $0x3;
	[sflag:s3] =	ssyncset.done $0x0  }
0x13: {  	s9 =	sadd.s32 s13, s29;
	[sflag:s3] =	ssyncadd.s32 $0xFFFF8300  }
0x14: {  	[tilespmem:s2], [sflag:$0x2] =	stream.linear.gather [hbm4b:s9+s2], $0x3E8, $0x38;
	[tilespmem:$0x80E8] =	vst v63  }
0x15: {  	_ =	swait.ge [sflag:s3], $0x3E8  }
0x16: {  	[sflag:s3] =	ssyncset.done $0x0  }
0x17: {  	[sflag:s3] =	ssyncadd.s32 $0xFFFFFC18  }
0x18: {  	[tilespmem:s6], [sflag:$0x1] =	stream.indirect.gather [hbm4b:s5+s6], $0x20, s2, s6, $0xb8;
	[tilespmem:$0x80E8] =	vst v63  }
0x19: {  	_ =	swait.ge [sflag:s7], $0x7D00  }
0x1a: {  	s10 =	sshll.u32 s10, $0x2;
	[sflag:s7] =	ssyncset.done $0x0  }
0x1b: {  	s10 =	sadd.s32 s14, s10;
	[sflag:s7] =	ssyncadd.s32 $0xFFFF8300  }
0x1c: {  	[hbm4b:s10+s2] =	stream.linear.scatter [tilespmem:s6], [sflag:$0x2], $0x7D00, $0x38;
	[tilespmem:$0x80E8] =	vst v63  }
0x1d: {  	s15 =	sadd.s32 $0x7D0, s11;
	_ =	swait.ge [sflag:s3], $0x7D00  }
0x1e: {  	s11 =	sshrl.u32 s15, $0x3;
	[sflag:s3] =	ssyncset.done $0x0  }
0x1f: {  	s12 =	ssub.s32 $0x2, s12;
	s11 =	sadd.s32 s13, s11;
	[sflag:s3] =	ssyncadd.s32 $0xFFFF8300  }
0x20: {  	[tilespmem:s2], [sflag:$0x2] =	stream.linear.gather [hbm4b:s11+s2], $0x3E8, $0x38;
	[tilespmem:$0x80E8] =	vst v63  }
0x21: {  	s30 =	sshrl.u32 s12, $0x1;
	_ =	swait.ge [sflag:s3], $0x3E8  }
0x22: {  	s13 =	ssub.s32 s12, s30;
	[sflag:s3] =	ssyncset.done $0x0  }
0x23: {  	s13 =	smax.u32 s13, $0x1;
	[sflag:s3] =	ssyncadd.s32 $0xFFFFFC18  }
0x24: {  	[tilespmem:s6], [sflag:$0x1] =	stream.indirect.gather [hbm4b:s5+s6], $0x20, s2, s6, $0xb8;
	[tilespmem:$0x80E8] =	vst v63  }
0x25: {  	p0 =	sne.s32 s13, $0x1;
	_ =	swait.ge [sflag:s7], $0x7D00  }
.Ltmp0:
0x26: {  	s31 =	sshll.u32 s15, $0x2;
	[sflag:s7] =	ssyncset.done $0x0;
	(pc) =	sbr.rel @!p0 .LBB2_2-.Ltmp0, $4  }
0x27: {  	s12 =	sadd.s32 s14, s31;
	[sflag:s7] =	ssyncadd.s32 $0xFFFF8300  }
0x28: {  	[hbm4b:s12+s2] =	stream.linear.scatter [tilespmem:s6], [sflag:$0x2], $0x7D00, $0x38;
	[tilespmem:$0x80E8] =	vst v63  }
0x29: {  	_ =	swait.ge [sflag:s3], $0x7D00  }
0x2a: {  	s13 =	sadd.s32 $0xFFFFFFFF, s13;
	[sflag:s3] =	ssyncset.done $0x0  }
.LBB2_1:
0x2b: {  	p0 =	sne.s32 s13, $0x1;
	s13 =	sadd.s32 $0xFFFFFFFF, s13;
	[sflag:s3] =	ssyncadd.s32 $0xFFFF8300  }
0x2c: {  	[tilespmem:s2], [sflag:$0x2] =	stream.linear.gather [hbm4b:s4+s2], $0x3E8, $0x38;
	[tilespmem:$0x80E8] =	vst v63  }
0x2d: {  	_ =	swait.ge [sflag:s3], $0x3E8  }
0x2e: {  	[sflag:s3] =	ssyncset.done $0x0  }
0x2f: {  	[sflag:s3] =	ssyncadd.s32 $0xFFFFFC18  }
0x30: {  	[tilespmem:s6], [sflag:$0x1] =	stream.indirect.gather [hbm4b:s5+s6], $0x20, s2, s6, $0xb8;
	[tilespmem:$0x80E8] =	vst v63  }
0x31: {  	_ =	swait.ge [sflag:s7], $0x7D00  }
0x32: {  	[sflag:s7] =	ssyncset.done $0x0  }
0x33: {  	[sflag:s7] =	ssyncadd.s32 $0xFFFF8300  }
0x34: {  	[hbm4b:s8+s2] =	stream.linear.scatter [tilespmem:s6], [sflag:$0x2], $0x7D00, $0x38;
	[tilespmem:$0x80E8] =	vst v63  }
0x35: {  	_ =	swait.ge [sflag:s3], $0x7D00  }
0x36: {  	[sflag:s3] =	ssyncset.done $0x0  }
0x37: {  	[sflag:s3] =	ssyncadd.s32 $0xFFFF8300  }
0x38: {  	[tilespmem:s2], [sflag:$0x2] =	stream.linear.gather [hbm4b:s9+s2], $0x3E8, $0x38;
	[tilespmem:$0x80E8] =	vst v63  }
0x39: {  	_ =	swait.ge [sflag:s3], $0x3E8  }
0x3a: {  	[sflag:s3] =	ssyncset.done $0x0  }
0x3b: {  	[sflag:s3] =	ssyncadd.s32 $0xFFFFFC18  }
0x3c: {  	[tilespmem:s6], [sflag:$0x1] =	stream.indirect.gather [hbm4b:s5+s6], $0x20, s2, s6, $0xb8;
	[tilespmem:$0x80E8] =	vst v63  }
0x3d: {  	_ =	swait.ge [sflag:s7], $0x7D00  }
0x3e: {  	[sflag:s7] =	ssyncset.done $0x0  }
0x3f: {  	[sflag:s7] =	ssyncadd.s32 $0xFFFF8300  }
0x40: {  	[hbm4b:s10+s2] =	stream.linear.scatter [tilespmem:s6], [sflag:$0x2], $0x7D00, $0x38;
	[tilespmem:$0x80E8] =	vst v63  }
0x41: {  	_ =	swait.ge [sflag:s3], $0x7D00  }
0x42: {  	[sflag:s3] =	ssyncset.done $0x0  }
0x43: {  	[sflag:s3] =	ssyncadd.s32 $0xFFFF8300  }
0x44: {  	[tilespmem:s2], [sflag:$0x2] =	stream.linear.gather [hbm4b:s11+s2], $0x3E8, $0x38;
	[tilespmem:$0x80E8] =	vst v63  }
0x45: {  	_ =	swait.ge [sflag:s3], $0x3E8  }
0x46: {  	[sflag:s3] =	ssyncset.done $0x0  }
0x47: {  	[sflag:s3] =	ssyncadd.s32 $0xFFFFFC18  }
0x48: {  	[tilespmem:s6], [sflag:$0x1] =	stream.indirect.gather [hbm4b:s5+s6], $0x20, s2, s6, $0xb8;
	[tilespmem:$0x80E8] =	vst v63  }
0x49: {  	_ =	swait.ge [sflag:s7], $0x7D00  }
.Ltmp1:
0x4a: {  	[sflag:s7] =	ssyncset.done $0x0;
	(pc) =	sbr.rel @p0 .LBB2_1-.Ltmp1, $4  }
0x4b: {  	[sflag:s7] =	ssyncadd.s32 $0xFFFF8300  }
0x4c: {  	[hbm4b:s12+s2] =	stream.linear.scatter [tilespmem:s6], [sflag:$0x2], $0x7D00, $0x38;
	[tilespmem:$0x80E8] =	vst v63  }
0x4d: {  	_ =	swait.ge [sflag:s3], $0x7D00  }
0x4e: {  	[sflag:s3] =	ssyncset.done $0x0  }
.LBB2_2:
0x4f: {  	[sflag:s3] =	ssyncadd.s32 $0xFFFF8300  }
0x50: {  	_ =	sfence.sel $0x180000  }
0x51: {  	[bflag:$0x0] =	sbarrier.arrive $0xFFFF  }
0x52: {  	p0 =	sne.s32 s0, $0x0;
	_ =	strace $0x90000056  }
0x53: {  	s0 =	sadd.s32 @!p0 $0x100000, s1;
	[bflag:$0x2] =	sbarrier.arrive $0xFFFF  }
0x54: {  	[sflag:s0] =	ssyncadd.tile.s32 @!p0 $0x1;
	_ =	shalt  }
.Lfunc_end2:
_tile_overlayer_lowered:
.L_overlay_start_2:
0x55: {  	(tag) =	ssettag $0x2  }
0x56: {  	s0 =	rddreg [dreg:$0x0];
	s2 =	stileid.u32  }
0x57: {  	s1 =	rddreg [dreg:$0x1];
	p0 =	sne.s32 s2, $0x0  }
0x58: {  	s3 =	rddreg [dreg:$0x2];
	[bflag:$0x3] =	sbarrier.arrive $0xFFFF;
	s2 =	simm.s32 @!p0 $0x1C02  }
0x59: {  	[timem:s3], [sflag:s2] =	dma.local @!p0 [hbm:s0], s1  }
0x5a: {  	s0 =	simm.s32 @!p0 $0x2  }
0x5b: {  	_ =	swait.ge @!p0 [sflag:s0], s1  }
0x5c: {  	s1 =	ssub.s32 @!p0 $0x0, s1;
	[sflag:s0] =	ssyncset.done @!p0 $0x0  }
0x5d: {  	[sflag:s0] =	ssyncadd.s32 @!p0 s1  }
0x5e: {  	[bflag:$0x3] =	sbarrier.arrive $0xFFFF  }
0x5f: {  	_ =	shalt  }

// kernel: kernel.37.cloned.1.call-start
scs
__scs_entry_jumppad:
0x0: {  	(pc) =	sbr.rel $0x88, $3  }
0x1: {  	(tag) =	ssettag $0x0;
	lr =	simm.s32 $0x1  }
0x2: {  	[smem:$0x3F84] =	sst lr;
	_ =	strace $0xD0000000  }
0x3: {  	_ = 	snop  }
0x4: {  	_ = 	snop  }
0x5: {  	_ = 	snop  }
0x6: {  	_ = 	snop  }
0x7: {  	_ = 	snop  }
__scs_overlays_trampoline_lowered:
0x8: {  	[smem:$0x3F93] =	sst s0  }
0x9: {  	[smem:$0x3F94] =	sst s1  }
0xa: {  	[smem:$0x3F95] =	sst s2  }
0xb: {  	[smem:$0x3F96] =	sst s3  }
0xc: {  	[smem:$0x3F97] =	sst s4  }
0xd: {  	[smem:$0x3F98] =	sst s5  }
0xe: {  	[smem:$0x3F99] =	sst s6  }
0xf: {  	[smem:$0x3F9A] =	sst s7  }
0x10: {  	[smem:$0x3F9B] =	sst s8  }
0x11: {  	[smem:$0x3F9C] =	sst s9;
	s0 =	simm.s32 @!p0 $0x0  }
0x12: {  	s1 =	sld [smem:$0x3F82];
	s0 =	simm.s32 @p0 $0x1  }
0x13: {  	[smem:$0x3F9D] =	sst s0;
	s0 =	simm.s32 @!p1 $0x0  }
0x14: {  	s2 =	sld [smem:$0x3F81];
	s0 =	simm.s32 @p1 $0x1  }
0x15: {  	[smem:$0x3F9E] =	sst s0;
	s0 =	simm.s32 @!p2 $0x0  }
0x16: {  	s3 =	sld [smem:$0x3FDB];
	s0 =	simm.s32 @p2 $0x1  }
0x17: {  	s4 =	simm.s32 $0x1BF5;
	[smem:$0x3FA0] =	sst s0  }
0x18: {  	s0 =	sld [smem:$0x3F83];
	_ =	swait.ge [sflag:s4], $0x0  }
0x19: {  	s7 =	sld [smem:$0x3F84]  }
0x1a: {  	s8 =	sadd.s32 $0xFFFFE003, lr  }
0x1b: {  	s9 =	sadd.s32 $0xFFFFFEF7, lr;
	s5 =	simm.s32 $0xFFFFFFFF;
	p2 =	slt.u32 s8, $0xFFFFF086  }
0x1c: {  	p1 =	slt.u32 s9, $0xF7A;
	s5 =	simm.s32 @!p2 $0x0  }
0x1d: {  	s5 =	simm.s32 @p1 $0x1;
	p0 =	seq.s32 s7, s2  }
0x1e: {  	s7 =	smul.u32 @!p0 $0xF7A, s2;
	p2 =	seq.s32 @!p0 s5, $0x0  }
0x1f: {  	s9 =	smul.u32 $0xF7A, s1;
	s8 =	simm.s32 @!p0 $0x1BF5;
	p2 =	por !p2, p0  }
0x20: {  	[sflag:s8] =	ssyncset.s32 @!p0 $0xFFFFF086;
	s6 =	sadd.s32 @!p0 s3, s7;
	s7 =	simm.s32 @!p0 $0x108  }
0x21: {  	s3 =	sadd.s32 s3, s9;
	s6 =	sadd.s32 @!p0 $0x88, s6;
	s7 =	simm.s32 @p2 $0x1082  }
0x22: {  	[simem:s7], [sflag:s8] =	dma.local @!p0 [hbm:s6], $0xF7A  }
0x23: {  	s9 =	sor.u32 $0xD0000000, s2;
	s6 =	simm.s32 $0x108;
	_ =	swait.ge @!p0 [sflag:s8], $0x0  }
0x24: {  	s3 =	sadd.s32 $0x88, s3;
	s6 =	simm.s32 @!p1 $0x1082;
	[sflag:s4] =	ssyncset.s32 $0xFFFFF086  }
0x25: {  	[simem:s6], [sflag:s4] =	dma.local [hbm:s3], $0xF7A  }
0x26: {  	[smem:$0x3F84] =	sst s1;
	(tag) =	ssettag s2;
	_ =	strace s9  }
0x27: {  	s1 =	sld [smem:$0x3F94]  }
0x28: {  	s2 =	sld [smem:$0x3F95]  }
0x29: {  	s4 =	sld [smem:$0x3F97]  }
0x2a: {  	p0 =	seq.s32 s5, $0x0;
	s5 =	sld [smem:$0x3F98]  }
0x2b: {  	s6 =	sld [smem:$0x3F99]  }
0x2c: {  	s7 =	sld [smem:$0x3F9A]  }
0x2d: {  	s3 =	simm.s32 $0x108;
	s8 =	sld [smem:$0x3F9B]  }
0x2e: {  	s3 =	simm.s32 @!p0 $0x1082;
	s9 =	sld [smem:$0x3F9C]  }
0x2f: {  	lr =	sadd.s32 s0, s3;
	s0 =	sld [smem:$0x3F93]  }
0x30: {  	s3 =	sld [smem:$0x3F96]  }
0x31: {  	[smem:$0x3F9F] =	sst s10  }
0x32: {  	s10 =	sld [smem:$0x3F9D];
	_ =	sdelay $0x3  }
0x33: {  	p0 =	seq.s32 s10, $0x1;
	s10 =	sld [smem:$0x3F9F];
	_ =	sdelay $0x3  }
0x34: {  	[smem:$0x3F9F] =	sst s10  }
0x35: {  	s10 =	sld [smem:$0x3F9E];
	_ =	sdelay $0x3  }
0x36: {  	p1 =	seq.s32 s10, $0x1;
	s10 =	sld [smem:$0x3F9F];
	_ =	sdelay $0x3  }
0x37: {  	[smem:$0x3F9F] =	sst s10  }
0x38: {  	s10 =	sld [smem:$0x3FA0]  }
0x39: {  	_ = 	snop;
	(pc) =	sbr.ind lr, $3  }
0x3a: {  	_ = 	snop  }
0x3b: {  	_ = 	snop  }
0x3c: {  	p2 =	seq.s32 s10, $0x1;
	s10 =	sld [smem:$0x3F9F]  }
0x3d: {  	_ =	shalt  }
0x3e: {  	_ =	shalt  }
0x3f: {  	_ =	shalt  }
0x40: {  	_ =	shalt  }
0x41: {  	_ =	shalt  }
0x42: {  	_ =	shalt  }
0x43: {  	_ =	shalt  }
0x44: {  	_ =	shalt  }
0x45: {  	_ =	shalt  }
0x46: {  	_ =	shalt  }
0x47: {  	_ =	shalt  }
0x48: {  	_ =	shalt  }
0x49: {  	_ =	shalt  }
0x4a: {  	_ =	shalt  }
0x4b: {  	_ =	shalt  }
0x4c: {  	_ =	shalt  }
0x4d: {  	_ =	shalt  }
0x4e: {  	_ =	shalt  }
0x4f: {  	_ =	shalt  }
0x50: {  	_ =	shalt  }
0x51: {  	_ =	shalt  }
0x52: {  	_ =	shalt  }
0x53: {  	_ =	shalt  }
0x54: {  	_ =	shalt  }
0x55: {  	_ =	shalt  }
0x56: {  	_ =	shalt  }
0x57: {  	_ =	shalt  }
0x58: {  	_ =	shalt  }
0x59: {  	_ =	shalt  }
0x5a: {  	_ =	shalt  }
0x5b: {  	_ =	shalt  }
0x5c: {  	_ =	shalt  }
0x5d: {  	_ =	shalt  }
0x5e: {  	_ =	shalt  }
0x5f: {  	_ =	shalt  }
0x60: {  	_ =	shalt  }
0x61: {  	_ =	shalt  }
0x62: {  	_ =	shalt  }
0x63: {  	_ =	shalt  }
0x64: {  	_ =	shalt  }
0x65: {  	_ =	shalt  }
0x66: {  	_ =	shalt  }
0x67: {  	_ =	shalt  }
0x68: {  	_ =	shalt  }
0x69: {  	_ =	shalt  }
0x6a: {  	_ =	shalt  }
0x6b: {  	_ =	shalt  }
0x6c: {  	_ =	shalt  }
0x6d: {  	_ =	shalt  }
0x6e: {  	_ =	shalt  }
0x6f: {  	_ =	shalt  }
0x70: {  	_ =	shalt  }
0x71: {  	_ =	shalt  }
0x72: {  	_ =	shalt  }
0x73: {  	_ =	shalt  }
0x74: {  	_ =	shalt  }
0x75: {  	_ =	shalt  }
0x76: {  	_ =	shalt  }
0x77: {  	_ =	shalt  }
0x78: {  	_ =	shalt  }
0x79: {  	_ =	shalt  }
0x7a: {  	_ =	shalt  }
0x7b: {  	_ =	shalt  }
0x7c: {  	_ =	shalt  }
0x7d: {  	_ =	shalt  }
0x7e: {  	_ =	shalt  }
0x7f: {  	_ =	shalt  }
0x80: {  	_ =	shalt  }
0x81: {  	_ =	shalt  }
0x82: {  	_ =	shalt  }
0x83: {  	_ =	shalt  }
0x84: {  	_ =	shalt  }
0x85: {  	_ =	shalt  }
0x86: {  	_ =	shalt  }
0x87: {  	_ =	shalt  }
.Lfunc_end0:
.L_simem_size_0:
called_computation.5_lowered:
.L_overlay_start_0:
0x88: {  	s2 =	sld [smem:$0x3FD9]  }
0x89: {  	s3 =	sld [smem:$0x3FFE];
	_ =	sdelay $0x1  }
0x8a: {  	s1 =	srdreg.scid  }
0x8b: {  	s0 =	sand.u32 $0x1, s1  }
0x8c: {  	s16 =	sshll.u32 s0, $0xA;
	s2 =	sadd.s32 s3, s2  }
0x8d: {  	s2 =	sadd.s32 s2, s16  }
0x8e: {  	[smem:$0x3FAB] =	sst s2  }
0x8f: {  	_ = 	snop  }
0x90: {  	(tm) =	ssettm $0x1  }
0x91: {  	s17 =	sld [smem:$0x3FFB];
	_ =	sdelay $0x3  }
0x92: {  	_ =	strace s17  }
0x93: {  	s2 =	sld [smem:$0x3FFC];
	_ =	sdelay $0x3  }
0x94: {  	_ =	strace s2  }
0x95: {  	s2 =	sld [smem:$0x3FFD];
	_ =	sdelay $0x3  }
0x96: {  	_ =	strace s2  }
0x97: {  	_ =	strace $0x8FFFFFFF  }
0x98: {  	s18 =	sld [smem:$0x3FDB];
	_ =	sdelay $0x1  }
0x99: {  	s19 =	simm.s32 $_scs_section_size  }
0x9a: {  	s4 =	simm.s32 $_size__tile_overlayer_lowered;
	s5 =	simm.s32 $_tile_overlayer_lowered  }
0x9b: {  	s22 =	simm.s32 $0x1BFF;
	s21 =	sshll.u32 s5, $0x1;
	s2 =	sadd.s32 s19, s18  }
0x9c: {  	s6 =	simm.s32 $0x0;
	s20 =	sshll.u32 s4, $0x1;
	s4 =	sadd.s32 s21, s2  }
0x9d: {  	[timem:s6], [sflag:s22] =	dma.local [hbm:s4], s20  }
0x9e: {  	_ =	swait.ge [sflag:s22], s20  }
0x9f: {  	s3 =	ssub.s32 $0x0, s20;
	[sflag:s22] =	ssyncset.done $0x0  }
0xa0: {  	[sflag:s22] =	ssyncadd.s32 s3;
	_ =	sdelay $0x1  }
0xa1: {  	s23 =	simm.s32 $0x1B8B  }
0xa2: {  	_ =	swait.ge [sflag:s23], $0x1  }
0xa3: {  	[sflag:s23] =	ssyncset.done $0x0  }
0xa4: {  	s25 =	simm.s32 $0x1B8E;
	s24 =	sld [smem:$0x3FFE];
	[sflag:s23] =	ssyncadd.s32 $0xFFFFFFFF  }
0xa5: {  	s26 =	simm.s32 $execute0_lowered;
	[smem:$0x3FD2] =	sst s25  }
0xa6: {  	s4 =	sshll.u32 s26, $0x1;
	_ =	strace $0x80000052;
	[dreg:$0x1] =	wrdreg $0xFFFFFFFF  }
0xa7: {  	s28 =	simm.s32 $_size_execute0_lowered;
	s2 =	sadd.s32 s2, s4;
	[dreg:$0x0] =	wrdreg $0x0  }
0xa8: {  	s4 =	sshll.u32 s28, $0x1;
	[dreg:$0x2] =	wrdreg s2  }
0xa9: {  	[dreg:$0x3] =	wrdreg s4  }
0xaa: {  	[dreg:$0x4] =	wrdreg $0xC0  }
0xab: {  	_ =	task [dreg:s6], $0x5FFFF  }
0xac: {  	[dreg:$0x1] =	wrdreg $0xFFFFFFFF  }
0xad: {  	[dreg:$0x0] =	wrdreg $0x60  }
0xae: {  	[dreg:$0x2] =	wrdreg s24  }
0xaf: {  	[dreg:$0x3] =	wrdreg $0xA  }
0xb0: {  	_ =	task.clear_ibuf [dreg:s6], $0x4FFFF;
	_ =	strace $0x90000052  }
0xb1: {  	s29 =	simm.s32 $0xA;
	_ =	strace $0x80000054  }
0xb2: {  	_ =	swait.ge [sflag:s29], $0x1  }
0xb3: {  	[sflag:s29] =	ssyncadd.s32 $0xFFFFFFFF  }
0xb4: {  	_ =	strace $0x90000054  }
0xb5: {  	_ =	sfence  }
0xb6: {  	s30 =	sld [smem:$0x0];
	_ =	sdelay $0x2  }
0xb7: {  	s31 =	sshll.u32 s1, $0xD;
	s1 =	sshrl.u32 s1, $0x2  }
0xb8: {  	s3 =	sand.u32 $0x4000, s31;
	s1 =	sadd.s32 s1, s30  }
0xb9: {  	s0 =	sor.u32 s3, s0;
	s1 =	sshll.u32 s1, $0x11  }
0xba: {  	s0 =	sor.u32 s1, s0  }
0xbb: {  	s0 =	sadd.s32 $0x8F2B, s0  }
0xbc: {  	[sflag:s0] =	ssyncadd.remote.s32 $0x1  }
0xbd: {  	_ =	sfence.sel $0xFFFF  }
0xbe: {  	[dreg:$0x0] =	wrdreg $0xFFFFFFFF;
	(pc) =	sbr.abs _section_cstart, $3  }
0xbf: {  	[dreg:$0x1] =	wrdreg $0xFFFFFFFF  }
0xc0: {  	_ =	task.clear_ibuf [dreg:s6], $0x2FFFF;
	_ =	strace $0x9FFFFFFF  }
0xc1: {  	(tm) =	ssettm $0x7FFFFFFF  }
tec
execute0_lowered:
.L_overlay_start_1:
0x0: {  	(tag) =	ssettag $0x1  }
0x1: {  	s1 =	srdreg.scid;
	s0 =	stileid.u32  }
0x2: {  	s10 =	sand.u32 $0x1, s1;
	s28 =	sshll.u32 s0, $0x1  }
0x3: {  	s11 =	sor.u32 s10, s28  }
0x4: {  	s9 =	smul.u32 $0x7D0, s11  }
0x5: {  	s8 =	rddreg [dreg:$0x0];
	s2 =	simm.s32 $0x0  }
0x6: {  	s1 =	rddreg [dreg:$0x1];
	s12 =	sadd.s32 $0x8E00, s8;
	s3 =	sshrl.u32 s9, $0x3  }
0x7: {  	[smem:$0x7FF] =	sst s2;
	s3 =	sadd.s32 s12, s3  }
0x8: {  	_ =	strace $0x80000053;
	s4 =	sadd.s32 $0x2EE0, s3;
	s3 =	simm.s32 $0x2  }
0x9: {  	[tilespmem:s2], [sflag:$0x2] =	stream.linear.gather [hbm4b:s4+s2], $0x3E8, $0x38;
	[tilespmem:$0x80E8] =	vst v63  }
0xa: {  	_ =	swait.ge [sflag:s3], $0x3E8  }
0xb: {  	s6 =	simm.s32 $0x3E8;
	[sflag:s3] =	ssyncset.done $0x0  }
0xc: {  	s7 =	simm.s32 $0x1;
	s5 =	sadd.s32 $0x4DA00, s8;
	[sflag:s3] =	ssyncadd.s32 $0xFFFFFC18  }
0xd: {  	[tilespmem:s6], [sflag:$0x1] =	stream.indirect.gather [hbm4b:s5+s6], $0x20, s2, s6, $0xb8;
	[tilespmem:$0x80E8] =	vst v63  }
0xe: {  	s13 =	smul.u32 $0x1F40, s11;
	_ =	swait.ge [sflag:s7], $0x7D00  }
0xf: {  	s14 =	sadd.s32 $0x2F9400, s8;
	[sflag:s7] =	ssyncset.done $0x0  }
0x10: {  	s8 =	sadd.s32 s14, s13;
	[sflag:s7] =	ssyncadd.s32 $0xFFFF8300  }
0x11: {  	[hbm4b:s8+s2] =	stream.linear.scatter [tilespmem:s6], [sflag:$0x2], $0x7D00, $0x38;
	[tilespmem:$0x80E8] =	vst v63  }
0x12: {  	s9 =	sadd.s32 $0x17AE8, s9;
	_ =	swait.ge [sflag:s3], $0x7D00  }
0x13: {  	s9 =	sshrl.u32 s9, $0x3;
	[sflag:s3] =	ssyncset.done $0x0  }
0x14: {  	s10 =	ssub.s32 $0x2, s10;
	s9 =	sadd.s32 s12, s9;
	[sflag:s3] =	ssyncadd.s32 $0xFFFF8300  }
0x15: {  	[tilespmem:s2], [sflag:$0x2] =	stream.linear.gather [hbm4b:s9+s2], $0x3E8, $0x38;
	[tilespmem:$0x80E8] =	vst v63  }
0x16: {  	s29 =	sshrl.u32 s10, $0x1;
	_ =	swait.ge [sflag:s3], $0x3E8  }
0x17: {  	s12 =	ssub.s32 s10, s29;
	[sflag:s3] =	ssyncset.done $0x0  }
0x18: {  	s11 =	smul.u32 $0xFA00, s11;
	s31 =	smax.u32 s12, $0x1;
	[sflag:s3] =	ssyncadd.s32 $0xFFFFFC18  }
0x19: {  	[tilespmem:s6], [sflag:$0x1] =	stream.indirect.gather [hbm4b:s5+s6], $0x20, s2, s6, $0xb8;
	[tilespmem:$0x80E8] =	vst v63  }
0x1a: {  	s11 =	sshrl.u32 s11, $0x3;
	p0 =	sne.s32 s31, $0x1;
	_ =	swait.ge [sflag:s7], $0x7D00  }
.Ltmp0:
0x1b: {  	s30 =	sadd.s32 s14, s11;
	[sflag:s7] =	ssyncset.done $0x0;
	(pc) =	sbr.rel @!p0 .LBB2_2-.Ltmp0, $4  }
0x1c: {  	s10 =	sadd.s32 $0xFA0, s30;
	[sflag:s7] =	ssyncadd.s32 $0xFFFF8300  }
0x1d: {  	[hbm4b:s10+s2] =	stream.linear.scatter [tilespmem:s6], [sflag:$0x2], $0x7D00, $0x38;
	[tilespmem:$0x80E8] =	vst v63  }
0x1e: {  	_ =	swait.ge [sflag:s3], $0x7D00  }
0x1f: {  	s11 =	sadd.s32 $0xFFFFFFFF, s31;
	[sflag:s3] =	ssyncset.done $0x0  }
.LBB2_1:
0x20: {  	p0 =	sne.s32 s11, $0x1;
	s11 =	sadd.s32 $0xFFFFFFFF, s11;
	[sflag:s3] =	ssyncadd.s32 $0xFFFF8300  }
0x21: {  	[tilespmem:s2], [sflag:$0x2] =	stream.linear.gather [hbm4b:s4+s2], $0x3E8, $0x38;
	[tilespmem:$0x80E8] =	vst v63  }
0x22: {  	_ =	swait.ge [sflag:s3], $0x3E8  }
0x23: {  	[sflag:s3] =	ssyncset.done $0x0  }
0x24: {  	[sflag:s3] =	ssyncadd.s32 $0xFFFFFC18  }
0x25: {  	[tilespmem:s6], [sflag:$0x1] =	stream.indirect.gather [hbm4b:s5+s6], $0x20, s2, s6, $0xb8;
	[tilespmem:$0x80E8] =	vst v63  }
0x26: {  	_ =	swait.ge [sflag:s7], $0x7D00  }
0x27: {  	[sflag:s7] =	ssyncset.done $0x0  }
0x28: {  	[sflag:s7] =	ssyncadd.s32 $0xFFFF8300  }
0x29: {  	[hbm4b:s8+s2] =	stream.linear.scatter [tilespmem:s6], [sflag:$0x2], $0x7D00, $0x38;
	[tilespmem:$0x80E8] =	vst v63  }
0x2a: {  	_ =	swait.ge [sflag:s3], $0x7D00  }
0x2b: {  	[sflag:s3] =	ssyncset.done $0x0  }
0x2c: {  	[sflag:s3] =	ssyncadd.s32 $0xFFFF8300  }
0x2d: {  	[tilespmem:s2], [sflag:$0x2] =	stream.linear.gather [hbm4b:s9+s2], $0x3E8, $0x38;
	[tilespmem:$0x80E8] =	vst v63  }
0x2e: {  	_ =	swait.ge [sflag:s3], $0x3E8  }
0x2f: {  	[sflag:s3] =	ssyncset.done $0x0  }
0x30: {  	[sflag:s3] =	ssyncadd.s32 $0xFFFFFC18  }
0x31: {  	[tilespmem:s6], [sflag:$0x1] =	stream.indirect.gather [hbm4b:s5+s6], $0x20, s2, s6, $0xb8;
	[tilespmem:$0x80E8] =	vst v63  }
0x32: {  	_ =	swait.ge [sflag:s7], $0x7D00  }
.Ltmp1:
0x33: {  	[sflag:s7] =	ssyncset.done $0x0;
	(pc) =	sbr.rel @p0 .LBB2_1-.Ltmp1, $4  }
0x34: {  	[sflag:s7] =	ssyncadd.s32 $0xFFFF8300  }
0x35: {  	[hbm4b:s10+s2] =	stream.linear.scatter [tilespmem:s6], [sflag:$0x2], $0x7D00, $0x38;
	[tilespmem:$0x80E8] =	vst v63  }
0x36: {  	_ =	swait.ge [sflag:s3], $0x7D00  }
0x37: {  	[sflag:s3] =	ssyncset.done $0x0  }
.LBB2_2:
0x38: {  	[sflag:s3] =	ssyncadd.s32 $0xFFFF8300  }
0x39: {  	_ =	sfence.sel $0x180000  }
0x3a: {  	[bflag:$0x0] =	sbarrier.arrive $0xFFFF  }
0x3b: {  	p0 =	sne.s32 s0, $0x0;
	_ =	strace $0x90000053  }
0x3c: {  	s0 =	sadd.s32 @!p0 $0x100000, s1;
	[bflag:$0x2] =	sbarrier.arrive $0xFFFF  }
0x3d: {  	[sflag:s0] =	ssyncadd.tile.s32 @!p0 $0x1;
	_ =	shalt  }
.Lfunc_end2:
_tile_overlayer_lowered:
.L_overlay_start_2:
0x3e: {  	(tag) =	ssettag $0x2  }
0x3f: {  	s0 =	rddreg [dreg:$0x0];
	s2 =	stileid.u32  }
0x40: {  	s1 =	rddreg [dreg:$0x1];
	p0 =	sne.s32 s2, $0x0  }
0x41: {  	s3 =	rddreg [dreg:$0x2];
	[bflag:$0x3] =	sbarrier.arrive $0xFFFF;
	s2 =	simm.s32 @!p0 $0x1C02  }
0x42: {  	[timem:s3], [sflag:s2] =	dma.local @!p0 [hbm:s0], s1  }
0x43: {  	s0 =	simm.s32 @!p0 $0x2  }
0x44: {  	_ =	swait.ge @!p0 [sflag:s0], s1  }
0x45: {  	s1 =	ssub.s32 @!p0 $0x0, s1;
	[sflag:s0] =	ssyncset.done @!p0 $0x0  }
0x46: {  	[sflag:s0] =	ssyncadd.s32 @!p0 s1  }
0x47: {  	[bflag:$0x3] =	sbarrier.arrive $0xFFFF  }
0x48: {  	_ =	shalt  }

// kernel: kernel.40.cloned.1.call-start
scs
__scs_entry_jumppad:
0x0: {  	(pc) =	sbr.rel $0x88, $3  }
0x1: {  	(tag) =	ssettag $0x0;
	lr =	simm.s32 $0x1  }
0x2: {  	[smem:$0x3F84] =	sst lr;
	_ =	strace $0xD0000000  }
0x3: {  	_ = 	snop  }
0x4: {  	_ = 	snop  }
0x5: {  	_ = 	snop  }
0x6: {  	_ = 	snop  }
0x7: {  	_ = 	snop  }
__scs_overlays_trampoline_lowered:
0x8: {  	[smem:$0x3F93] =	sst s0  }
0x9: {  	[smem:$0x3F94] =	sst s1  }
0xa: {  	[smem:$0x3F95] =	sst s2  }
0xb: {  	[smem:$0x3F96] =	sst s3  }
0xc: {  	[smem:$0x3F97] =	sst s4  }
0xd: {  	[smem:$0x3F98] =	sst s5  }
0xe: {  	[smem:$0x3F99] =	sst s6  }
0xf: {  	[smem:$0x3F9A] =	sst s7  }
0x10: {  	[smem:$0x3F9B] =	sst s8  }
0x11: {  	[smem:$0x3F9C] =	sst s9;
	s0 =	simm.s32 @!p0 $0x0  }
0x12: {  	s1 =	sld [smem:$0x3F82];
	s0 =	simm.s32 @p0 $0x1  }
0x13: {  	[smem:$0x3F9D] =	sst s0;
	s0 =	simm.s32 @!p1 $0x0  }
0x14: {  	s2 =	sld [smem:$0x3F81];
	s0 =	simm.s32 @p1 $0x1  }
0x15: {  	[smem:$0x3F9E] =	sst s0;
	s0 =	simm.s32 @!p2 $0x0  }
0x16: {  	s3 =	sld [smem:$0x3FDB];
	s0 =	simm.s32 @p2 $0x1  }
0x17: {  	s4 =	simm.s32 $0x1BF5;
	[smem:$0x3FA0] =	sst s0  }
0x18: {  	s0 =	sld [smem:$0x3F83];
	_ =	swait.ge [sflag:s4], $0x0  }
0x19: {  	s7 =	sld [smem:$0x3F84]  }
0x1a: {  	s8 =	sadd.s32 $0xFFFFE003, lr  }
0x1b: {  	s9 =	sadd.s32 $0xFFFFFEF7, lr;
	s5 =	simm.s32 $0xFFFFFFFF;
	p2 =	slt.u32 s8, $0xFFFFF086  }
0x1c: {  	p1 =	slt.u32 s9, $0xF7A;
	s5 =	simm.s32 @!p2 $0x0  }
0x1d: {  	s5 =	simm.s32 @p1 $0x1;
	p0 =	seq.s32 s7, s2  }
0x1e: {  	s7 =	smul.u32 @!p0 $0xF7A, s2;
	p2 =	seq.s32 @!p0 s5, $0x0  }
0x1f: {  	s9 =	smul.u32 $0xF7A, s1;
	s8 =	simm.s32 @!p0 $0x1BF5;
	p2 =	por !p2, p0  }
0x20: {  	[sflag:s8] =	ssyncset.s32 @!p0 $0xFFFFF086;
	s6 =	sadd.s32 @!p0 s3, s7;
	s7 =	simm.s32 @!p0 $0x108  }
0x21: {  	s3 =	sadd.s32 s3, s9;
	s6 =	sadd.s32 @!p0 $0x88, s6;
	s7 =	simm.s32 @p2 $0x1082  }
0x22: {  	[simem:s7], [sflag:s8] =	dma.local @!p0 [hbm:s6], $0xF7A  }
0x23: {  	s9 =	sor.u32 $0xD0000000, s2;
	s6 =	simm.s32 $0x108;
	_ =	swait.ge @!p0 [sflag:s8], $0x0  }
0x24: {  	s3 =	sadd.s32 $0x88, s3;
	s6 =	simm.s32 @!p1 $0x1082;
	[sflag:s4] =	ssyncset.s32 $0xFFFFF086  }
0x25: {  	[simem:s6], [sflag:s4] =	dma.local [hbm:s3], $0xF7A  }
0x26: {  	[smem:$0x3F84] =	sst s1;
	(tag) =	ssettag s2;
	_ =	strace s9  }
0x27: {  	s1 =	sld [smem:$0x3F94]  }
0x28: {  	s2 =	sld [smem:$0x3F95]  }
0x29: {  	s4 =	sld [smem:$0x3F97]  }
0x2a: {  	p0 =	seq.s32 s5, $0x0;
	s5 =	sld [smem:$0x3F98]  }
0x2b: {  	s6 =	sld [smem:$0x3F99]  }
0x2c: {  	s7 =	sld [smem:$0x3F9A]  }
0x2d: {  	s3 =	simm.s32 $0x108;
	s8 =	sld [smem:$0x3F9B]  }
0x2e: {  	s3 =	simm.s32 @!p0 $0x1082;
	s9 =	sld [smem:$0x3F9C]  }
0x2f: {  	lr =	sadd.s32 s0, s3;
	s0 =	sld [smem:$0x3F93]  }
0x30: {  	s3 =	sld [smem:$0x3F96]  }
0x31: {  	[smem:$0x3F9F] =	sst s10  }
0x32: {  	s10 =	sld [smem:$0x3F9D];
	_ =	sdelay $0x3  }
0x33: {  	p0 =	seq.s32 s10, $0x1;
	s10 =	sld [smem:$0x3F9F];
	_ =	sdelay $0x3  }
0x34: {  	[smem:$0x3F9F] =	sst s10  }
0x35: {  	s10 =	sld [smem:$0x3F9E];
	_ =	sdelay $0x3  }
0x36: {  	p1 =	seq.s32 s10, $0x1;
	s10 =	sld [smem:$0x3F9F];
	_ =	sdelay $0x3  }
0x37: {  	[smem:$0x3F9F] =	sst s10  }
0x38: {  	s10 =	sld [smem:$0x3FA0]  }
0x39: {  	_ = 	snop;
	(pc) =	sbr.ind lr, $3  }
0x3a: {  	_ = 	snop  }
0x3b: {  	_ = 	snop  }
0x3c: {  	p2 =	seq.s32 s10, $0x1;
	s10 =	sld [smem:$0x3F9F]  }
0x3d: {  	_ =	shalt  }
0x3e: {  	_ =	shalt  }
0x3f: {  	_ =	shalt  }
0x40: {  	_ =	shalt  }
0x41: {  	_ =	shalt  }
0x42: {  	_ =	shalt  }
0x43: {  	_ =	shalt  }
0x44: {  	_ =	shalt  }
0x45: {  	_ =	shalt  }
0x46: {  	_ =	shalt  }
0x47: {  	_ =	shalt  }
0x48: {  	_ =	shalt  }
0x49: {  	_ =	shalt  }
0x4a: {  	_ =	shalt  }
0x4b: {  	_ =	shalt  }
0x4c: {  	_ =	shalt  }
0x4d: {  	_ =	shalt  }
0x4e: {  	_ =	shalt  }
0x4f: {  	_ =	shalt  }
0x50: {  	_ =	shalt  }
0x51: {  	_ =	shalt  }
0x52: {  	_ =	shalt  }
0x53: {  	_ =	shalt  }
0x54: {  	_ =	shalt  }
0x55: {  	_ =	shalt  }
0x56: {  	_ =	shalt  }
0x57: {  	_ =	shalt  }
0x58: {  	_ =	shalt  }
0x59: {  	_ =	shalt  }
0x5a: {  	_ =	shalt  }
0x5b: {  	_ =	shalt  }
0x5c: {  	_ =	shalt  }
0x5d: {  	_ =	shalt  }
0x5e: {  	_ =	shalt  }
0x5f: {  	_ =	shalt  }
0x60: {  	_ =	shalt  }
0x61: {  	_ =	shalt  }
0x62: {  	_ =	shalt  }
0x63: {  	_ =	shalt  }
0x64: {  	_ =	shalt  }
0x65: {  	_ =	shalt  }
0x66: {  	_ =	shalt  }
0x67: {  	_ =	shalt  }
0x68: {  	_ =	shalt  }
0x69: {  	_ =	shalt  }
0x6a: {  	_ =	shalt  }
0x6b: {  	_ =	shalt  }
0x6c: {  	_ =	shalt  }
0x6d: {  	_ =	shalt  }
0x6e: {  	_ =	shalt  }
0x6f: {  	_ =	shalt  }
0x70: {  	_ =	shalt  }
0x71: {  	_ =	shalt  }
0x72: {  	_ =	shalt  }
0x73: {  	_ =	shalt  }
0x74: {  	_ =	shalt  }
0x75: {  	_ =	shalt  }
0x76: {  	_ =	shalt  }
0x77: {  	_ =	shalt  }
0x78: {  	_ =	shalt  }
0x79: {  	_ =	shalt  }
0x7a: {  	_ =	shalt  }
0x7b: {  	_ =	shalt  }
0x7c: {  	_ =	shalt  }
0x7d: {  	_ =	shalt  }
0x7e: {  	_ =	shalt  }
0x7f: {  	_ =	shalt  }
0x80: {  	_ =	shalt  }
0x81: {  	_ =	shalt  }
0x82: {  	_ =	shalt  }
0x83: {  	_ =	shalt  }
0x84: {  	_ =	shalt  }
0x85: {  	_ =	shalt  }
0x86: {  	_ =	shalt  }
0x87: {  	_ =	shalt  }
.Lfunc_end0:
.L_simem_size_0:
called_computation.6_lowered:
.L_overlay_start_0:
0x88: {  	s2 =	sld [smem:$0x3FD9]  }
0x89: {  	s3 =	sld [smem:$0x3FFE];
	_ =	sdelay $0x1  }
0x8a: {  	s1 =	srdreg.scid  }
0x8b: {  	s0 =	sand.u32 $0x1, s1  }
0x8c: {  	s17 =	sshll.u32 s0, $0xA;
	s2 =	sadd.s32 s3, s2  }
0x8d: {  	s2 =	sadd.s32 s2, s17  }
0x8e: {  	[smem:$0x3FAB] =	sst s2  }
0x8f: {  	_ = 	snop  }
0x90: {  	(tm) =	ssettm $0x1  }
0x91: {  	s18 =	sld [smem:$0x3FFB];
	_ =	sdelay $0x3  }
0x92: {  	_ =	strace s18  }
0x93: {  	s2 =	sld [smem:$0x3FFC];
	_ =	sdelay $0x3  }
0x94: {  	_ =	strace s2  }
0x95: {  	s2 =	sld [smem:$0x3FFD];
	_ =	sdelay $0x3  }
0x96: {  	_ =	strace s2  }
0x97: {  	_ =	strace $0x8FFFFFFF  }
0x98: {  	s19 =	sld [smem:$0x3FDB];
	_ =	sdelay $0x1  }
0x99: {  	s20 =	simm.s32 $_scs_section_size  }
0x9a: {  	s4 =	simm.s32 $_size__tile_overlayer_lowered;
	s5 =	simm.s32 $_tile_overlayer_lowered  }
0x9b: {  	s6 =	simm.s32 $0x1BFF;
	s21 =	sshll.u32 s5, $0x1;
	s3 =	sadd.s32 s20, s19  }
0x9c: {  	s22 =	simm.s32 $0x0;
	s4 =	sshll.u32 s4, $0x1;
	s5 =	sadd.s32 s21, s3  }
0x9d: {  	[timem:s22], [sflag:s6] =	dma.local [hbm:s5], s4  }
0x9e: {  	_ =	swait.ge [sflag:s6], s4  }
0x9f: {  	s4 =	ssub.s32 $0x0, s4;
	[sflag:s6] =	ssyncset.done $0x0  }
0xa0: {  	[sflag:s6] =	ssyncadd.s32 s4;
	_ =	sdelay $0x1  }
0xa1: {  	s23 =	simm.s32 $0x1B8B  }
0xa2: {  	_ =	swait.ge [sflag:s23], $0x1  }
0xa3: {  	[sflag:s23] =	ssyncset.done $0x0  }
0xa4: {  	[sflag:s23] =	ssyncadd.s32 $0xFFFFFFFF  }
0xa5: {  	s4 =	sld [smem:$0x0]  }
0xa6: {  	s5 =	sand.u32 $0xFFFFFFFE, s1  }
0xa7: {  	p0 =	sne.s32 s1, s5  }
0xa8: {  	s5 =	sshll.u32 @p0 s5, $0xE  }
0xa9: {  	s5 =	sadd.s32 @p0 $0x11B8D, s5;
	s6 =	sshll.u32 @p0 s4, $0x11  }
0xaa: {  	s5 =	sor.u32 @p0 s6, s5  }
0xab: {  	[sflag:s5] =	ssyncadd.remote.s32 @p0 $0x1;
	_ =	sdelay $0x1  }
0xac: {  	s5 =	simm.s32 @p0 $0x1B8D  }
0xad: {  	_ =	swait.eq @p0 [sflag:s5], $0x1  }
0xae: {  	[sflag:s5] =	ssyncadd.s32 @p0 $0xFFFFFFFF  }
0xaf: {  	s6 =	sshll.u32 @!p0 s1, $0xE  }
0xb0: {  	s6 =	sor.u32 @!p0 $0x4000, s6;
	s5 =	simm.s32 @!p0 $0x1B8D  }
0xb1: {  	s4 =	sshll.u32 @!p0 s4, $0x11;
	s6 =	sadd.s32 @!p0 $0x11B8D, s6;
	_ =	swait.eq @!p0 [sflag:s5], $0x1  }
0xb2: {  	s4 =	sor.u32 @!p0 s4, s6;
	[sflag:s5] =	ssyncadd.s32 @!p0 $0xFFFFFFFF  }
0xb3: {  	s25 =	simm.s32 $0x1B8E;
	s24 =	sld [smem:$0x3FFE];
	[sflag:s4] =	ssyncadd.remote.s32 @!p0 $0x1  }
0xb4: {  	s26 =	simm.s32 $execute0_lowered;
	[smem:$0x3FD2] =	sst s25  }
0xb5: {  	s5 =	sshll.u32 s26, $0x1;
	_ =	strace $0x8000005B;
	[dreg:$0x1] =	wrdreg $0xFFFFFFFF  }
0xb6: {  	s28 =	simm.s32 $_size_execute0_lowered;
	s3 =	sadd.s32 s3, s5;
	[dreg:$0x0] =	wrdreg $0x0  }
0xb7: {  	s5 =	sshll.u32 s28, $0x1;
	[dreg:$0x2] =	wrdreg s3  }
0xb8: {  	[dreg:$0x3] =	wrdreg s5  }
0xb9: {  	[dreg:$0x4] =	wrdreg $0xC0  }
0xba: {  	_ =	task [dreg:s22], $0x5FFFF  }
0xbb: {  	[dreg:$0x1] =	wrdreg $0xFFFFFFFF  }
0xbc: {  	[dreg:$0x0] =	wrdreg $0x60  }
0xbd: {  	[dreg:$0x2] =	wrdreg s24  }
0xbe: {  	[dreg:$0x3] =	wrdreg $0x80E80  }
0xbf: {  	[dreg:$0x4] =	wrdreg $0x9  }
0xc0: {  	_ =	task.clear_ibuf [dreg:s22], $0x5FFFF;
	_ =	strace $0x9000005B  }
0xc1: {  	s29 =	simm.s32 $0x9;
	_ =	strace $0x8000005D  }
0xc2: {  	_ =	swait.ge [sflag:s29], $0x1  }
0xc3: {  	[sflag:s29] =	ssyncadd.s32 $0xFFFFFFFF  }
0xc4: {  	_ =	strace $0x9000005D  }
0xc5: {  	_ =	sfence  }
0xc6: {  	s30 =	sld [smem:$0x0];
	_ =	sdelay $0x2  }
0xc7: {  	s31 =	sshll.u32 s1, $0xD;
	s1 =	sshrl.u32 s1, $0x2  }
0xc8: {  	s4 =	sand.u32 $0x4000, s31;
	s1 =	sadd.s32 s1, s30  }
0xc9: {  	s0 =	sor.u32 s4, s0;
	s1 =	sshll.u32 s1, $0x11  }
0xca: {  	s0 =	sor.u32 s1, s0  }
0xcb: {  	s0 =	sadd.s32 $0x8F2B, s0  }
0xcc: {  	[sflag:s0] =	ssyncadd.remote.s32 $0x1  }
0xcd: {  	_ =	sfence.sel $0xFFFF  }
0xce: {  	[dreg:$0x0] =	wrdreg $0xFFFFFFFF;
	(pc) =	sbr.abs _section_cstart, $3  }
0xcf: {  	[dreg:$0x1] =	wrdreg $0xFFFFFFFF  }
0xd0: {  	_ =	task.clear_ibuf [dreg:s22], $0x2FFFF;
	_ =	strace $0x9FFFFFFF  }
0xd1: {  	(tm) =	ssettm $0x7FFFFFFF  }
tec
execute0_lowered:
.L_overlay_start_1:
0x0: {  	(tag) =	ssettag $0x1  }
0x1: {  	s3 =	rddreg [dreg:$0x0]  }
0x2: {  	s1 =	rddreg [dreg:$0x1]  }
0x3: {  	s0 =	rddreg [dreg:$0x2];
	s2 =	simm.s32 $0x0  }
0x4: {  	s4 =	srdreg.scid;
	s7 =	stileid.u32;
	p1 =	por $0x0, $0x0  }
0x5: {  	[smem:$0x7FF] =	sst s2;
	s4 =	sand.u32 $0x1, s4;
	s8 =	sadd.s32 $0x2F9200, s3  }
0x6: {  	s9 =	smul.u32 $0x4E20, s7;
	s6 =	sadd.s32 $0xDE00, s3;
	s11 =	sshll.u32 s7, $0x1  }
0x7: {  	p0 =	sne.s32 s7, $0x0;
	s7 =	sshll.u32 s7, $0x6;
	s5 =	smul.u32 $0x4E200, s4  }
0x8: {  	s10 =	smul.u32 $0x9C40, s4;
	s12 =	ssub.s32 $0x2, s4;
	s4 =	sor.u32 s4, s11  }
0x9: {  	_ =	strace $0x8000005C;
	s7 =	sor.u32 $0x1C01, s7;
	s13 =	smul.u32 $0xBB8, s4  }
0xa: {  	s23 =	sshrl.u32 s12, $0x1;
	s4 =	smul.u32 $0xBB80, s4;
	s30 =	sadd.s32 s9, s1  }
0xb: {  	s5 =	sadd.s32 s9, s5;
	s10 =	sadd.s32 s10, s3;
	s11 =	ssub.s32 s12, s23  }
0xc: {  	s9 =	simm.s32 $0x3E8;
	s5 =	sshrl.u32 s5, $0x3;
	s24 =	sshrl.u32 s13, $0x3  }
0xd: {  	s17 =	sadd.s32 $0x3E8, s13;
	s16 =	sadd.s32 $0x3A000, s10;
	s31 =	smax.u32 s11, $0x1  }
0xe: {  	s14 =	sadd.s32 s8, s4;
	s26 =	sadd.s32 $0x7D0, s13;
	s20 =	sadd.s32 $0xFFFFFFFF, s31  }
0xf: {  	s10 =	simm.s32 $0x20;
	s11 =	simm.s32 $0x80;
	p2 =	sne.s32 s20, $0x0  }
.Ltmp0:
0x10: {  	s3 =	sadd.s32 s5, s3;
	s15 =	sadd.s32 s6, s24;
	(pc) =	sbr.rel @!p2 .LBB2_3-.Ltmp0, $4  }
0x11: {  	s25 =	sshrl.u32 s17, $0x3;
	s28 =	sshll.u32 s17, $0x4;
	s29 =	sshrl.u32 s26, $0x3  }
0x12: {  	s4 =	sshll.u32 s26, $0x4;
	s17 =	sshrl.u32 @!p0 s1, $0x3;
	s12 =	sadd.s32 s6, s25  }
0x13: {  	s13 =	sadd.s32 s8, s28;
	s6 =	sadd.s32 s6, s29;
	s5 =	sadd.s32 s8, s4  }
0x14: {  	s3 =	sadd.s32 $0x6B200, s3;
	s4 =	simm.s32 $0x1;
	s8 =	sshrl.u32 s30, $0x3  }
0x15: {  	s18 =	simm.s32 @!p0 $0x1C01;
	s19 =	simm.s32 @!p0 $0x1  }
0x16: {  	[spmem:s17], [sflag:s18] =	dma.local @!p0 [hbm:s16], $0x9C40  }
0x17: {  	_ =	swait.ge @!p0 [sflag:s19], $0x9C40  }
0x18: {  	[sflag:s19] =	ssyncset.done @!p0 $0x0  }
0x19: {  	[sflag:s19] =	ssyncadd.s32 @!p0 $0xFFFF63C0  }
0x1a: {  	[bflag:$0x0] =	sbarrier.arrive $0xFFFF  }
0x1b: {  	[tilespmem:s2], [sflag:$0x1] =	stream.linear.gather [hbm4b:s15+s2], $0x3E8, $0x38;
	[tilespmem:$0xCF08] =	vst v63  }
0x1c: {  	_ =	swait.ge [sflag:s4], $0x3E8  }
0x1d: {  	[sflag:s4] =	ssyncset.done $0x0  }
0x1e: {  	[sflag:s4] =	ssyncadd.s32 $0xFFFFFC18  }
0x1f: {  	[tilespmem:s9], [sflag:$0x1] =	stream.strided.gather [hbm4b:s14+s10], $0x7D00, s11, s10, $0x38;
	[tilespmem:$0xCF08] =	vst v63  }
0x20: {  	_ =	swait.ge [sflag:s4], $0x7D00  }
0x21: {  	[sflag:s4] =	ssyncset.done $0x0  }
0x22: {  	[sflag:s4] =	ssyncadd.s32 $0xFFFF8300  }
0x23: {  	[spmem:s1] =	stream.indirect.scatter.add.f32 [tilespmem:s9], [sflag:$0x1], $0x20, s2, s9, $0xb8;
	[tilespmem:$0xCF08] =	vst v63  }
0x24: {  	_ =	swait.ge [sflag:s4], $0x7D00  }
0x25: {  	[sflag:s4] =	ssyncset.done $0x0  }
0x26: {  	[sflag:s4] =	ssyncadd.s32 $0xFFFF8300  }
0x27: {  	[tilespmem:s2], [sflag:$0x1] =	stream.linear.gather [hbm4b:s12+s2], $0x3E8, $0x38;
	[tilespmem:$0xCF08] =	vst v63  }
0x28: {  	_ =	swait.ge [sflag:s4], $0x3E8  }
0x29: {  	[sflag:s4] =	ssyncset.done $0x0  }
0x2a: {  	[sflag:s4] =	ssyncadd.s32 $0xFFFFFC18  }
0x2b: {  	[tilespmem:s9], [sflag:$0x1] =	stream.strided.gather [hbm4b:s13+s10], $0x7D00, s11, s10, $0x38;
	[tilespmem:$0xCF08] =	vst v63  }
0x2c: {  	_ =	swait.ge [sflag:s4], $0x7D00  }
0x2d: {  	[sflag:s4] =	ssyncset.done $0x0  }
0x2e: {  	[sflag:s4] =	ssyncadd.s32 $0xFFFF8300  }
0x2f: {  	[spmem:s1] =	stream.indirect.scatter.add.f32 [tilespmem:s9], [sflag:$0x1], $0x20, s2, s9, $0xb8;
	[tilespmem:$0xCF08] =	vst v63  }
0x30: {  	_ =	swait.ge [sflag:s4], $0x7D00  }
0x31: {  	[sflag:s4] =	ssyncset.done $0x0  }
0x32: {  	[sflag:s4] =	ssyncadd.s32 $0xFFFF8300  }
0x33: {  	[tilespmem:s2], [sflag:$0x1] =	stream.linear.gather [hbm4b:s6+s2], $0x3E8, $0x38;
	[tilespmem:$0xCF08] =	vst v63  }
0x34: {  	_ =	swait.ge [sflag:s4], $0x3E8  }
0x35: {  	[sflag:s4] =	ssyncset.done $0x0  }
0x36: {  	[sflag:s4] =	ssyncadd.s32 $0xFFFFFC18  }
0x37: {  	[tilespmem:s9], [sflag:$0x1] =	stream.strided.gather [hbm4b:s5+s10], $0x7D00, s11, s10, $0x38;
	[tilespmem:$0xCF08] =	vst v63  }
0x38: {  	_ =	swait.ge [sflag:s4], $0x7D00  }
0x39: {  	[sflag:s4] =	ssyncset.done $0x0  }
0x3a: {  	[sflag:s4] =	ssyncadd.s32 $0xFFFF8300  }
0x3b: {  	[spmem:s1] =	stream.indirect.scatter.add.f32 [tilespmem:s9], [sflag:$0x1], $0x20, s2, s9, $0xb8;
	[tilespmem:$0xCF08] =	vst v63  }
0x3c: {  	s20 =	sadd.s32 $0xFFFFFFFF, s20;
	_ =	swait.ge [sflag:s4], $0x7D00  }
0x3d: {  	p2 =	sne.s32 s20, $0x0;
	[sflag:s4] =	ssyncset.done $0x0  }
.Ltmp1:
0x3e: {  	[sflag:s4] =	ssyncadd.s32 $0xFFFF8300;
	(pc) =	sbr.rel @!p2 .LBB2_3-.Ltmp1, $4  }
0x3f: {  	[bflag:$0x0] =	sbarrier.arrive $0xFFFF  }
0x40: {  	[hbm:s3], [sflag:s7] =	dma.local [spmem:s8], $0x9C4  }
0x41: {  	_ =	swait.ge [sflag:s4], $0x9C4  }
0x42: {  	p1 =	por $0x1, $0x1;
	[sflag:s4] =	ssyncset.done $0x0  }
.LBB2_2:
0x43: {  	[sflag:s4] =	ssyncadd.s32 $0xFFFFF63C  }
0x44: {  	[spmem:s17], [sflag:s18] =	dma.local @!p0 [hbm:s16], $0x9C40  }
0x45: {  	s20 =	sadd.s32 $0xFFFFFFFF, s20;
	_ =	swait.ge @!p0 [sflag:s19], $0x9C40  }
0x46: {  	p2 =	sne.s32 s20, $0x0;
	[sflag:s19] =	ssyncset.done @!p0 $0x0  }
0x47: {  	[sflag:s19] =	ssyncadd.s32 @!p0 $0xFFFF63C0  }
0x48: {  	[bflag:$0x0] =	sbarrier.arrive $0xFFFF  }
0x49: {  	[tilespmem:s2], [sflag:$0x1] =	stream.linear.gather [hbm4b:s15+s2], $0x3E8, $0x38;
	[tilespmem:$0xCF08] =	vst v63  }
0x4a: {  	_ =	swait.ge [sflag:s4], $0x3E8  }
0x4b: {  	[sflag:s4] =	ssyncset.done $0x0  }
0x4c: {  	[sflag:s4] =	ssyncadd.s32 $0xFFFFFC18  }
0x4d: {  	[tilespmem:s9], [sflag:$0x1] =	stream.strided.gather [hbm4b:s14+s10], $0x7D00, s11, s10, $0x38;
	[tilespmem:$0xCF08] =	vst v63  }
0x4e: {  	_ =	swait.ge [sflag:s4], $0x7D00  }
0x4f: {  	[sflag:s4] =	ssyncset.done $0x0  }
0x50: {  	[sflag:s4] =	ssyncadd.s32 $0xFFFF8300  }
0x51: {  	[spmem:s1] =	stream.indirect.scatter.add.f32 [tilespmem:s9], [sflag:$0x1], $0x20, s2, s9, $0xb8;
	[tilespmem:$0xCF08] =	vst v63  }
0x52: {  	_ =	swait.ge [sflag:s4], $0x7D00  }
0x53: {  	[sflag:s4] =	ssyncset.done $0x0  }
0x54: {  	[sflag:s4] =	ssyncadd.s32 $0xFFFF8300  }
0x55: {  	[tilespmem:s2], [sflag:$0x1] =	stream.linear.gather [hbm4b:s12+s2], $0x3E8, $0x38;
	[tilespmem:$0xCF08] =	vst v63  }
0x56: {  	_ =	swait.ge [sflag:s4], $0x3E8  }
0x57: {  	[sflag:s4] =	ssyncset.done $0x0  }
0x58: {  	[sflag:s4] =	ssyncadd.s32 $0xFFFFFC18  }
0x59: {  	[tilespmem:s9], [sflag:$0x1] =	stream.strided.gather [hbm4b:s13+s10], $0x7D00, s11, s10, $0x38;
	[tilespmem:$0xCF08] =	vst v63  }
0x5a: {  	_ =	swait.ge [sflag:s4], $0x7D00  }
0x5b: {  	[sflag:s4] =	ssyncset.done $0x0  }
0x5c: {  	[sflag:s4] =	ssyncadd.s32 $0xFFFF8300  }
0x5d: {  	[spmem:s1] =	stream.indirect.scatter.add.f32 [tilespmem:s9], [sflag:$0x1], $0x20, s2, s9, $0xb8;
	[tilespmem:$0xCF08] =	vst v63  }
0x5e: {  	_ =	swait.ge [sflag:s4], $0x7D00  }
0x5f: {  	[sflag:s4] =	ssyncset.done $0x0  }
0x60: {  	[sflag:s4] =	ssyncadd.s32 $0xFFFF8300  }
0x61: {  	[tilespmem:s2], [sflag:$0x1] =	stream.linear.gather [hbm4b:s6+s2], $0x3E8, $0x38;
	[tilespmem:$0xCF08] =	vst v63  }
0x62: {  	_ =	swait.ge [sflag:s4], $0x3E8  }
0x63: {  	[sflag:s4] =	ssyncset.done $0x0  }
0x64: {  	[sflag:s4] =	ssyncadd.s32 $0xFFFFFC18  }
0x65: {  	[tilespmem:s9], [sflag:$0x1] =	stream.strided.gather [hbm4b:s5+s10], $0x7D00, s11, s10, $0x38;
	[tilespmem:$0xCF08] =	vst v63  }
0x66: {  	_ =	swait.ge [sflag:s4], $0x7D00  }
0x67: {  	[sflag:s4] =	ssyncset.done $0x0  }
0x68: {  	[sflag:s4] =	ssyncadd.s32 $0xFFFF8300  }
0x69: {  	[spmem:s1] =	stream.indirect.scatter.add.f32 [tilespmem:s9], [sflag:$0x1], $0x20, s2, s9, $0xb8;
	[tilespmem:$0xCF08] =	vst v63  }
0x6a: {  	_ =	swait.ge [sflag:s4], $0x7D00  }
0x6b: {  	[sflag:s4] =	ssyncset.done $0x0  }
.Ltmp2:
0x6c: {  	[sflag:s4] =	ssyncadd.s32 $0xFFFF8300;
	(pc) =	sbr.rel @p2 .LBB2_2-.Ltmp2, $4  }
0x6d: {  	[bflag:$0x0] =	sbarrier.arrive $0xFFFF  }
0x6e: {  	[hbm:s3], [sflag:s7] =	dma.local [spmem:s8], $0x9C4  }
0x6f: {  	_ =	swait.ge [sflag:s4], $0x9C4  }
0x70: {  	[sflag:s4] =	ssyncset.done $0x0  }
.LBB2_3:
0x71: {  	s18 =	simm.s32 @!p0 $0x1C01;
	s19 =	simm.s32 @!p0 $0x1;
	[sflag:s4] =	ssyncadd.s32 @p1 $0xFFFFF63C  }
0x72: {  	[spmem:s17], [sflag:s18] =	dma.local @!p0 [hbm:s16], $0x9C40  }
0x73: {  	_ =	swait.ge @!p0 [sflag:s19], $0x9C40  }
0x74: {  	[sflag:s19] =	ssyncset.done @!p0 $0x0  }
0x75: {  	[sflag:s19] =	ssyncadd.s32 @!p0 $0xFFFF63C0  }
0x76: {  	[bflag:$0x0] =	sbarrier.arrive $0xFFFF  }
0x77: {  	[tilespmem:s2], [sflag:$0x1] =	stream.linear.gather [hbm4b:s15+s2], $0x3E8, $0x38;
	[tilespmem:$0xCF08] =	vst v63  }
0x78: {  	_ =	swait.ge [sflag:s4], $0x3E8  }
0x79: {  	[sflag:s4] =	ssyncset.done $0x0  }
0x7a: {  	[sflag:s4] =	ssyncadd.s32 $0xFFFFFC18  }
0x7b: {  	[tilespmem:s9], [sflag:$0x1] =	stream.strided.gather [hbm4b:s14+s10], $0x7D00, s11, s10, $0x38;
	[tilespmem:$0xCF08] =	vst v63  }
0x7c: {  	_ =	swait.ge [sflag:s4], $0x7D00  }
0x7d: {  	[sflag:s4] =	ssyncset.done $0x0  }
0x7e: {  	[sflag:s4] =	ssyncadd.s32 $0xFFFF8300  }
0x7f: {  	[spmem:s1] =	stream.indirect.scatter.add.f32 [tilespmem:s9], [sflag:$0x1], $0x20, s2, s9, $0xb8;
	[tilespmem:$0xCF08] =	vst v63  }
0x80: {  	_ =	swait.ge [sflag:s4], $0x7D00  }
0x81: {  	[sflag:s4] =	ssyncset.done $0x0  }
0x82: {  	[sflag:s4] =	ssyncadd.s32 $0xFFFF8300  }
0x83: {  	[tilespmem:s2], [sflag:$0x1] =	stream.linear.gather [hbm4b:s12+s2], $0x3E8, $0x38;
	[tilespmem:$0xCF08] =	vst v63  }
0x84: {  	_ =	swait.ge [sflag:s4], $0x3E8  }
0x85: {  	[sflag:s4] =	ssyncset.done $0x0  }
0x86: {  	[sflag:s4] =	ssyncadd.s32 $0xFFFFFC18  }
0x87: {  	[tilespmem:s9], [sflag:$0x1] =	stream.strided.gather [hbm4b:s13+s10], $0x7D00, s11, s10, $0x38;
	[tilespmem:$0xCF08] =	vst v63  }
0x88: {  	_ =	swait.ge [sflag:s4], $0x7D00  }
0x89: {  	[sflag:s4] =	ssyncset.done $0x0  }
0x8a: {  	[sflag:s4] =	ssyncadd.s32 $0xFFFF8300  }
0x8b: {  	[spmem:s1] =	stream.indirect.scatter.add.f32 [tilespmem:s9], [sflag:$0x1], $0x20, s2, s9, $0xb8;
	[tilespmem:$0xCF08] =	vst v63  }
0x8c: {  	_ =	swait.ge [sflag:s4], $0x7D00  }
0x8d: {  	[sflag:s4] =	ssyncset.done $0x0  }
0x8e: {  	[sflag:s4] =	ssyncadd.s32 $0xFFFF8300  }
0x8f: {  	[tilespmem:s2], [sflag:$0x1] =	stream.linear.gather [hbm4b:s6+s2], $0x3E8, $0x38;
	[tilespmem:$0xCF08] =	vst v63  }
0x90: {  	_ =	swait.ge [sflag:s4], $0x3E8  }
0x91: {  	[sflag:s4] =	ssyncset.done $0x0  }
0x92: {  	[sflag:s4] =	ssyncadd.s32 $0xFFFFFC18  }
0x93: {  	[tilespmem:s9], [sflag:$0x1] =	stream.strided.gather [hbm4b:s5+s10], $0x7D00, s11, s10, $0x38;
	[tilespmem:$0xCF08] =	vst v63  }
0x94: {  	_ =	swait.ge [sflag:s4], $0x7D00  }
0x95: {  	[sflag:s4] =	ssyncset.done $0x0  }
0x96: {  	[sflag:s4] =	ssyncadd.s32 $0xFFFF8300  }
0x97: {  	[spmem:s1] =	stream.indirect.scatter.add.f32 [tilespmem:s9], [sflag:$0x1], $0x20, s2, s9, $0xb8;
	[tilespmem:$0xCF08] =	vst v63  }
0x98: {  	_ =	swait.ge [sflag:s4], $0x7D00  }
0x99: {  	[sflag:s4] =	ssyncset.done $0x0  }
0x9a: {  	[sflag:s4] =	ssyncadd.s32 $0xFFFF8300  }
0x9b: {  	[bflag:$0x0] =	sbarrier.arrive $0xFFFF  }
0x9c: {  	[hbm:s3], [sflag:s7] =	dma.local [spmem:s8], $0x9C4  }
0x9d: {  	_ =	swait.ge [sflag:s4], $0x9C4  }
0x9e: {  	[sflag:s4] =	ssyncset.done $0x0  }
0x9f: {  	[sflag:s4] =	ssyncadd.s32 $0xFFFFF63C  }
0xa0: {  	_ =	sfence.sel $0x180000  }
0xa1: {  	[bflag:$0x0] =	sbarrier.arrive $0xFFFF  }
0xa2: {  	_ =	strace $0x9000005C  }
0xa3: {  	s0 =	sadd.s32 @!p0 $0x100000, s0;
	[bflag:$0x2] =	sbarrier.arrive $0xFFFF  }
0xa4: {  	[sflag:s0] =	ssyncadd.tile.s32 @!p0 $0x1;
	_ =	shalt  }
.Lfunc_end2:
_tile_overlayer_lowered:
.L_overlay_start_2:
0xa5: {  	(tag) =	ssettag $0x2  }
0xa6: {  	s0 =	rddreg [dreg:$0x0];
	s2 =	stileid.u32  }
0xa7: {  	s1 =	rddreg [dreg:$0x1];
	p0 =	sne.s32 s2, $0x0  }
0xa8: {  	s3 =	rddreg [dreg:$0x2];
	[bflag:$0x3] =	sbarrier.arrive $0xFFFF;
	s2 =	simm.s32 @!p0 $0x1C01  }
0xa9: {  	[timem:s3], [sflag:s2] =	dma.local @!p0 [hbm:s0], s1  }
0xaa: {  	s0 =	simm.s32 @!p0 $0x1  }
0xab: {  	_ =	swait.ge @!p0 [sflag:s0], s1  }
0xac: {  	s1 =	ssub.s32 @!p0 $0x0, s1;
	[sflag:s0] =	ssyncset.done @!p0 $0x0  }
0xad: {  	[sflag:s0] =	ssyncadd.s32 @!p0 s1  }
0xae: {  	[bflag:$0x3] =	sbarrier.arrive $0xFFFF  }
0xaf: {  	_ =	shalt  }

// kernel: kernel.43.cloned.1.call-start
scs
__scs_entry_jumppad:
0x0: {  	(pc) =	sbr.rel $0x88, $3  }
0x1: {  	(tag) =	ssettag $0x0;
	lr =	simm.s32 $0x1  }
0x2: {  	[smem:$0x3F84] =	sst lr;
	_ =	strace $0xD0000000  }
0x3: {  	_ = 	snop  }
0x4: {  	_ = 	snop  }
0x5: {  	_ = 	snop  }
0x6: {  	_ = 	snop  }
0x7: {  	_ = 	snop  }
__scs_overlays_trampoline_lowered:
0x8: {  	[smem:$0x3F93] =	sst s0  }
0x9: {  	[smem:$0x3F94] =	sst s1  }
0xa: {  	[smem:$0x3F95] =	sst s2  }
0xb: {  	[smem:$0x3F96] =	sst s3  }
0xc: {  	[smem:$0x3F97] =	sst s4  }
0xd: {  	[smem:$0x3F98] =	sst s5  }
0xe: {  	[smem:$0x3F99] =	sst s6  }
0xf: {  	[smem:$0x3F9A] =	sst s7  }
0x10: {  	[smem:$0x3F9B] =	sst s8  }
0x11: {  	[smem:$0x3F9C] =	sst s9;
	s0 =	simm.s32 @!p0 $0x0  }
0x12: {  	s1 =	sld [smem:$0x3F82];
	s0 =	simm.s32 @p0 $0x1  }
0x13: {  	[smem:$0x3F9D] =	sst s0;
	s0 =	simm.s32 @!p1 $0x0  }
0x14: {  	s2 =	sld [smem:$0x3F81];
	s0 =	simm.s32 @p1 $0x1  }
0x15: {  	[smem:$0x3F9E] =	sst s0;
	s0 =	simm.s32 @!p2 $0x0  }
0x16: {  	s3 =	sld [smem:$0x3FDB];
	s0 =	simm.s32 @p2 $0x1  }
0x17: {  	s4 =	simm.s32 $0x1BF5;
	[smem:$0x3FA0] =	sst s0  }
0x18: {  	s0 =	sld [smem:$0x3F83];
	_ =	swait.ge [sflag:s4], $0x0  }
0x19: {  	s7 =	sld [smem:$0x3F84]  }
0x1a: {  	s8 =	sadd.s32 $0xFFFFE003, lr  }
0x1b: {  	s9 =	sadd.s32 $0xFFFFFEF7, lr;
	s5 =	simm.s32 $0xFFFFFFFF;
	p2 =	slt.u32 s8, $0xFFFFF086  }
0x1c: {  	p1 =	slt.u32 s9, $0xF7A;
	s5 =	simm.s32 @!p2 $0x0  }
0x1d: {  	s5 =	simm.s32 @p1 $0x1;
	p0 =	seq.s32 s7, s2  }
0x1e: {  	s7 =	smul.u32 @!p0 $0xF7A, s2;
	p2 =	seq.s32 @!p0 s5, $0x0  }
0x1f: {  	s9 =	smul.u32 $0xF7A, s1;
	s8 =	simm.s32 @!p0 $0x1BF5;
	p2 =	por !p2, p0  }
0x20: {  	[sflag:s8] =	ssyncset.s32 @!p0 $0xFFFFF086;
	s6 =	sadd.s32 @!p0 s3, s7;
	s7 =	simm.s32 @!p0 $0x108  }
0x21: {  	s3 =	sadd.s32 s3, s9;
	s6 =	sadd.s32 @!p0 $0x88, s6;
	s7 =	simm.s32 @p2 $0x1082  }
0x22: {  	[simem:s7], [sflag:s8] =	dma.local @!p0 [hbm:s6], $0xF7A  }
0x23: {  	s9 =	sor.u32 $0xD0000000, s2;
	s6 =	simm.s32 $0x108;
	_ =	swait.ge @!p0 [sflag:s8], $0x0  }
0x24: {  	s3 =	sadd.s32 $0x88, s3;
	s6 =	simm.s32 @!p1 $0x1082;
	[sflag:s4] =	ssyncset.s32 $0xFFFFF086  }
0x25: {  	[simem:s6], [sflag:s4] =	dma.local [hbm:s3], $0xF7A  }
0x26: {  	[smem:$0x3F84] =	sst s1;
	(tag) =	ssettag s2;
	_ =	strace s9  }
0x27: {  	s1 =	sld [smem:$0x3F94]  }
0x28: {  	s2 =	sld [smem:$0x3F95]  }
0x29: {  	s4 =	sld [smem:$0x3F97]  }
0x2a: {  	p0 =	seq.s32 s5, $0x0;
	s5 =	sld [smem:$0x3F98]  }
0x2b: {  	s6 =	sld [smem:$0x3F99]  }
0x2c: {  	s7 =	sld [smem:$0x3F9A]  }
0x2d: {  	s3 =	simm.s32 $0x108;
	s8 =	sld [smem:$0x3F9B]  }
0x2e: {  	s3 =	simm.s32 @!p0 $0x1082;
	s9 =	sld [smem:$0x3F9C]  }
0x2f: {  	lr =	sadd.s32 s0, s3;
	s0 =	sld [smem:$0x3F93]  }
0x30: {  	s3 =	sld [smem:$0x3F96]  }
0x31: {  	[smem:$0x3F9F] =	sst s10  }
0x32: {  	s10 =	sld [smem:$0x3F9D];
	_ =	sdelay $0x3  }
0x33: {  	p0 =	seq.s32 s10, $0x1;
	s10 =	sld [smem:$0x3F9F];
	_ =	sdelay $0x3  }
0x34: {  	[smem:$0x3F9F] =	sst s10  }
0x35: {  	s10 =	sld [smem:$0x3F9E];
	_ =	sdelay $0x3  }
0x36: {  	p1 =	seq.s32 s10, $0x1;
	s10 =	sld [smem:$0x3F9F];
	_ =	sdelay $0x3  }
0x37: {  	[smem:$0x3F9F] =	sst s10  }
0x38: {  	s10 =	sld [smem:$0x3FA0]  }
0x39: {  	_ = 	snop;
	(pc) =	sbr.ind lr, $3  }
0x3a: {  	_ = 	snop  }
0x3b: {  	_ = 	snop  }
0x3c: {  	p2 =	seq.s32 s10, $0x1;
	s10 =	sld [smem:$0x3F9F]  }
0x3d: {  	_ =	shalt  }
0x3e: {  	_ =	shalt  }
0x3f: {  	_ =	shalt  }
0x40: {  	_ =	shalt  }
0x41: {  	_ =	shalt  }
0x42: {  	_ =	shalt  }
0x43: {  	_ =	shalt  }
0x44: {  	_ =	shalt  }
0x45: {  	_ =	shalt  }
0x46: {  	_ =	shalt  }
0x47: {  	_ =	shalt  }
0x48: {  	_ =	shalt  }
0x49: {  	_ =	shalt  }
0x4a: {  	_ =	shalt  }
0x4b: {  	_ =	shalt  }
0x4c: {  	_ =	shalt  }
0x4d: {  	_ =	shalt  }
0x4e: {  	_ =	shalt  }
0x4f: {  	_ =	shalt  }
0x50: {  	_ =	shalt  }
0x51: {  	_ =	shalt  }
0x52: {  	_ =	shalt  }
0x53: {  	_ =	shalt  }
0x54: {  	_ =	shalt  }
0x55: {  	_ =	shalt  }
0x56: {  	_ =	shalt  }
0x57: {  	_ =	shalt  }
0x58: {  	_ =	shalt  }
0x59: {  	_ =	shalt  }
0x5a: {  	_ =	shalt  }
0x5b: {  	_ =	shalt  }
0x5c: {  	_ =	shalt  }
0x5d: {  	_ =	shalt  }
0x5e: {  	_ =	shalt  }
0x5f: {  	_ =	shalt  }
0x60: {  	_ =	shalt  }
0x61: {  	_ =	shalt  }
0x62: {  	_ =	shalt  }
0x63: {  	_ =	shalt  }
0x64: {  	_ =	shalt  }
0x65: {  	_ =	shalt  }
0x66: {  	_ =	shalt  }
0x67: {  	_ =	shalt  }
0x68: {  	_ =	shalt  }
0x69: {  	_ =	shalt  }
0x6a: {  	_ =	shalt  }
0x6b: {  	_ =	shalt  }
0x6c: {  	_ =	shalt  }
0x6d: {  	_ =	shalt  }
0x6e: {  	_ =	shalt  }
0x6f: {  	_ =	shalt  }
0x70: {  	_ =	shalt  }
0x71: {  	_ =	shalt  }
0x72: {  	_ =	shalt  }
0x73: {  	_ =	shalt  }
0x74: {  	_ =	shalt  }
0x75: {  	_ =	shalt  }
0x76: {  	_ =	shalt  }
0x77: {  	_ =	shalt  }
0x78: {  	_ =	shalt  }
0x79: {  	_ =	shalt  }
0x7a: {  	_ =	shalt  }
0x7b: {  	_ =	shalt  }
0x7c: {  	_ =	shalt  }
0x7d: {  	_ =	shalt  }
0x7e: {  	_ =	shalt  }
0x7f: {  	_ =	shalt  }
0x80: {  	_ =	shalt  }
0x81: {  	_ =	shalt  }
0x82: {  	_ =	shalt  }
0x83: {  	_ =	shalt  }
0x84: {  	_ =	shalt  }
0x85: {  	_ =	shalt  }
0x86: {  	_ =	shalt  }
0x87: {  	_ =	shalt  }
.Lfunc_end0:
.L_simem_size_0:
called_computation.7_lowered:
.L_overlay_start_0:
0x88: {  	s2 =	sld [smem:$0x3FD9]  }
0x89: {  	s3 =	sld [smem:$0x3FFE];
	_ =	sdelay $0x1  }
0x8a: {  	s1 =	srdreg.scid  }
0x8b: {  	s0 =	sand.u32 $0x1, s1  }
0x8c: {  	s17 =	sshll.u32 s0, $0xA;
	s2 =	sadd.s32 s3, s2  }
0x8d: {  	s2 =	sadd.s32 s2, s17  }
0x8e: {  	[smem:$0x3FAB] =	sst s2  }
0x8f: {  	_ = 	snop  }
0x90: {  	(tm) =	ssettm $0x1  }
0x91: {  	s18 =	sld [smem:$0x3FFB];
	_ =	sdelay $0x3  }
0x92: {  	_ =	strace s18  }
0x93: {  	s2 =	sld [smem:$0x3FFC];
	_ =	sdelay $0x3  }
0x94: {  	_ =	strace s2  }
0x95: {  	s2 =	sld [smem:$0x3FFD];
	_ =	sdelay $0x3  }
0x96: {  	_ =	strace s2  }
0x97: {  	_ =	strace $0x8FFFFFFF  }
0x98: {  	s19 =	sld [smem:$0x3FDB];
	_ =	sdelay $0x1  }
0x99: {  	s20 =	simm.s32 $_scs_section_size  }
0x9a: {  	s4 =	simm.s32 $_size__tile_overlayer_lowered;
	s5 =	simm.s32 $_tile_overlayer_lowered  }
0x9b: {  	s6 =	simm.s32 $0x1BFF;
	s21 =	sshll.u32 s5, $0x1;
	s3 =	sadd.s32 s20, s19  }
0x9c: {  	s22 =	simm.s32 $0x0;
	s4 =	sshll.u32 s4, $0x1;
	s5 =	sadd.s32 s21, s3  }
0x9d: {  	[timem:s22], [sflag:s6] =	dma.local [hbm:s5], s4  }
0x9e: {  	_ =	swait.ge [sflag:s6], s4  }
0x9f: {  	s4 =	ssub.s32 $0x0, s4;
	[sflag:s6] =	ssyncset.done $0x0  }
0xa0: {  	[sflag:s6] =	ssyncadd.s32 s4;
	_ =	sdelay $0x1  }
0xa1: {  	s23 =	simm.s32 $0x1B8B  }
0xa2: {  	_ =	swait.ge [sflag:s23], $0x1  }
0xa3: {  	[sflag:s23] =	ssyncset.done $0x0  }
0xa4: {  	[sflag:s23] =	ssyncadd.s32 $0xFFFFFFFF  }
0xa5: {  	s4 =	sld [smem:$0x0]  }
0xa6: {  	s5 =	sand.u32 $0xFFFFFFFE, s1  }
0xa7: {  	p0 =	sne.s32 s1, s5  }
0xa8: {  	s5 =	sshll.u32 @p0 s5, $0xE  }
0xa9: {  	s5 =	sadd.s32 @p0 $0x11B8D, s5;
	s6 =	sshll.u32 @p0 s4, $0x11  }
0xaa: {  	s5 =	sor.u32 @p0 s6, s5  }
0xab: {  	[sflag:s5] =	ssyncadd.remote.s32 @p0 $0x1;
	_ =	sdelay $0x1  }
0xac: {  	s5 =	simm.s32 @p0 $0x1B8D  }
0xad: {  	_ =	swait.eq @p0 [sflag:s5], $0x1  }
0xae: {  	[sflag:s5] =	ssyncadd.s32 @p0 $0xFFFFFFFF  }
0xaf: {  	s6 =	sshll.u32 @!p0 s1, $0xE  }
0xb0: {  	s6 =	sor.u32 @!p0 $0x4000, s6;
	s5 =	simm.s32 @!p0 $0x1B8D  }
0xb1: {  	s4 =	sshll.u32 @!p0 s4, $0x11;
	s6 =	sadd.s32 @!p0 $0x11B8D, s6;
	_ =	swait.eq @!p0 [sflag:s5], $0x1  }
0xb2: {  	s4 =	sor.u32 @!p0 s4, s6;
	[sflag:s5] =	ssyncadd.s32 @!p0 $0xFFFFFFFF  }
0xb3: {  	s25 =	simm.s32 $0x1B8E;
	s24 =	sld [smem:$0x3FFE];
	[sflag:s4] =	ssyncadd.remote.s32 @!p0 $0x1  }
0xb4: {  	s26 =	simm.s32 $execute0_lowered;
	[smem:$0x3FD2] =	sst s25  }
0xb5: {  	s5 =	sshll.u32 s26, $0x1;
	_ =	strace $0x80000058;
	[dreg:$0x1] =	wrdreg $0xFFFFFFFF  }
0xb6: {  	s28 =	simm.s32 $_size_execute0_lowered;
	s3 =	sadd.s32 s3, s5;
	[dreg:$0x0] =	wrdreg $0x0  }
0xb7: {  	s5 =	sshll.u32 s28, $0x1;
	[dreg:$0x2] =	wrdreg s3  }
0xb8: {  	[dreg:$0x3] =	wrdreg s5  }
0xb9: {  	[dreg:$0x4] =	wrdreg $0xC0  }
0xba: {  	_ =	task [dreg:s22], $0x5FFFF  }
0xbb: {  	[dreg:$0x1] =	wrdreg $0xFFFFFFFF  }
0xbc: {  	[dreg:$0x0] =	wrdreg $0x60  }
0xbd: {  	[dreg:$0x2] =	wrdreg s24  }
0xbe: {  	[dreg:$0x3] =	wrdreg $0x80E80  }
0xbf: {  	[dreg:$0x4] =	wrdreg $0xA  }
0xc0: {  	_ =	task.clear_ibuf [dreg:s22], $0x5FFFF;
	_ =	strace $0x90000058  }
0xc1: {  	s29 =	simm.s32 $0xA;
	_ =	strace $0x8000005A  }
0xc2: {  	_ =	swait.ge [sflag:s29], $0x1  }
0xc3: {  	[sflag:s29] =	ssyncadd.s32 $0xFFFFFFFF  }
0xc4: {  	_ =	strace $0x9000005A  }
0xc5: {  	_ =	sfence  }
0xc6: {  	s30 =	sld [smem:$0x0];
	_ =	sdelay $0x2  }
0xc7: {  	s31 =	sshll.u32 s1, $0xD;
	s1 =	sshrl.u32 s1, $0x2  }
0xc8: {  	s4 =	sand.u32 $0x4000, s31;
	s1 =	sadd.s32 s1, s30  }
0xc9: {  	s0 =	sor.u32 s4, s0;
	s1 =	sshll.u32 s1, $0x11  }
0xca: {  	s0 =	sor.u32 s1, s0  }
0xcb: {  	s0 =	sadd.s32 $0x8F2B, s0  }
0xcc: {  	[sflag:s0] =	ssyncadd.remote.s32 $0x1  }
0xcd: {  	_ =	sfence.sel $0xFFFF  }
0xce: {  	[dreg:$0x0] =	wrdreg $0xFFFFFFFF;
	(pc) =	sbr.abs _section_cstart, $3  }
0xcf: {  	[dreg:$0x1] =	wrdreg $0xFFFFFFFF  }
0xd0: {  	_ =	task.clear_ibuf [dreg:s22], $0x2FFFF;
	_ =	strace $0x9FFFFFFF  }
0xd1: {  	(tm) =	ssettm $0x7FFFFFFF  }
tec
execute0_lowered:
.L_overlay_start_1:
0x0: {  	(tag) =	ssettag $0x1  }
0x1: {  	s3 =	rddreg [dreg:$0x0]  }
0x2: {  	s1 =	rddreg [dreg:$0x1];
	s2 =	srdreg.scid  }
0x3: {  	s0 =	rddreg [dreg:$0x2];
	s7 =	stileid.u32  }
0x4: {  	p1 =	por $0x0, $0x0;
	s4 =	sand.u32 $0x1, s2;
	s2 =	simm.s32 $0x0  }
0x5: {  	s8 =	smul.u32 $0x4E20, s7;
	s6 =	sadd.s32 $0x48F800, s3;
	s9 =	sshll.u32 s7, $0x1  }
0x6: {  	s11 =	sadd.s32 $0xDE00, s3;
	p0 =	sne.s32 s7, $0x0;
	s5 =	smul.u32 $0x4E200, s4  }
0x7: {  	s7 =	sshll.u32 s7, $0x6;
	s10 =	smul.u32 $0x9C40, s4;
	s9 =	sor.u32 s4, s9  }
0x8: {  	[smem:$0x7FF] =	sst s2;
	s4 =	ssub.s32 $0x2, s4;
	s12 =	smul.u32 $0x7D0, s9  }
0x9: {  	s7 =	sor.u32 $0x1C01, s7;
	_ =	strace $0x80000059;
	s15 =	smul.u32 $0x3E800, s9  }
0xa: {  	s24 =	sshrl.u32 s4, $0x1;
	s9 =	smul.u32 $0x7D00, s9;
	s5 =	sadd.s32 s8, s5  }
0xb: {  	s10 =	sadd.s32 s10, s3;
	s4 =	ssub.s32 s4, s24;
	s8 =	sadd.s32 s8, s1  }
0xc: {  	s5 =	sshrl.u32 s5, $0x3;
	s14 =	sshrl.u32 s12, $0x3;
	s31 =	smax.u32 s4, $0x1  }
0xd: {  	s13 =	sadd.s32 $0x3A000, s10;
	s26 =	sadd.s32 $0x17AE8, s12;
	s18 =	sadd.s32 $0xFFFFFFFF, s31  }
0xe: {  	s28 =	sshrl.u32 s15, $0x3;
	s12 =	sadd.s32 s6, s9;
	p2 =	sne.s32 s18, $0x0  }
.Ltmp0:
0xf: {  	s15 =	sshrl.u32 @!p0 s1, $0x3;
	s4 =	simm.s32 $0x1;
	(pc) =	sbr.rel @!p2 .LBB2_3-.Ltmp0, $4  }
0x10: {  	s10 =	simm.s32 $0x20;
	s9 =	simm.s32 $0x3E8;
	s8 =	sshrl.u32 s8, $0x3  }
0x11: {  	s3 =	sadd.s32 s5, s3;
	s25 =	sadd.s32 s11, s14;
	s29 =	sshrl.u32 s26, $0x3  }
0x12: {  	s30 =	sadd.s32 s6, s28;
	s14 =	sadd.s32 $0x2EE0, s25;
	s6 =	sadd.s32 s11, s29  }
0x13: {  	s5 =	sadd.s32 $0x3E80, s30;
	s3 =	sadd.s32 $0x57800, s3;
	s11 =	simm.s32 $0x80  }
0x14: {  	s16 =	simm.s32 @!p0 $0x1C01;
	s17 =	simm.s32 @!p0 $0x1  }
0x15: {  	[spmem:s15], [sflag:s16] =	dma.local @!p0 [hbm:s13], $0x9C40  }
0x16: {  	_ =	swait.ge @!p0 [sflag:s17], $0x9C40  }
0x17: {  	[sflag:s17] =	ssyncset.done @!p0 $0x0  }
0x18: {  	[sflag:s17] =	ssyncadd.s32 @!p0 $0xFFFF63C0  }
0x19: {  	[bflag:$0x0] =	sbarrier.arrive $0xFFFF  }
0x1a: {  	[tilespmem:s2], [sflag:$0x1] =	stream.linear.gather [hbm4b:s14+s2], $0x3E8, $0x38;
	[tilespmem:$0xCF08] =	vst v63  }
0x1b: {  	_ =	swait.ge [sflag:s4], $0x3E8  }
0x1c: {  	[sflag:s4] =	ssyncset.done $0x0  }
0x1d: {  	[sflag:s4] =	ssyncadd.s32 $0xFFFFFC18  }
0x1e: {  	[tilespmem:s9], [sflag:$0x1] =	stream.strided.gather [hbm4b:s12+s10], $0x7D00, s11, s10, $0x38;
	[tilespmem:$0xCF08] =	vst v63  }
0x1f: {  	_ =	swait.ge [sflag:s4], $0x7D00  }
0x20: {  	[sflag:s4] =	ssyncset.done $0x0  }
0x21: {  	[sflag:s4] =	ssyncadd.s32 $0xFFFF8300  }
0x22: {  	[spmem:s1] =	stream.indirect.scatter.add.f32 [tilespmem:s9], [sflag:$0x1], $0x20, s2, s9, $0xb8;
	[tilespmem:$0xCF08] =	vst v63  }
0x23: {  	_ =	swait.ge [sflag:s4], $0x7D00  }
0x24: {  	[sflag:s4] =	ssyncset.done $0x0  }
0x25: {  	[sflag:s4] =	ssyncadd.s32 $0xFFFF8300  }
0x26: {  	[tilespmem:s2], [sflag:$0x1] =	stream.linear.gather [hbm4b:s6+s2], $0x3E8, $0x38;
	[tilespmem:$0xCF08] =	vst v63  }
0x27: {  	_ =	swait.ge [sflag:s4], $0x3E8  }
0x28: {  	[sflag:s4] =	ssyncset.done $0x0  }
0x29: {  	[sflag:s4] =	ssyncadd.s32 $0xFFFFFC18  }
0x2a: {  	[tilespmem:s9], [sflag:$0x1] =	stream.strided.gather [hbm4b:s5+s10], $0x7D00, s11, s10, $0x38;
	[tilespmem:$0xCF08] =	vst v63  }
0x2b: {  	_ =	swait.ge [sflag:s4], $0x7D00  }
0x2c: {  	[sflag:s4] =	ssyncset.done $0x0  }
0x2d: {  	[sflag:s4] =	ssyncadd.s32 $0xFFFF8300  }
0x2e: {  	[spmem:s1] =	stream.indirect.scatter.add.f32 [tilespmem:s9], [sflag:$0x1], $0x20, s2, s9, $0xb8;
	[tilespmem:$0xCF08] =	vst v63  }
0x2f: {  	s18 =	sadd.s32 $0xFFFFFFFF, s18;
	_ =	swait.ge [sflag:s4], $0x7D00  }
0x30: {  	p2 =	sne.s32 s18, $0x0;
	[sflag:s4] =	ssyncset.done $0x0  }
.Ltmp1:
0x31: {  	[sflag:s4] =	ssyncadd.s32 $0xFFFF8300;
	(pc) =	sbr.rel @!p2 .LBB2_3-.Ltmp1, $4  }
0x32: {  	[bflag:$0x0] =	sbarrier.arrive $0xFFFF  }
0x33: {  	[hbm:s3], [sflag:s7] =	dma.local [spmem:s8], $0x9C4  }
0x34: {  	_ =	swait.ge [sflag:s4], $0x9C4  }
0x35: {  	p1 =	por $0x1, $0x1;
	[sflag:s4] =	ssyncset.done $0x0  }
.LBB2_2:
0x36: {  	[sflag:s4] =	ssyncadd.s32 $0xFFFFF63C  }
0x37: {  	[spmem:s15], [sflag:s16] =	dma.local @!p0 [hbm:s13], $0x9C40  }
0x38: {  	s18 =	sadd.s32 $0xFFFFFFFF, s18;
	_ =	swait.ge @!p0 [sflag:s17], $0x9C40  }
0x39: {  	p2 =	sne.s32 s18, $0x0;
	[sflag:s17] =	ssyncset.done @!p0 $0x0  }
0x3a: {  	[sflag:s17] =	ssyncadd.s32 @!p0 $0xFFFF63C0  }
0x3b: {  	[bflag:$0x0] =	sbarrier.arrive $0xFFFF  }
0x3c: {  	[tilespmem:s2], [sflag:$0x1] =	stream.linear.gather [hbm4b:s14+s2], $0x3E8, $0x38;
	[tilespmem:$0xCF08] =	vst v63  }
0x3d: {  	_ =	swait.ge [sflag:s4], $0x3E8  }
0x3e: {  	[sflag:s4] =	ssyncset.done $0x0  }
0x3f: {  	[sflag:s4] =	ssyncadd.s32 $0xFFFFFC18  }
0x40: {  	[tilespmem:s9], [sflag:$0x1] =	stream.strided.gather [hbm4b:s12+s10], $0x7D00, s11, s10, $0x38;
	[tilespmem:$0xCF08] =	vst v63  }
0x41: {  	_ =	swait.ge [sflag:s4], $0x7D00  }
0x42: {  	[sflag:s4] =	ssyncset.done $0x0  }
0x43: {  	[sflag:s4] =	ssyncadd.s32 $0xFFFF8300  }
0x44: {  	[spmem:s1] =	stream.indirect.scatter.add.f32 [tilespmem:s9], [sflag:$0x1], $0x20, s2, s9, $0xb8;
	[tilespmem:$0xCF08] =	vst v63  }
0x45: {  	_ =	swait.ge [sflag:s4], $0x7D00  }
0x46: {  	[sflag:s4] =	ssyncset.done $0x0  }
0x47: {  	[sflag:s4] =	ssyncadd.s32 $0xFFFF8300  }
0x48: {  	[tilespmem:s2], [sflag:$0x1] =	stream.linear.gather [hbm4b:s6+s2], $0x3E8, $0x38;
	[tilespmem:$0xCF08] =	vst v63  }
0x49: {  	_ =	swait.ge [sflag:s4], $0x3E8  }
0x4a: {  	[sflag:s4] =	ssyncset.done $0x0  }
0x4b: {  	[sflag:s4] =	ssyncadd.s32 $0xFFFFFC18  }
0x4c: {  	[tilespmem:s9], [sflag:$0x1] =	stream.strided.gather [hbm4b:s5+s10], $0x7D00, s11, s10, $0x38;
	[tilespmem:$0xCF08] =	vst v63  }
0x4d: {  	_ =	swait.ge [sflag:s4], $0x7D00  }
0x4e: {  	[sflag:s4] =	ssyncset.done $0x0  }
0x4f: {  	[sflag:s4] =	ssyncadd.s32 $0xFFFF8300  }
0x50: {  	[spmem:s1] =	stream.indirect.scatter.add.f32 [tilespmem:s9], [sflag:$0x1], $0x20, s2, s9, $0xb8;
	[tilespmem:$0xCF08] =	vst v63  }
0x51: {  	_ =	swait.ge [sflag:s4], $0x7D00  }
0x52: {  	[sflag:s4] =	ssyncset.done $0x0  }
.Ltmp2:
0x53: {  	[sflag:s4] =	ssyncadd.s32 $0xFFFF8300;
	(pc) =	sbr.rel @p2 .LBB2_2-.Ltmp2, $4  }
0x54: {  	[bflag:$0x0] =	sbarrier.arrive $0xFFFF  }
0x55: {  	[hbm:s3], [sflag:s7] =	dma.local [spmem:s8], $0x9C4  }
0x56: {  	_ =	swait.ge [sflag:s4], $0x9C4  }
0x57: {  	[sflag:s4] =	ssyncset.done $0x0  }
.LBB2_3:
0x58: {  	s16 =	simm.s32 @!p0 $0x1C01;
	s17 =	simm.s32 @!p0 $0x1;
	[sflag:s4] =	ssyncadd.s32 @p1 $0xFFFFF63C  }
0x59: {  	[spmem:s15], [sflag:s16] =	dma.local @!p0 [hbm:s13], $0x9C40  }
0x5a: {  	_ =	swait.ge @!p0 [sflag:s17], $0x9C40  }
0x5b: {  	[sflag:s17] =	ssyncset.done @!p0 $0x0  }
0x5c: {  	[sflag:s17] =	ssyncadd.s32 @!p0 $0xFFFF63C0  }
0x5d: {  	[bflag:$0x0] =	sbarrier.arrive $0xFFFF  }
0x5e: {  	[tilespmem:s2], [sflag:$0x1] =	stream.linear.gather [hbm4b:s14+s2], $0x3E8, $0x38;
	[tilespmem:$0xCF08] =	vst v63  }
0x5f: {  	_ =	swait.ge [sflag:s4], $0x3E8  }
0x60: {  	[sflag:s4] =	ssyncset.done $0x0  }
0x61: {  	[sflag:s4] =	ssyncadd.s32 $0xFFFFFC18  }
0x62: {  	[tilespmem:s9], [sflag:$0x1] =	stream.strided.gather [hbm4b:s12+s10], $0x7D00, s11, s10, $0x38;
	[tilespmem:$0xCF08] =	vst v63  }
0x63: {  	_ =	swait.ge [sflag:s4], $0x7D00  }
0x64: {  	[sflag:s4] =	ssyncset.done $0x0  }
0x65: {  	[sflag:s4] =	ssyncadd.s32 $0xFFFF8300  }
0x66: {  	[spmem:s1] =	stream.indirect.scatter.add.f32 [tilespmem:s9], [sflag:$0x1], $0x20, s2, s9, $0xb8;
	[tilespmem:$0xCF08] =	vst v63  }
0x67: {  	_ =	swait.ge [sflag:s4], $0x7D00  }
0x68: {  	[sflag:s4] =	ssyncset.done $0x0  }
0x69: {  	[sflag:s4] =	ssyncadd.s32 $0xFFFF8300  }
0x6a: {  	[tilespmem:s2], [sflag:$0x1] =	stream.linear.gather [hbm4b:s6+s2], $0x3E8, $0x38;
	[tilespmem:$0xCF08] =	vst v63  }
0x6b: {  	_ =	swait.ge [sflag:s4], $0x3E8  }
0x6c: {  	[sflag:s4] =	ssyncset.done $0x0  }
0x6d: {  	[sflag:s4] =	ssyncadd.s32 $0xFFFFFC18  }
0x6e: {  	[tilespmem:s9], [sflag:$0x1] =	stream.strided.gather [hbm4b:s5+s10], $0x7D00, s11, s10, $0x38;
	[tilespmem:$0xCF08] =	vst v63  }
0x6f: {  	_ =	swait.ge [sflag:s4], $0x7D00  }
0x70: {  	[sflag:s4] =	ssyncset.done $0x0  }
0x71: {  	[sflag:s4] =	ssyncadd.s32 $0xFFFF8300  }
0x72: {  	[spmem:s1] =	stream.indirect.scatter.add.f32 [tilespmem:s9], [sflag:$0x1], $0x20, s2, s9, $0xb8;
	[tilespmem:$0xCF08] =	vst v63  }
0x73: {  	_ =	swait.ge [sflag:s4], $0x7D00  }
0x74: {  	[sflag:s4] =	ssyncset.done $0x0  }
0x75: {  	[sflag:s4] =	ssyncadd.s32 $0xFFFF8300  }
0x76: {  	[bflag:$0x0] =	sbarrier.arrive $0xFFFF  }
0x77: {  	[hbm:s3], [sflag:s7] =	dma.local [spmem:s8], $0x9C4  }
0x78: {  	_ =	swait.ge [sflag:s4], $0x9C4  }
0x79: {  	[sflag:s4] =	ssyncset.done $0x0  }
0x7a: {  	[sflag:s4] =	ssyncadd.s32 $0xFFFFF63C  }
0x7b: {  	_ =	sfence.sel $0x180000  }
0x7c: {  	[bflag:$0x0] =	sbarrier.arrive $0xFFFF  }
0x7d: {  	_ =	strace $0x90000059  }
0x7e: {  	s0 =	sadd.s32 @!p0 $0x100000, s0;
	[bflag:$0x2] =	sbarrier.arrive $0xFFFF  }
0x7f: {  	[sflag:s0] =	ssyncadd.tile.s32 @!p0 $0x1;
	_ =	shalt  }
.Lfunc_end2:
_tile_overlayer_lowered:
.L_overlay_start_2:
0x80: {  	(tag) =	ssettag $0x2  }
0x81: {  	s0 =	rddreg [dreg:$0x0];
	s2 =	stileid.u32  }
0x82: {  	s1 =	rddreg [dreg:$0x1];
	p0 =	sne.s32 s2, $0x0  }
0x83: {  	s3 =	rddreg [dreg:$0x2];
	[bflag:$0x3] =	sbarrier.arrive $0xFFFF;
	s2 =	simm.s32 @!p0 $0x1C01  }
0x84: {  	[timem:s3], [sflag:s2] =	dma.local @!p0 [hbm:s0], s1  }
0x85: {  	s0 =	simm.s32 @!p0 $0x1  }
0x86: {  	_ =	swait.ge @!p0 [sflag:s0], s1  }
0x87: {  	s1 =	ssub.s32 @!p0 $0x0, s1;
	[sflag:s0] =	ssyncset.done @!p0 $0x0  }
0x88: {  	[sflag:s0] =	ssyncadd.s32 @!p0 s1  }
0x89: {  	[bflag:$0x3] =	sbarrier.arrive $0xFFFF  }
0x8a: {  	_ =	shalt  }

// kernel: kernel.46.cloned.1.call-start
scs
__scs_entry_jumppad:
0x0: {  	(pc) =	sbr.rel $0x88, $3  }
0x1: {  	(tag) =	ssettag $0x0;
	lr =	simm.s32 $0x1  }
0x2: {  	[smem:$0x3F84] =	sst lr;
	_ =	strace $0xD0000000  }
0x3: {  	_ = 	snop  }
0x4: {  	_ = 	snop  }
0x5: {  	_ = 	snop  }
0x6: {  	_ = 	snop  }
0x7: {  	_ = 	snop  }
__scs_overlays_trampoline_lowered:
0x8: {  	[smem:$0x3F93] =	sst s0  }
0x9: {  	[smem:$0x3F94] =	sst s1  }
0xa: {  	[smem:$0x3F95] =	sst s2  }
0xb: {  	[smem:$0x3F96] =	sst s3  }
0xc: {  	[smem:$0x3F97] =	sst s4  }
0xd: {  	[smem:$0x3F98] =	sst s5  }
0xe: {  	[smem:$0x3F99] =	sst s6  }
0xf: {  	[smem:$0x3F9A] =	sst s7  }
0x10: {  	[smem:$0x3F9B] =	sst s8  }
0x11: {  	[smem:$0x3F9C] =	sst s9;
	s0 =	simm.s32 @!p0 $0x0  }
0x12: {  	s1 =	sld [smem:$0x3F82];
	s0 =	simm.s32 @p0 $0x1  }
0x13: {  	[smem:$0x3F9D] =	sst s0;
	s0 =	simm.s32 @!p1 $0x0  }
0x14: {  	s2 =	sld [smem:$0x3F81];
	s0 =	simm.s32 @p1 $0x1  }
0x15: {  	[smem:$0x3F9E] =	sst s0;
	s0 =	simm.s32 @!p2 $0x0  }
0x16: {  	s3 =	sld [smem:$0x3FDB];
	s0 =	simm.s32 @p2 $0x1  }
0x17: {  	s4 =	simm.s32 $0x1BF5;
	[smem:$0x3FA0] =	sst s0  }
0x18: {  	s0 =	sld [smem:$0x3F83];
	_ =	swait.ge [sflag:s4], $0x0  }
0x19: {  	s7 =	sld [smem:$0x3F84]  }
0x1a: {  	s8 =	sadd.s32 $0xFFFFE003, lr  }
0x1b: {  	s9 =	sadd.s32 $0xFFFFFEF7, lr;
	s5 =	simm.s32 $0xFFFFFFFF;
	p2 =	slt.u32 s8, $0xFFFFF086  }
0x1c: {  	p1 =	slt.u32 s9, $0xF7A;
	s5 =	simm.s32 @!p2 $0x0  }
0x1d: {  	s5 =	simm.s32 @p1 $0x1;
	p0 =	seq.s32 s7, s2  }
0x1e: {  	s7 =	smul.u32 @!p0 $0xF7A, s2;
	p2 =	seq.s32 @!p0 s5, $0x0  }
0x1f: {  	s9 =	smul.u32 $0xF7A, s1;
	s8 =	simm.s32 @!p0 $0x1BF5;
	p2 =	por !p2, p0  }
0x20: {  	[sflag:s8] =	ssyncset.s32 @!p0 $0xFFFFF086;
	s6 =	sadd.s32 @!p0 s3, s7;
	s7 =	simm.s32 @!p0 $0x108  }
0x21: {  	s3 =	sadd.s32 s3, s9;
	s6 =	sadd.s32 @!p0 $0x88, s6;
	s7 =	simm.s32 @p2 $0x1082  }
0x22: {  	[simem:s7], [sflag:s8] =	dma.local @!p0 [hbm:s6], $0xF7A  }
0x23: {  	s9 =	sor.u32 $0xD0000000, s2;
	s6 =	simm.s32 $0x108;
	_ =	swait.ge @!p0 [sflag:s8], $0x0  }
0x24: {  	s3 =	sadd.s32 $0x88, s3;
	s6 =	simm.s32 @!p1 $0x1082;
	[sflag:s4] =	ssyncset.s32 $0xFFFFF086  }
0x25: {  	[simem:s6], [sflag:s4] =	dma.local [hbm:s3], $0xF7A  }
0x26: {  	[smem:$0x3F84] =	sst s1;
	(tag) =	ssettag s2;
	_ =	strace s9  }
0x27: {  	s1 =	sld [smem:$0x3F94]  }
0x28: {  	s2 =	sld [smem:$0x3F95]  }
0x29: {  	s4 =	sld [smem:$0x3F97]  }
0x2a: {  	p0 =	seq.s32 s5, $0x0;
	s5 =	sld [smem:$0x3F98]  }
0x2b: {  	s6 =	sld [smem:$0x3F99]  }
0x2c: {  	s7 =	sld [smem:$0x3F9A]  }
0x2d: {  	s3 =	simm.s32 $0x108;
	s8 =	sld [smem:$0x3F9B]  }
0x2e: {  	s3 =	simm.s32 @!p0 $0x1082;
	s9 =	sld [smem:$0x3F9C]  }
0x2f: {  	lr =	sadd.s32 s0, s3;
	s0 =	sld [smem:$0x3F93]  }
0x30: {  	s3 =	sld [smem:$0x3F96]  }
0x31: {  	[smem:$0x3F9F] =	sst s10  }
0x32: {  	s10 =	sld [smem:$0x3F9D];
	_ =	sdelay $0x3  }
0x33: {  	p0 =	seq.s32 s10, $0x1;
	s10 =	sld [smem:$0x3F9F];
	_ =	sdelay $0x3  }
0x34: {  	[smem:$0x3F9F] =	sst s10  }
0x35: {  	s10 =	sld [smem:$0x3F9E];
	_ =	sdelay $0x3  }
0x36: {  	p1 =	seq.s32 s10, $0x1;
	s10 =	sld [smem:$0x3F9F];
	_ =	sdelay $0x3  }
0x37: {  	[smem:$0x3F9F] =	sst s10  }
0x38: {  	s10 =	sld [smem:$0x3FA0]  }
0x39: {  	_ = 	snop;
	(pc) =	sbr.ind lr, $3  }
0x3a: {  	_ = 	snop  }
0x3b: {  	_ = 	snop  }
0x3c: {  	p2 =	seq.s32 s10, $0x1;
	s10 =	sld [smem:$0x3F9F]  }
0x3d: {  	_ =	shalt  }
0x3e: {  	_ =	shalt  }
0x3f: {  	_ =	shalt  }
0x40: {  	_ =	shalt  }
0x41: {  	_ =	shalt  }
0x42: {  	_ =	shalt  }
0x43: {  	_ =	shalt  }
0x44: {  	_ =	shalt  }
0x45: {  	_ =	shalt  }
0x46: {  	_ =	shalt  }
0x47: {  	_ =	shalt  }
0x48: {  	_ =	shalt  }
0x49: {  	_ =	shalt  }
0x4a: {  	_ =	shalt  }
0x4b: {  	_ =	shalt  }
0x4c: {  	_ =	shalt  }
0x4d: {  	_ =	shalt  }
0x4e: {  	_ =	shalt  }
0x4f: {  	_ =	shalt  }
0x50: {  	_ =	shalt  }
0x51: {  	_ =	shalt  }
0x52: {  	_ =	shalt  }
0x53: {  	_ =	shalt  }
0x54: {  	_ =	shalt  }
0x55: {  	_ =	shalt  }
0x56: {  	_ =	shalt  }
0x57: {  	_ =	shalt  }
0x58: {  	_ =	shalt  }
0x59: {  	_ =	shalt  }
0x5a: {  	_ =	shalt  }
0x5b: {  	_ =	shalt  }
0x5c: {  	_ =	shalt  }
0x5d: {  	_ =	shalt  }
0x5e: {  	_ =	shalt  }
0x5f: {  	_ =	shalt  }
0x60: {  	_ =	shalt  }
0x61: {  	_ =	shalt  }
0x62: {  	_ =	shalt  }
0x63: {  	_ =	shalt  }
0x64: {  	_ =	shalt  }
0x65: {  	_ =	shalt  }
0x66: {  	_ =	shalt  }
0x67: {  	_ =	shalt  }
0x68: {  	_ =	shalt  }
0x69: {  	_ =	shalt  }
0x6a: {  	_ =	shalt  }
0x6b: {  	_ =	shalt  }
0x6c: {  	_ =	shalt  }
0x6d: {  	_ =	shalt  }
0x6e: {  	_ =	shalt  }
0x6f: {  	_ =	shalt  }
0x70: {  	_ =	shalt  }
0x71: {  	_ =	shalt  }
0x72: {  	_ =	shalt  }
0x73: {  	_ =	shalt  }
0x74: {  	_ =	shalt  }
0x75: {  	_ =	shalt  }
0x76: {  	_ =	shalt  }
0x77: {  	_ =	shalt  }
0x78: {  	_ =	shalt  }
0x79: {  	_ =	shalt  }
0x7a: {  	_ =	shalt  }
0x7b: {  	_ =	shalt  }
0x7c: {  	_ =	shalt  }
0x7d: {  	_ =	shalt  }
0x7e: {  	_ =	shalt  }
0x7f: {  	_ =	shalt  }
0x80: {  	_ =	shalt  }
0x81: {  	_ =	shalt  }
0x82: {  	_ =	shalt  }
0x83: {  	_ =	shalt  }
0x84: {  	_ =	shalt  }
0x85: {  	_ =	shalt  }
0x86: {  	_ =	shalt  }
0x87: {  	_ =	shalt  }
.Lfunc_end0:
.L_simem_size_0:
called_computation.8_lowered:
.L_overlay_start_0:
0x88: {  	s2 =	sld [smem:$0x3FD9]  }
0x89: {  	s3 =	sld [smem:$0x3FFE];
	_ =	sdelay $0x1  }
0x8a: {  	s1 =	srdreg.scid  }
0x8b: {  	s0 =	sand.u32 $0x1, s1  }
0x8c: {  	s17 =	sshll.u32 s0, $0xA;
	s2 =	sadd.s32 s3, s2  }
0x8d: {  	s2 =	sadd.s32 s2, s17  }
0x8e: {  	[smem:$0x3FAB] =	sst s2  }
0x8f: {  	_ = 	snop  }
0x90: {  	(tm) =	ssettm $0x1  }
0x91: {  	s18 =	sld [smem:$0x3FFB];
	_ =	sdelay $0x3  }
0x92: {  	_ =	strace s18  }
0x93: {  	s2 =	sld [smem:$0x3FFC];
	_ =	sdelay $0x3  }
0x94: {  	_ =	strace s2  }
0x95: {  	s2 =	sld [smem:$0x3FFD];
	_ =	sdelay $0x3  }
0x96: {  	_ =	strace s2  }
0x97: {  	_ =	strace $0x8FFFFFFF  }
0x98: {  	s19 =	sld [smem:$0x3FDB];
	_ =	sdelay $0x1  }
0x99: {  	s20 =	simm.s32 $_scs_section_size  }
0x9a: {  	s4 =	simm.s32 $_size__tile_overlayer_lowered;
	s5 =	simm.s32 $_tile_overlayer_lowered  }
0x9b: {  	s6 =	simm.s32 $0x1BFF;
	s21 =	sshll.u32 s5, $0x1;
	s3 =	sadd.s32 s20, s19  }
0x9c: {  	s22 =	simm.s32 $0x0;
	s4 =	sshll.u32 s4, $0x1;
	s5 =	sadd.s32 s21, s3  }
0x9d: {  	[timem:s22], [sflag:s6] =	dma.local [hbm:s5], s4  }
0x9e: {  	_ =	swait.ge [sflag:s6], s4  }
0x9f: {  	s4 =	ssub.s32 $0x0, s4;
	[sflag:s6] =	ssyncset.done $0x0  }
0xa0: {  	[sflag:s6] =	ssyncadd.s32 s4;
	_ =	sdelay $0x1  }
0xa1: {  	s23 =	simm.s32 $0x1B8B  }
0xa2: {  	_ =	swait.ge [sflag:s23], $0x1  }
0xa3: {  	[sflag:s23] =	ssyncset.done $0x0  }
0xa4: {  	[sflag:s23] =	ssyncadd.s32 $0xFFFFFFFF  }
0xa5: {  	s4 =	sld [smem:$0x0]  }
0xa6: {  	s5 =	sand.u32 $0xFFFFFFFE, s1  }
0xa7: {  	p0 =	sne.s32 s1, s5  }
0xa8: {  	s5 =	sshll.u32 @p0 s5, $0xE  }
0xa9: {  	s5 =	sadd.s32 @p0 $0x11B8D, s5;
	s6 =	sshll.u32 @p0 s4, $0x11  }
0xaa: {  	s5 =	sor.u32 @p0 s6, s5  }
0xab: {  	[sflag:s5] =	ssyncadd.remote.s32 @p0 $0x1;
	_ =	sdelay $0x1  }
0xac: {  	s5 =	simm.s32 @p0 $0x1B8D  }
0xad: {  	_ =	swait.eq @p0 [sflag:s5], $0x1  }
0xae: {  	[sflag:s5] =	ssyncadd.s32 @p0 $0xFFFFFFFF  }
0xaf: {  	s6 =	sshll.u32 @!p0 s1, $0xE  }
0xb0: {  	s6 =	sor.u32 @!p0 $0x4000, s6;
	s5 =	simm.s32 @!p0 $0x1B8D  }
0xb1: {  	s4 =	sshll.u32 @!p0 s4, $0x11;
	s6 =	sadd.s32 @!p0 $0x11B8D, s6;
	_ =	swait.eq @!p0 [sflag:s5], $0x1  }
0xb2: {  	s4 =	sor.u32 @!p0 s4, s6;
	[sflag:s5] =	ssyncadd.s32 @!p0 $0xFFFFFFFF  }
0xb3: {  	s25 =	simm.s32 $0x1B8E;
	s24 =	sld [smem:$0x3FFE];
	[sflag:s4] =	ssyncadd.remote.s32 @!p0 $0x1  }
0xb4: {  	s26 =	simm.s32 $execute0_lowered;
	[smem:$0x3FD2] =	sst s25  }
0xb5: {  	s5 =	sshll.u32 s26, $0x1;
	_ =	strace $0x80000061;
	[dreg:$0x1] =	wrdreg $0xFFFFFFFF  }
0xb6: {  	s28 =	simm.s32 $_size_execute0_lowered;
	s3 =	sadd.s32 s3, s5;
	[dreg:$0x0] =	wrdreg $0x0  }
0xb7: {  	s5 =	sshll.u32 s28, $0x1;
	[dreg:$0x2] =	wrdreg s3  }
0xb8: {  	[dreg:$0x3] =	wrdreg s5  }
0xb9: {  	[dreg:$0x4] =	wrdreg $0xC0  }
0xba: {  	_ =	task [dreg:s22], $0x5FFFF  }
0xbb: {  	[dreg:$0x1] =	wrdreg $0xFFFFFFFF  }
0xbc: {  	[dreg:$0x0] =	wrdreg $0x60  }
0xbd: {  	[dreg:$0x2] =	wrdreg s24  }
0xbe: {  	[dreg:$0x3] =	wrdreg $0x9  }
0xbf: {  	_ =	task.clear_ibuf [dreg:s22], $0x4FFFF;
	_ =	strace $0x90000061  }
0xc0: {  	s29 =	simm.s32 $0x9;
	_ =	strace $0x80000063  }
0xc1: {  	_ =	swait.ge [sflag:s29], $0x1  }
0xc2: {  	[sflag:s29] =	ssyncadd.s32 $0xFFFFFFFF  }
0xc3: {  	_ =	strace $0x90000063  }
0xc4: {  	_ =	sfence  }
0xc5: {  	s30 =	sld [smem:$0x0];
	_ =	sdelay $0x2  }
0xc6: {  	s31 =	sshll.u32 s1, $0xD;
	s1 =	sshrl.u32 s1, $0x2  }
0xc7: {  	s4 =	sand.u32 $0x4000, s31;
	s1 =	sadd.s32 s1, s30  }
0xc8: {  	s0 =	sor.u32 s4, s0;
	s1 =	sshll.u32 s1, $0x11  }
0xc9: {  	s0 =	sor.u32 s1, s0  }
0xca: {  	s0 =	sadd.s32 $0x8F2B, s0  }
0xcb: {  	[sflag:s0] =	ssyncadd.remote.s32 $0x1  }
0xcc: {  	_ =	sfence.sel $0xFFFF  }
0xcd: {  	[dreg:$0x0] =	wrdreg $0xFFFFFFFF;
	(pc) =	sbr.abs _section_cstart, $3  }
0xce: {  	[dreg:$0x1] =	wrdreg $0xFFFFFFFF  }
0xcf: {  	_ =	task.clear_ibuf [dreg:s22], $0x2FFFF;
	_ =	strace $0x9FFFFFFF  }
0xd0: {  	(tm) =	ssettm $0x7FFFFFFF  }
0xd1: {  	_ =	shalt  }
tec
execute0_lowered:
.L_overlay_start_1:
0x0: {  	(tag) =	ssettag $0x1  }
0x1: {  	s1 =	srdreg.scid;
	s0 =	stileid.u32  }
0x2: {  	s18 =	sand.u32 $0x1, s1;
	s30 =	sshll.u32 s0, $0x1  }
0x3: {  	s8 =	sor.u32 s18, s30  }
0x4: {  	s14 =	rddreg [dreg:$0x0];
	s16 =	smul.u32 $0xBB8, s8  }
0x5: {  	s2 =	simm.s32 $0x0;
	s1 =	rddreg [dreg:$0x1]  }
0x6: {  	[smem:$0x7FF] =	sst s2;
	s15 =	sadd.s32 $0x4DA00, s14;
	s3 =	sshrl.u32 s16, $0x3  }
0x7: {  	_ =	strace $0x80000062;
	s4 =	sadd.s32 s15, s3;
	s3 =	simm.s32 $0x2  }
0x8: {  	[tilespmem:s2], [sflag:$0x2] =	stream.linear.gather [hbm4b:s4+s2], $0x3E8, $0x38;
	[tilespmem:$0x80E8] =	vst v63  }
0x9: {  	_ =	swait.ge [sflag:s3], $0x3E8  }
0xa: {  	s6 =	simm.s32 $0x3E8;
	[sflag:s3] =	ssyncset.done $0x0  }
0xb: {  	s7 =	simm.s32 $0x1;
	s5 =	sadd.s32 $0x57800, s14;
	[sflag:s3] =	ssyncadd.s32 $0xFFFFFC18  }
0xc: {  	[tilespmem:s6], [sflag:$0x1] =	stream.indirect.gather [hbm4b:s5+s6], $0x20, s2, s6, $0xb8;
	[tilespmem:$0x80E8] =	vst v63  }
0xd: {  	s17 =	smul.u32 $0x2EE0, s8;
	_ =	swait.ge [sflag:s7], $0x7D00  }
0xe: {  	s12 =	sadd.s32 $0x395600, s14;
	[sflag:s7] =	ssyncset.done $0x0  }
0xf: {  	s8 =	sadd.s32 s12, s17;
	[sflag:s7] =	ssyncadd.s32 $0xFFFF8300  }
0x10: {  	[hbm4b:s8+s2] =	stream.linear.scatter [tilespmem:s6], [sflag:$0x2], $0x7D00, $0x38;
	[tilespmem:$0x80E8] =	vst v63  }
0x11: {  	s10 =	sadd.s32 $0x3E8, s16;
	_ =	swait.ge [sflag:s3], $0x7D00  }
0x12: {  	s9 =	sshrl.u32 s10, $0x3;
	[sflag:s3] =	ssyncset.done $0x0  }
0x13: {  	s9 =	sadd.s32 s15, s9;
	[sflag:s3] =	ssyncadd.s32 $0xFFFF8300  }
0x14: {  	[tilespmem:s2], [sflag:$0x2] =	stream.linear.gather [hbm4b:s9+s2], $0x3E8, $0x38;
	[tilespmem:$0x80E8] =	vst v63  }
0x15: {  	_ =	swait.ge [sflag:s3], $0x3E8  }
0x16: {  	[sflag:s3] =	ssyncset.done $0x0  }
0x17: {  	[sflag:s3] =	ssyncadd.s32 $0xFFFFFC18  }
0x18: {  	[tilespmem:s6], [sflag:$0x1] =	stream.indirect.gather [hbm4b:s5+s6], $0x20, s2, s6, $0xb8;
	[tilespmem:$0x80E8] =	vst v63  }
0x19: {  	_ =	swait.ge [sflag:s7], $0x7D00  }
0x1a: {  	s19 =	sshll.u32 s10, $0x2;
	[sflag:s7] =	ssyncset.done $0x0  }
0x1b: {  	s10 =	sadd.s32 s12, s19;
	[sflag:s7] =	ssyncadd.s32 $0xFFFF8300  }
0x1c: {  	[hbm4b:s10+s2] =	stream.linear.scatter [tilespmem:s6], [sflag:$0x2], $0x7D00, $0x38;
	[tilespmem:$0x80E8] =	vst v63  }
0x1d: {  	s13 =	sadd.s32 $0x7D0, s16;
	_ =	swait.ge [sflag:s3], $0x7D00  }
0x1e: {  	s11 =	sshrl.u32 s13, $0x3;
	[sflag:s3] =	ssyncset.done $0x0  }
0x1f: {  	s11 =	sadd.s32 s15, s11;
	[sflag:s3] =	ssyncadd.s32 $0xFFFF8300  }
0x20: {  	[tilespmem:s2], [sflag:$0x2] =	stream.linear.gather [hbm4b:s11+s2], $0x3E8, $0x38;
	[tilespmem:$0x80E8] =	vst v63  }
0x21: {  	_ =	swait.ge [sflag:s3], $0x3E8  }
0x22: {  	[sflag:s3] =	ssyncset.done $0x0  }
0x23: {  	[sflag:s3] =	ssyncadd.s32 $0xFFFFFC18  }
0x24: {  	[tilespmem:s6], [sflag:$0x1] =	stream.indirect.gather [hbm4b:s5+s6], $0x20, s2, s6, $0xb8;
	[tilespmem:$0x80E8] =	vst v63  }
0x25: {  	_ =	swait.ge [sflag:s7], $0x7D00  }
0x26: {  	s20 =	sshll.u32 s13, $0x2;
	[sflag:s7] =	ssyncset.done $0x0  }
0x27: {  	s12 =	sadd.s32 s12, s20;
	[sflag:s7] =	ssyncadd.s32 $0xFFFF8300  }
0x28: {  	[hbm4b:s12+s2] =	stream.linear.scatter [tilespmem:s6], [sflag:$0x2], $0x7D00, $0x38;
	[tilespmem:$0x80E8] =	vst v63  }
0x29: {  	_ =	swait.ge [sflag:s3], $0x7D00  }
0x2a: {  	[sflag:s3] =	ssyncset.done $0x0  }
0x2b: {  	s13 =	sadd.s32 $0x4E20, s4;
	[sflag:s3] =	ssyncadd.s32 $0xFFFF8300  }
0x2c: {  	[tilespmem:s2], [sflag:$0x2] =	stream.linear.gather [hbm4b:s13+s2], $0x3E8, $0x38;
	[tilespmem:$0x80E8] =	vst v63  }
0x2d: {  	_ =	swait.ge [sflag:s3], $0x3E8  }
0x2e: {  	[sflag:s3] =	ssyncset.done $0x0  }
0x2f: {  	[sflag:s3] =	ssyncadd.s32 $0xFFFFFC18  }
0x30: {  	[tilespmem:s6], [sflag:$0x1] =	stream.indirect.gather [hbm4b:s5+s6], $0x20, s2, s6, $0xb8;
	[tilespmem:$0x80E8] =	vst v63  }
0x31: {  	_ =	swait.ge [sflag:s7], $0x7D00  }
0x32: {  	s21 =	sadd.s32 $0x337A00, s14;
	[sflag:s7] =	ssyncset.done $0x0  }
0x33: {  	s14 =	sadd.s32 s21, s17;
	[sflag:s7] =	ssyncadd.s32 $0xFFFF8300  }
0x34: {  	[hbm4b:s14+s2] =	stream.linear.scatter [tilespmem:s6], [sflag:$0x2], $0x7D00, $0x38;
	[tilespmem:$0x80E8] =	vst v63  }
0x35: {  	s16 =	sadd.s32 $0x274E8, s16;
	_ =	swait.ge [sflag:s3], $0x7D00  }
0x36: {  	s16 =	sshrl.u32 s16, $0x3;
	[sflag:s3] =	ssyncset.done $0x0  }
0x37: {  	s15 =	sadd.s32 s15, s16;
	[sflag:s3] =	ssyncadd.s32 $0xFFFF8300  }
0x38: {  	[tilespmem:s2], [sflag:$0x2] =	stream.linear.gather [hbm4b:s15+s2], $0x3E8, $0x38;
	[tilespmem:$0x80E8] =	vst v63  }
0x39: {  	_ =	swait.ge [sflag:s3], $0x3E8  }
0x3a: {  	[sflag:s3] =	ssyncset.done $0x0  }
0x3b: {  	[sflag:s3] =	ssyncadd.s32 $0xFFFFFC18  }
0x3c: {  	[tilespmem:s6], [sflag:$0x1] =	stream.indirect.gather [hbm4b:s5+s6], $0x20, s2, s6, $0xb8;
	[tilespmem:$0x80E8] =	vst v63  }
0x3d: {  	_ =	swait.ge [sflag:s7], $0x7D00  }
0x3e: {  	[sflag:s7] =	ssyncset.done $0x0  }
0x3f: {  	s16 =	sadd.s32 s21, s19;
	[sflag:s7] =	ssyncadd.s32 $0xFFFF8300  }
0x40: {  	[hbm4b:s16+s2] =	stream.linear.scatter [tilespmem:s6], [sflag:$0x2], $0x7D00, $0x38;
	[tilespmem:$0x80E8] =	vst v63  }
0x41: {  	_ =	swait.ge [sflag:s3], $0x7D00  }
0x42: {  	[sflag:s3] =	ssyncset.done $0x0  }
0x43: {  	s18 =	ssub.s32 $0x2, s18;
	s17 =	sadd.s32 $0x4F1A, s4;
	[sflag:s3] =	ssyncadd.s32 $0xFFFF8300  }
0x44: {  	[tilespmem:s2], [sflag:$0x2] =	stream.linear.gather [hbm4b:s17+s2], $0x3E8, $0x38;
	[tilespmem:$0x80E8] =	vst v63  }
0x45: {  	s31 =	sshrl.u32 s18, $0x1;
	_ =	swait.ge [sflag:s3], $0x3E8  }
0x46: {  	s19 =	ssub.s32 s18, s31;
	[sflag:s3] =	ssyncset.done $0x0  }
0x47: {  	s19 =	smax.u32 s19, $0x1;
	[sflag:s3] =	ssyncadd.s32 $0xFFFFFC18  }
0x48: {  	[tilespmem:s6], [sflag:$0x1] =	stream.indirect.gather [hbm4b:s5+s6], $0x20, s2, s6, $0xb8;
	[tilespmem:$0x80E8] =	vst v63  }
0x49: {  	p0 =	sne.s32 s19, $0x1;
	_ =	swait.ge [sflag:s7], $0x7D00  }
.Ltmp0:
0x4a: {  	[sflag:s7] =	ssyncset.done $0x0;
	(pc) =	sbr.rel @!p0 .LBB2_2-.Ltmp0, $4  }
0x4b: {  	s18 =	sadd.s32 s21, s20;
	[sflag:s7] =	ssyncadd.s32 $0xFFFF8300  }
0x4c: {  	[hbm4b:s18+s2] =	stream.linear.scatter [tilespmem:s6], [sflag:$0x2], $0x7D00, $0x38;
	[tilespmem:$0x80E8] =	vst v63  }
0x4d: {  	_ =	swait.ge [sflag:s3], $0x7D00  }
0x4e: {  	s19 =	sadd.s32 $0xFFFFFFFF, s19;
	[sflag:s3] =	ssyncset.done $0x0  }
.LBB2_1:
0x4f: {  	p0 =	sne.s32 s19, $0x1;
	s19 =	sadd.s32 $0xFFFFFFFF, s19;
	[sflag:s3] =	ssyncadd.s32 $0xFFFF8300  }
0x50: {  	[tilespmem:s2], [sflag:$0x2] =	stream.linear.gather [hbm4b:s4+s2], $0x3E8, $0x38;
	[tilespmem:$0x80E8] =	vst v63  }
0x51: {  	_ =	swait.ge [sflag:s3], $0x3E8  }
0x52: {  	[sflag:s3] =	ssyncset.done $0x0  }
0x53: {  	[sflag:s3] =	ssyncadd.s32 $0xFFFFFC18  }
0x54: {  	[tilespmem:s6], [sflag:$0x1] =	stream.indirect.gather [hbm4b:s5+s6], $0x20, s2, s6, $0xb8;
	[tilespmem:$0x80E8] =	vst v63  }
0x55: {  	_ =	swait.ge [sflag:s7], $0x7D00  }
0x56: {  	[sflag:s7] =	ssyncset.done $0x0  }
0x57: {  	[sflag:s7] =	ssyncadd.s32 $0xFFFF8300  }
0x58: {  	[hbm4b:s8+s2] =	stream.linear.scatter [tilespmem:s6], [sflag:$0x2], $0x7D00, $0x38;
	[tilespmem:$0x80E8] =	vst v63  }
0x59: {  	_ =	swait.ge [sflag:s3], $0x7D00  }
0x5a: {  	[sflag:s3] =	ssyncset.done $0x0  }
0x5b: {  	[sflag:s3] =	ssyncadd.s32 $0xFFFF8300  }
0x5c: {  	[tilespmem:s2], [sflag:$0x2] =	stream.linear.gather [hbm4b:s9+s2], $0x3E8, $0x38;
	[tilespmem:$0x80E8] =	vst v63  }
0x5d: {  	_ =	swait.ge [sflag:s3], $0x3E8  }
0x5e: {  	[sflag:s3] =	ssyncset.done $0x0  }
0x5f: {  	[sflag:s3] =	ssyncadd.s32 $0xFFFFFC18  }
0x60: {  	[tilespmem:s6], [sflag:$0x1] =	stream.indirect.gather [hbm4b:s5+s6], $0x20, s2, s6, $0xb8;
	[tilespmem:$0x80E8] =	vst v63  }
0x61: {  	_ =	swait.ge [sflag:s7], $0x7D00  }
0x62: {  	[sflag:s7] =	ssyncset.done $0x0  }
0x63: {  	[sflag:s7] =	ssyncadd.s32 $0xFFFF8300  }
0x64: {  	[hbm4b:s10+s2] =	stream.linear.scatter [tilespmem:s6], [sflag:$0x2], $0x7D00, $0x38;
	[tilespmem:$0x80E8] =	vst v63  }
0x65: {  	_ =	swait.ge [sflag:s3], $0x7D00  }
0x66: {  	[sflag:s3] =	ssyncset.done $0x0  }
0x67: {  	[sflag:s3] =	ssyncadd.s32 $0xFFFF8300  }
0x68: {  	[tilespmem:s2], [sflag:$0x2] =	stream.linear.gather [hbm4b:s11+s2], $0x3E8, $0x38;
	[tilespmem:$0x80E8] =	vst v63  }
0x69: {  	_ =	swait.ge [sflag:s3], $0x3E8  }
0x6a: {  	[sflag:s3] =	ssyncset.done $0x0  }
0x6b: {  	[sflag:s3] =	ssyncadd.s32 $0xFFFFFC18  }
0x6c: {  	[tilespmem:s6], [sflag:$0x1] =	stream.indirect.gather [hbm4b:s5+s6], $0x20, s2, s6, $0xb8;
	[tilespmem:$0x80E8] =	vst v63  }
0x6d: {  	_ =	swait.ge [sflag:s7], $0x7D00  }
0x6e: {  	[sflag:s7] =	ssyncset.done $0x0  }
0x6f: {  	[sflag:s7] =	ssyncadd.s32 $0xFFFF8300  }
0x70: {  	[hbm4b:s12+s2] =	stream.linear.scatter [tilespmem:s6], [sflag:$0x2], $0x7D00, $0x38;
	[tilespmem:$0x80E8] =	vst v63  }
0x71: {  	_ =	swait.ge [sflag:s3], $0x7D00  }
0x72: {  	[sflag:s3] =	ssyncset.done $0x0  }
0x73: {  	[sflag:s3] =	ssyncadd.s32 $0xFFFF8300  }
0x74: {  	[tilespmem:s2], [sflag:$0x2] =	stream.linear.gather [hbm4b:s13+s2], $0x3E8, $0x38;
	[tilespmem:$0x80E8] =	vst v63  }
0x75: {  	_ =	swait.ge [sflag:s3], $0x3E8  }
0x76: {  	[sflag:s3] =	ssyncset.done $0x0  }
0x77: {  	[sflag:s3] =	ssyncadd.s32 $0xFFFFFC18  }
0x78: {  	[tilespmem:s6], [sflag:$0x1] =	stream.indirect.gather [hbm4b:s5+s6], $0x20, s2, s6, $0xb8;
	[tilespmem:$0x80E8] =	vst v63  }
0x79: {  	_ =	swait.ge [sflag:s7], $0x7D00  }
0x7a: {  	[sflag:s7] =	ssyncset.done $0x0  }
0x7b: {  	[sflag:s7] =	ssyncadd.s32 $0xFFFF8300  }
0x7c: {  	[hbm4b:s14+s2] =	stream.linear.scatter [tilespmem:s6], [sflag:$0x2], $0x7D00, $0x38;
	[tilespmem:$0x80E8] =	vst v63  }
0x7d: {  	_ =	swait.ge [sflag:s3], $0x7D00  }
0x7e: {  	[sflag:s3] =	ssyncset.done $0x0  }
0x7f: {  	[sflag:s3] =	ssyncadd.s32 $0xFFFF8300  }
0x80: {  	[tilespmem:s2], [sflag:$0x2] =	stream.linear.gather [hbm4b:s15+s2], $0x3E8, $0x38;
	[tilespmem:$0x80E8] =	vst v63  }
0x81: {  	_ =	swait.ge [sflag:s3], $0x3E8  }
0x82: {  	[sflag:s3] =	ssyncset.done $0x0  }
0x83: {  	[sflag:s3] =	ssyncadd.s32 $0xFFFFFC18  }
0x84: {  	[tilespmem:s6], [sflag:$0x1] =	stream.indirect.gather [hbm4b:s5+s6], $0x20, s2, s6, $0xb8;
	[tilespmem:$0x80E8] =	vst v63  }
0x85: {  	_ =	swait.ge [sflag:s7], $0x7D00  }
0x86: {  	[sflag:s7] =	ssyncset.done $0x0  }
0x87: {  	[sflag:s7] =	ssyncadd.s32 $0xFFFF8300  }
0x88: {  	[hbm4b:s16+s2] =	stream.linear.scatter [tilespmem:s6], [sflag:$0x2], $0x7D00, $0x38;
	[tilespmem:$0x80E8] =	vst v63  }
0x89: {  	_ =	swait.ge [sflag:s3], $0x7D00  }
0x8a: {  	[sflag:s3] =	ssyncset.done $0x0  }
0x8b: {  	[sflag:s3] =	ssyncadd.s32 $0xFFFF8300  }
0x8c: {  	[tilespmem:s2], [sflag:$0x2] =	stream.linear.gather [hbm4b:s17+s2], $0x3E8, $0x38;
	[tilespmem:$0x80E8] =	vst v63  }
0x8d: {  	_ =	swait.ge [sflag:s3], $0x3E8  }
0x8e: {  	[sflag:s3] =	ssyncset.done $0x0  }
0x8f: {  	[sflag:s3] =	ssyncadd.s32 $0xFFFFFC18  }
0x90: {  	[tilespmem:s6], [sflag:$0x1] =	stream.indirect.gather [hbm4b:s5+s6], $0x20, s2, s6, $0xb8;
	[tilespmem:$0x80E8] =	vst v63  }
0x91: {  	_ =	swait.ge [sflag:s7], $0x7D00  }
.Ltmp1:
0x92: {  	[sflag:s7] =	ssyncset.done $0x0;
	(pc) =	sbr.rel @p0 .LBB2_1-.Ltmp1, $4  }
0x93: {  	[sflag:s7] =	ssyncadd.s32 $0xFFFF8300  }
0x94: {  	[hbm4b:s18+s2] =	stream.linear.scatter [tilespmem:s6], [sflag:$0x2], $0x7D00, $0x38;
	[tilespmem:$0x80E8] =	vst v63  }
0x95: {  	_ =	swait.ge [sflag:s3], $0x7D00  }
0x96: {  	[sflag:s3] =	ssyncset.done $0x0  }
.LBB2_2:
0x97: {  	[sflag:s3] =	ssyncadd.s32 $0xFFFF8300  }
0x98: {  	_ =	sfence.sel $0x180000  }
0x99: {  	[bflag:$0x0] =	sbarrier.arrive $0xFFFF  }
0x9a: {  	p0 =	sne.s32 s0, $0x0;
	_ =	strace $0x90000062  }
0x9b: {  	s0 =	sadd.s32 @!p0 $0x100000, s1;
	[bflag:$0x2] =	sbarrier.arrive $0xFFFF  }
0x9c: {  	[sflag:s0] =	ssyncadd.tile.s32 @!p0 $0x1;
	_ =	shalt  }
.Lfunc_end2:
_tile_overlayer_lowered:
.L_overlay_start_2:
0x9d: {  	(tag) =	ssettag $0x2  }
0x9e: {  	s0 =	rddreg [dreg:$0x0];
	s2 =	stileid.u32  }
0x9f: {  	s1 =	rddreg [dreg:$0x1];
	p0 =	sne.s32 s2, $0x0  }
0xa0: {  	s3 =	rddreg [dreg:$0x2];
	[bflag:$0x3] =	sbarrier.arrive $0xFFFF;
	s2 =	simm.s32 @!p0 $0x1C02  }
0xa1: {  	[timem:s3], [sflag:s2] =	dma.local @!p0 [hbm:s0], s1  }
0xa2: {  	s0 =	simm.s32 @!p0 $0x2  }
0xa3: {  	_ =	swait.ge @!p0 [sflag:s0], s1  }
0xa4: {  	s1 =	ssub.s32 @!p0 $0x0, s1;
	[sflag:s0] =	ssyncset.done @!p0 $0x0  }
0xa5: {  	[sflag:s0] =	ssyncadd.s32 @!p0 s1  }
0xa6: {  	[bflag:$0x3] =	sbarrier.arrive $0xFFFF  }
0xa7: {  	_ =	shalt  }

// kernel: kernel.49.cloned.1.call-start
scs
__scs_entry_jumppad:
0x0: {  	(pc) =	sbr.rel $0x88, $3  }
0x1: {  	(tag) =	ssettag $0x0;
	lr =	simm.s32 $0x1  }
0x2: {  	[smem:$0x3F84] =	sst lr;
	_ =	strace $0xD0000000  }
0x3: {  	_ = 	snop  }
0x4: {  	_ = 	snop  }
0x5: {  	_ = 	snop  }
0x6: {  	_ = 	snop  }
0x7: {  	_ = 	snop  }
__scs_overlays_trampoline_lowered:
0x8: {  	[smem:$0x3F93] =	sst s0  }
0x9: {  	[smem:$0x3F94] =	sst s1  }
0xa: {  	[smem:$0x3F95] =	sst s2  }
0xb: {  	[smem:$0x3F96] =	sst s3  }
0xc: {  	[smem:$0x3F97] =	sst s4  }
0xd: {  	[smem:$0x3F98] =	sst s5  }
0xe: {  	[smem:$0x3F99] =	sst s6  }
0xf: {  	[smem:$0x3F9A] =	sst s7  }
0x10: {  	[smem:$0x3F9B] =	sst s8  }
0x11: {  	[smem:$0x3F9C] =	sst s9;
	s0 =	simm.s32 @!p0 $0x0  }
0x12: {  	s1 =	sld [smem:$0x3F82];
	s0 =	simm.s32 @p0 $0x1  }
0x13: {  	[smem:$0x3F9D] =	sst s0;
	s0 =	simm.s32 @!p1 $0x0  }
0x14: {  	s2 =	sld [smem:$0x3F81];
	s0 =	simm.s32 @p1 $0x1  }
0x15: {  	[smem:$0x3F9E] =	sst s0;
	s0 =	simm.s32 @!p2 $0x0  }
0x16: {  	s3 =	sld [smem:$0x3FDB];
	s0 =	simm.s32 @p2 $0x1  }
0x17: {  	s4 =	simm.s32 $0x1BF5;
	[smem:$0x3FA0] =	sst s0  }
0x18: {  	s0 =	sld [smem:$0x3F83];
	_ =	swait.ge [sflag:s4], $0x0  }
0x19: {  	s7 =	sld [smem:$0x3F84]  }
0x1a: {  	s8 =	sadd.s32 $0xFFFFE003, lr  }
0x1b: {  	s9 =	sadd.s32 $0xFFFFFEF7, lr;
	s5 =	simm.s32 $0xFFFFFFFF;
	p2 =	slt.u32 s8, $0xFFFFF086  }
0x1c: {  	p1 =	slt.u32 s9, $0xF7A;
	s5 =	simm.s32 @!p2 $0x0  }
0x1d: {  	s5 =	simm.s32 @p1 $0x1;
	p0 =	seq.s32 s7, s2  }
0x1e: {  	s7 =	smul.u32 @!p0 $0xF7A, s2;
	p2 =	seq.s32 @!p0 s5, $0x0  }
0x1f: {  	s9 =	smul.u32 $0xF7A, s1;
	s8 =	simm.s32 @!p0 $0x1BF5;
	p2 =	por !p2, p0  }
0x20: {  	[sflag:s8] =	ssyncset.s32 @!p0 $0xFFFFF086;
	s6 =	sadd.s32 @!p0 s3, s7;
	s7 =	simm.s32 @!p0 $0x108  }
0x21: {  	s3 =	sadd.s32 s3, s9;
	s6 =	sadd.s32 @!p0 $0x88, s6;
	s7 =	simm.s32 @p2 $0x1082  }
0x22: {  	[simem:s7], [sflag:s8] =	dma.local @!p0 [hbm:s6], $0xF7A  }
0x23: {  	s9 =	sor.u32 $0xD0000000, s2;
	s6 =	simm.s32 $0x108;
	_ =	swait.ge @!p0 [sflag:s8], $0x0  }
0x24: {  	s3 =	sadd.s32 $0x88, s3;
	s6 =	simm.s32 @!p1 $0x1082;
	[sflag:s4] =	ssyncset.s32 $0xFFFFF086  }
0x25: {  	[simem:s6], [sflag:s4] =	dma.local [hbm:s3], $0xF7A  }
0x26: {  	[smem:$0x3F84] =	sst s1;
	(tag) =	ssettag s2;
	_ =	strace s9  }
0x27: {  	s1 =	sld [smem:$0x3F94]  }
0x28: {  	s2 =	sld [smem:$0x3F95]  }
0x29: {  	s4 =	sld [smem:$0x3F97]  }
0x2a: {  	p0 =	seq.s32 s5, $0x0;
	s5 =	sld [smem:$0x3F98]  }
0x2b: {  	s6 =	sld [smem:$0x3F99]  }
0x2c: {  	s7 =	sld [smem:$0x3F9A]  }
0x2d: {  	s3 =	simm.s32 $0x108;
	s8 =	sld [smem:$0x3F9B]  }
0x2e: {  	s3 =	simm.s32 @!p0 $0x1082;
	s9 =	sld [smem:$0x3F9C]  }
0x2f: {  	lr =	sadd.s32 s0, s3;
	s0 =	sld [smem:$0x3F93]  }
0x30: {  	s3 =	sld [smem:$0x3F96]  }
0x31: {  	[smem:$0x3F9F] =	sst s10  }
0x32: {  	s10 =	sld [smem:$0x3F9D];
	_ =	sdelay $0x3  }
0x33: {  	p0 =	seq.s32 s10, $0x1;
	s10 =	sld [smem:$0x3F9F];
	_ =	sdelay $0x3  }
0x34: {  	[smem:$0x3F9F] =	sst s10  }
0x35: {  	s10 =	sld [smem:$0x3F9E];
	_ =	sdelay $0x3  }
0x36: {  	p1 =	seq.s32 s10, $0x1;
	s10 =	sld [smem:$0x3F9F];
	_ =	sdelay $0x3  }
0x37: {  	[smem:$0x3F9F] =	sst s10  }
0x38: {  	s10 =	sld [smem:$0x3FA0]  }
0x39: {  	_ = 	snop;
	(pc) =	sbr.ind lr, $3  }
0x3a: {  	_ = 	snop  }
0x3b: {  	_ = 	snop  }
0x3c: {  	p2 =	seq.s32 s10, $0x1;
	s10 =	sld [smem:$0x3F9F]  }
0x3d: {  	_ =	shalt  }
0x3e: {  	_ =	shalt  }
0x3f: {  	_ =	shalt  }
0x40: {  	_ =	shalt  }
0x41: {  	_ =	shalt  }
0x42: {  	_ =	shalt  }
0x43: {  	_ =	shalt  }
0x44: {  	_ =	shalt  }
0x45: {  	_ =	shalt  }
0x46: {  	_ =	shalt  }
0x47: {  	_ =	shalt  }
0x48: {  	_ =	shalt  }
0x49: {  	_ =	shalt  }
0x4a: {  	_ =	shalt  }
0x4b: {  	_ =	shalt  }
0x4c: {  	_ =	shalt  }
0x4d: {  	_ =	shalt  }
0x4e: {  	_ =	shalt  }
0x4f: {  	_ =	shalt  }
0x50: {  	_ =	shalt  }
0x51: {  	_ =	shalt  }
0x52: {  	_ =	shalt  }
0x53: {  	_ =	shalt  }
0x54: {  	_ =	shalt  }
0x55: {  	_ =	shalt  }
0x56: {  	_ =	shalt  }
0x57: {  	_ =	shalt  }
0x58: {  	_ =	shalt  }
0x59: {  	_ =	shalt  }
0x5a: {  	_ =	shalt  }
0x5b: {  	_ =	shalt  }
0x5c: {  	_ =	shalt  }
0x5d: {  	_ =	shalt  }
0x5e: {  	_ =	shalt  }
0x5f: {  	_ =	shalt  }
0x60: {  	_ =	shalt  }
0x61: {  	_ =	shalt  }
0x62: {  	_ =	shalt  }
0x63: {  	_ =	shalt  }
0x64: {  	_ =	shalt  }
0x65: {  	_ =	shalt  }
0x66: {  	_ =	shalt  }
0x67: {  	_ =	shalt  }
0x68: {  	_ =	shalt  }
0x69: {  	_ =	shalt  }
0x6a: {  	_ =	shalt  }
0x6b: {  	_ =	shalt  }
0x6c: {  	_ =	shalt  }
0x6d: {  	_ =	shalt  }
0x6e: {  	_ =	shalt  }
0x6f: {  	_ =	shalt  }
0x70: {  	_ =	shalt  }
0x71: {  	_ =	shalt  }
0x72: {  	_ =	shalt  }
0x73: {  	_ =	shalt  }
0x74: {  	_ =	shalt  }
0x75: {  	_ =	shalt  }
0x76: {  	_ =	shalt  }
0x77: {  	_ =	shalt  }
0x78: {  	_ =	shalt  }
0x79: {  	_ =	shalt  }
0x7a: {  	_ =	shalt  }
0x7b: {  	_ =	shalt  }
0x7c: {  	_ =	shalt  }
0x7d: {  	_ =	shalt  }
0x7e: {  	_ =	shalt  }
0x7f: {  	_ =	shalt  }
0x80: {  	_ =	shalt  }
0x81: {  	_ =	shalt  }
0x82: {  	_ =	shalt  }
0x83: {  	_ =	shalt  }
0x84: {  	_ =	shalt  }
0x85: {  	_ =	shalt  }
0x86: {  	_ =	shalt  }
0x87: {  	_ =	shalt  }
.Lfunc_end0:
.L_simem_size_0:
called_computation.9_lowered:
.L_overlay_start_0:
0x88: {  	s2 =	sld [smem:$0x3FD9]  }
0x89: {  	s3 =	sld [smem:$0x3FFE];
	_ =	sdelay $0x1  }
0x8a: {  	s1 =	srdreg.scid  }
0x8b: {  	s0 =	sand.u32 $0x1, s1  }
0x8c: {  	s16 =	sshll.u32 s0, $0xA;
	s2 =	sadd.s32 s3, s2  }
0x8d: {  	s2 =	sadd.s32 s2, s16  }
0x8e: {  	[smem:$0x3FAB] =	sst s2  }
0x8f: {  	_ = 	snop  }
0x90: {  	(tm) =	ssettm $0x1  }
0x91: {  	s17 =	sld [smem:$0x3FFB];
	_ =	sdelay $0x3  }
0x92: {  	_ =	strace s17  }
0x93: {  	s2 =	sld [smem:$0x3FFC];
	_ =	sdelay $0x3  }
0x94: {  	_ =	strace s2  }
0x95: {  	s2 =	sld [smem:$0x3FFD];
	_ =	sdelay $0x3  }
0x96: {  	_ =	strace s2  }
0x97: {  	_ =	strace $0x8FFFFFFF  }
0x98: {  	s18 =	sld [smem:$0x3FDB];
	_ =	sdelay $0x1  }
0x99: {  	s19 =	simm.s32 $_scs_section_size  }
0x9a: {  	s4 =	simm.s32 $_size__tile_overlayer_lowered;
	s5 =	simm.s32 $_tile_overlayer_lowered  }
0x9b: {  	s22 =	simm.s32 $0x1BFF;
	s21 =	sshll.u32 s5, $0x1;
	s2 =	sadd.s32 s19, s18  }
0x9c: {  	s6 =	simm.s32 $0x0;
	s20 =	sshll.u32 s4, $0x1;
	s4 =	sadd.s32 s21, s2  }
0x9d: {  	[timem:s6], [sflag:s22] =	dma.local [hbm:s4], s20  }
0x9e: {  	_ =	swait.ge [sflag:s22], s20  }
0x9f: {  	s3 =	ssub.s32 $0x0, s20;
	[sflag:s22] =	ssyncset.done $0x0  }
0xa0: {  	[sflag:s22] =	ssyncadd.s32 s3;
	_ =	sdelay $0x1  }
0xa1: {  	s23 =	simm.s32 $0x1B8B  }
0xa2: {  	_ =	swait.ge [sflag:s23], $0x1  }
0xa3: {  	[sflag:s23] =	ssyncset.done $0x0  }
0xa4: {  	s25 =	simm.s32 $0x1B8E;
	s24 =	sld [smem:$0x3FFE];
	[sflag:s23] =	ssyncadd.s32 $0xFFFFFFFF  }
0xa5: {  	s26 =	simm.s32 $execute0_lowered;
	[smem:$0x3FD2] =	sst s25  }
0xa6: {  	s4 =	sshll.u32 s26, $0x1;
	_ =	strace $0x8000005E;
	[dreg:$0x1] =	wrdreg $0xFFFFFFFF  }
0xa7: {  	s28 =	simm.s32 $_size_execute0_lowered;
	s2 =	sadd.s32 s2, s4;
	[dreg:$0x0] =	wrdreg $0x0  }
0xa8: {  	s4 =	sshll.u32 s28, $0x1;
	[dreg:$0x2] =	wrdreg s2  }
0xa9: {  	[dreg:$0x3] =	wrdreg s4  }
0xaa: {  	[dreg:$0x4] =	wrdreg $0xC0  }
0xab: {  	_ =	task [dreg:s6], $0x5FFFF  }
0xac: {  	[dreg:$0x1] =	wrdreg $0xFFFFFFFF  }
0xad: {  	[dreg:$0x0] =	wrdreg $0x60  }
0xae: {  	[dreg:$0x2] =	wrdreg s24  }
0xaf: {  	[dreg:$0x3] =	wrdreg $0xA  }
0xb0: {  	_ =	task.clear_ibuf [dreg:s6], $0x4FFFF;
	_ =	strace $0x9000005E  }
0xb1: {  	s29 =	simm.s32 $0xA;
	_ =	strace $0x80000060  }
0xb2: {  	_ =	swait.ge [sflag:s29], $0x1  }
0xb3: {  	[sflag:s29] =	ssyncadd.s32 $0xFFFFFFFF  }
0xb4: {  	_ =	strace $0x90000060  }
0xb5: {  	_ =	sfence  }
0xb6: {  	s30 =	sld [smem:$0x0];
	_ =	sdelay $0x2  }
0xb7: {  	s31 =	sshll.u32 s1, $0xD;
	s1 =	sshrl.u32 s1, $0x2  }
0xb8: {  	s3 =	sand.u32 $0x4000, s31;
	s1 =	sadd.s32 s1, s30  }
0xb9: {  	s0 =	sor.u32 s3, s0;
	s1 =	sshll.u32 s1, $0x11  }
0xba: {  	s0 =	sor.u32 s1, s0  }
0xbb: {  	s0 =	sadd.s32 $0x8F2B, s0  }
0xbc: {  	[sflag:s0] =	ssyncadd.remote.s32 $0x1  }
0xbd: {  	_ =	sfence.sel $0xFFFF  }
0xbe: {  	[dreg:$0x0] =	wrdreg $0xFFFFFFFF;
	(pc) =	sbr.abs _section_cstart, $3  }
0xbf: {  	[dreg:$0x1] =	wrdreg $0xFFFFFFFF  }
0xc0: {  	_ =	task.clear_ibuf [dreg:s6], $0x2FFFF;
	_ =	strace $0x9FFFFFFF  }
0xc1: {  	(tm) =	ssettm $0x7FFFFFFF  }
tec
execute0_lowered:
.L_overlay_start_1:
0x0: {  	(tag) =	ssettag $0x1  }
0x1: {  	s1 =	srdreg.scid;
	s0 =	stileid.u32  }
0x2: {  	s14 =	sand.u32 $0x1, s1;
	s29 =	sshll.u32 s0, $0x1  }
0x3: {  	s10 =	sor.u32 s14, s29  }
0x4: {  	s13 =	smul.u32 $0x7D0, s10  }
0x5: {  	s12 =	rddreg [dreg:$0x0];
	s2 =	simm.s32 $0x0  }
0x6: {  	s1 =	rddreg [dreg:$0x1];
	s15 =	sadd.s32 $0x4DA00, s12;
	s3 =	sshrl.u32 s13, $0x3  }
0x7: {  	[smem:$0x7FF] =	sst s2;
	s11 =	sadd.s32 s15, s3  }
0x8: {  	_ =	strace $0x8000005F;
	s3 =	simm.s32 $0x2;
	s4 =	sadd.s32 $0x2EE0, s11  }
0x9: {  	[tilespmem:s2], [sflag:$0x2] =	stream.linear.gather [hbm4b:s4+s2], $0x3E8, $0x38;
	[tilespmem:$0x80E8] =	vst v63  }
0xa: {  	_ =	swait.ge [sflag:s3], $0x3E8  }
0xb: {  	s6 =	simm.s32 $0x3E8;
	[sflag:s3] =	ssyncset.done $0x0  }
0xc: {  	s7 =	simm.s32 $0x1;
	s5 =	sadd.s32 $0x57800, s12;
	[sflag:s3] =	ssyncadd.s32 $0xFFFFFC18  }
0xd: {  	[tilespmem:s6], [sflag:$0x1] =	stream.indirect.gather [hbm4b:s5+s6], $0x20, s2, s6, $0xb8;
	[tilespmem:$0x80E8] =	vst v63  }
0xe: {  	s16 =	smul.u32 $0x1F40, s10;
	_ =	swait.ge [sflag:s7], $0x7D00  }
0xf: {  	s17 =	sadd.s32 $0x2F9200, s12;
	[sflag:s7] =	ssyncset.done $0x0  }
0x10: {  	s8 =	sadd.s32 s17, s16;
	[sflag:s7] =	ssyncadd.s32 $0xFFFF8300  }
0x11: {  	[hbm4b:s8+s2] =	stream.linear.scatter [tilespmem:s6], [sflag:$0x2], $0x7D00, $0x38;
	[tilespmem:$0x80E8] =	vst v63  }
0x12: {  	s9 =	sadd.s32 $0x17AE8, s13;
	_ =	swait.ge [sflag:s3], $0x7D00  }
0x13: {  	s9 =	sshrl.u32 s9, $0x3;
	[sflag:s3] =	ssyncset.done $0x0  }
0x14: {  	s9 =	sadd.s32 s15, s9;
	[sflag:s3] =	ssyncadd.s32 $0xFFFF8300  }
0x15: {  	[tilespmem:s2], [sflag:$0x2] =	stream.linear.gather [hbm4b:s9+s2], $0x3E8, $0x38;
	[tilespmem:$0x80E8] =	vst v63  }
0x16: {  	_ =	swait.ge [sflag:s3], $0x3E8  }
0x17: {  	[sflag:s3] =	ssyncset.done $0x0  }
0x18: {  	s10 =	smul.u32 $0xFA00, s10;
	[sflag:s3] =	ssyncadd.s32 $0xFFFFFC18  }
0x19: {  	[tilespmem:s6], [sflag:$0x1] =	stream.indirect.gather [hbm4b:s5+s6], $0x20, s2, s6, $0xb8;
	[tilespmem:$0x80E8] =	vst v63  }
0x1a: {  	s10 =	sshrl.u32 s10, $0x3;
	_ =	swait.ge [sflag:s7], $0x7D00  }
0x1b: {  	s18 =	sadd.s32 $0xFA0, s10;
	[sflag:s7] =	ssyncset.done $0x0  }
0x1c: {  	s10 =	sadd.s32 s17, s18;
	[sflag:s7] =	ssyncadd.s32 $0xFFFF8300  }
0x1d: {  	[hbm4b:s10+s2] =	stream.linear.scatter [tilespmem:s6], [sflag:$0x2], $0x7D00, $0x38;
	[tilespmem:$0x80E8] =	vst v63  }
0x1e: {  	_ =	swait.ge [sflag:s3], $0x7D00  }
0x1f: {  	[sflag:s3] =	ssyncset.done $0x0  }
0x20: {  	s11 =	sadd.s32 $0x7D00, s11;
	[sflag:s3] =	ssyncadd.s32 $0xFFFF8300  }
0x21: {  	[tilespmem:s2], [sflag:$0x2] =	stream.linear.gather [hbm4b:s11+s2], $0x3E8, $0x38;
	[tilespmem:$0x80E8] =	vst v63  }
0x22: {  	_ =	swait.ge [sflag:s3], $0x3E8  }
0x23: {  	[sflag:s3] =	ssyncset.done $0x0  }
0x24: {  	[sflag:s3] =	ssyncadd.s32 $0xFFFFFC18  }
0x25: {  	[tilespmem:s6], [sflag:$0x1] =	stream.indirect.gather [hbm4b:s5+s6], $0x20, s2, s6, $0xb8;
	[tilespmem:$0x80E8] =	vst v63  }
0x26: {  	_ =	swait.ge [sflag:s7], $0x7D00  }
0x27: {  	s30 =	sadd.s32 $0x8E00, s12;
	[sflag:s7] =	ssyncset.done $0x0  }
0x28: {  	s12 =	sadd.s32 s30, s16;
	[sflag:s7] =	ssyncadd.s32 $0xFFFF8300  }
0x29: {  	[hbm4b:s12+s2] =	stream.linear.scatter [tilespmem:s6], [sflag:$0x2], $0x7D00, $0x38;
	[tilespmem:$0x80E8] =	vst v63  }
0x2a: {  	s13 =	sadd.s32 $0x3EBE8, s13;
	_ =	swait.ge [sflag:s3], $0x7D00  }
0x2b: {  	s13 =	sshrl.u32 s13, $0x3;
	[sflag:s3] =	ssyncset.done $0x0  }
0x2c: {  	s14 =	ssub.s32 $0x2, s14;
	s13 =	sadd.s32 s15, s13;
	[sflag:s3] =	ssyncadd.s32 $0xFFFF8300  }
0x2d: {  	[tilespmem:s2], [sflag:$0x2] =	stream.linear.gather [hbm4b:s13+s2], $0x3E8, $0x38;
	[tilespmem:$0x80E8] =	vst v63  }
0x2e: {  	s31 =	sshrl.u32 s14, $0x1;
	_ =	swait.ge [sflag:s3], $0x3E8  }
0x2f: {  	s15 =	ssub.s32 s14, s31;
	[sflag:s3] =	ssyncset.done $0x0  }
0x30: {  	s15 =	smax.u32 s15, $0x1;
	[sflag:s3] =	ssyncadd.s32 $0xFFFFFC18  }
0x31: {  	[tilespmem:s6], [sflag:$0x1] =	stream.indirect.gather [hbm4b:s5+s6], $0x20, s2, s6, $0xb8;
	[tilespmem:$0x80E8] =	vst v63  }
0x32: {  	p0 =	sne.s32 s15, $0x1;
	_ =	swait.ge [sflag:s7], $0x7D00  }
.Ltmp0:
0x33: {  	[sflag:s7] =	ssyncset.done $0x0;
	(pc) =	sbr.rel @!p0 .LBB2_2-.Ltmp0, $4  }
0x34: {  	s14 =	sadd.s32 s30, s18;
	[sflag:s7] =	ssyncadd.s32 $0xFFFF8300  }
0x35: {  	[hbm4b:s14+s2] =	stream.linear.scatter [tilespmem:s6], [sflag:$0x2], $0x7D00, $0x38;
	[tilespmem:$0x80E8] =	vst v63  }
0x36: {  	_ =	swait.ge [sflag:s3], $0x7D00  }
0x37: {  	s15 =	sadd.s32 $0xFFFFFFFF, s15;
	[sflag:s3] =	ssyncset.done $0x0  }
.LBB2_1:
0x38: {  	p0 =	sne.s32 s15, $0x1;
	s15 =	sadd.s32 $0xFFFFFFFF, s15;
	[sflag:s3] =	ssyncadd.s32 $0xFFFF8300  }
0x39: {  	[tilespmem:s2], [sflag:$0x2] =	stream.linear.gather [hbm4b:s4+s2], $0x3E8, $0x38;
	[tilespmem:$0x80E8] =	vst v63  }
0x3a: {  	_ =	swait.ge [sflag:s3], $0x3E8  }
0x3b: {  	[sflag:s3] =	ssyncset.done $0x0  }
0x3c: {  	[sflag:s3] =	ssyncadd.s32 $0xFFFFFC18  }
0x3d: {  	[tilespmem:s6], [sflag:$0x1] =	stream.indirect.gather [hbm4b:s5+s6], $0x20, s2, s6, $0xb8;
	[tilespmem:$0x80E8] =	vst v63  }
0x3e: {  	_ =	swait.ge [sflag:s7], $0x7D00  }
0x3f: {  	[sflag:s7] =	ssyncset.done $0x0  }
0x40: {  	[sflag:s7] =	ssyncadd.s32 $0xFFFF8300  }
0x41: {  	[hbm4b:s8+s2] =	stream.linear.scatter [tilespmem:s6], [sflag:$0x2], $0x7D00, $0x38;
	[tilespmem:$0x80E8] =	vst v63  }
0x42: {  	_ =	swait.ge [sflag:s3], $0x7D00  }
0x43: {  	[sflag:s3] =	ssyncset.done $0x0  }
0x44: {  	[sflag:s3] =	ssyncadd.s32 $0xFFFF8300  }
0x45: {  	[tilespmem:s2], [sflag:$0x2] =	stream.linear.gather [hbm4b:s9+s2], $0x3E8, $0x38;
	[tilespmem:$0x80E8] =	vst v63  }
0x46: {  	_ =	swait.ge [sflag:s3], $0x3E8  }
0x47: {  	[sflag:s3] =	ssyncset.done $0x0  }
0x48: {  	[sflag:s3] =	ssyncadd.s32 $0xFFFFFC18  }
0x49: {  	[tilespmem:s6], [sflag:$0x1] =	stream.indirect.gather [hbm4b:s5+s6], $0x20, s2, s6, $0xb8;
	[tilespmem:$0x80E8] =	vst v63  }
0x4a: {  	_ =	swait.ge [sflag:s7], $0x7D00  }
0x4b: {  	[sflag:s7] =	ssyncset.done $0x0  }
0x4c: {  	[sflag:s7] =	ssyncadd.s32 $0xFFFF8300  }
0x4d: {  	[hbm4b:s10+s2] =	stream.linear.scatter [tilespmem:s6], [sflag:$0x2], $0x7D00, $0x38;
	[tilespmem:$0x80E8] =	vst v63  }
0x4e: {  	_ =	swait.ge [sflag:s3], $0x7D00  }
0x4f: {  	[sflag:s3] =	ssyncset.done $0x0  }
0x50: {  	[sflag:s3] =	ssyncadd.s32 $0xFFFF8300  }
0x51: {  	[tilespmem:s2], [sflag:$0x2] =	stream.linear.gather [hbm4b:s11+s2], $0x3E8, $0x38;
	[tilespmem:$0x80E8] =	vst v63  }
0x52: {  	_ =	swait.ge [sflag:s3], $0x3E8  }
0x53: {  	[sflag:s3] =	ssyncset.done $0x0  }
0x54: {  	[sflag:s3] =	ssyncadd.s32 $0xFFFFFC18  }
0x55: {  	[tilespmem:s6], [sflag:$0x1] =	stream.indirect.gather [hbm4b:s5+s6], $0x20, s2, s6, $0xb8;
	[tilespmem:$0x80E8] =	vst v63  }
0x56: {  	_ =	swait.ge [sflag:s7], $0x7D00  }
0x57: {  	[sflag:s7] =	ssyncset.done $0x0  }
0x58: {  	[sflag:s7] =	ssyncadd.s32 $0xFFFF8300  }
0x59: {  	[hbm4b:s12+s2] =	stream.linear.scatter [tilespmem:s6], [sflag:$0x2], $0x7D00, $0x38;
	[tilespmem:$0x80E8] =	vst v63  }
0x5a: {  	_ =	swait.ge [sflag:s3], $0x7D00  }
0x5b: {  	[sflag:s3] =	ssyncset.done $0x0  }
0x5c: {  	[sflag:s3] =	ssyncadd.s32 $0xFFFF8300  }
0x5d: {  	[tilespmem:s2], [sflag:$0x2] =	stream.linear.gather [hbm4b:s13+s2], $0x3E8, $0x38;
	[tilespmem:$0x80E8] =	vst v63  }
0x5e: {  	_ =	swait.ge [sflag:s3], $0x3E8  }
0x5f: {  	[sflag:s3] =	ssyncset.done $0x0  }
0x60: {  	[sflag:s3] =	ssyncadd.s32 $0xFFFFFC18  }
0x61: {  	[tilespmem:s6], [sflag:$0x1] =	stream.indirect.gather [hbm4b:s5+s6], $0x20, s2, s6, $0xb8;
	[tilespmem:$0x80E8] =	vst v63  }
0x62: {  	_ =	swait.ge [sflag:s7], $0x7D00  }
.Ltmp1:
0x63: {  	[sflag:s7] =	ssyncset.done $0x0;
	(pc) =	sbr.rel @p0 .LBB2_1-.Ltmp1, $4  }
0x64: {  	[sflag:s7] =	ssyncadd.s32 $0xFFFF8300  }
0x65: {  	[hbm4b:s14+s2] =	stream.linear.scatter [tilespmem:s6], [sflag:$0x2], $0x7D00, $0x38;
	[tilespmem:$0x80E8] =	vst v63  }
0x66: {  	_ =	swait.ge [sflag:s3], $0x7D00  }
0x67: {  	[sflag:s3] =	ssyncset.done $0x0  }
.LBB2_2:
0x68: {  	[sflag:s3] =	ssyncadd.s32 $0xFFFF8300  }
0x69: {  	_ =	sfence.sel $0x180000  }
0x6a: {  	[bflag:$0x0] =	sbarrier.arrive $0xFFFF  }
0x6b: {  	p0 =	sne.s32 s0, $0x0;
	_ =	strace $0x9000005F  }
0x6c: {  	s0 =	sadd.s32 @!p0 $0x100000, s1;
	[bflag:$0x2] =	sbarrier.arrive $0xFFFF  }
0x6d: {  	[sflag:s0] =	ssyncadd.tile.s32 @!p0 $0x1;
	_ =	shalt  }
.Lfunc_end2:
_tile_overlayer_lowered:
.L_overlay_start_2:
0x6e: {  	(tag) =	ssettag $0x2  }
0x6f: {  	s0 =	rddreg [dreg:$0x0];
	s2 =	stileid.u32  }
0x70: {  	s1 =	rddreg [dreg:$0x1];
	p0 =	sne.s32 s2, $0x0  }
0x71: {  	s3 =	rddreg [dreg:$0x2];
	[bflag:$0x3] =	sbarrier.arrive $0xFFFF;
	s2 =	simm.s32 @!p0 $0x1C02  }
0x72: {  	[timem:s3], [sflag:s2] =	dma.local @!p0 [hbm:s0], s1  }
0x73: {  	s0 =	simm.s32 @!p0 $0x2  }
0x74: {  	_ =	swait.ge @!p0 [sflag:s0], s1  }
0x75: {  	s1 =	ssub.s32 @!p0 $0x0, s1;
	[sflag:s0] =	ssyncset.done @!p0 $0x0  }
0x76: {  	[sflag:s0] =	ssyncadd.s32 @!p0 s1  }
0x77: {  	[bflag:$0x3] =	sbarrier.arrive $0xFFFF  }
0x78: {  	_ =	shalt  }

</sc_bundles>
